<compile_context>
chip_gen: v7x
topology: tpu7x:2x2x1
jax: 0.10.2.dev20260603
libtpu: 0.0.44.dev20260713+nightly
codegen_flags: <defaults>
</compile_context>

<pallas_src>
import functools

import jax
import jax.numpy as jnp
from jax import lax
from jax.experimental import pallas as pl
from jax.experimental.pallas import tpu as pltpu
from jax.experimental.pallas import tpu_sc as plsc

N_TOK = 8192
NUM_IN = 256
TOTAL_OUT = 256
HALF_OUT = 128
E = 16
NTYPES = 128
TEBD = 64

TM = 128
CAP = 10240
NB = CAP // TM
TM_SHIFT = TM.bit_length() - 1

NC, NS = 2, 16
NW = NC * NS
TPT = N_TOK // NW
RPT = TPT // 128
NV = N_TOK // 16


def _wid():
    return lax.axis_index("s") * NC + lax.axis_index("c")


def _mesh():
    return plsc.VectorSubcoreMesh(core_axis_name="c", subcore_axis_name="s")


_SC_PARAMS = pltpu.CompilerParams(needs_layout_passes=False)


def _emap_body(te_ref, gw_ref, gb_ref, em_ref):
    logits = jnp.dot(te_ref[...], gw_ref[...],
                     preferred_element_type=jnp.float32) + gb_ref[...]
    em_ref[...] = jnp.argmax(logits, axis=1).astype(jnp.int32)[None, :]


def _expert_map(type_embeddings, gate_W, gate_b):
    return pl.pallas_call(
        _emap_body,
        out_shape=jax.ShapeDtypeStruct((1, NTYPES), jnp.int32),
    )(type_embeddings, gate_W, gate_b.reshape(1, E))


def _sort_body(em_hbm, at_hbm, x_hbm, pos_hbm, bexp_hbm, xs_hbm,
               em_v, at_v, ev_v, hist_v, eacc_v, ctr_v, pos2_v, bexp_v, xv_v,
               sem, xsem):
    wid = _wid()
    lane = lax.broadcasted_iota(jnp.int32, (E,), 0)
    ones = jnp.ones((E,), jnp.int32)

    xload = pltpu.async_copy(x_hbm.at[pl.ds(wid * TPT, TPT)], xv_v, xsem)
    pltpu.sync_copy(em_hbm.at[0], em_v)
    pltpu.sync_copy(at_hbm, at_v)

    def _zero(i, carry):
        hist_v[pl.ds(i * 16, 16)] = jnp.zeros((E,), jnp.int32)
        return carry
    lax.fori_loop(0, 8 * NTYPES // 16, _zero, 0)

    def _acc8(i, carry):
        for r in range(8):
            tv = at_v[pl.ds((i * 8 + r) * 16, 16)]
            plsc.addupdate_scatter(hist_v, [r * NTYPES + tv], ones)
        return carry

    def _esum():
        eacc_v[...] = jnp.zeros((E,), jnp.int32)
        for tb in range(NTYPES // 16):
            ts = jnp.zeros((E,), jnp.int32)
            for r in range(8):
                ts = ts + hist_v[pl.ds(r * NTYPES + tb * 16, 16)]
            emv = em_v[pl.ds(tb * 16, 16)]
            plsc.addupdate_scatter(eacc_v, [emv], ts)
        return eacc_v[...]

    lax.fori_loop(0, wid * (TPT // 128), _acc8, 0)
    bef = _esum()
    base = wid * (TPT // 16)

    def _acc_own(i, carry):
        tv = at_v[pl.ds((base + i) * 16, 16)]
        evv = plsc.load_gather(em_v, [tv])
        ev_v[pl.ds(i * 16, 16)] = evv
        plsc.addupdate_scatter(hist_v, [(i & 7) * NTYPES + tv], ones)
        return carry
    lax.fori_loop(0, TPT // 16, _acc_own, 0)
    lax.fori_loop((base + TPT // 16) // 8, NV // 8, _acc8, 0)
    g = _esum()

    padded = ((g + (TM - 1)) >> TM_SHIFT) << TM_SHIFT
    offs = plsc.cumsum(padded) - padded
    start = offs + bef

    @pl.when(wid == 0)
    def _():
        for k in range(NB // 16):
            bv = (lane + 16 * k) * TM
            be = jnp.zeros((E,), jnp.int32)
            for e in range(E):
                be = jnp.where((bv >= offs[e]) & (bv < offs[e] + padded[e]),
                               e, be)
            bexp_v[pl.ds(16 * k, 16)] = be
        pltpu.sync_copy(bexp_v, bexp_hbm)

    ctr_v[...] = start

    def _rank(i, carry):
        evv = ev_v[pl.ds(i * 16, 16)]
        base_ = plsc.load_gather(ctr_v, [evv])
        rk, _ = plsc.scan_count(evv)
        posv = jnp.minimum(base_ + rk - 1, CAP - 1)
        li = i * 16 + lane
        plsc.store_scatter(pos2_v, [li >> 7, li & 127], posv)
        plsc.addupdate_scatter(ctr_v, [evv], ones)
        return carry

    cps = []
    for j in range(RPT):
        lax.fori_loop(j * 8, (j + 1) * 8, _rank, 0)
        if j == 0:
            xload.wait()
        cps.append(pltpu.async_copy(xv_v.at[pl.ds(j * 128, 128)],
                                    xs_hbm.at[pos2_v.at[j]], sem))
    cps.append(pltpu.async_copy(pos2_v, pos_hbm.at[pl.ds(wid * RPT, RPT)],
                                xsem))
    for c in cps:
        c.wait()


def _sort_scatter(em, atom_types, x):
    f = functools.partial(
        pl.kernel,
        out_type=[jax.ShapeDtypeStruct((N_TOK // 128, 128), jnp.int32),
                  jax.ShapeDtypeStruct((NB,), jnp.int32),
                  jax.ShapeDtypeStruct((CAP, NUM_IN), jnp.float32)],
        mesh=_mesh(),
        scratch_types=[
            pltpu.VMEM((NTYPES,), jnp.int32),
            pltpu.VMEM((N_TOK,), jnp.int32),
            pltpu.VMEM((TPT,), jnp.int32),
            pltpu.VMEM((8 * NTYPES,), jnp.int32),
            pltpu.VMEM((E,), jnp.int32),
            pltpu.VMEM((E,), jnp.int32),
            pltpu.VMEM((RPT, 128), jnp.int32),
            pltpu.VMEM((NB,), jnp.int32),
            pltpu.VMEM((TPT, NUM_IN), jnp.float32),
            pltpu.SemaphoreType.DMA,
            pltpu.SemaphoreType.DMA,
        ],
        compiler_params=_SC_PARAMS,
    )(_sort_body)
    return f(em, atom_types, x)


BPS = 40
SM = TM * BPS
NG = CAP // SM


def _gemm_body(bexp_ref, xs_ref, w_ref, b_ref, y1_ref, y2_ref):
    gidx = pl.program_id(0)
    for k in range(BPS):
        e = bexp_ref[gidx * BPS + k]
        xb = xs_ref[pl.ds(k * TM, TM), :].astype(jnp.bfloat16)
        w = w_ref[pl.ds(e, 1), :, :][0]
        y = jnp.tanh(
            jnp.dot(xb, w, preferred_element_type=jnp.float32)
            + b_ref[pl.ds(e, 1), :])
        y1_ref[pl.ds(k * TM, TM), :] = y[:, :HALF_OUT]
        y2_ref[pl.ds(k * TM, TM), :] = y[:, HALF_OUT:]


def _gemm(bexp, xs, expert_W_bf16, expert_b):
    grid_spec = pltpu.PrefetchScalarGridSpec(
        num_scalar_prefetch=1,
        grid=(NG,),
        in_specs=[
            pl.BlockSpec((SM, NUM_IN), lambda b, s: (b, 0)),
            pl.BlockSpec((E, NUM_IN, TOTAL_OUT), lambda b, s: (0, 0, 0)),
            pl.BlockSpec((E, TOTAL_OUT), lambda b, s: (0, 0)),
        ],
        out_specs=[
            pl.BlockSpec((SM, HALF_OUT), lambda b, s: (b, 0)),
            pl.BlockSpec((SM, HALF_OUT), lambda b, s: (b, 0)),
        ],
    )
    return pl.pallas_call(
        _gemm_body,
        grid_spec=grid_spec,
        out_shape=[jax.ShapeDtypeStruct((CAP, HALF_OUT), jnp.float32),
                   jax.ShapeDtypeStruct((CAP, HALF_OUT), jnp.float32)],
    )(bexp, xs, expert_W_bf16, expert_b)


def _gath_body(pos_hbm, y1_hbm, y2_hbm, o1_hbm, o2_hbm,
               pv_v, y1_v, y2_v, g1sem, g2sem, wsem):
    wid = _wid()
    pltpu.sync_copy(pos_hbm.at[pl.ds(wid * RPT, RPT)], pv_v)
    g1 = [pltpu.async_copy(y1_hbm.at[pv_v.at[j]],
                           y1_v.at[pl.ds(j * 128, 128)], g1sem)
          for j in range(RPT)]
    g2 = [pltpu.async_copy(y2_hbm.at[pv_v.at[j]],
                           y2_v.at[pl.ds(j * 128, 128)], g2sem)
          for j in range(RPT)]
    for c in g1:
        c.wait()
    w1 = pltpu.async_copy(y1_v, o1_hbm.at[pl.ds(wid * TPT, TPT)], wsem)
    for c in g2:
        c.wait()
    w2 = pltpu.async_copy(y2_v, o2_hbm.at[pl.ds(wid * TPT, TPT)], wsem)
    w1.wait()
    w2.wait()


def _gather_y(pos, y1, y2):
    f = functools.partial(
        pl.kernel,
        out_type=[jax.ShapeDtypeStruct((N_TOK, HALF_OUT), jnp.float32),
                  jax.ShapeDtypeStruct((N_TOK, HALF_OUT), jnp.float32)],
        mesh=_mesh(),
        scratch_types=[
            pltpu.VMEM((RPT, 128), jnp.int32),
            pltpu.VMEM((TPT, HALF_OUT), jnp.float32),
            pltpu.VMEM((TPT, HALF_OUT), jnp.float32),
            pltpu.SemaphoreType.DMA,
            pltpu.SemaphoreType.DMA,
            pltpu.SemaphoreType.DMA,
        ],
        compiler_params=_SC_PARAMS,
    )(_gath_body)
    return f(pos, y1, y2)


def kernel(x, type_embeddings, atom_types, gate_W, gate_b, expert_W, expert_b):
    atom_types = atom_types.astype(jnp.int32)
    em = _expert_map(type_embeddings, gate_W, gate_b)
    pos, bexp, xs = _sort_scatter(em, atom_types, x)
    y1, y2 = _gemm(bexp, xs, expert_W.astype(jnp.bfloat16), expert_b)
    o1, o2 = _gather_y(pos, y1, y2)
    return (o1, o2)

# --- scband reference (transcript-rebuilt; emitter-appended) ---
"""Pipeline reference for scband-fused-mo-elayer-20358144983732 (READ-ONLY COPY).

The authoritative reference and input builder live on the scoring server;
editing this copy changes nothing except your own understanding.
"""

import jax, jax.numpy as jnp
import numpy as np

NUM_IN = 256
OUTPUT_DIMS = [128, 128]
TOTAL_OUT = 256
E = 16
TOP_K = 1
TEBD_DIM = 64
NTYPES = 128
N_TOK = 8192


def setup_inputs(seed: int = 0) -> dict:
    key = jax.random.key(seed)
    ks = jax.random.split(key, 8)
    x = jax.random.normal(ks[0], (N_TOK, NUM_IN), dtype=jnp.float32)
    type_embeddings = jax.random.normal(ks[1], (NTYPES, TEBD_DIM), dtype=jnp.float32)
    atom_types = jax.random.randint(ks[2], (N_TOK,), 0, NTYPES)
    gate_W = jax.random.normal(ks[3], (TEBD_DIM, E), dtype=jnp.float32) / np.sqrt(TEBD_DIM)
    gate_b = jnp.zeros((E,), dtype=jnp.float32)
    expert_W = jax.random.normal(ks[4], (E, NUM_IN, TOTAL_OUT), dtype=jnp.float32) / np.sqrt(NUM_IN)
    expert_b = jnp.zeros((E, TOTAL_OUT), dtype=jnp.float32)
    return {
        "x": x,
        "type_embeddings": type_embeddings,
        "atom_types": atom_types,
        "gate_W": gate_W,
        "gate_b": gate_b,
        "expert_W": expert_W,
        "expert_b": expert_b,
    }


def reference(x, type_embeddings, atom_types, gate_W, gate_b, expert_W, expert_b):
    # Router: per-token type embedding gather (SparseCore gather) -> gate logits
    tebd = jnp.take(type_embeddings, atom_types, axis=0)  # [N, tebd_dim]
    logits = tebd @ gate_W + gate_b                        # [N, E]
    top_vals, top_idx = jax.lax.top_k(logits, TOP_K)       # [N, top_k]
    gates = jax.nn.softmax(top_vals, axis=-1)              # [N, top_k]

    # Scatter-add combine weights into dense [N, E] dispatch matrix
    comb = jnp.zeros((x.shape[0], E), dtype=x.dtype)
    comb = comb.at[jnp.arange(x.shape[0])[:, None], top_idx].add(gates)

    # Fused single-pass expert computation over total_out = sum(output_dims)
    out = jnp.zeros((x.shape[0], TOTAL_OUT), dtype=x.dtype)
    for e in range(E):
        y = jnp.tanh(x @ expert_W[e] + expert_b[e])
        out = out + comb[:, e:e + 1] * y

    # FusedMoELayer: split fused output per output_dims
    outs = jnp.split(out, np.cumsum(np.array(OUTPUT_DIMS))[:-1].tolist(), axis=-1)
    return tuple(outs)

if __name__ == "__main__":
    import jax
    _d = setup_inputs()
    print(jax.jit(kernel)(*tuple(_d.values())))

</pallas_src>

<mosaic_0001>
#map = affine_map<(d0, d1) -> (0, 0)>
#map1 = affine_map<(d0, d1) -> (0)>
module attributes {stable_mosaic.version = 14 : i64} {
  func.func @_sort_body(%arg0: i32, %arg1: i32, %arg2: memref<1x128xi32, #tpu.memory_space<hbm>>, %arg3: memref<8192xi32, #tpu.memory_space<hbm>>, %arg4: memref<8192x256xf32, #tpu.memory_space<hbm>>, %arg5: memref<64x128xi32, #tpu.memory_space<hbm>>, %arg6: memref<80xi32, #tpu.memory_space<hbm>>, %arg7: memref<10240x256xf32, #tpu.memory_space<hbm>>, %arg8: memref<128xi32, #tpu.memory_space<vmem>>, %arg9: memref<8192xi32, #tpu.memory_space<vmem>>, %arg10: memref<256xi32, #tpu.memory_space<vmem>>, %arg11: memref<1024xi32, #tpu.memory_space<vmem>>, %arg12: memref<16xi32, #tpu.memory_space<vmem>>, %arg13: memref<16xi32, #tpu.memory_space<vmem>>, %arg14: memref<2x128xi32, #tpu.memory_space<vmem>>, %arg15: memref<80xi32, #tpu.memory_space<vmem>>, %arg16: memref<256x256xf32, #tpu.memory_space<vmem>>, %arg17: memref<!tpu.dma_semaphore, #tpu.memory_space<semaphore_mem>>, %arg18: memref<!tpu.dma_semaphore, #tpu.memory_space<semaphore_mem>>) attributes {dimension_semantics = [#tpu.dimension_semantics<core_parallel>, #tpu.dimension_semantics<subcore_parallel>], iteration_bounds = array<i64: 2, 16>, scalar_prefetch = 0 : i64, scratch_operands = 11 : i64, tpu.core_type = #tpu.core_type<sc_vector_subcore>, window_params = [{transform_indices = #map}, {transform_indices = #map1}, {transform_indices = #map}, {transform_indices = #map}, {transform_indices = #map1}, {transform_indices = #map}]} {
    %mul3A = arith.constant 2 : i32
    %mul3A_0 = arith.muli %arg1, %mul3A : i32
    %add3A = arith.addi %mul3A_0, %arg0 : i32
    %iota3A = tpu.iota {dimensions = array<i32: 0>} : vector<16xi32>
    %broadcast_in_dim3A = arith.constant 1 : i32
    %broadcast_in_dim3A_1 = vector.broadcast %broadcast_in_dim3A : i32 to vector<16xi32>
    %mul3A_2 = arith.constant 256 : i32
    %mul3A_3 = arith.muli %add3A, %mul3A_2 : i32
    %dma_start3A = arith.constant 0 : i32
    %dma_start3A_4 = tpu.memref_slice %arg4[%mul3A_3, %dma_start3A] : memref<8192x256xf32, #tpu.memory_space<hbm>> -> memref<256x256xf32, #tpu.memory_space<hbm>>
    %dma_start3A_5 = arith.constant 0 : i32
    %dma_start3A_6 = tpu.memref_slice %arg4[%mul3A_3, %dma_start3A_5] : memref<8192x256xf32, #tpu.memory_space<hbm>> -> memref<256x256xf32, #tpu.memory_space<hbm>>
    tpu.enqueue_dma source(%dma_start3A_6 : memref<256x256xf32, #tpu.memory_space<hbm>>) target(%arg16 : memref<256x256xf32, #tpu.memory_space<vmem>>) target_semaphore(%arg18 : memref<!tpu.dma_semaphore, #tpu.memory_space<semaphore_mem>>)
    %run_scoped3A = arith.constant 0 : i32
    "tpu.region"() ({
      %run_scoped3A_597 = tpu.sem_alloc : memref<!tpu.dma_semaphore, #tpu.memory_space<semaphore_mem>>
      %dma_start3A_598 = arith.constant 0 : i32
      %dma_start3A_599 = tpu.memref_slice %arg2[%run_scoped3A, %dma_start3A_598] : memref<1x128xi32, #tpu.memory_space<hbm>> -> memref<1x128xi32, #tpu.memory_space<hbm>>
      %dma_start3A_600 = tpu.memref_squeeze %dma_start3A_599 : memref<1x128xi32, #tpu.memory_space<hbm>> -> memref<128xi32, #tpu.memory_space<hbm>>
      %dma_start3A_601 = arith.constant 0 : i32
      %dma_start3A_602 = tpu.memref_slice %arg2[%run_scoped3A, %dma_start3A_601] : memref<1x128xi32, #tpu.memory_space<hbm>> -> memref<1x128xi32, #tpu.memory_space<hbm>>
      %dma_start3A_603 = tpu.memref_squeeze %dma_start3A_602 : memref<1x128xi32, #tpu.memory_space<hbm>> -> memref<128xi32, #tpu.memory_space<hbm>>
      tpu.enqueue_dma source(%dma_start3A_603 : memref<128xi32, #tpu.memory_space<hbm>>) target(%arg8 : memref<128xi32, #tpu.memory_space<vmem>>) target_semaphore(%run_scoped3A_597 : memref<!tpu.dma_semaphore, #tpu.memory_space<semaphore_mem>>)
      %dma_wait3A_604 = arith.constant 0 : i32
      %dma_wait3A_605 = tpu.memref_slice %arg2[%run_scoped3A, %dma_wait3A_604] : memref<1x128xi32, #tpu.memory_space<hbm>> -> memref<1x128xi32, #tpu.memory_space<hbm>>
      %dma_wait3A_606 = tpu.memref_squeeze %dma_wait3A_605 : memref<1x128xi32, #tpu.memory_space<hbm>> -> memref<128xi32, #tpu.memory_space<hbm>>
      %dma_wait3A_607 = arith.constant 0 : i32
      %dma_wait3A_608 = tpu.memref_slice %arg2[%run_scoped3A, %dma_wait3A_607] : memref<1x128xi32, #tpu.memory_space<hbm>> -> memref<1x128xi32, #tpu.memory_space<hbm>>
      %dma_wait3A_609 = tpu.memref_squeeze %dma_wait3A_608 : memref<1x128xi32, #tpu.memory_space<hbm>> -> memref<128xi32, #tpu.memory_space<hbm>>
      tpu.wait_dma2 semaphore(%run_scoped3A_597 : memref<!tpu.dma_semaphore, #tpu.memory_space<semaphore_mem>>) src(%dma_wait3A_609 : memref<128xi32, #tpu.memory_space<hbm>>) dst(%arg8 : memref<128xi32, #tpu.memory_space<vmem>>)
      tpu.yield
    }) : () -> ()
    "tpu.region"() ({
      %run_scoped3A_597 = tpu.sem_alloc : memref<!tpu.dma_semaphore, #tpu.memory_space<semaphore_mem>>
      tpu.enqueue_dma source(%arg3 : memref<8192xi32, #tpu.memory_space<hbm>>) target(%arg9 : memref<8192xi32, #tpu.memory_space<vmem>>) target_semaphore(%run_scoped3A_597 : memref<!tpu.dma_semaphore, #tpu.memory_space<semaphore_mem>>)
      tpu.wait_dma2 semaphore(%run_scoped3A_597 : memref<!tpu.dma_semaphore, #tpu.memory_space<semaphore_mem>>) src(%arg3 : memref<8192xi32, #tpu.memory_space<hbm>>) dst(%arg9 : memref<8192xi32, #tpu.memory_space<vmem>>)
      tpu.yield
    }) : () -> ()
    %scan3A = arith.constant 0 : i32
    %scan3A_7 = arith.constant 0 : i32
    %scan3A_8 = arith.constant 64 : i32
    %scan3A_9 = arith.addi %scan3A_7, %scan3A_8 : i32
    %scan3A_10 = arith.constant 1 : i32
    scf.for %scan3A_597 = %scan3A_7 to %scan3A_9 step %scan3A_10  : i32 {
      %broadcast_in_dim3A_598 = arith.constant 0 : i32
      %broadcast_in_dim3A_599 = vector.broadcast %broadcast_in_dim3A_598 : i32 to vector<16xi32>
      %mul3A_600 = arith.constant 16 : i32
      %mul3A_601 = arith.muli %scan3A_597, %mul3A_600 : i32
      %swap3A_602 = arith.index_cast %mul3A_601 : i32 to index
      %swap3A_603 = tpu.vector_load %arg11[%swap3A_602] {strides = array<i32>} : memref<1024xi32, #tpu.memory_space<vmem>>, vector<16xi32>,
      tpu.vector_store %arg11[%swap3A_602], %broadcast_in_dim3A_599 {strides = array<i32>} : memref<1024xi32, #tpu.memory_space<vmem>>, vector<16xi32>,
    }
    %scan3A_11 = arith.constant 64 : i32
    %mul3A_12 = arith.constant 2 : i32
    %mul3A_13 = arith.muli %add3A, %mul3A_12 : i32
    %while3A = arith.constant 0 : i32
    %while3A_14 = arith.constant 0 : i32
    %while3A_15 = arith.subi %mul3A_13, %while3A_14 : i32
    %while3A_16 = arith.addi %while3A_14, %while3A_15 : i32
    %while3A_17 = arith.constant 1 : i32
    %while3A_18 = arith.divsi %while3A_15, %while3A_17 : i32
    %while3A_19 = arith.muli %while3A_18, %while3A_17 : i32
    %while3A_20 = arith.addi %while3A_14, %while3A_19 : i32
    %while3A_21 = arith.constant 1 : i32
    scf.for %while3A_597 = %while3A_14 to %while3A_20 step %while3A_21  : i32 {
      %mul3A_598 = arith.constant 8 : i32
      %mul3A_599 = arith.muli %while3A_597, %mul3A_598 : i32
      %add3A_600 = arith.constant 0 : i32
      %add3A_601 = arith.addi %mul3A_599, %add3A_600 : i32
      %mul3A_602 = arith.constant 16 : i32
      %mul3A_603 = arith.muli %add3A_601, %mul3A_602 : i32
      %get3A_604 = arith.index_cast %mul3A_603 : i32 to index
      %get3A_605 = tpu.vector_load %arg9[%get3A_604] {strides = array<i32>} : memref<8192xi32, #tpu.memory_space<vmem>>, vector<16xi32>,
      %add3A_606 = arith.constant 0 : i32
      %add3A_607 = vector.broadcast %add3A_606 : i32 to vector<16xi32>
      %add3A_608 = arith.addi %add3A_607, %get3A_605 : vector<16xi32>
      tpu.vector_store_idx %arg11[%add3A_608], %broadcast_in_dim3A_1 {add = true} : memref<1024xi32, #tpu.memory_space<vmem>>[vector<16xi32>], vector<16xi32>,
      %mul3A_609 = arith.constant 8 : i32
      %mul3A_610 = arith.muli %while3A_597, %mul3A_609 : i32
      %add3A_611 = arith.constant 1 : i32
      %add3A_612 = arith.addi %mul3A_610, %add3A_611 : i32
      %mul3A_613 = arith.constant 16 : i32
      %mul3A_614 = arith.muli %add3A_612, %mul3A_613 : i32
      %get3A_615 = arith.index_cast %mul3A_614 : i32 to index
      %get3A_616 = tpu.vector_load %arg9[%get3A_615] {strides = array<i32>} : memref<8192xi32, #tpu.memory_space<vmem>>, vector<16xi32>,
      %add3A_617 = arith.constant 128 : i32
      %add3A_618 = vector.broadcast %add3A_617 : i32 to vector<16xi32>
      %add3A_619 = arith.addi %add3A_618, %get3A_616 : vector<16xi32>
      tpu.vector_store_idx %arg11[%add3A_619], %broadcast_in_dim3A_1 {add = true} : memref<1024xi32, #tpu.memory_space<vmem>>[vector<16xi32>], vector<16xi32>,
      %mul3A_620 = arith.constant 8 : i32
      %mul3A_621 = arith.muli %while3A_597, %mul3A_620 : i32
      %add3A_622 = arith.constant 2 : i32
      %add3A_623 = arith.addi %mul3A_621, %add3A_622 : i32
      %mul3A_624 = arith.constant 16 : i32
      %mul3A_625 = arith.muli %add3A_623, %mul3A_624 : i32
      %get3A_626 = arith.index_cast %mul3A_625 : i32 to index
      %get3A_627 = tpu.vector_load %arg9[%get3A_626] {strides = array<i32>} : memref<8192xi32, #tpu.memory_space<vmem>>, vector<16xi32>,
      %add3A_628 = arith.constant 256 : i32
      %add3A_629 = vector.broadcast %add3A_628 : i32 to vector<16xi32>
      %add3A_630 = arith.addi %add3A_629, %get3A_627 : vector<16xi32>
      tpu.vector_store_idx %arg11[%add3A_630], %broadcast_in_dim3A_1 {add = true} : memref<1024xi32, #tpu.memory_space<vmem>>[vector<16xi32>], vector<16xi32>,
      %mul3A_631 = arith.constant 8 : i32
      %mul3A_632 = arith.muli %while3A_597, %mul3A_631 : i32
      %add3A_633 = arith.constant 3 : i32
      %add3A_634 = arith.addi %mul3A_632, %add3A_633 : i32
      %mul3A_635 = arith.constant 16 : i32
      %mul3A_636 = arith.muli %add3A_634, %mul3A_635 : i32
      %get3A_637 = arith.index_cast %mul3A_636 : i32 to index
      %get3A_638 = tpu.vector_load %arg9[%get3A_637] {strides = array<i32>} : memref<8192xi32, #tpu.memory_space<vmem>>, vector<16xi32>,
      %add3A_639 = arith.constant 384 : i32
      %add3A_640 = vector.broadcast %add3A_639 : i32 to vector<16xi32>
      %add3A_641 = arith.addi %add3A_640, %get3A_638 : vector<16xi32>
      tpu.vector_store_idx %arg11[%add3A_641], %broadcast_in_dim3A_1 {add = true} : memref<1024xi32, #tpu.memory_space<vmem>>[vector<16xi32>], vector<16xi32>,
      %mul3A_642 = arith.constant 8 : i32
      %mul3A_643 = arith.muli %while3A_597, %mul3A_642 : i32
      %add3A_644 = arith.constant 4 : i32
      %add3A_645 = arith.addi %mul3A_643, %add3A_644 : i32
      %mul3A_646 = arith.constant 16 : i32
      %mul3A_647 = arith.muli %add3A_645, %mul3A_646 : i32
      %get3A_648 = arith.index_cast %mul3A_647 : i32 to index
      %get3A_649 = tpu.vector_load %arg9[%get3A_648] {strides = array<i32>} : memref<8192xi32, #tpu.memory_space<vmem>>, vector<16xi32>,
      %add3A_650 = arith.constant 512 : i32
      %add3A_651 = vector.broadcast %add3A_650 : i32 to vector<16xi32>
      %add3A_652 = arith.addi %add3A_651, %get3A_649 : vector<16xi32>
      tpu.vector_store_idx %arg11[%add3A_652], %broadcast_in_dim3A_1 {add = true} : memref<1024xi32, #tpu.memory_space<vmem>>[vector<16xi32>], vector<16xi32>,
      %mul3A_653 = arith.constant 8 : i32
      %mul3A_654 = arith.muli %while3A_597, %mul3A_653 : i32
      %add3A_655 = arith.constant 5 : i32
      %add3A_656 = arith.addi %mul3A_654, %add3A_655 : i32
      %mul3A_657 = arith.constant 16 : i32
      %mul3A_658 = arith.muli %add3A_656, %mul3A_657 : i32
      %get3A_659 = arith.index_cast %mul3A_658 : i32 to index
      %get3A_660 = tpu.vector_load %arg9[%get3A_659] {strides = array<i32>} : memref<8192xi32, #tpu.memory_space<vmem>>, vector<16xi32>,
      %add3A_661 = arith.constant 640 : i32
      %add3A_662 = vector.broadcast %add3A_661 : i32 to vector<16xi32>
      %add3A_663 = arith.addi %add3A_662, %get3A_660 : vector<16xi32>
      tpu.vector_store_idx %arg11[%add3A_663], %broadcast_in_dim3A_1 {add = true} : memref<1024xi32, #tpu.memory_space<vmem>>[vector<16xi32>], vector<16xi32>,
      %mul3A_664 = arith.constant 8 : i32
      %mul3A_665 = arith.muli %while3A_597, %mul3A_664 : i32
      %add3A_666 = arith.constant 6 : i32
      %add3A_667 = arith.addi %mul3A_665, %add3A_666 : i32
      %mul3A_668 = arith.constant 16 : i32
      %mul3A_669 = arith.muli %add3A_667, %mul3A_668 : i32
      %get3A_670 = arith.index_cast %mul3A_669 : i32 to index
      %get3A_671 = tpu.vector_load %arg9[%get3A_670] {strides = array<i32>} : memref<8192xi32, #tpu.memory_space<vmem>>, vector<16xi32>,
      %add3A_672 = arith.constant 768 : i32
      %add3A_673 = vector.broadcast %add3A_672 : i32 to vector<16xi32>
      %add3A_674 = arith.addi %add3A_673, %get3A_671 : vector<16xi32>
      tpu.vector_store_idx %arg11[%add3A_674], %broadcast_in_dim3A_1 {add = true} : memref<1024xi32, #tpu.memory_space<vmem>>[vector<16xi32>], vector<16xi32>,
      %mul3A_675 = arith.constant 8 : i32
      %mul3A_676 = arith.muli %while3A_597, %mul3A_675 : i32
      %add3A_677 = arith.constant 7 : i32
      %add3A_678 = arith.addi %mul3A_676, %add3A_677 : i32
      %mul3A_679 = arith.constant 16 : i32
      %mul3A_680 = arith.muli %add3A_678, %mul3A_679 : i32
      %get3A_681 = arith.index_cast %mul3A_680 : i32 to index
      %get3A_682 = tpu.vector_load %arg9[%get3A_681] {strides = array<i32>} : memref<8192xi32, #tpu.memory_space<vmem>>, vector<16xi32>,
      %add3A_683 = arith.constant 896 : i32
      %add3A_684 = vector.broadcast %add3A_683 : i32 to vector<16xi32>
      %add3A_685 = arith.addi %add3A_684, %get3A_682 : vector<16xi32>
      tpu.vector_store_idx %arg11[%add3A_685], %broadcast_in_dim3A_1 {add = true} : memref<1024xi32, #tpu.memory_space<vmem>>[vector<16xi32>], vector<16xi32>,
    }
    %while3A_22 = arith.constant 1 : i32
    scf.for %while3A_597 = %while3A_20 to %while3A_16 step %while3A_22  : i32 {
      %mul3A_598 = arith.constant 8 : i32
      %mul3A_599 = arith.muli %while3A_597, %mul3A_598 : i32
      %add3A_600 = arith.constant 0 : i32
      %add3A_601 = arith.addi %mul3A_599, %add3A_600 : i32
      %mul3A_602 = arith.constant 16 : i32
      %mul3A_603 = arith.muli %add3A_601, %mul3A_602 : i32
      %get3A_604 = arith.index_cast %mul3A_603 : i32 to index
      %get3A_605 = tpu.vector_load %arg9[%get3A_604] {strides = array<i32>} : memref<8192xi32, #tpu.memory_space<vmem>>, vector<16xi32>,
      %add3A_606 = arith.constant 0 : i32
      %add3A_607 = vector.broadcast %add3A_606 : i32 to vector<16xi32>
      %add3A_608 = arith.addi %add3A_607, %get3A_605 : vector<16xi32>
      tpu.vector_store_idx %arg11[%add3A_608], %broadcast_in_dim3A_1 {add = true} : memref<1024xi32, #tpu.memory_space<vmem>>[vector<16xi32>], vector<16xi32>,
      %mul3A_609 = arith.constant 8 : i32
      %mul3A_610 = arith.muli %while3A_597, %mul3A_609 : i32
      %add3A_611 = arith.constant 1 : i32
      %add3A_612 = arith.addi %mul3A_610, %add3A_611 : i32
      %mul3A_613 = arith.constant 16 : i32
      %mul3A_614 = arith.muli %add3A_612, %mul3A_613 : i32
      %get3A_615 = arith.index_cast %mul3A_614 : i32 to index
      %get3A_616 = tpu.vector_load %arg9[%get3A_615] {strides = array<i32>} : memref<8192xi32, #tpu.memory_space<vmem>>, vector<16xi32>,
      %add3A_617 = arith.constant 128 : i32
      %add3A_618 = vector.broadcast %add3A_617 : i32 to vector<16xi32>
      %add3A_619 = arith.addi %add3A_618, %get3A_616 : vector<16xi32>
      tpu.vector_store_idx %arg11[%add3A_619], %broadcast_in_dim3A_1 {add = true} : memref<1024xi32, #tpu.memory_space<vmem>>[vector<16xi32>], vector<16xi32>,
      %mul3A_620 = arith.constant 8 : i32
      %mul3A_621 = arith.muli %while3A_597, %mul3A_620 : i32
      %add3A_622 = arith.constant 2 : i32
      %add3A_623 = arith.addi %mul3A_621, %add3A_622 : i32
      %mul3A_624 = arith.constant 16 : i32
      %mul3A_625 = arith.muli %add3A_623, %mul3A_624 : i32
      %get3A_626 = arith.index_cast %mul3A_625 : i32 to index
      %get3A_627 = tpu.vector_load %arg9[%get3A_626] {strides = array<i32>} : memref<8192xi32, #tpu.memory_space<vmem>>, vector<16xi32>,
      %add3A_628 = arith.constant 256 : i32
      %add3A_629 = vector.broadcast %add3A_628 : i32 to vector<16xi32>
      %add3A_630 = arith.addi %add3A_629, %get3A_627 : vector<16xi32>
      tpu.vector_store_idx %arg11[%add3A_630], %broadcast_in_dim3A_1 {add = true} : memref<1024xi32, #tpu.memory_space<vmem>>[vector<16xi32>], vector<16xi32>,
      %mul3A_631 = arith.constant 8 : i32
      %mul3A_632 = arith.muli %while3A_597, %mul3A_631 : i32
      %add3A_633 = arith.constant 3 : i32
      %add3A_634 = arith.addi %mul3A_632, %add3A_633 : i32
      %mul3A_635 = arith.constant 16 : i32
      %mul3A_636 = arith.muli %add3A_634, %mul3A_635 : i32
      %get3A_637 = arith.index_cast %mul3A_636 : i32 to index
      %get3A_638 = tpu.vector_load %arg9[%get3A_637] {strides = array<i32>} : memref<8192xi32, #tpu.memory_space<vmem>>, vector<16xi32>,
      %add3A_639 = arith.constant 384 : i32
      %add3A_640 = vector.broadcast %add3A_639 : i32 to vector<16xi32>
      %add3A_641 = arith.addi %add3A_640, %get3A_638 : vector<16xi32>
      tpu.vector_store_idx %arg11[%add3A_641], %broadcast_in_dim3A_1 {add = true} : memref<1024xi32, #tpu.memory_space<vmem>>[vector<16xi32>], vector<16xi32>,
      %mul3A_642 = arith.constant 8 : i32
      %mul3A_643 = arith.muli %while3A_597, %mul3A_642 : i32
      %add3A_644 = arith.constant 4 : i32
      %add3A_645 = arith.addi %mul3A_643, %add3A_644 : i32
      %mul3A_646 = arith.constant 16 : i32
      %mul3A_647 = arith.muli %add3A_645, %mul3A_646 : i32
      %get3A_648 = arith.index_cast %mul3A_647 : i32 to index
      %get3A_649 = tpu.vector_load %arg9[%get3A_648] {strides = array<i32>} : memref<8192xi32, #tpu.memory_space<vmem>>, vector<16xi32>,
      %add3A_650 = arith.constant 512 : i32
      %add3A_651 = vector.broadcast %add3A_650 : i32 to vector<16xi32>
      %add3A_652 = arith.addi %add3A_651, %get3A_649 : vector<16xi32>
      tpu.vector_store_idx %arg11[%add3A_652], %broadcast_in_dim3A_1 {add = true} : memref<1024xi32, #tpu.memory_space<vmem>>[vector<16xi32>], vector<16xi32>,
      %mul3A_653 = arith.constant 8 : i32
      %mul3A_654 = arith.muli %while3A_597, %mul3A_653 : i32
      %add3A_655 = arith.constant 5 : i32
      %add3A_656 = arith.addi %mul3A_654, %add3A_655 : i32
      %mul3A_657 = arith.constant 16 : i32
      %mul3A_658 = arith.muli %add3A_656, %mul3A_657 : i32
      %get3A_659 = arith.index_cast %mul3A_658 : i32 to index
      %get3A_660 = tpu.vector_load %arg9[%get3A_659] {strides = array<i32>} : memref<8192xi32, #tpu.memory_space<vmem>>, vector<16xi32>,
      %add3A_661 = arith.constant 640 : i32
      %add3A_662 = vector.broadcast %add3A_661 : i32 to vector<16xi32>
      %add3A_663 = arith.addi %add3A_662, %get3A_660 : vector<16xi32>
      tpu.vector_store_idx %arg11[%add3A_663], %broadcast_in_dim3A_1 {add = true} : memref<1024xi32, #tpu.memory_space<vmem>>[vector<16xi32>], vector<16xi32>,
      %mul3A_664 = arith.constant 8 : i32
      %mul3A_665 = arith.muli %while3A_597, %mul3A_664 : i32
      %add3A_666 = arith.constant 6 : i32
      %add3A_667 = arith.addi %mul3A_665, %add3A_666 : i32
      %mul3A_668 = arith.constant 16 : i32
      %mul3A_669 = arith.muli %add3A_667, %mul3A_668 : i32
      %get3A_670 = arith.index_cast %mul3A_669 : i32 to index
      %get3A_671 = tpu.vector_load %arg9[%get3A_670] {strides = array<i32>} : memref<8192xi32, #tpu.memory_space<vmem>>, vector<16xi32>,
      %add3A_672 = arith.constant 768 : i32
      %add3A_673 = vector.broadcast %add3A_672 : i32 to vector<16xi32>
      %add3A_674 = arith.addi %add3A_673, %get3A_671 : vector<16xi32>
      tpu.vector_store_idx %arg11[%add3A_674], %broadcast_in_dim3A_1 {add = true} : memref<1024xi32, #tpu.memory_space<vmem>>[vector<16xi32>], vector<16xi32>,
      %mul3A_675 = arith.constant 8 : i32
      %mul3A_676 = arith.muli %while3A_597, %mul3A_675 : i32
      %add3A_677 = arith.constant 7 : i32
      %add3A_678 = arith.addi %mul3A_676, %add3A_677 : i32
      %mul3A_679 = arith.constant 16 : i32
      %mul3A_680 = arith.muli %add3A_678, %mul3A_679 : i32
      %get3A_681 = arith.index_cast %mul3A_680 : i32 to index
      %get3A_682 = tpu.vector_load %arg9[%get3A_681] {strides = array<i32>} : memref<8192xi32, #tpu.memory_space<vmem>>, vector<16xi32>,
      %add3A_683 = arith.constant 896 : i32
      %add3A_684 = vector.broadcast %add3A_683 : i32 to vector<16xi32>
      %add3A_685 = arith.addi %add3A_684, %get3A_682 : vector<16xi32>
      tpu.vector_store_idx %arg11[%add3A_685], %broadcast_in_dim3A_1 {add = true} : memref<1024xi32, #tpu.memory_space<vmem>>[vector<16xi32>], vector<16xi32>,
    }
    %broadcast_in_dim3A_23 = arith.constant 0 : i32
    %broadcast_in_dim3A_24 = vector.broadcast %broadcast_in_dim3A_23 : i32 to vector<16xi32>
    %swap3A = arith.constant 0 : index
    %swap3A_25 = tpu.vector_load %arg12[%swap3A] {strides = array<i32>} : memref<16xi32, #tpu.memory_space<vmem>>, vector<16xi32>,
    tpu.vector_store %arg12[%swap3A], %broadcast_in_dim3A_24 {strides = array<i32>} : memref<16xi32, #tpu.memory_space<vmem>>, vector<16xi32>,
    %broadcast_in_dim3A_26 = arith.constant 0 : i32
    %broadcast_in_dim3A_27 = vector.broadcast %broadcast_in_dim3A_26 : i32 to vector<16xi32>
    %get3A = arith.constant 0 : index
    %get3A_28 = tpu.vector_load %arg11[%get3A] {strides = array<i32>} : memref<1024xi32, #tpu.memory_space<vmem>>, vector<16xi32>,
    %add3A_29 = arith.addi %broadcast_in_dim3A_27, %get3A_28 : vector<16xi32>
    %get3A_30 = arith.constant 128 : index
    %get3A_31 = tpu.vector_load %arg11[%get3A_30] {strides = array<i32>} : memref<1024xi32, #tpu.memory_space<vmem>>, vector<16xi32>,
    %add3A_32 = arith.addi %add3A_29, %get3A_31 : vector<16xi32>
    %get3A_33 = arith.constant 256 : index
    %get3A_34 = tpu.vector_load %arg11[%get3A_33] {strides = array<i32>} : memref<1024xi32, #tpu.memory_space<vmem>>, vector<16xi32>,
    %add3A_35 = arith.addi %add3A_32, %get3A_34 : vector<16xi32>
    %get3A_36 = arith.constant 384 : index
    %get3A_37 = tpu.vector_load %arg11[%get3A_36] {strides = array<i32>} : memref<1024xi32, #tpu.memory_space<vmem>>, vector<16xi32>,
    %add3A_38 = arith.addi %add3A_35, %get3A_37 : vector<16xi32>
    %get3A_39 = arith.constant 512 : index
    %get3A_40 = tpu.vector_load %arg11[%get3A_39] {strides = array<i32>} : memref<1024xi32, #tpu.memory_space<vmem>>, vector<16xi32>,
    %add3A_41 = arith.addi %add3A_38, %get3A_40 : vector<16xi32>
    %get3A_42 = arith.constant 640 : index
    %get3A_43 = tpu.vector_load %arg11[%get3A_42] {strides = array<i32>} : memref<1024xi32, #tpu.memory_space<vmem>>, vector<16xi32>,
    %add3A_44 = arith.addi %add3A_41, %get3A_43 : vector<16xi32>
    %get3A_45 = arith.constant 768 : index
    %get3A_46 = tpu.vector_load %arg11[%get3A_45] {strides = array<i32>} : memref<1024xi32, #tpu.memory_space<vmem>>, vector<16xi32>,
    %add3A_47 = arith.addi %add3A_44, %get3A_46 : vector<16xi32>
    %get3A_48 = arith.constant 896 : index
    %get3A_49 = tpu.vector_load %arg11[%get3A_48] {strides = array<i32>} : memref<1024xi32, #tpu.memory_space<vmem>>, vector<16xi32>,
    %add3A_50 = arith.addi %add3A_47, %get3A_49 : vector<16xi32>
    %get3A_51 = arith.constant 0 : index
    %get3A_52 = tpu.vector_load %arg8[%get3A_51] {strides = array<i32>} : memref<128xi32, #tpu.memory_space<vmem>>, vector<16xi32>,
    tpu.vector_store_idx %arg12[%get3A_52], %add3A_50 {add = true} : memref<16xi32, #tpu.memory_space<vmem>>[vector<16xi32>], vector<16xi32>,
    %broadcast_in_dim3A_53 = arith.constant 0 : i32
    %broadcast_in_dim3A_54 = vector.broadcast %broadcast_in_dim3A_53 : i32 to vector<16xi32>
    %get3A_55 = arith.constant 16 : index
    %get3A_56 = tpu.vector_load %arg11[%get3A_55] {strides = array<i32>} : memref<1024xi32, #tpu.memory_space<vmem>>, vector<16xi32>,
    %add3A_57 = arith.addi %broadcast_in_dim3A_54, %get3A_56 : vector<16xi32>
    %get3A_58 = arith.constant 144 : index
    %get3A_59 = tpu.vector_load %arg11[%get3A_58] {strides = array<i32>} : memref<1024xi32, #tpu.memory_space<vmem>>, vector<16xi32>,
    %add3A_60 = arith.addi %add3A_57, %get3A_59 : vector<16xi32>
    %get3A_61 = arith.constant 272 : index
    %get3A_62 = tpu.vector_load %arg11[%get3A_61] {strides = array<i32>} : memref<1024xi32, #tpu.memory_space<vmem>>, vector<16xi32>,
    %add3A_63 = arith.addi %add3A_60, %get3A_62 : vector<16xi32>
    %get3A_64 = arith.constant 400 : index
    %get3A_65 = tpu.vector_load %arg11[%get3A_64] {strides = array<i32>} : memref<1024xi32, #tpu.memory_space<vmem>>, vector<16xi32>,
    %add3A_66 = arith.addi %add3A_63, %get3A_65 : vector<16xi32>
    %get3A_67 = arith.constant 528 : index
    %get3A_68 = tpu.vector_load %arg11[%get3A_67] {strides = array<i32>} : memref<1024xi32, #tpu.memory_space<vmem>>, vector<16xi32>,
    %add3A_69 = arith.addi %add3A_66, %get3A_68 : vector<16xi32>
    %get3A_70 = arith.constant 656 : index
    %get3A_71 = tpu.vector_load %arg11[%get3A_70] {strides = array<i32>} : memref<1024xi32, #tpu.memory_space<vmem>>, vector<16xi32>,
    %add3A_72 = arith.addi %add3A_69, %get3A_71 : vector<16xi32>
    %get3A_73 = arith.constant 784 : index
    %get3A_74 = tpu.vector_load %arg11[%get3A_73] {strides = array<i32>} : memref<1024xi32, #tpu.memory_space<vmem>>, vector<16xi32>,
    %add3A_75 = arith.addi %add3A_72, %get3A_74 : vector<16xi32>
    %get3A_76 = arith.constant 912 : index
    %get3A_77 = tpu.vector_load %arg11[%get3A_76] {strides = array<i32>} : memref<1024xi32, #tpu.memory_space<vmem>>, vector<16xi32>,
    %add3A_78 = arith.addi %add3A_75, %get3A_77 : vector<16xi32>
    %get3A_79 = arith.constant 16 : index
    %get3A_80 = tpu.vector_load %arg8[%get3A_79] {strides = array<i32>} : memref<128xi32, #tpu.memory_space<vmem>>, vector<16xi32>,
    tpu.vector_store_idx %arg12[%get3A_80], %add3A_78 {add = true} : memref<16xi32, #tpu.memory_space<vmem>>[vector<16xi32>], vector<16xi32>,
    %broadcast_in_dim3A_81 = arith.constant 0 : i32
    %broadcast_in_dim3A_82 = vector.broadcast %broadcast_in_dim3A_81 : i32 to vector<16xi32>
    %get3A_83 = arith.constant 32 : index
    %get3A_84 = tpu.vector_load %arg11[%get3A_83] {strides = array<i32>} : memref<1024xi32, #tpu.memory_space<vmem>>, vector<16xi32>,
    %add3A_85 = arith.addi %broadcast_in_dim3A_82, %get3A_84 : vector<16xi32>
    %get3A_86 = arith.constant 160 : index
    %get3A_87 = tpu.vector_load %arg11[%get3A_86] {strides = array<i32>} : memref<1024xi32, #tpu.memory_space<vmem>>, vector<16xi32>,
    %add3A_88 = arith.addi %add3A_85, %get3A_87 : vector<16xi32>
    %get3A_89 = arith.constant 288 : index
    %get3A_90 = tpu.vector_load %arg11[%get3A_89] {strides = array<i32>} : memref<1024xi32, #tpu.memory_space<vmem>>, vector<16xi32>,
    %add3A_91 = arith.addi %add3A_88, %get3A_90 : vector<16xi32>
    %get3A_92 = arith.constant 416 : index
    %get3A_93 = tpu.vector_load %arg11[%get3A_92] {strides = array<i32>} : memref<1024xi32, #tpu.memory_space<vmem>>, vector<16xi32>,
    %add3A_94 = arith.addi %add3A_91, %get3A_93 : vector<16xi32>
    %get3A_95 = arith.constant 544 : index
    %get3A_96 = tpu.vector_load %arg11[%get3A_95] {strides = array<i32>} : memref<1024xi32, #tpu.memory_space<vmem>>, vector<16xi32>,
    %add3A_97 = arith.addi %add3A_94, %get3A_96 : vector<16xi32>
    %get3A_98 = arith.constant 672 : index
    %get3A_99 = tpu.vector_load %arg11[%get3A_98] {strides = array<i32>} : memref<1024xi32, #tpu.memory_space<vmem>>, vector<16xi32>,
    %add3A_100 = arith.addi %add3A_97, %get3A_99 : vector<16xi32>
    %get3A_101 = arith.constant 800 : index
    %get3A_102 = tpu.vector_load %arg11[%get3A_101] {strides = array<i32>} : memref<1024xi32, #tpu.memory_space<vmem>>, vector<16xi32>,
    %add3A_103 = arith.addi %add3A_100, %get3A_102 : vector<16xi32>
    %get3A_104 = arith.constant 928 : index
    %get3A_105 = tpu.vector_load %arg11[%get3A_104] {strides = array<i32>} : memref<1024xi32, #tpu.memory_space<vmem>>, vector<16xi32>,
    %add3A_106 = arith.addi %add3A_103, %get3A_105 : vector<16xi32>
    %get3A_107 = arith.constant 32 : index
    %get3A_108 = tpu.vector_load %arg8[%get3A_107] {strides = array<i32>} : memref<128xi32, #tpu.memory_space<vmem>>, vector<16xi32>,
    tpu.vector_store_idx %arg12[%get3A_108], %add3A_106 {add = true} : memref<16xi32, #tpu.memory_space<vmem>>[vector<16xi32>], vector<16xi32>,
    %broadcast_in_dim3A_109 = arith.constant 0 : i32
    %broadcast_in_dim3A_110 = vector.broadcast %broadcast_in_dim3A_109 : i32 to vector<16xi32>
    %get3A_111 = arith.constant 48 : index
    %get3A_112 = tpu.vector_load %arg11[%get3A_111] {strides = array<i32>} : memref<1024xi32, #tpu.memory_space<vmem>>, vector<16xi32>,
    %add3A_113 = arith.addi %broadcast_in_dim3A_110, %get3A_112 : vector<16xi32>
    %get3A_114 = arith.constant 176 : index
    %get3A_115 = tpu.vector_load %arg11[%get3A_114] {strides = array<i32>} : memref<1024xi32, #tpu.memory_space<vmem>>, vector<16xi32>,
    %add3A_116 = arith.addi %add3A_113, %get3A_115 : vector<16xi32>
    %get3A_117 = arith.constant 304 : index
    %get3A_118 = tpu.vector_load %arg11[%get3A_117] {strides = array<i32>} : memref<1024xi32, #tpu.memory_space<vmem>>, vector<16xi32>,
    %add3A_119 = arith.addi %add3A_116, %get3A_118 : vector<16xi32>
    %get3A_120 = arith.constant 432 : index
    %get3A_121 = tpu.vector_load %arg11[%get3A_120] {strides = array<i32>} : memref<1024xi32, #tpu.memory_space<vmem>>, vector<16xi32>,
    %add3A_122 = arith.addi %add3A_119, %get3A_121 : vector<16xi32>
    %get3A_123 = arith.constant 560 : index
    %get3A_124 = tpu.vector_load %arg11[%get3A_123] {strides = array<i32>} : memref<1024xi32, #tpu.memory_space<vmem>>, vector<16xi32>,
    %add3A_125 = arith.addi %add3A_122, %get3A_124 : vector<16xi32>
    %get3A_126 = arith.constant 688 : index
    %get3A_127 = tpu.vector_load %arg11[%get3A_126] {strides = array<i32>} : memref<1024xi32, #tpu.memory_space<vmem>>, vector<16xi32>,
    %add3A_128 = arith.addi %add3A_125, %get3A_127 : vector<16xi32>
    %get3A_129 = arith.constant 816 : index
    %get3A_130 = tpu.vector_load %arg11[%get3A_129] {strides = array<i32>} : memref<1024xi32, #tpu.memory_space<vmem>>, vector<16xi32>,
    %add3A_131 = arith.addi %add3A_128, %get3A_130 : vector<16xi32>
    %get3A_132 = arith.constant 944 : index
    %get3A_133 = tpu.vector_load %arg11[%get3A_132] {strides = array<i32>} : memref<1024xi32, #tpu.memory_space<vmem>>, vector<16xi32>,
    %add3A_134 = arith.addi %add3A_131, %get3A_133 : vector<16xi32>
    %get3A_135 = arith.constant 48 : index
    %get3A_136 = tpu.vector_load %arg8[%get3A_135] {strides = array<i32>} : memref<128xi32, #tpu.memory_space<vmem>>, vector<16xi32>,
    tpu.vector_store_idx %arg12[%get3A_136], %add3A_134 {add = true} : memref<16xi32, #tpu.memory_space<vmem>>[vector<16xi32>], vector<16xi32>,
    %broadcast_in_dim3A_137 = arith.constant 0 : i32
    %broadcast_in_dim3A_138 = vector.broadcast %broadcast_in_dim3A_137 : i32 to vector<16xi32>
    %get3A_139 = arith.constant 64 : index
    %get3A_140 = tpu.vector_load %arg11[%get3A_139] {strides = array<i32>} : memref<1024xi32, #tpu.memory_space<vmem>>, vector<16xi32>,
    %add3A_141 = arith.addi %broadcast_in_dim3A_138, %get3A_140 : vector<16xi32>
    %get3A_142 = arith.constant 192 : index
    %get3A_143 = tpu.vector_load %arg11[%get3A_142] {strides = array<i32>} : memref<1024xi32, #tpu.memory_space<vmem>>, vector<16xi32>,
    %add3A_144 = arith.addi %add3A_141, %get3A_143 : vector<16xi32>
    %get3A_145 = arith.constant 320 : index
    %get3A_146 = tpu.vector_load %arg11[%get3A_145] {strides = array<i32>} : memref<1024xi32, #tpu.memory_space<vmem>>, vector<16xi32>,
    %add3A_147 = arith.addi %add3A_144, %get3A_146 : vector<16xi32>
    %get3A_148 = arith.constant 448 : index
    %get3A_149 = tpu.vector_load %arg11[%get3A_148] {strides = array<i32>} : memref<1024xi32, #tpu.memory_space<vmem>>, vector<16xi32>,
    %add3A_150 = arith.addi %add3A_147, %get3A_149 : vector<16xi32>
    %get3A_151 = arith.constant 576 : index
    %get3A_152 = tpu.vector_load %arg11[%get3A_151] {strides = array<i32>} : memref<1024xi32, #tpu.memory_space<vmem>>, vector<16xi32>,
    %add3A_153 = arith.addi %add3A_150, %get3A_152 : vector<16xi32>
    %get3A_154 = arith.constant 704 : index
    %get3A_155 = tpu.vector_load %arg11[%get3A_154] {strides = array<i32>} : memref<1024xi32, #tpu.memory_space<vmem>>, vector<16xi32>,
    %add3A_156 = arith.addi %add3A_153, %get3A_155 : vector<16xi32>
    %get3A_157 = arith.constant 832 : index
    %get3A_158 = tpu.vector_load %arg11[%get3A_157] {strides = array<i32>} : memref<1024xi32, #tpu.memory_space<vmem>>, vector<16xi32>,
    %add3A_159 = arith.addi %add3A_156, %get3A_158 : vector<16xi32>
    %get3A_160 = arith.constant 960 : index
    %get3A_161 = tpu.vector_load %arg11[%get3A_160] {strides = array<i32>} : memref<1024xi32, #tpu.memory_space<vmem>>, vector<16xi32>,
    %add3A_162 = arith.addi %add3A_159, %get3A_161 : vector<16xi32>
    %get3A_163 = arith.constant 64 : index
    %get3A_164 = tpu.vector_load %arg8[%get3A_163] {strides = array<i32>} : memref<128xi32, #tpu.memory_space<vmem>>, vector<16xi32>,
    tpu.vector_store_idx %arg12[%get3A_164], %add3A_162 {add = true} : memref<16xi32, #tpu.memory_space<vmem>>[vector<16xi32>], vector<16xi32>,
    %broadcast_in_dim3A_165 = arith.constant 0 : i32
    %broadcast_in_dim3A_166 = vector.broadcast %broadcast_in_dim3A_165 : i32 to vector<16xi32>
    %get3A_167 = arith.constant 80 : index
    %get3A_168 = tpu.vector_load %arg11[%get3A_167] {strides = array<i32>} : memref<1024xi32, #tpu.memory_space<vmem>>, vector<16xi32>,
    %add3A_169 = arith.addi %broadcast_in_dim3A_166, %get3A_168 : vector<16xi32>
    %get3A_170 = arith.constant 208 : index
    %get3A_171 = tpu.vector_load %arg11[%get3A_170] {strides = array<i32>} : memref<1024xi32, #tpu.memory_space<vmem>>, vector<16xi32>,
    %add3A_172 = arith.addi %add3A_169, %get3A_171 : vector<16xi32>
    %get3A_173 = arith.constant 336 : index
    %get3A_174 = tpu.vector_load %arg11[%get3A_173] {strides = array<i32>} : memref<1024xi32, #tpu.memory_space<vmem>>, vector<16xi32>,
    %add3A_175 = arith.addi %add3A_172, %get3A_174 : vector<16xi32>
    %get3A_176 = arith.constant 464 : index
    %get3A_177 = tpu.vector_load %arg11[%get3A_176] {strides = array<i32>} : memref<1024xi32, #tpu.memory_space<vmem>>, vector<16xi32>,
    %add3A_178 = arith.addi %add3A_175, %get3A_177 : vector<16xi32>
    %get3A_179 = arith.constant 592 : index
    %get3A_180 = tpu.vector_load %arg11[%get3A_179] {strides = array<i32>} : memref<1024xi32, #tpu.memory_space<vmem>>, vector<16xi32>,
    %add3A_181 = arith.addi %add3A_178, %get3A_180 : vector<16xi32>
    %get3A_182 = arith.constant 720 : index
    %get3A_183 = tpu.vector_load %arg11[%get3A_182] {strides = array<i32>} : memref<1024xi32, #tpu.memory_space<vmem>>, vector<16xi32>,
    %add3A_184 = arith.addi %add3A_181, %get3A_183 : vector<16xi32>
    %get3A_185 = arith.constant 848 : index
    %get3A_186 = tpu.vector_load %arg11[%get3A_185] {strides = array<i32>} : memref<1024xi32, #tpu.memory_space<vmem>>, vector<16xi32>,
    %add3A_187 = arith.addi %add3A_184, %get3A_186 : vector<16xi32>
    %get3A_188 = arith.constant 976 : index
    %get3A_189 = tpu.vector_load %arg11[%get3A_188] {strides = array<i32>} : memref<1024xi32, #tpu.memory_space<vmem>>, vector<16xi32>,
    %add3A_190 = arith.addi %add3A_187, %get3A_189 : vector<16xi32>
    %get3A_191 = arith.constant 80 : index
    %get3A_192 = tpu.vector_load %arg8[%get3A_191] {strides = array<i32>} : memref<128xi32, #tpu.memory_space<vmem>>, vector<16xi32>,
    tpu.vector_store_idx %arg12[%get3A_192], %add3A_190 {add = true} : memref<16xi32, #tpu.memory_space<vmem>>[vector<16xi32>], vector<16xi32>,
    %broadcast_in_dim3A_193 = arith.constant 0 : i32
    %broadcast_in_dim3A_194 = vector.broadcast %broadcast_in_dim3A_193 : i32 to vector<16xi32>
    %get3A_195 = arith.constant 96 : index
    %get3A_196 = tpu.vector_load %arg11[%get3A_195] {strides = array<i32>} : memref<1024xi32, #tpu.memory_space<vmem>>, vector<16xi32>,
    %add3A_197 = arith.addi %broadcast_in_dim3A_194, %get3A_196 : vector<16xi32>
    %get3A_198 = arith.constant 224 : index
    %get3A_199 = tpu.vector_load %arg11[%get3A_198] {strides = array<i32>} : memref<1024xi32, #tpu.memory_space<vmem>>, vector<16xi32>,
    %add3A_200 = arith.addi %add3A_197, %get3A_199 : vector<16xi32>
    %get3A_201 = arith.constant 352 : index
    %get3A_202 = tpu.vector_load %arg11[%get3A_201] {strides = array<i32>} : memref<1024xi32, #tpu.memory_space<vmem>>, vector<16xi32>,
    %add3A_203 = arith.addi %add3A_200, %get3A_202 : vector<16xi32>
    %get3A_204 = arith.constant 480 : index
    %get3A_205 = tpu.vector_load %arg11[%get3A_204] {strides = array<i32>} : memref<1024xi32, #tpu.memory_space<vmem>>, vector<16xi32>,
    %add3A_206 = arith.addi %add3A_203, %get3A_205 : vector<16xi32>
    %get3A_207 = arith.constant 608 : index
    %get3A_208 = tpu.vector_load %arg11[%get3A_207] {strides = array<i32>} : memref<1024xi32, #tpu.memory_space<vmem>>, vector<16xi32>,
    %add3A_209 = arith.addi %add3A_206, %get3A_208 : vector<16xi32>
    %get3A_210 = arith.constant 736 : index
    %get3A_211 = tpu.vector_load %arg11[%get3A_210] {strides = array<i32>} : memref<1024xi32, #tpu.memory_space<vmem>>, vector<16xi32>,
    %add3A_212 = arith.addi %add3A_209, %get3A_211 : vector<16xi32>
    %get3A_213 = arith.constant 864 : index
    %get3A_214 = tpu.vector_load %arg11[%get3A_213] {strides = array<i32>} : memref<1024xi32, #tpu.memory_space<vmem>>, vector<16xi32>,
    %add3A_215 = arith.addi %add3A_212, %get3A_214 : vector<16xi32>
    %get3A_216 = arith.constant 992 : index
    %get3A_217 = tpu.vector_load %arg11[%get3A_216] {strides = array<i32>} : memref<1024xi32, #tpu.memory_space<vmem>>, vector<16xi32>,
    %add3A_218 = arith.addi %add3A_215, %get3A_217 : vector<16xi32>
    %get3A_219 = arith.constant 96 : index
    %get3A_220 = tpu.vector_load %arg8[%get3A_219] {strides = array<i32>} : memref<128xi32, #tpu.memory_space<vmem>>, vector<16xi32>,
    tpu.vector_store_idx %arg12[%get3A_220], %add3A_218 {add = true} : memref<16xi32, #tpu.memory_space<vmem>>[vector<16xi32>], vector<16xi32>,
    %broadcast_in_dim3A_221 = arith.constant 0 : i32
    %broadcast_in_dim3A_222 = vector.broadcast %broadcast_in_dim3A_221 : i32 to vector<16xi32>
    %get3A_223 = arith.constant 112 : index
    %get3A_224 = tpu.vector_load %arg11[%get3A_223] {strides = array<i32>} : memref<1024xi32, #tpu.memory_space<vmem>>, vector<16xi32>,
    %add3A_225 = arith.addi %broadcast_in_dim3A_222, %get3A_224 : vector<16xi32>
    %get3A_226 = arith.constant 240 : index
    %get3A_227 = tpu.vector_load %arg11[%get3A_226] {strides = array<i32>} : memref<1024xi32, #tpu.memory_space<vmem>>, vector<16xi32>,
    %add3A_228 = arith.addi %add3A_225, %get3A_227 : vector<16xi32>
    %get3A_229 = arith.constant 368 : index
    %get3A_230 = tpu.vector_load %arg11[%get3A_229] {strides = array<i32>} : memref<1024xi32, #tpu.memory_space<vmem>>, vector<16xi32>,
    %add3A_231 = arith.addi %add3A_228, %get3A_230 : vector<16xi32>
    %get3A_232 = arith.constant 496 : index
    %get3A_233 = tpu.vector_load %arg11[%get3A_232] {strides = array<i32>} : memref<1024xi32, #tpu.memory_space<vmem>>, vector<16xi32>,
    %add3A_234 = arith.addi %add3A_231, %get3A_233 : vector<16xi32>
    %get3A_235 = arith.constant 624 : index
    %get3A_236 = tpu.vector_load %arg11[%get3A_235] {strides = array<i32>} : memref<1024xi32, #tpu.memory_space<vmem>>, vector<16xi32>,
    %add3A_237 = arith.addi %add3A_234, %get3A_236 : vector<16xi32>
    %get3A_238 = arith.constant 752 : index
    %get3A_239 = tpu.vector_load %arg11[%get3A_238] {strides = array<i32>} : memref<1024xi32, #tpu.memory_space<vmem>>, vector<16xi32>,
    %add3A_240 = arith.addi %add3A_237, %get3A_239 : vector<16xi32>
    %get3A_241 = arith.constant 880 : index
    %get3A_242 = tpu.vector_load %arg11[%get3A_241] {strides = array<i32>} : memref<1024xi32, #tpu.memory_space<vmem>>, vector<16xi32>,
    %add3A_243 = arith.addi %add3A_240, %get3A_242 : vector<16xi32>
    %get3A_244 = arith.constant 1008 : index
    %get3A_245 = tpu.vector_load %arg11[%get3A_244] {strides = array<i32>} : memref<1024xi32, #tpu.memory_space<vmem>>, vector<16xi32>,
    %add3A_246 = arith.addi %add3A_243, %get3A_245 : vector<16xi32>
    %get3A_247 = arith.constant 112 : index
    %get3A_248 = tpu.vector_load %arg8[%get3A_247] {strides = array<i32>} : memref<128xi32, #tpu.memory_space<vmem>>, vector<16xi32>,
    tpu.vector_store_idx %arg12[%get3A_248], %add3A_246 {add = true} : memref<16xi32, #tpu.memory_space<vmem>>[vector<16xi32>], vector<16xi32>,
    %get3A_249 = arith.constant 0 : index
    %get3A_250 = tpu.vector_load %arg12[%get3A_249] {strides = array<i32>} : memref<16xi32, #tpu.memory_space<vmem>>, vector<16xi32>,
    %mul3A_251 = arith.constant 16 : i32
    %mul3A_252 = arith.muli %add3A, %mul3A_251 : i32
    %scan3A_253 = arith.constant 0 : i32
    %scan3A_254 = arith.constant 0 : i32
    %scan3A_255 = arith.constant 16 : i32
    %scan3A_256 = arith.addi %scan3A_254, %scan3A_255 : i32
    %scan3A_257 = arith.constant 1 : i32
    scf.for %scan3A_597 = %scan3A_254 to %scan3A_256 step %scan3A_257  : i32 {
      %add3A_598 = arith.addi %mul3A_252, %scan3A_597 : i32
      %mul3A_599 = arith.constant 16 : i32
      %mul3A_600 = arith.muli %add3A_598, %mul3A_599 : i32
      %get3A_601 = arith.index_cast %mul3A_600 : i32 to index
      %get3A_602 = tpu.vector_load %arg9[%get3A_601] {strides = array<i32>} : memref<8192xi32, #tpu.memory_space<vmem>>, vector<16xi32>,
      %gather3A = tpu.vector_load_idx %arg8[%get3A_602] : memref<128xi32, #tpu.memory_space<vmem>>[vector<16xi32>], vector<16xi32>,
      %mul3A_603 = arith.constant 16 : i32
      %mul3A_604 = arith.muli %scan3A_597, %mul3A_603 : i32
      %swap3A_605 = arith.index_cast %mul3A_604 : i32 to index
      %swap3A_606 = tpu.vector_load %arg10[%swap3A_605] {strides = array<i32>} : memref<256xi32, #tpu.memory_space<vmem>>, vector<16xi32>,
      tpu.vector_store %arg10[%swap3A_605], %gather3A {strides = array<i32>} : memref<256xi32, #tpu.memory_space<vmem>>, vector<16xi32>,
      %and3A_607 = arith.constant 7 : i32
      %and3A_608 = arith.andi %scan3A_597, %and3A_607 : i32
      %mul3A_609 = arith.constant 128 : i32
      %mul3A_610 = arith.muli %and3A_608, %mul3A_609 : i32
      %add3A_611 = vector.broadcast %mul3A_610 : i32 to vector<16xi32>
      %add3A_612 = arith.addi %add3A_611, %get3A_602 : vector<16xi32>
      tpu.vector_store_idx %arg11[%add3A_612], %broadcast_in_dim3A_1 {add = true} : memref<1024xi32, #tpu.memory_space<vmem>>[vector<16xi32>], vector<16xi32>,
    }
    %scan3A_258 = arith.constant 16 : i32
    %add3A_259 = arith.constant 16 : i32
    %add3A_260 = arith.addi %mul3A_252, %add3A_259 : i32
    %jit3A = arith.constant 8 : i32
    %div3A = arith.divsi %add3A_260, %jit3A : i32
    %sign3A = arith.constant 0 : i32
    %sign3A_261 = arith.cmpi sgt, %add3A_260, %sign3A : i32
    %sign3A_262 = arith.extui %sign3A_261 : i1 to i32
    %sign3A_263 = arith.constant 0 : i32
    %sign3A_264 = arith.cmpi slt, %add3A_260, %sign3A_263 : i32
    %sign3A_265 = arith.extui %sign3A_264 : i1 to i32
    %sign3A_266 = arith.subi %sign3A_262, %sign3A_265 : i32
    %sign3A_267 = arith.constant 0 : i32
    %sign3A_268 = arith.cmpi sgt, %jit3A, %sign3A_267 : i32
    %sign3A_269 = arith.extui %sign3A_268 : i1 to i32
    %sign3A_270 = arith.constant 0 : i32
    %sign3A_271 = arith.cmpi slt, %jit3A, %sign3A_270 : i32
    %sign3A_272 = arith.extui %sign3A_271 : i1 to i32
    %sign3A_273 = arith.subi %sign3A_269, %sign3A_272 : i32
    %ne3A = arith.cmpi ne, %sign3A_266, %sign3A_273 : i32
    %rem3A = arith.remsi %add3A_260, %jit3A : i32
    %ne3A_274 = arith.constant 0 : i32
    %ne3A_275 = arith.cmpi ne, %rem3A, %ne3A_274 : i32
    %and3A = arith.andi %ne3A, %ne3A_275 : i1
    %sub3A = arith.constant 1 : i32
    %sub3A_276 = arith.subi %div3A, %sub3A : i32
    %select_n3A = arith.select %and3A, %sub3A_276, %div3A : i32
    %while3A_277 = arith.constant 0 : i32
    %while3A_278 = arith.constant 64 : i32
    %while3A_279 = arith.subi %while3A_278, %select_n3A : i32
    %while3A_280 = arith.addi %select_n3A, %while3A_279 : i32
    %while3A_281 = arith.constant 1 : i32
    %while3A_282 = arith.divsi %while3A_279, %while3A_281 : i32
    %while3A_283 = arith.muli %while3A_282, %while3A_281 : i32
    %while3A_284 = arith.addi %select_n3A, %while3A_283 : i32
    %while3A_285 = arith.constant 1 : i32
    scf.for %while3A_597 = %select_n3A to %while3A_284 step %while3A_285  : i32 {
      %mul3A_598 = arith.constant 8 : i32
      %mul3A_599 = arith.muli %while3A_597, %mul3A_598 : i32
      %add3A_600 = arith.constant 0 : i32
      %add3A_601 = arith.addi %mul3A_599, %add3A_600 : i32
      %mul3A_602 = arith.constant 16 : i32
      %mul3A_603 = arith.muli %add3A_601, %mul3A_602 : i32
      %get3A_604 = arith.index_cast %mul3A_603 : i32 to index
      %get3A_605 = tpu.vector_load %arg9[%get3A_604] {strides = array<i32>} : memref<8192xi32, #tpu.memory_space<vmem>>, vector<16xi32>,
      %add3A_606 = arith.constant 0 : i32
      %add3A_607 = vector.broadcast %add3A_606 : i32 to vector<16xi32>
      %add3A_608 = arith.addi %add3A_607, %get3A_605 : vector<16xi32>
      tpu.vector_store_idx %arg11[%add3A_608], %broadcast_in_dim3A_1 {add = true} : memref<1024xi32, #tpu.memory_space<vmem>>[vector<16xi32>], vector<16xi32>,
      %mul3A_609 = arith.constant 8 : i32
      %mul3A_610 = arith.muli %while3A_597, %mul3A_609 : i32
      %add3A_611 = arith.constant 1 : i32
      %add3A_612 = arith.addi %mul3A_610, %add3A_611 : i32
      %mul3A_613 = arith.constant 16 : i32
      %mul3A_614 = arith.muli %add3A_612, %mul3A_613 : i32
      %get3A_615 = arith.index_cast %mul3A_614 : i32 to index
      %get3A_616 = tpu.vector_load %arg9[%get3A_615] {strides = array<i32>} : memref<8192xi32, #tpu.memory_space<vmem>>, vector<16xi32>,
      %add3A_617 = arith.constant 128 : i32
      %add3A_618 = vector.broadcast %add3A_617 : i32 to vector<16xi32>
      %add3A_619 = arith.addi %add3A_618, %get3A_616 : vector<16xi32>
      tpu.vector_store_idx %arg11[%add3A_619], %broadcast_in_dim3A_1 {add = true} : memref<1024xi32, #tpu.memory_space<vmem>>[vector<16xi32>], vector<16xi32>,
      %mul3A_620 = arith.constant 8 : i32
      %mul3A_621 = arith.muli %while3A_597, %mul3A_620 : i32
      %add3A_622 = arith.constant 2 : i32
      %add3A_623 = arith.addi %mul3A_621, %add3A_622 : i32
      %mul3A_624 = arith.constant 16 : i32
      %mul3A_625 = arith.muli %add3A_623, %mul3A_624 : i32
      %get3A_626 = arith.index_cast %mul3A_625 : i32 to index
      %get3A_627 = tpu.vector_load %arg9[%get3A_626] {strides = array<i32>} : memref<8192xi32, #tpu.memory_space<vmem>>, vector<16xi32>,
      %add3A_628 = arith.constant 256 : i32
      %add3A_629 = vector.broadcast %add3A_628 : i32 to vector<16xi32>
      %add3A_630 = arith.addi %add3A_629, %get3A_627 : vector<16xi32>
      tpu.vector_store_idx %arg11[%add3A_630], %broadcast_in_dim3A_1 {add = true} : memref<1024xi32, #tpu.memory_space<vmem>>[vector<16xi32>], vector<16xi32>,
      %mul3A_631 = arith.constant 8 : i32
      %mul3A_632 = arith.muli %while3A_597, %mul3A_631 : i32
      %add3A_633 = arith.constant 3 : i32
      %add3A_634 = arith.addi %mul3A_632, %add3A_633 : i32
      %mul3A_635 = arith.constant 16 : i32
      %mul3A_636 = arith.muli %add3A_634, %mul3A_635 : i32
      %get3A_637 = arith.index_cast %mul3A_636 : i32 to index
      %get3A_638 = tpu.vector_load %arg9[%get3A_637] {strides = array<i32>} : memref<8192xi32, #tpu.memory_space<vmem>>, vector<16xi32>,
      %add3A_639 = arith.constant 384 : i32
      %add3A_640 = vector.broadcast %add3A_639 : i32 to vector<16xi32>
      %add3A_641 = arith.addi %add3A_640, %get3A_638 : vector<16xi32>
      tpu.vector_store_idx %arg11[%add3A_641], %broadcast_in_dim3A_1 {add = true} : memref<1024xi32, #tpu.memory_space<vmem>>[vector<16xi32>], vector<16xi32>,
      %mul3A_642 = arith.constant 8 : i32
      %mul3A_643 = arith.muli %while3A_597, %mul3A_642 : i32
      %add3A_644 = arith.constant 4 : i32
      %add3A_645 = arith.addi %mul3A_643, %add3A_644 : i32
      %mul3A_646 = arith.constant 16 : i32
      %mul3A_647 = arith.muli %add3A_645, %mul3A_646 : i32
      %get3A_648 = arith.index_cast %mul3A_647 : i32 to index
      %get3A_649 = tpu.vector_load %arg9[%get3A_648] {strides = array<i32>} : memref<8192xi32, #tpu.memory_space<vmem>>, vector<16xi32>,
      %add3A_650 = arith.constant 512 : i32
      %add3A_651 = vector.broadcast %add3A_650 : i32 to vector<16xi32>
      %add3A_652 = arith.addi %add3A_651, %get3A_649 : vector<16xi32>
      tpu.vector_store_idx %arg11[%add3A_652], %broadcast_in_dim3A_1 {add = true} : memref<1024xi32, #tpu.memory_space<vmem>>[vector<16xi32>], vector<16xi32>,
      %mul3A_653 = arith.constant 8 : i32
      %mul3A_654 = arith.muli %while3A_597, %mul3A_653 : i32
      %add3A_655 = arith.constant 5 : i32
      %add3A_656 = arith.addi %mul3A_654, %add3A_655 : i32
      %mul3A_657 = arith.constant 16 : i32
      %mul3A_658 = arith.muli %add3A_656, %mul3A_657 : i32
      %get3A_659 = arith.index_cast %mul3A_658 : i32 to index
      %get3A_660 = tpu.vector_load %arg9[%get3A_659] {strides = array<i32>} : memref<8192xi32, #tpu.memory_space<vmem>>, vector<16xi32>,
      %add3A_661 = arith.constant 640 : i32
      %add3A_662 = vector.broadcast %add3A_661 : i32 to vector<16xi32>
      %add3A_663 = arith.addi %add3A_662, %get3A_660 : vector<16xi32>
      tpu.vector_store_idx %arg11[%add3A_663], %broadcast_in_dim3A_1 {add = true} : memref<1024xi32, #tpu.memory_space<vmem>>[vector<16xi32>], vector<16xi32>,
      %mul3A_664 = arith.constant 8 : i32
      %mul3A_665 = arith.muli %while3A_597, %mul3A_664 : i32
      %add3A_666 = arith.constant 6 : i32
      %add3A_667 = arith.addi %mul3A_665, %add3A_666 : i32
      %mul3A_668 = arith.constant 16 : i32
      %mul3A_669 = arith.muli %add3A_667, %mul3A_668 : i32
      %get3A_670 = arith.index_cast %mul3A_669 : i32 to index
      %get3A_671 = tpu.vector_load %arg9[%get3A_670] {strides = array<i32>} : memref<8192xi32, #tpu.memory_space<vmem>>, vector<16xi32>,
      %add3A_672 = arith.constant 768 : i32
      %add3A_673 = vector.broadcast %add3A_672 : i32 to vector<16xi32>
      %add3A_674 = arith.addi %add3A_673, %get3A_671 : vector<16xi32>
      tpu.vector_store_idx %arg11[%add3A_674], %broadcast_in_dim3A_1 {add = true} : memref<1024xi32, #tpu.memory_space<vmem>>[vector<16xi32>], vector<16xi32>,
      %mul3A_675 = arith.constant 8 : i32
      %mul3A_676 = arith.muli %while3A_597, %mul3A_675 : i32
      %add3A_677 = arith.constant 7 : i32
      %add3A_678 = arith.addi %mul3A_676, %add3A_677 : i32
      %mul3A_679 = arith.constant 16 : i32
      %mul3A_680 = arith.muli %add3A_678, %mul3A_679 : i32
      %get3A_681 = arith.index_cast %mul3A_680 : i32 to index
      %get3A_682 = tpu.vector_load %arg9[%get3A_681] {strides = array<i32>} : memref<8192xi32, #tpu.memory_space<vmem>>, vector<16xi32>,
      %add3A_683 = arith.constant 896 : i32
      %add3A_684 = vector.broadcast %add3A_683 : i32 to vector<16xi32>
      %add3A_685 = arith.addi %add3A_684, %get3A_682 : vector<16xi32>
      tpu.vector_store_idx %arg11[%add3A_685], %broadcast_in_dim3A_1 {add = true} : memref<1024xi32, #tpu.memory_space<vmem>>[vector<16xi32>], vector<16xi32>,
    }
    %while3A_286 = arith.constant 1 : i32
    scf.for %while3A_597 = %while3A_284 to %while3A_280 step %while3A_286  : i32 {
      %mul3A_598 = arith.constant 8 : i32
      %mul3A_599 = arith.muli %while3A_597, %mul3A_598 : i32
      %add3A_600 = arith.constant 0 : i32
      %add3A_601 = arith.addi %mul3A_599, %add3A_600 : i32
      %mul3A_602 = arith.constant 16 : i32
      %mul3A_603 = arith.muli %add3A_601, %mul3A_602 : i32
      %get3A_604 = arith.index_cast %mul3A_603 : i32 to index
      %get3A_605 = tpu.vector_load %arg9[%get3A_604] {strides = array<i32>} : memref<8192xi32, #tpu.memory_space<vmem>>, vector<16xi32>,
      %add3A_606 = arith.constant 0 : i32
      %add3A_607 = vector.broadcast %add3A_606 : i32 to vector<16xi32>
      %add3A_608 = arith.addi %add3A_607, %get3A_605 : vector<16xi32>
      tpu.vector_store_idx %arg11[%add3A_608], %broadcast_in_dim3A_1 {add = true} : memref<1024xi32, #tpu.memory_space<vmem>>[vector<16xi32>], vector<16xi32>,
      %mul3A_609 = arith.constant 8 : i32
      %mul3A_610 = arith.muli %while3A_597, %mul3A_609 : i32
      %add3A_611 = arith.constant 1 : i32
      %add3A_612 = arith.addi %mul3A_610, %add3A_611 : i32
      %mul3A_613 = arith.constant 16 : i32
      %mul3A_614 = arith.muli %add3A_612, %mul3A_613 : i32
      %get3A_615 = arith.index_cast %mul3A_614 : i32 to index
      %get3A_616 = tpu.vector_load %arg9[%get3A_615] {strides = array<i32>} : memref<8192xi32, #tpu.memory_space<vmem>>, vector<16xi32>,
      %add3A_617 = arith.constant 128 : i32
      %add3A_618 = vector.broadcast %add3A_617 : i32 to vector<16xi32>
      %add3A_619 = arith.addi %add3A_618, %get3A_616 : vector<16xi32>
      tpu.vector_store_idx %arg11[%add3A_619], %broadcast_in_dim3A_1 {add = true} : memref<1024xi32, #tpu.memory_space<vmem>>[vector<16xi32>], vector<16xi32>,
      %mul3A_620 = arith.constant 8 : i32
      %mul3A_621 = arith.muli %while3A_597, %mul3A_620 : i32
      %add3A_622 = arith.constant 2 : i32
      %add3A_623 = arith.addi %mul3A_621, %add3A_622 : i32
      %mul3A_624 = arith.constant 16 : i32
      %mul3A_625 = arith.muli %add3A_623, %mul3A_624 : i32
      %get3A_626 = arith.index_cast %mul3A_625 : i32 to index
      %get3A_627 = tpu.vector_load %arg9[%get3A_626] {strides = array<i32>} : memref<8192xi32, #tpu.memory_space<vmem>>, vector<16xi32>,
      %add3A_628 = arith.constant 256 : i32
      %add3A_629 = vector.broadcast %add3A_628 : i32 to vector<16xi32>
      %add3A_630 = arith.addi %add3A_629, %get3A_627 : vector<16xi32>
      tpu.vector_store_idx %arg11[%add3A_630], %broadcast_in_dim3A_1 {add = true} : memref<1024xi32, #tpu.memory_space<vmem>>[vector<16xi32>], vector<16xi32>,
      %mul3A_631 = arith.constant 8 : i32
      %mul3A_632 = arith.muli %while3A_597, %mul3A_631 : i32
      %add3A_633 = arith.constant 3 : i32
      %add3A_634 = arith.addi %mul3A_632, %add3A_633 : i32
      %mul3A_635 = arith.constant 16 : i32
      %mul3A_636 = arith.muli %add3A_634, %mul3A_635 : i32
      %get3A_637 = arith.index_cast %mul3A_636 : i32 to index
      %get3A_638 = tpu.vector_load %arg9[%get3A_637] {strides = array<i32>} : memref<8192xi32, #tpu.memory_space<vmem>>, vector<16xi32>,
      %add3A_639 = arith.constant 384 : i32
      %add3A_640 = vector.broadcast %add3A_639 : i32 to vector<16xi32>
      %add3A_641 = arith.addi %add3A_640, %get3A_638 : vector<16xi32>
      tpu.vector_store_idx %arg11[%add3A_641], %broadcast_in_dim3A_1 {add = true} : memref<1024xi32, #tpu.memory_space<vmem>>[vector<16xi32>], vector<16xi32>,
      %mul3A_642 = arith.constant 8 : i32
      %mul3A_643 = arith.muli %while3A_597, %mul3A_642 : i32
      %add3A_644 = arith.constant 4 : i32
      %add3A_645 = arith.addi %mul3A_643, %add3A_644 : i32
      %mul3A_646 = arith.constant 16 : i32
      %mul3A_647 = arith.muli %add3A_645, %mul3A_646 : i32
      %get3A_648 = arith.index_cast %mul3A_647 : i32 to index
      %get3A_649 = tpu.vector_load %arg9[%get3A_648] {strides = array<i32>} : memref<8192xi32, #tpu.memory_space<vmem>>, vector<16xi32>,
      %add3A_650 = arith.constant 512 : i32
      %add3A_651 = vector.broadcast %add3A_650 : i32 to vector<16xi32>
      %add3A_652 = arith.addi %add3A_651, %get3A_649 : vector<16xi32>
      tpu.vector_store_idx %arg11[%add3A_652], %broadcast_in_dim3A_1 {add = true} : memref<1024xi32, #tpu.memory_space<vmem>>[vector<16xi32>], vector<16xi32>,
      %mul3A_653 = arith.constant 8 : i32
      %mul3A_654 = arith.muli %while3A_597, %mul3A_653 : i32
      %add3A_655 = arith.constant 5 : i32
      %add3A_656 = arith.addi %mul3A_654, %add3A_655 : i32
      %mul3A_657 = arith.constant 16 : i32
      %mul3A_658 = arith.muli %add3A_656, %mul3A_657 : i32
      %get3A_659 = arith.index_cast %mul3A_658 : i32 to index
      %get3A_660 = tpu.vector_load %arg9[%get3A_659] {strides = array<i32>} : memref<8192xi32, #tpu.memory_space<vmem>>, vector<16xi32>,
      %add3A_661 = arith.constant 640 : i32
      %add3A_662 = vector.broadcast %add3A_661 : i32 to vector<16xi32>
      %add3A_663 = arith.addi %add3A_662, %get3A_660 : vector<16xi32>
      tpu.vector_store_idx %arg11[%add3A_663], %broadcast_in_dim3A_1 {add = true} : memref<1024xi32, #tpu.memory_space<vmem>>[vector<16xi32>], vector<16xi32>,
      %mul3A_664 = arith.constant 8 : i32
      %mul3A_665 = arith.muli %while3A_597, %mul3A_664 : i32
      %add3A_666 = arith.constant 6 : i32
      %add3A_667 = arith.addi %mul3A_665, %add3A_666 : i32
      %mul3A_668 = arith.constant 16 : i32
      %mul3A_669 = arith.muli %add3A_667, %mul3A_668 : i32
      %get3A_670 = arith.index_cast %mul3A_669 : i32 to index
      %get3A_671 = tpu.vector_load %arg9[%get3A_670] {strides = array<i32>} : memref<8192xi32, #tpu.memory_space<vmem>>, vector<16xi32>,
      %add3A_672 = arith.constant 768 : i32
      %add3A_673 = vector.broadcast %add3A_672 : i32 to vector<16xi32>
      %add3A_674 = arith.addi %add3A_673, %get3A_671 : vector<16xi32>
      tpu.vector_store_idx %arg11[%add3A_674], %broadcast_in_dim3A_1 {add = true} : memref<1024xi32, #tpu.memory_space<vmem>>[vector<16xi32>], vector<16xi32>,
      %mul3A_675 = arith.constant 8 : i32
      %mul3A_676 = arith.muli %while3A_597, %mul3A_675 : i32
      %add3A_677 = arith.constant 7 : i32
      %add3A_678 = arith.addi %mul3A_676, %add3A_677 : i32
      %mul3A_679 = arith.constant 16 : i32
      %mul3A_680 = arith.muli %add3A_678, %mul3A_679 : i32
      %get3A_681 = arith.index_cast %mul3A_680 : i32 to index
      %get3A_682 = tpu.vector_load %arg9[%get3A_681] {strides = array<i32>} : memref<8192xi32, #tpu.memory_space<vmem>>, vector<16xi32>,
      %add3A_683 = arith.constant 896 : i32
      %add3A_684 = vector.broadcast %add3A_683 : i32 to vector<16xi32>
      %add3A_685 = arith.addi %add3A_684, %get3A_682 : vector<16xi32>
      tpu.vector_store_idx %arg11[%add3A_685], %broadcast_in_dim3A_1 {add = true} : memref<1024xi32, #tpu.memory_space<vmem>>[vector<16xi32>], vector<16xi32>,
    }
    %broadcast_in_dim3A_287 = arith.constant 0 : i32
    %broadcast_in_dim3A_288 = vector.broadcast %broadcast_in_dim3A_287 : i32 to vector<16xi32>
    %swap3A_289 = arith.constant 0 : index
    %swap3A_290 = tpu.vector_load %arg12[%swap3A_289] {strides = array<i32>} : memref<16xi32, #tpu.memory_space<vmem>>, vector<16xi32>,
    tpu.vector_store %arg12[%swap3A_289], %broadcast_in_dim3A_288 {strides = array<i32>} : memref<16xi32, #tpu.memory_space<vmem>>, vector<16xi32>,
    %broadcast_in_dim3A_291 = arith.constant 0 : i32
    %broadcast_in_dim3A_292 = vector.broadcast %broadcast_in_dim3A_291 : i32 to vector<16xi32>
    %get3A_293 = arith.constant 0 : index
    %get3A_294 = tpu.vector_load %arg11[%get3A_293] {strides = array<i32>} : memref<1024xi32, #tpu.memory_space<vmem>>, vector<16xi32>,
    %add3A_295 = arith.addi %broadcast_in_dim3A_292, %get3A_294 : vector<16xi32>
    %get3A_296 = arith.constant 128 : index
    %get3A_297 = tpu.vector_load %arg11[%get3A_296] {strides = array<i32>} : memref<1024xi32, #tpu.memory_space<vmem>>, vector<16xi32>,
    %add3A_298 = arith.addi %add3A_295, %get3A_297 : vector<16xi32>
    %get3A_299 = arith.constant 256 : index
    %get3A_300 = tpu.vector_load %arg11[%get3A_299] {strides = array<i32>} : memref<1024xi32, #tpu.memory_space<vmem>>, vector<16xi32>,
    %add3A_301 = arith.addi %add3A_298, %get3A_300 : vector<16xi32>
    %get3A_302 = arith.constant 384 : index
    %get3A_303 = tpu.vector_load %arg11[%get3A_302] {strides = array<i32>} : memref<1024xi32, #tpu.memory_space<vmem>>, vector<16xi32>,
    %add3A_304 = arith.addi %add3A_301, %get3A_303 : vector<16xi32>
    %get3A_305 = arith.constant 512 : index
    %get3A_306 = tpu.vector_load %arg11[%get3A_305] {strides = array<i32>} : memref<1024xi32, #tpu.memory_space<vmem>>, vector<16xi32>,
    %add3A_307 = arith.addi %add3A_304, %get3A_306 : vector<16xi32>
    %get3A_308 = arith.constant 640 : index
    %get3A_309 = tpu.vector_load %arg11[%get3A_308] {strides = array<i32>} : memref<1024xi32, #tpu.memory_space<vmem>>, vector<16xi32>,
    %add3A_310 = arith.addi %add3A_307, %get3A_309 : vector<16xi32>
    %get3A_311 = arith.constant 768 : index
    %get3A_312 = tpu.vector_load %arg11[%get3A_311] {strides = array<i32>} : memref<1024xi32, #tpu.memory_space<vmem>>, vector<16xi32>,
    %add3A_313 = arith.addi %add3A_310, %get3A_312 : vector<16xi32>
    %get3A_314 = arith.constant 896 : index
    %get3A_315 = tpu.vector_load %arg11[%get3A_314] {strides = array<i32>} : memref<1024xi32, #tpu.memory_space<vmem>>, vector<16xi32>,
    %add3A_316 = arith.addi %add3A_313, %get3A_315 : vector<16xi32>
    %get3A_317 = arith.constant 0 : index
    %get3A_318 = tpu.vector_load %arg8[%get3A_317] {strides = array<i32>} : memref<128xi32, #tpu.memory_space<vmem>>, vector<16xi32>,
    tpu.vector_store_idx %arg12[%get3A_318], %add3A_316 {add = true} : memref<16xi32, #tpu.memory_space<vmem>>[vector<16xi32>], vector<16xi32>,
    %broadcast_in_dim3A_319 = arith.constant 0 : i32
    %broadcast_in_dim3A_320 = vector.broadcast %broadcast_in_dim3A_319 : i32 to vector<16xi32>
    %get3A_321 = arith.constant 16 : index
    %get3A_322 = tpu.vector_load %arg11[%get3A_321] {strides = array<i32>} : memref<1024xi32, #tpu.memory_space<vmem>>, vector<16xi32>,
    %add3A_323 = arith.addi %broadcast_in_dim3A_320, %get3A_322 : vector<16xi32>
    %get3A_324 = arith.constant 144 : index
    %get3A_325 = tpu.vector_load %arg11[%get3A_324] {strides = array<i32>} : memref<1024xi32, #tpu.memory_space<vmem>>, vector<16xi32>,
    %add3A_326 = arith.addi %add3A_323, %get3A_325 : vector<16xi32>
    %get3A_327 = arith.constant 272 : index
    %get3A_328 = tpu.vector_load %arg11[%get3A_327] {strides = array<i32>} : memref<1024xi32, #tpu.memory_space<vmem>>, vector<16xi32>,
    %add3A_329 = arith.addi %add3A_326, %get3A_328 : vector<16xi32>
    %get3A_330 = arith.constant 400 : index
    %get3A_331 = tpu.vector_load %arg11[%get3A_330] {strides = array<i32>} : memref<1024xi32, #tpu.memory_space<vmem>>, vector<16xi32>,
    %add3A_332 = arith.addi %add3A_329, %get3A_331 : vector<16xi32>
    %get3A_333 = arith.constant 528 : index
    %get3A_334 = tpu.vector_load %arg11[%get3A_333] {strides = array<i32>} : memref<1024xi32, #tpu.memory_space<vmem>>, vector<16xi32>,
    %add3A_335 = arith.addi %add3A_332, %get3A_334 : vector<16xi32>
    %get3A_336 = arith.constant 656 : index
    %get3A_337 = tpu.vector_load %arg11[%get3A_336] {strides = array<i32>} : memref<1024xi32, #tpu.memory_space<vmem>>, vector<16xi32>,
    %add3A_338 = arith.addi %add3A_335, %get3A_337 : vector<16xi32>
    %get3A_339 = arith.constant 784 : index
    %get3A_340 = tpu.vector_load %arg11[%get3A_339] {strides = array<i32>} : memref<1024xi32, #tpu.memory_space<vmem>>, vector<16xi32>,
    %add3A_341 = arith.addi %add3A_338, %get3A_340 : vector<16xi32>
    %get3A_342 = arith.constant 912 : index
    %get3A_343 = tpu.vector_load %arg11[%get3A_342] {strides = array<i32>} : memref<1024xi32, #tpu.memory_space<vmem>>, vector<16xi32>,
    %add3A_344 = arith.addi %add3A_341, %get3A_343 : vector<16xi32>
    %get3A_345 = arith.constant 16 : index
    %get3A_346 = tpu.vector_load %arg8[%get3A_345] {strides = array<i32>} : memref<128xi32, #tpu.memory_space<vmem>>, vector<16xi32>,
    tpu.vector_store_idx %arg12[%get3A_346], %add3A_344 {add = true} : memref<16xi32, #tpu.memory_space<vmem>>[vector<16xi32>], vector<16xi32>,
    %broadcast_in_dim3A_347 = arith.constant 0 : i32
    %broadcast_in_dim3A_348 = vector.broadcast %broadcast_in_dim3A_347 : i32 to vector<16xi32>
    %get3A_349 = arith.constant 32 : index
    %get3A_350 = tpu.vector_load %arg11[%get3A_349] {strides = array<i32>} : memref<1024xi32, #tpu.memory_space<vmem>>, vector<16xi32>,
    %add3A_351 = arith.addi %broadcast_in_dim3A_348, %get3A_350 : vector<16xi32>
    %get3A_352 = arith.constant 160 : index
    %get3A_353 = tpu.vector_load %arg11[%get3A_352] {strides = array<i32>} : memref<1024xi32, #tpu.memory_space<vmem>>, vector<16xi32>,
    %add3A_354 = arith.addi %add3A_351, %get3A_353 : vector<16xi32>
    %get3A_355 = arith.constant 288 : index
    %get3A_356 = tpu.vector_load %arg11[%get3A_355] {strides = array<i32>} : memref<1024xi32, #tpu.memory_space<vmem>>, vector<16xi32>,
    %add3A_357 = arith.addi %add3A_354, %get3A_356 : vector<16xi32>
    %get3A_358 = arith.constant 416 : index
    %get3A_359 = tpu.vector_load %arg11[%get3A_358] {strides = array<i32>} : memref<1024xi32, #tpu.memory_space<vmem>>, vector<16xi32>,
    %add3A_360 = arith.addi %add3A_357, %get3A_359 : vector<16xi32>
    %get3A_361 = arith.constant 544 : index
    %get3A_362 = tpu.vector_load %arg11[%get3A_361] {strides = array<i32>} : memref<1024xi32, #tpu.memory_space<vmem>>, vector<16xi32>,
    %add3A_363 = arith.addi %add3A_360, %get3A_362 : vector<16xi32>
    %get3A_364 = arith.constant 672 : index
    %get3A_365 = tpu.vector_load %arg11[%get3A_364] {strides = array<i32>} : memref<1024xi32, #tpu.memory_space<vmem>>, vector<16xi32>,
    %add3A_366 = arith.addi %add3A_363, %get3A_365 : vector<16xi32>
    %get3A_367 = arith.constant 800 : index
    %get3A_368 = tpu.vector_load %arg11[%get3A_367] {strides = array<i32>} : memref<1024xi32, #tpu.memory_space<vmem>>, vector<16xi32>,
    %add3A_369 = arith.addi %add3A_366, %get3A_368 : vector<16xi32>
    %get3A_370 = arith.constant 928 : index
    %get3A_371 = tpu.vector_load %arg11[%get3A_370] {strides = array<i32>} : memref<1024xi32, #tpu.memory_space<vmem>>, vector<16xi32>,
    %add3A_372 = arith.addi %add3A_369, %get3A_371 : vector<16xi32>
    %get3A_373 = arith.constant 32 : index
    %get3A_374 = tpu.vector_load %arg8[%get3A_373] {strides = array<i32>} : memref<128xi32, #tpu.memory_space<vmem>>, vector<16xi32>,
    tpu.vector_store_idx %arg12[%get3A_374], %add3A_372 {add = true} : memref<16xi32, #tpu.memory_space<vmem>>[vector<16xi32>], vector<16xi32>,
    %broadcast_in_dim3A_375 = arith.constant 0 : i32
    %broadcast_in_dim3A_376 = vector.broadcast %broadcast_in_dim3A_375 : i32 to vector<16xi32>
    %get3A_377 = arith.constant 48 : index
    %get3A_378 = tpu.vector_load %arg11[%get3A_377] {strides = array<i32>} : memref<1024xi32, #tpu.memory_space<vmem>>, vector<16xi32>,
    %add3A_379 = arith.addi %broadcast_in_dim3A_376, %get3A_378 : vector<16xi32>
    %get3A_380 = arith.constant 176 : index
    %get3A_381 = tpu.vector_load %arg11[%get3A_380] {strides = array<i32>} : memref<1024xi32, #tpu.memory_space<vmem>>, vector<16xi32>,
    %add3A_382 = arith.addi %add3A_379, %get3A_381 : vector<16xi32>
    %get3A_383 = arith.constant 304 : index
    %get3A_384 = tpu.vector_load %arg11[%get3A_383] {strides = array<i32>} : memref<1024xi32, #tpu.memory_space<vmem>>, vector<16xi32>,
    %add3A_385 = arith.addi %add3A_382, %get3A_384 : vector<16xi32>
    %get3A_386 = arith.constant 432 : index
    %get3A_387 = tpu.vector_load %arg11[%get3A_386] {strides = array<i32>} : memref<1024xi32, #tpu.memory_space<vmem>>, vector<16xi32>,
    %add3A_388 = arith.addi %add3A_385, %get3A_387 : vector<16xi32>
    %get3A_389 = arith.constant 560 : index
    %get3A_390 = tpu.vector_load %arg11[%get3A_389] {strides = array<i32>} : memref<1024xi32, #tpu.memory_space<vmem>>, vector<16xi32>,
    %add3A_391 = arith.addi %add3A_388, %get3A_390 : vector<16xi32>
    %get3A_392 = arith.constant 688 : index
    %get3A_393 = tpu.vector_load %arg11[%get3A_392] {strides = array<i32>} : memref<1024xi32, #tpu.memory_space<vmem>>, vector<16xi32>,
    %add3A_394 = arith.addi %add3A_391, %get3A_393 : vector<16xi32>
    %get3A_395 = arith.constant 816 : index
    %get3A_396 = tpu.vector_load %arg11[%get3A_395] {strides = array<i32>} : memref<1024xi32, #tpu.memory_space<vmem>>, vector<16xi32>,
    %add3A_397 = arith.addi %add3A_394, %get3A_396 : vector<16xi32>
    %get3A_398 = arith.constant 944 : index
    %get3A_399 = tpu.vector_load %arg11[%get3A_398] {strides = array<i32>} : memref<1024xi32, #tpu.memory_space<vmem>>, vector<16xi32>,
    %add3A_400 = arith.addi %add3A_397, %get3A_399 : vector<16xi32>
    %get3A_401 = arith.constant 48 : index
    %get3A_402 = tpu.vector_load %arg8[%get3A_401] {strides = array<i32>} : memref<128xi32, #tpu.memory_space<vmem>>, vector<16xi32>,
    tpu.vector_store_idx %arg12[%get3A_402], %add3A_400 {add = true} : memref<16xi32, #tpu.memory_space<vmem>>[vector<16xi32>], vector<16xi32>,
    %broadcast_in_dim3A_403 = arith.constant 0 : i32
    %broadcast_in_dim3A_404 = vector.broadcast %broadcast_in_dim3A_403 : i32 to vector<16xi32>
    %get3A_405 = arith.constant 64 : index
    %get3A_406 = tpu.vector_load %arg11[%get3A_405] {strides = array<i32>} : memref<1024xi32, #tpu.memory_space<vmem>>, vector<16xi32>,
    %add3A_407 = arith.addi %broadcast_in_dim3A_404, %get3A_406 : vector<16xi32>
    %get3A_408 = arith.constant 192 : index
    %get3A_409 = tpu.vector_load %arg11[%get3A_408] {strides = array<i32>} : memref<1024xi32, #tpu.memory_space<vmem>>, vector<16xi32>,
    %add3A_410 = arith.addi %add3A_407, %get3A_409 : vector<16xi32>
    %get3A_411 = arith.constant 320 : index
    %get3A_412 = tpu.vector_load %arg11[%get3A_411] {strides = array<i32>} : memref<1024xi32, #tpu.memory_space<vmem>>, vector<16xi32>,
    %add3A_413 = arith.addi %add3A_410, %get3A_412 : vector<16xi32>
    %get3A_414 = arith.constant 448 : index
    %get3A_415 = tpu.vector_load %arg11[%get3A_414] {strides = array<i32>} : memref<1024xi32, #tpu.memory_space<vmem>>, vector<16xi32>,
    %add3A_416 = arith.addi %add3A_413, %get3A_415 : vector<16xi32>
    %get3A_417 = arith.constant 576 : index
    %get3A_418 = tpu.vector_load %arg11[%get3A_417] {strides = array<i32>} : memref<1024xi32, #tpu.memory_space<vmem>>, vector<16xi32>,
    %add3A_419 = arith.addi %add3A_416, %get3A_418 : vector<16xi32>
    %get3A_420 = arith.constant 704 : index
    %get3A_421 = tpu.vector_load %arg11[%get3A_420] {strides = array<i32>} : memref<1024xi32, #tpu.memory_space<vmem>>, vector<16xi32>,
    %add3A_422 = arith.addi %add3A_419, %get3A_421 : vector<16xi32>
    %get3A_423 = arith.constant 832 : index
    %get3A_424 = tpu.vector_load %arg11[%get3A_423] {strides = array<i32>} : memref<1024xi32, #tpu.memory_space<vmem>>, vector<16xi32>,
    %add3A_425 = arith.addi %add3A_422, %get3A_424 : vector<16xi32>
    %get3A_426 = arith.constant 960 : index
    %get3A_427 = tpu.vector_load %arg11[%get3A_426] {strides = array<i32>} : memref<1024xi32, #tpu.memory_space<vmem>>, vector<16xi32>,
    %add3A_428 = arith.addi %add3A_425, %get3A_427 : vector<16xi32>
    %get3A_429 = arith.constant 64 : index
    %get3A_430 = tpu.vector_load %arg8[%get3A_429] {strides = array<i32>} : memref<128xi32, #tpu.memory_space<vmem>>, vector<16xi32>,
    tpu.vector_store_idx %arg12[%get3A_430], %add3A_428 {add = true} : memref<16xi32, #tpu.memory_space<vmem>>[vector<16xi32>], vector<16xi32>,
    %broadcast_in_dim3A_431 = arith.constant 0 : i32
    %broadcast_in_dim3A_432 = vector.broadcast %broadcast_in_dim3A_431 : i32 to vector<16xi32>
    %get3A_433 = arith.constant 80 : index
    %get3A_434 = tpu.vector_load %arg11[%get3A_433] {strides = array<i32>} : memref<1024xi32, #tpu.memory_space<vmem>>, vector<16xi32>,
    %add3A_435 = arith.addi %broadcast_in_dim3A_432, %get3A_434 : vector<16xi32>
    %get3A_436 = arith.constant 208 : index
    %get3A_437 = tpu.vector_load %arg11[%get3A_436] {strides = array<i32>} : memref<1024xi32, #tpu.memory_space<vmem>>, vector<16xi32>,
    %add3A_438 = arith.addi %add3A_435, %get3A_437 : vector<16xi32>
    %get3A_439 = arith.constant 336 : index
    %get3A_440 = tpu.vector_load %arg11[%get3A_439] {strides = array<i32>} : memref<1024xi32, #tpu.memory_space<vmem>>, vector<16xi32>,
    %add3A_441 = arith.addi %add3A_438, %get3A_440 : vector<16xi32>
    %get3A_442 = arith.constant 464 : index
    %get3A_443 = tpu.vector_load %arg11[%get3A_442] {strides = array<i32>} : memref<1024xi32, #tpu.memory_space<vmem>>, vector<16xi32>,
    %add3A_444 = arith.addi %add3A_441, %get3A_443 : vector<16xi32>
    %get3A_445 = arith.constant 592 : index
    %get3A_446 = tpu.vector_load %arg11[%get3A_445] {strides = array<i32>} : memref<1024xi32, #tpu.memory_space<vmem>>, vector<16xi32>,
    %add3A_447 = arith.addi %add3A_444, %get3A_446 : vector<16xi32>
    %get3A_448 = arith.constant 720 : index
    %get3A_449 = tpu.vector_load %arg11[%get3A_448] {strides = array<i32>} : memref<1024xi32, #tpu.memory_space<vmem>>, vector<16xi32>,
    %add3A_450 = arith.addi %add3A_447, %get3A_449 : vector<16xi32>
    %get3A_451 = arith.constant 848 : index
    %get3A_452 = tpu.vector_load %arg11[%get3A_451] {strides = array<i32>} : memref<1024xi32, #tpu.memory_space<vmem>>, vector<16xi32>,
    %add3A_453 = arith.addi %add3A_450, %get3A_452 : vector<16xi32>
    %get3A_454 = arith.constant 976 : index
    %get3A_455 = tpu.vector_load %arg11[%get3A_454] {strides = array<i32>} : memref<1024xi32, #tpu.memory_space<vmem>>, vector<16xi32>,
    %add3A_456 = arith.addi %add3A_453, %get3A_455 : vector<16xi32>
    %get3A_457 = arith.constant 80 : index
    %get3A_458 = tpu.vector_load %arg8[%get3A_457] {strides = array<i32>} : memref<128xi32, #tpu.memory_space<vmem>>, vector<16xi32>,
    tpu.vector_store_idx %arg12[%get3A_458], %add3A_456 {add = true} : memref<16xi32, #tpu.memory_space<vmem>>[vector<16xi32>], vector<16xi32>,
    %broadcast_in_dim3A_459 = arith.constant 0 : i32
    %broadcast_in_dim3A_460 = vector.broadcast %broadcast_in_dim3A_459 : i32 to vector<16xi32>
    %get3A_461 = arith.constant 96 : index
    %get3A_462 = tpu.vector_load %arg11[%get3A_461] {strides = array<i32>} : memref<1024xi32, #tpu.memory_space<vmem>>, vector<16xi32>,
    %add3A_463 = arith.addi %broadcast_in_dim3A_460, %get3A_462 : vector<16xi32>
    %get3A_464 = arith.constant 224 : index
    %get3A_465 = tpu.vector_load %arg11[%get3A_464] {strides = array<i32>} : memref<1024xi32, #tpu.memory_space<vmem>>, vector<16xi32>,
    %add3A_466 = arith.addi %add3A_463, %get3A_465 : vector<16xi32>
    %get3A_467 = arith.constant 352 : index
    %get3A_468 = tpu.vector_load %arg11[%get3A_467] {strides = array<i32>} : memref<1024xi32, #tpu.memory_space<vmem>>, vector<16xi32>,
    %add3A_469 = arith.addi %add3A_466, %get3A_468 : vector<16xi32>
    %get3A_470 = arith.constant 480 : index
    %get3A_471 = tpu.vector_load %arg11[%get3A_470] {strides = array<i32>} : memref<1024xi32, #tpu.memory_space<vmem>>, vector<16xi32>,
    %add3A_472 = arith.addi %add3A_469, %get3A_471 : vector<16xi32>
    %get3A_473 = arith.constant 608 : index
    %get3A_474 = tpu.vector_load %arg11[%get3A_473] {strides = array<i32>} : memref<1024xi32, #tpu.memory_space<vmem>>, vector<16xi32>,
    %add3A_475 = arith.addi %add3A_472, %get3A_474 : vector<16xi32>
    %get3A_476 = arith.constant 736 : index
    %get3A_477 = tpu.vector_load %arg11[%get3A_476] {strides = array<i32>} : memref<1024xi32, #tpu.memory_space<vmem>>, vector<16xi32>,
    %add3A_478 = arith.addi %add3A_475, %get3A_477 : vector<16xi32>
    %get3A_479 = arith.constant 864 : index
    %get3A_480 = tpu.vector_load %arg11[%get3A_479] {strides = array<i32>} : memref<1024xi32, #tpu.memory_space<vmem>>, vector<16xi32>,
    %add3A_481 = arith.addi %add3A_478, %get3A_480 : vector<16xi32>
    %get3A_482 = arith.constant 992 : index
    %get3A_483 = tpu.vector_load %arg11[%get3A_482] {strides = array<i32>} : memref<1024xi32, #tpu.memory_space<vmem>>, vector<16xi32>,
    %add3A_484 = arith.addi %add3A_481, %get3A_483 : vector<16xi32>
    %get3A_485 = arith.constant 96 : index
    %get3A_486 = tpu.vector_load %arg8[%get3A_485] {strides = array<i32>} : memref<128xi32, #tpu.memory_space<vmem>>, vector<16xi32>,
    tpu.vector_store_idx %arg12[%get3A_486], %add3A_484 {add = true} : memref<16xi32, #tpu.memory_space<vmem>>[vector<16xi32>], vector<16xi32>,
    %broadcast_in_dim3A_487 = arith.constant 0 : i32
    %broadcast_in_dim3A_488 = vector.broadcast %broadcast_in_dim3A_487 : i32 to vector<16xi32>
    %get3A_489 = arith.constant 112 : index
    %get3A_490 = tpu.vector_load %arg11[%get3A_489] {strides = array<i32>} : memref<1024xi32, #tpu.memory_space<vmem>>, vector<16xi32>,
    %add3A_491 = arith.addi %broadcast_in_dim3A_488, %get3A_490 : vector<16xi32>
    %get3A_492 = arith.constant 240 : index
    %get3A_493 = tpu.vector_load %arg11[%get3A_492] {strides = array<i32>} : memref<1024xi32, #tpu.memory_space<vmem>>, vector<16xi32>,
    %add3A_494 = arith.addi %add3A_491, %get3A_493 : vector<16xi32>
    %get3A_495 = arith.constant 368 : index
    %get3A_496 = tpu.vector_load %arg11[%get3A_495] {strides = array<i32>} : memref<1024xi32, #tpu.memory_space<vmem>>, vector<16xi32>,
    %add3A_497 = arith.addi %add3A_494, %get3A_496 : vector<16xi32>
    %get3A_498 = arith.constant 496 : index
    %get3A_499 = tpu.vector_load %arg11[%get3A_498] {strides = array<i32>} : memref<1024xi32, #tpu.memory_space<vmem>>, vector<16xi32>,
    %add3A_500 = arith.addi %add3A_497, %get3A_499 : vector<16xi32>
    %get3A_501 = arith.constant 624 : index
    %get3A_502 = tpu.vector_load %arg11[%get3A_501] {strides = array<i32>} : memref<1024xi32, #tpu.memory_space<vmem>>, vector<16xi32>,
    %add3A_503 = arith.addi %add3A_500, %get3A_502 : vector<16xi32>
    %get3A_504 = arith.constant 752 : index
    %get3A_505 = tpu.vector_load %arg11[%get3A_504] {strides = array<i32>} : memref<1024xi32, #tpu.memory_space<vmem>>, vector<16xi32>,
    %add3A_506 = arith.addi %add3A_503, %get3A_505 : vector<16xi32>
    %get3A_507 = arith.constant 880 : index
    %get3A_508 = tpu.vector_load %arg11[%get3A_507] {strides = array<i32>} : memref<1024xi32, #tpu.memory_space<vmem>>, vector<16xi32>,
    %add3A_509 = arith.addi %add3A_506, %get3A_508 : vector<16xi32>
    %get3A_510 = arith.constant 1008 : index
    %get3A_511 = tpu.vector_load %arg11[%get3A_510] {strides = array<i32>} : memref<1024xi32, #tpu.memory_space<vmem>>, vector<16xi32>,
    %add3A_512 = arith.addi %add3A_509, %get3A_511 : vector<16xi32>
    %get3A_513 = arith.constant 112 : index
    %get3A_514 = tpu.vector_load %arg8[%get3A_513] {strides = array<i32>} : memref<128xi32, #tpu.memory_space<vmem>>, vector<16xi32>,
    tpu.vector_store_idx %arg12[%get3A_514], %add3A_512 {add = true} : memref<16xi32, #tpu.memory_space<vmem>>[vector<16xi32>], vector<16xi32>,
    %get3A_515 = arith.constant 0 : index
    %get3A_516 = tpu.vector_load %arg12[%get3A_515] {strides = array<i32>} : memref<16xi32, #tpu.memory_space<vmem>>, vector<16xi32>,
    %add3A_517 = arith.constant 127 : i32
    %add3A_518 = vector.broadcast %add3A_517 : i32 to vector<16xi32>
    %add3A_519 = arith.addi %get3A_516, %add3A_518 : vector<16xi32>
    %shift_right_arithmetic3A = arith.constant 7 : i32
    %shift_right_arithmetic3A_520 = vector.broadcast %shift_right_arithmetic3A : i32 to vector<16xi32>
    %shift_right_arithmetic3A_521 = arith.shrsi %add3A_519, %shift_right_arithmetic3A_520 : vector<16xi32>
    %shift_left3A = arith.constant 7 : i32
    %shift_left3A_522 = vector.broadcast %shift_left3A : i32 to vector<16xi32>
    %shift_left3A_523 = arith.shli %shift_right_arithmetic3A_521, %shift_left3A_522 : vector<16xi32>
    %broadcast_in_dim3A_524 = arith.constant true
    %broadcast_in_dim3A_525 = vector.broadcast %broadcast_in_dim3A_524 : i1 to vector<16xi1>
    %masked_cumsum3A = tpu.scan <sum>, %shift_left3A_523 masked %broadcast_in_dim3A_525 : vector<16xi32>, vector<16xi1> -> vector<16xi32>
    %sub3A_526 = arith.subi %masked_cumsum3A, %shift_left3A_523 : vector<16xi32>
    %add3A_527 = arith.addi %sub3A_526, %get3A_250 : vector<16xi32>
    %eq3A = arith.constant 0 : i32
    %eq3A_528 = arith.cmpi eq, %add3A, %eq3A : i32
    %convert_element_type3A = arith.extui %eq3A_528 : i1 to i32
    %cond3A = arith.constant 0 : i32
    %cond3A_529 = arith.cmpi ne, %convert_element_type3A, %cond3A : i32
    scf.if %cond3A_529 {
      %add3A_597 = arith.constant 0 : i32
      %add3A_598 = vector.broadcast %add3A_597 : i32 to vector<16xi32>
      %add3A_599 = arith.addi %iota3A, %add3A_598 : vector<16xi32>
      %mul3A_600 = arith.constant 128 : i32
      %mul3A_601 = vector.broadcast %mul3A_600 : i32 to vector<16xi32>
      %mul3A_602 = arith.muli %add3A_599, %mul3A_601 : vector<16xi32>
      %broadcast_in_dim3A_603 = arith.constant 0 : i32
      %broadcast_in_dim3A_604 = vector.broadcast %broadcast_in_dim3A_603 : i32 to vector<16xi32>
      %slice3A = vector.extract_strided_slice %sub3A_526 {offsets = [0], sizes = [1], strides = [1]} : vector<16xi32> to vector<1xi32>
      %squeeze3A = vector.extract %slice3A[0] : i32 from vector<1xi32>
      %ge3A = vector.broadcast %squeeze3A : i32 to vector<16xi32>
      %ge3A_605 = arith.cmpi sge, %mul3A_602, %ge3A : vector<16xi32>
      %slice3A_606 = vector.extract_strided_slice %sub3A_526 {offsets = [0], sizes = [1], strides = [1]} : vector<16xi32> to vector<1xi32>
      %squeeze3A_607 = vector.extract %slice3A_606[0] : i32 from vector<1xi32>
      %slice3A_608 = vector.extract_strided_slice %shift_left3A_523 {offsets = [0], sizes = [1], strides = [1]} : vector<16xi32> to vector<1xi32>
      %squeeze3A_609 = vector.extract %slice3A_608[0] : i32 from vector<1xi32>
      %add3A_610 = arith.addi %squeeze3A_607, %squeeze3A_609 : i32
      %lt3A = vector.broadcast %add3A_610 : i32 to vector<16xi32>
      %lt3A_611 = arith.cmpi slt, %mul3A_602, %lt3A : vector<16xi32>
      %and3A_612 = arith.andi %ge3A_605, %lt3A_611 : vector<16xi1>
      %jit3A_613 = arith.constant 0 : i32
      %broadcast_in_dim3A_614 = vector.broadcast %jit3A_613 : i32 to vector<16xi32>
      %select_n3A_615 = arith.select %and3A_612, %broadcast_in_dim3A_614, %broadcast_in_dim3A_604 : vector<16xi1>, vector<16xi32>
      %slice3A_616 = vector.extract_strided_slice %sub3A_526 {offsets = [1], sizes = [1], strides = [1]} : vector<16xi32> to vector<1xi32>
      %squeeze3A_617 = vector.extract %slice3A_616[0] : i32 from vector<1xi32>
      %ge3A_618 = vector.broadcast %squeeze3A_617 : i32 to vector<16xi32>
      %ge3A_619 = arith.cmpi sge, %mul3A_602, %ge3A_618 : vector<16xi32>
      %slice3A_620 = vector.extract_strided_slice %sub3A_526 {offsets = [1], sizes = [1], strides = [1]} : vector<16xi32> to vector<1xi32>
      %squeeze3A_621 = vector.extract %slice3A_620[0] : i32 from vector<1xi32>
      %slice3A_622 = vector.extract_strided_slice %shift_left3A_523 {offsets = [1], sizes = [1], strides = [1]} : vector<16xi32> to vector<1xi32>
      %squeeze3A_623 = vector.extract %slice3A_622[0] : i32 from vector<1xi32>
      %add3A_624 = arith.addi %squeeze3A_621, %squeeze3A_623 : i32
      %lt3A_625 = vector.broadcast %add3A_624 : i32 to vector<16xi32>
      %lt3A_626 = arith.cmpi slt, %mul3A_602, %lt3A_625 : vector<16xi32>
      %and3A_627 = arith.andi %ge3A_619, %lt3A_626 : vector<16xi1>
      %jit3A_628 = arith.constant 1 : i32
      %broadcast_in_dim3A_629 = vector.broadcast %jit3A_628 : i32 to vector<16xi32>
      %select_n3A_630 = arith.select %and3A_627, %broadcast_in_dim3A_629, %select_n3A_615 : vector<16xi1>, vector<16xi32>
      %slice3A_631 = vector.extract_strided_slice %sub3A_526 {offsets = [2], sizes = [1], strides = [1]} : vector<16xi32> to vector<1xi32>
      %squeeze3A_632 = vector.extract %slice3A_631[0] : i32 from vector<1xi32>
      %ge3A_633 = vector.broadcast %squeeze3A_632 : i32 to vector<16xi32>
      %ge3A_634 = arith.cmpi sge, %mul3A_602, %ge3A_633 : vector<16xi32>
      %slice3A_635 = vector.extract_strided_slice %sub3A_526 {offsets = [2], sizes = [1], strides = [1]} : vector<16xi32> to vector<1xi32>
      %squeeze3A_636 = vector.extract %slice3A_635[0] : i32 from vector<1xi32>
      %slice3A_637 = vector.extract_strided_slice %shift_left3A_523 {offsets = [2], sizes = [1], strides = [1]} : vector<16xi32> to vector<1xi32>
      %squeeze3A_638 = vector.extract %slice3A_637[0] : i32 from vector<1xi32>
      %add3A_639 = arith.addi %squeeze3A_636, %squeeze3A_638 : i32
      %lt3A_640 = vector.broadcast %add3A_639 : i32 to vector<16xi32>
      %lt3A_641 = arith.cmpi slt, %mul3A_602, %lt3A_640 : vector<16xi32>
      %and3A_642 = arith.andi %ge3A_634, %lt3A_641 : vector<16xi1>
      %jit3A_643 = arith.constant 2 : i32
      %broadcast_in_dim3A_644 = vector.broadcast %jit3A_643 : i32 to vector<16xi32>
      %select_n3A_645 = arith.select %and3A_642, %broadcast_in_dim3A_644, %select_n3A_630 : vector<16xi1>, vector<16xi32>
      %slice3A_646 = vector.extract_strided_slice %sub3A_526 {offsets = [3], sizes = [1], strides = [1]} : vector<16xi32> to vector<1xi32>
      %squeeze3A_647 = vector.extract %slice3A_646[0] : i32 from vector<1xi32>
      %ge3A_648 = vector.broadcast %squeeze3A_647 : i32 to vector<16xi32>
      %ge3A_649 = arith.cmpi sge, %mul3A_602, %ge3A_648 : vector<16xi32>
      %slice3A_650 = vector.extract_strided_slice %sub3A_526 {offsets = [3], sizes = [1], strides = [1]} : vector<16xi32> to vector<1xi32>
      %squeeze3A_651 = vector.extract %slice3A_650[0] : i32 from vector<1xi32>
      %slice3A_652 = vector.extract_strided_slice %shift_left3A_523 {offsets = [3], sizes = [1], strides = [1]} : vector<16xi32> to vector<1xi32>
      %squeeze3A_653 = vector.extract %slice3A_652[0] : i32 from vector<1xi32>
      %add3A_654 = arith.addi %squeeze3A_651, %squeeze3A_653 : i32
      %lt3A_655 = vector.broadcast %add3A_654 : i32 to vector<16xi32>
      %lt3A_656 = arith.cmpi slt, %mul3A_602, %lt3A_655 : vector<16xi32>
      %and3A_657 = arith.andi %ge3A_649, %lt3A_656 : vector<16xi1>
      %jit3A_658 = arith.constant 3 : i32
      %broadcast_in_dim3A_659 = vector.broadcast %jit3A_658 : i32 to vector<16xi32>
      %select_n3A_660 = arith.select %and3A_657, %broadcast_in_dim3A_659, %select_n3A_645 : vector<16xi1>, vector<16xi32>
      %slice3A_661 = vector.extract_strided_slice %sub3A_526 {offsets = [4], sizes = [1], strides = [1]} : vector<16xi32> to vector<1xi32>
      %squeeze3A_662 = vector.extract %slice3A_661[0] : i32 from vector<1xi32>
      %ge3A_663 = vector.broadcast %squeeze3A_662 : i32 to vector<16xi32>
      %ge3A_664 = arith.cmpi sge, %mul3A_602, %ge3A_663 : vector<16xi32>
      %slice3A_665 = vector.extract_strided_slice %sub3A_526 {offsets = [4], sizes = [1], strides = [1]} : vector<16xi32> to vector<1xi32>
      %squeeze3A_666 = vector.extract %slice3A_665[0] : i32 from vector<1xi32>
      %slice3A_667 = vector.extract_strided_slice %shift_left3A_523 {offsets = [4], sizes = [1], strides = [1]} : vector<16xi32> to vector<1xi32>
      %squeeze3A_668 = vector.extract %slice3A_667[0] : i32 from vector<1xi32>
      %add3A_669 = arith.addi %squeeze3A_666, %squeeze3A_668 : i32
      %lt3A_670 = vector.broadcast %add3A_669 : i32 to vector<16xi32>
      %lt3A_671 = arith.cmpi slt, %mul3A_602, %lt3A_670 : vector<16xi32>
      %and3A_672 = arith.andi %ge3A_664, %lt3A_671 : vector<16xi1>
      %jit3A_673 = arith.constant 4 : i32
      %broadcast_in_dim3A_674 = vector.broadcast %jit3A_673 : i32 to vector<16xi32>
      %select_n3A_675 = arith.select %and3A_672, %broadcast_in_dim3A_674, %select_n3A_660 : vector<16xi1>, vector<16xi32>
      %slice3A_676 = vector.extract_strided_slice %sub3A_526 {offsets = [5], sizes = [1], strides = [1]} : vector<16xi32> to vector<1xi32>
      %squeeze3A_677 = vector.extract %slice3A_676[0] : i32 from vector<1xi32>
      %ge3A_678 = vector.broadcast %squeeze3A_677 : i32 to vector<16xi32>
      %ge3A_679 = arith.cmpi sge, %mul3A_602, %ge3A_678 : vector<16xi32>
      %slice3A_680 = vector.extract_strided_slice %sub3A_526 {offsets = [5], sizes = [1], strides = [1]} : vector<16xi32> to vector<1xi32>
      %squeeze3A_681 = vector.extract %slice3A_680[0] : i32 from vector<1xi32>
      %slice3A_682 = vector.extract_strided_slice %shift_left3A_523 {offsets = [5], sizes = [1], strides = [1]} : vector<16xi32> to vector<1xi32>
      %squeeze3A_683 = vector.extract %slice3A_682[0] : i32 from vector<1xi32>
      %add3A_684 = arith.addi %squeeze3A_681, %squeeze3A_683 : i32
      %lt3A_685 = vector.broadcast %add3A_684 : i32 to vector<16xi32>
      %lt3A_686 = arith.cmpi slt, %mul3A_602, %lt3A_685 : vector<16xi32>
      %and3A_687 = arith.andi %ge3A_679, %lt3A_686 : vector<16xi1>
      %jit3A_688 = arith.constant 5 : i32
      %broadcast_in_dim3A_689 = vector.broadcast %jit3A_688 : i32 to vector<16xi32>
      %select_n3A_690 = arith.select %and3A_687, %broadcast_in_dim3A_689, %select_n3A_675 : vector<16xi1>, vector<16xi32>
      %slice3A_691 = vector.extract_strided_slice %sub3A_526 {offsets = [6], sizes = [1], strides = [1]} : vector<16xi32> to vector<1xi32>
      %squeeze3A_692 = vector.extract %slice3A_691[0] : i32 from vector<1xi32>
      %ge3A_693 = vector.broadcast %squeeze3A_692 : i32 to vector<16xi32>
      %ge3A_694 = arith.cmpi sge, %mul3A_602, %ge3A_693 : vector<16xi32>
      %slice3A_695 = vector.extract_strided_slice %sub3A_526 {offsets = [6], sizes = [1], strides = [1]} : vector<16xi32> to vector<1xi32>
      %squeeze3A_696 = vector.extract %slice3A_695[0] : i32 from vector<1xi32>
      %slice3A_697 = vector.extract_strided_slice %shift_left3A_523 {offsets = [6], sizes = [1], strides = [1]} : vector<16xi32> to vector<1xi32>
      %squeeze3A_698 = vector.extract %slice3A_697[0] : i32 from vector<1xi32>
      %add3A_699 = arith.addi %squeeze3A_696, %squeeze3A_698 : i32
      %lt3A_700 = vector.broadcast %add3A_699 : i32 to vector<16xi32>
      %lt3A_701 = arith.cmpi slt, %mul3A_602, %lt3A_700 : vector<16xi32>
      %and3A_702 = arith.andi %ge3A_694, %lt3A_701 : vector<16xi1>
      %jit3A_703 = arith.constant 6 : i32
      %broadcast_in_dim3A_704 = vector.broadcast %jit3A_703 : i32 to vector<16xi32>
      %select_n3A_705 = arith.select %and3A_702, %broadcast_in_dim3A_704, %select_n3A_690 : vector<16xi1>, vector<16xi32>
      %slice3A_706 = vector.extract_strided_slice %sub3A_526 {offsets = [7], sizes = [1], strides = [1]} : vector<16xi32> to vector<1xi32>
      %squeeze3A_707 = vector.extract %slice3A_706[0] : i32 from vector<1xi32>
      %ge3A_708 = vector.broadcast %squeeze3A_707 : i32 to vector<16xi32>
      %ge3A_709 = arith.cmpi sge, %mul3A_602, %ge3A_708 : vector<16xi32>
      %slice3A_710 = vector.extract_strided_slice %sub3A_526 {offsets = [7], sizes = [1], strides = [1]} : vector<16xi32> to vector<1xi32>
      %squeeze3A_711 = vector.extract %slice3A_710[0] : i32 from vector<1xi32>
      %slice3A_712 = vector.extract_strided_slice %shift_left3A_523 {offsets = [7], sizes = [1], strides = [1]} : vector<16xi32> to vector<1xi32>
      %squeeze3A_713 = vector.extract %slice3A_712[0] : i32 from vector<1xi32>
      %add3A_714 = arith.addi %squeeze3A_711, %squeeze3A_713 : i32
      %lt3A_715 = vector.broadcast %add3A_714 : i32 to vector<16xi32>
      %lt3A_716 = arith.cmpi slt, %mul3A_602, %lt3A_715 : vector<16xi32>
      %and3A_717 = arith.andi %ge3A_709, %lt3A_716 : vector<16xi1>
      %jit3A_718 = arith.constant 7 : i32
      %broadcast_in_dim3A_719 = vector.broadcast %jit3A_718 : i32 to vector<16xi32>
      %select_n3A_720 = arith.select %and3A_717, %broadcast_in_dim3A_719, %select_n3A_705 : vector<16xi1>, vector<16xi32>
      %slice3A_721 = vector.extract_strided_slice %sub3A_526 {offsets = [8], sizes = [1], strides = [1]} : vector<16xi32> to vector<1xi32>
      %squeeze3A_722 = vector.extract %slice3A_721[0] : i32 from vector<1xi32>
      %ge3A_723 = vector.broadcast %squeeze3A_722 : i32 to vector<16xi32>
      %ge3A_724 = arith.cmpi sge, %mul3A_602, %ge3A_723 : vector<16xi32>
      %slice3A_725 = vector.extract_strided_slice %sub3A_526 {offsets = [8], sizes = [1], strides = [1]} : vector<16xi32> to vector<1xi32>
      %squeeze3A_726 = vector.extract %slice3A_725[0] : i32 from vector<1xi32>
      %slice3A_727 = vector.extract_strided_slice %shift_left3A_523 {offsets = [8], sizes = [1], strides = [1]} : vector<16xi32> to vector<1xi32>
      %squeeze3A_728 = vector.extract %slice3A_727[0] : i32 from vector<1xi32>
      %add3A_729 = arith.addi %squeeze3A_726, %squeeze3A_728 : i32
      %lt3A_730 = vector.broadcast %add3A_729 : i32 to vector<16xi32>
      %lt3A_731 = arith.cmpi slt, %mul3A_602, %lt3A_730 : vector<16xi32>
      %and3A_732 = arith.andi %ge3A_724, %lt3A_731 : vector<16xi1>
      %jit3A_733 = arith.constant 8 : i32
      %broadcast_in_dim3A_734 = vector.broadcast %jit3A_733 : i32 to vector<16xi32>
      %select_n3A_735 = arith.select %and3A_732, %broadcast_in_dim3A_734, %select_n3A_720 : vector<16xi1>, vector<16xi32>
      %slice3A_736 = vector.extract_strided_slice %sub3A_526 {offsets = [9], sizes = [1], strides = [1]} : vector<16xi32> to vector<1xi32>
      %squeeze3A_737 = vector.extract %slice3A_736[0] : i32 from vector<1xi32>
      %ge3A_738 = vector.broadcast %squeeze3A_737 : i32 to vector<16xi32>
      %ge3A_739 = arith.cmpi sge, %mul3A_602, %ge3A_738 : vector<16xi32>
      %slice3A_740 = vector.extract_strided_slice %sub3A_526 {offsets = [9], sizes = [1], strides = [1]} : vector<16xi32> to vector<1xi32>
      %squeeze3A_741 = vector.extract %slice3A_740[0] : i32 from vector<1xi32>
      %slice3A_742 = vector.extract_strided_slice %shift_left3A_523 {offsets = [9], sizes = [1], strides = [1]} : vector<16xi32> to vector<1xi32>
      %squeeze3A_743 = vector.extract %slice3A_742[0] : i32 from vector<1xi32>
      %add3A_744 = arith.addi %squeeze3A_741, %squeeze3A_743 : i32
      %lt3A_745 = vector.broadcast %add3A_744 : i32 to vector<16xi32>
      %lt3A_746 = arith.cmpi slt, %mul3A_602, %lt3A_745 : vector<16xi32>
      %and3A_747 = arith.andi %ge3A_739, %lt3A_746 : vector<16xi1>
      %jit3A_748 = arith.constant 9 : i32
      %broadcast_in_dim3A_749 = vector.broadcast %jit3A_748 : i32 to vector<16xi32>
      %select_n3A_750 = arith.select %and3A_747, %broadcast_in_dim3A_749, %select_n3A_735 : vector<16xi1>, vector<16xi32>
      %slice3A_751 = vector.extract_strided_slice %sub3A_526 {offsets = [10], sizes = [1], strides = [1]} : vector<16xi32> to vector<1xi32>
      %squeeze3A_752 = vector.extract %slice3A_751[0] : i32 from vector<1xi32>
      %ge3A_753 = vector.broadcast %squeeze3A_752 : i32 to vector<16xi32>
      %ge3A_754 = arith.cmpi sge, %mul3A_602, %ge3A_753 : vector<16xi32>
      %slice3A_755 = vector.extract_strided_slice %sub3A_526 {offsets = [10], sizes = [1], strides = [1]} : vector<16xi32> to vector<1xi32>
      %squeeze3A_756 = vector.extract %slice3A_755[0] : i32 from vector<1xi32>
      %slice3A_757 = vector.extract_strided_slice %shift_left3A_523 {offsets = [10], sizes = [1], strides = [1]} : vector<16xi32> to vector<1xi32>
      %squeeze3A_758 = vector.extract %slice3A_757[0] : i32 from vector<1xi32>
      %add3A_759 = arith.addi %squeeze3A_756, %squeeze3A_758 : i32
      %lt3A_760 = vector.broadcast %add3A_759 : i32 to vector<16xi32>
      %lt3A_761 = arith.cmpi slt, %mul3A_602, %lt3A_760 : vector<16xi32>
      %and3A_762 = arith.andi %ge3A_754, %lt3A_761 : vector<16xi1>
      %jit3A_763 = arith.constant 10 : i32
      %broadcast_in_dim3A_764 = vector.broadcast %jit3A_763 : i32 to vector<16xi32>
      %select_n3A_765 = arith.select %and3A_762, %broadcast_in_dim3A_764, %select_n3A_750 : vector<16xi1>, vector<16xi32>
      %slice3A_766 = vector.extract_strided_slice %sub3A_526 {offsets = [11], sizes = [1], strides = [1]} : vector<16xi32> to vector<1xi32>
      %squeeze3A_767 = vector.extract %slice3A_766[0] : i32 from vector<1xi32>
      %ge3A_768 = vector.broadcast %squeeze3A_767 : i32 to vector<16xi32>
      %ge3A_769 = arith.cmpi sge, %mul3A_602, %ge3A_768 : vector<16xi32>
      %slice3A_770 = vector.extract_strided_slice %sub3A_526 {offsets = [11], sizes = [1], strides = [1]} : vector<16xi32> to vector<1xi32>
      %squeeze3A_771 = vector.extract %slice3A_770[0] : i32 from vector<1xi32>
      %slice3A_772 = vector.extract_strided_slice %shift_left3A_523 {offsets = [11], sizes = [1], strides = [1]} : vector<16xi32> to vector<1xi32>
      %squeeze3A_773 = vector.extract %slice3A_772[0] : i32 from vector<1xi32>
      %add3A_774 = arith.addi %squeeze3A_771, %squeeze3A_773 : i32
      %lt3A_775 = vector.broadcast %add3A_774 : i32 to vector<16xi32>
      %lt3A_776 = arith.cmpi slt, %mul3A_602, %lt3A_775 : vector<16xi32>
      %and3A_777 = arith.andi %ge3A_769, %lt3A_776 : vector<16xi1>
      %jit3A_778 = arith.constant 11 : i32
      %broadcast_in_dim3A_779 = vector.broadcast %jit3A_778 : i32 to vector<16xi32>
      %select_n3A_780 = arith.select %and3A_777, %broadcast_in_dim3A_779, %select_n3A_765 : vector<16xi1>, vector<16xi32>
      %slice3A_781 = vector.extract_strided_slice %sub3A_526 {offsets = [12], sizes = [1], strides = [1]} : vector<16xi32> to vector<1xi32>
      %squeeze3A_782 = vector.extract %slice3A_781[0] : i32 from vector<1xi32>
      %ge3A_783 = vector.broadcast %squeeze3A_782 : i32 to vector<16xi32>
      %ge3A_784 = arith.cmpi sge, %mul3A_602, %ge3A_783 : vector<16xi32>
      %slice3A_785 = vector.extract_strided_slice %sub3A_526 {offsets = [12], sizes = [1], strides = [1]} : vector<16xi32> to vector<1xi32>
      %squeeze3A_786 = vector.extract %slice3A_785[0] : i32 from vector<1xi32>
      %slice3A_787 = vector.extract_strided_slice %shift_left3A_523 {offsets = [12], sizes = [1], strides = [1]} : vector<16xi32> to vector<1xi32>
      %squeeze3A_788 = vector.extract %slice3A_787[0] : i32 from vector<1xi32>
      %add3A_789 = arith.addi %squeeze3A_786, %squeeze3A_788 : i32
      %lt3A_790 = vector.broadcast %add3A_789 : i32 to vector<16xi32>
      %lt3A_791 = arith.cmpi slt, %mul3A_602, %lt3A_790 : vector<16xi32>
      %and3A_792 = arith.andi %ge3A_784, %lt3A_791 : vector<16xi1>
      %jit3A_793 = arith.constant 12 : i32
      %broadcast_in_dim3A_794 = vector.broadcast %jit3A_793 : i32 to vector<16xi32>
      %select_n3A_795 = arith.select %and3A_792, %broadcast_in_dim3A_794, %select_n3A_780 : vector<16xi1>, vector<16xi32>
      %slice3A_796 = vector.extract_strided_slice %sub3A_526 {offsets = [13], sizes = [1], strides = [1]} : vector<16xi32> to vector<1xi32>
      %squeeze3A_797 = vector.extract %slice3A_796[0] : i32 from vector<1xi32>
      %ge3A_798 = vector.broadcast %squeeze3A_797 : i32 to vector<16xi32>
      %ge3A_799 = arith.cmpi sge, %mul3A_602, %ge3A_798 : vector<16xi32>
      %slice3A_800 = vector.extract_strided_slice %sub3A_526 {offsets = [13], sizes = [1], strides = [1]} : vector<16xi32> to vector<1xi32>
      %squeeze3A_801 = vector.extract %slice3A_800[0] : i32 from vector<1xi32>
      %slice3A_802 = vector.extract_strided_slice %shift_left3A_523 {offsets = [13], sizes = [1], strides = [1]} : vector<16xi32> to vector<1xi32>
      %squeeze3A_803 = vector.extract %slice3A_802[0] : i32 from vector<1xi32>
      %add3A_804 = arith.addi %squeeze3A_801, %squeeze3A_803 : i32
      %lt3A_805 = vector.broadcast %add3A_804 : i32 to vector<16xi32>
      %lt3A_806 = arith.cmpi slt, %mul3A_602, %lt3A_805 : vector<16xi32>
      %and3A_807 = arith.andi %ge3A_799, %lt3A_806 : vector<16xi1>
      %jit3A_808 = arith.constant 13 : i32
      %broadcast_in_dim3A_809 = vector.broadcast %jit3A_808 : i32 to vector<16xi32>
      %select_n3A_810 = arith.select %and3A_807, %broadcast_in_dim3A_809, %select_n3A_795 : vector<16xi1>, vector<16xi32>
      %slice3A_811 = vector.extract_strided_slice %sub3A_526 {offsets = [14], sizes = [1], strides = [1]} : vector<16xi32> to vector<1xi32>
      %squeeze3A_812 = vector.extract %slice3A_811[0] : i32 from vector<1xi32>
      %ge3A_813 = vector.broadcast %squeeze3A_812 : i32 to vector<16xi32>
      %ge3A_814 = arith.cmpi sge, %mul3A_602, %ge3A_813 : vector<16xi32>
      %slice3A_815 = vector.extract_strided_slice %sub3A_526 {offsets = [14], sizes = [1], strides = [1]} : vector<16xi32> to vector<1xi32>
      %squeeze3A_816 = vector.extract %slice3A_815[0] : i32 from vector<1xi32>
      %slice3A_817 = vector.extract_strided_slice %shift_left3A_523 {offsets = [14], sizes = [1], strides = [1]} : vector<16xi32> to vector<1xi32>
      %squeeze3A_818 = vector.extract %slice3A_817[0] : i32 from vector<1xi32>
      %add3A_819 = arith.addi %squeeze3A_816, %squeeze3A_818 : i32
      %lt3A_820 = vector.broadcast %add3A_819 : i32 to vector<16xi32>
      %lt3A_821 = arith.cmpi slt, %mul3A_602, %lt3A_820 : vector<16xi32>
      %and3A_822 = arith.andi %ge3A_814, %lt3A_821 : vector<16xi1>
      %jit3A_823 = arith.constant 14 : i32
      %broadcast_in_dim3A_824 = vector.broadcast %jit3A_823 : i32 to vector<16xi32>
      %select_n3A_825 = arith.select %and3A_822, %broadcast_in_dim3A_824, %select_n3A_810 : vector<16xi1>, vector<16xi32>
      %slice3A_826 = vector.extract_strided_slice %sub3A_526 {offsets = [15], sizes = [1], strides = [1]} : vector<16xi32> to vector<1xi32>
      %squeeze3A_827 = vector.extract %slice3A_826[0] : i32 from vector<1xi32>
      %ge3A_828 = vector.broadcast %squeeze3A_827 : i32 to vector<16xi32>
      %ge3A_829 = arith.cmpi sge, %mul3A_602, %ge3A_828 : vector<16xi32>
      %slice3A_830 = vector.extract_strided_slice %sub3A_526 {offsets = [15], sizes = [1], strides = [1]} : vector<16xi32> to vector<1xi32>
      %squeeze3A_831 = vector.extract %slice3A_830[0] : i32 from vector<1xi32>
      %slice3A_832 = vector.extract_strided_slice %shift_left3A_523 {offsets = [15], sizes = [1], strides = [1]} : vector<16xi32> to vector<1xi32>
      %squeeze3A_833 = vector.extract %slice3A_832[0] : i32 from vector<1xi32>
      %add3A_834 = arith.addi %squeeze3A_831, %squeeze3A_833 : i32
      %lt3A_835 = vector.broadcast %add3A_834 : i32 to vector<16xi32>
      %lt3A_836 = arith.cmpi slt, %mul3A_602, %lt3A_835 : vector<16xi32>
      %and3A_837 = arith.andi %ge3A_829, %lt3A_836 : vector<16xi1>
      %jit3A_838 = arith.constant 15 : i32
      %broadcast_in_dim3A_839 = vector.broadcast %jit3A_838 : i32 to vector<16xi32>
      %select_n3A_840 = arith.select %and3A_837, %broadcast_in_dim3A_839, %select_n3A_825 : vector<16xi1>, vector<16xi32>
      %swap3A_841 = arith.constant 0 : index
      %swap3A_842 = tpu.vector_load %arg15[%swap3A_841] {strides = array<i32>} : memref<80xi32, #tpu.memory_space<vmem>>, vector<16xi32>,
      tpu.vector_store %arg15[%swap3A_841], %select_n3A_840 {strides = array<i32>} : memref<80xi32, #tpu.memory_space<vmem>>, vector<16xi32>,
      %add3A_843 = arith.constant 16 : i32
      %add3A_844 = vector.broadcast %add3A_843 : i32 to vector<16xi32>
      %add3A_845 = arith.addi %iota3A, %add3A_844 : vector<16xi32>
      %mul3A_846 = arith.constant 128 : i32
      %mul3A_847 = vector.broadcast %mul3A_846 : i32 to vector<16xi32>
      %mul3A_848 = arith.muli %add3A_845, %mul3A_847 : vector<16xi32>
      %broadcast_in_dim3A_849 = arith.constant 0 : i32
      %broadcast_in_dim3A_850 = vector.broadcast %broadcast_in_dim3A_849 : i32 to vector<16xi32>
      %slice3A_851 = vector.extract_strided_slice %sub3A_526 {offsets = [0], sizes = [1], strides = [1]} : vector<16xi32> to vector<1xi32>
      %squeeze3A_852 = vector.extract %slice3A_851[0] : i32 from vector<1xi32>
      %ge3A_853 = vector.broadcast %squeeze3A_852 : i32 to vector<16xi32>
      %ge3A_854 = arith.cmpi sge, %mul3A_848, %ge3A_853 : vector<16xi32>
      %slice3A_855 = vector.extract_strided_slice %sub3A_526 {offsets = [0], sizes = [1], strides = [1]} : vector<16xi32> to vector<1xi32>
      %squeeze3A_856 = vector.extract %slice3A_855[0] : i32 from vector<1xi32>
      %slice3A_857 = vector.extract_strided_slice %shift_left3A_523 {offsets = [0], sizes = [1], strides = [1]} : vector<16xi32> to vector<1xi32>
      %squeeze3A_858 = vector.extract %slice3A_857[0] : i32 from vector<1xi32>
      %add3A_859 = arith.addi %squeeze3A_856, %squeeze3A_858 : i32
      %lt3A_860 = vector.broadcast %add3A_859 : i32 to vector<16xi32>
      %lt3A_861 = arith.cmpi slt, %mul3A_848, %lt3A_860 : vector<16xi32>
      %and3A_862 = arith.andi %ge3A_854, %lt3A_861 : vector<16xi1>
      %jit3A_863 = arith.constant 0 : i32
      %broadcast_in_dim3A_864 = vector.broadcast %jit3A_863 : i32 to vector<16xi32>
      %select_n3A_865 = arith.select %and3A_862, %broadcast_in_dim3A_864, %broadcast_in_dim3A_850 : vector<16xi1>, vector<16xi32>
      %slice3A_866 = vector.extract_strided_slice %sub3A_526 {offsets = [1], sizes = [1], strides = [1]} : vector<16xi32> to vector<1xi32>
      %squeeze3A_867 = vector.extract %slice3A_866[0] : i32 from vector<1xi32>
      %ge3A_868 = vector.broadcast %squeeze3A_867 : i32 to vector<16xi32>
      %ge3A_869 = arith.cmpi sge, %mul3A_848, %ge3A_868 : vector<16xi32>
      %slice3A_870 = vector.extract_strided_slice %sub3A_526 {offsets = [1], sizes = [1], strides = [1]} : vector<16xi32> to vector<1xi32>
      %squeeze3A_871 = vector.extract %slice3A_870[0] : i32 from vector<1xi32>
      %slice3A_872 = vector.extract_strided_slice %shift_left3A_523 {offsets = [1], sizes = [1], strides = [1]} : vector<16xi32> to vector<1xi32>
      %squeeze3A_873 = vector.extract %slice3A_872[0] : i32 from vector<1xi32>
      %add3A_874 = arith.addi %squeeze3A_871, %squeeze3A_873 : i32
      %lt3A_875 = vector.broadcast %add3A_874 : i32 to vector<16xi32>
      %lt3A_876 = arith.cmpi slt, %mul3A_848, %lt3A_875 : vector<16xi32>
      %and3A_877 = arith.andi %ge3A_869, %lt3A_876 : vector<16xi1>
      %jit3A_878 = arith.constant 1 : i32
      %broadcast_in_dim3A_879 = vector.broadcast %jit3A_878 : i32 to vector<16xi32>
      %select_n3A_880 = arith.select %and3A_877, %broadcast_in_dim3A_879, %select_n3A_865 : vector<16xi1>, vector<16xi32>
      %slice3A_881 = vector.extract_strided_slice %sub3A_526 {offsets = [2], sizes = [1], strides = [1]} : vector<16xi32> to vector<1xi32>
      %squeeze3A_882 = vector.extract %slice3A_881[0] : i32 from vector<1xi32>
      %ge3A_883 = vector.broadcast %squeeze3A_882 : i32 to vector<16xi32>
      %ge3A_884 = arith.cmpi sge, %mul3A_848, %ge3A_883 : vector<16xi32>
      %slice3A_885 = vector.extract_strided_slice %sub3A_526 {offsets = [2], sizes = [1], strides = [1]} : vector<16xi32> to vector<1xi32>
      %squeeze3A_886 = vector.extract %slice3A_885[0] : i32 from vector<1xi32>
      %slice3A_887 = vector.extract_strided_slice %shift_left3A_523 {offsets = [2], sizes = [1], strides = [1]} : vector<16xi32> to vector<1xi32>
      %squeeze3A_888 = vector.extract %slice3A_887[0] : i32 from vector<1xi32>
      %add3A_889 = arith.addi %squeeze3A_886, %squeeze3A_888 : i32
      %lt3A_890 = vector.broadcast %add3A_889 : i32 to vector<16xi32>
      %lt3A_891 = arith.cmpi slt, %mul3A_848, %lt3A_890 : vector<16xi32>
      %and3A_892 = arith.andi %ge3A_884, %lt3A_891 : vector<16xi1>
      %jit3A_893 = arith.constant 2 : i32
      %broadcast_in_dim3A_894 = vector.broadcast %jit3A_893 : i32 to vector<16xi32>
      %select_n3A_895 = arith.select %and3A_892, %broadcast_in_dim3A_894, %select_n3A_880 : vector<16xi1>, vector<16xi32>
      %slice3A_896 = vector.extract_strided_slice %sub3A_526 {offsets = [3], sizes = [1], strides = [1]} : vector<16xi32> to vector<1xi32>
      %squeeze3A_897 = vector.extract %slice3A_896[0] : i32 from vector<1xi32>
      %ge3A_898 = vector.broadcast %squeeze3A_897 : i32 to vector<16xi32>
      %ge3A_899 = arith.cmpi sge, %mul3A_848, %ge3A_898 : vector<16xi32>
      %slice3A_900 = vector.extract_strided_slice %sub3A_526 {offsets = [3], sizes = [1], strides = [1]} : vector<16xi32> to vector<1xi32>
      %squeeze3A_901 = vector.extract %slice3A_900[0] : i32 from vector<1xi32>
      %slice3A_902 = vector.extract_strided_slice %shift_left3A_523 {offsets = [3], sizes = [1], strides = [1]} : vector<16xi32> to vector<1xi32>
      %squeeze3A_903 = vector.extract %slice3A_902[0] : i32 from vector<1xi32>
      %add3A_904 = arith.addi %squeeze3A_901, %squeeze3A_903 : i32
      %lt3A_905 = vector.broadcast %add3A_904 : i32 to vector<16xi32>
      %lt3A_906 = arith.cmpi slt, %mul3A_848, %lt3A_905 : vector<16xi32>
      %and3A_907 = arith.andi %ge3A_899, %lt3A_906 : vector<16xi1>
      %jit3A_908 = arith.constant 3 : i32
      %broadcast_in_dim3A_909 = vector.broadcast %jit3A_908 : i32 to vector<16xi32>
      %select_n3A_910 = arith.select %and3A_907, %broadcast_in_dim3A_909, %select_n3A_895 : vector<16xi1>, vector<16xi32>
      %slice3A_911 = vector.extract_strided_slice %sub3A_526 {offsets = [4], sizes = [1], strides = [1]} : vector<16xi32> to vector<1xi32>
      %squeeze3A_912 = vector.extract %slice3A_911[0] : i32 from vector<1xi32>
      %ge3A_913 = vector.broadcast %squeeze3A_912 : i32 to vector<16xi32>
      %ge3A_914 = arith.cmpi sge, %mul3A_848, %ge3A_913 : vector<16xi32>
      %slice3A_915 = vector.extract_strided_slice %sub3A_526 {offsets = [4], sizes = [1], strides = [1]} : vector<16xi32> to vector<1xi32>
      %squeeze3A_916 = vector.extract %slice3A_915[0] : i32 from vector<1xi32>
      %slice3A_917 = vector.extract_strided_slice %shift_left3A_523 {offsets = [4], sizes = [1], strides = [1]} : vector<16xi32> to vector<1xi32>
      %squeeze3A_918 = vector.extract %slice3A_917[0] : i32 from vector<1xi32>
      %add3A_919 = arith.addi %squeeze3A_916, %squeeze3A_918 : i32
      %lt3A_920 = vector.broadcast %add3A_919 : i32 to vector<16xi32>
      %lt3A_921 = arith.cmpi slt, %mul3A_848, %lt3A_920 : vector<16xi32>
      %and3A_922 = arith.andi %ge3A_914, %lt3A_921 : vector<16xi1>
      %jit3A_923 = arith.constant 4 : i32
      %broadcast_in_dim3A_924 = vector.broadcast %jit3A_923 : i32 to vector<16xi32>
      %select_n3A_925 = arith.select %and3A_922, %broadcast_in_dim3A_924, %select_n3A_910 : vector<16xi1>, vector<16xi32>
      %slice3A_926 = vector.extract_strided_slice %sub3A_526 {offsets = [5], sizes = [1], strides = [1]} : vector<16xi32> to vector<1xi32>
      %squeeze3A_927 = vector.extract %slice3A_926[0] : i32 from vector<1xi32>
      %ge3A_928 = vector.broadcast %squeeze3A_927 : i32 to vector<16xi32>
      %ge3A_929 = arith.cmpi sge, %mul3A_848, %ge3A_928 : vector<16xi32>
      %slice3A_930 = vector.extract_strided_slice %sub3A_526 {offsets = [5], sizes = [1], strides = [1]} : vector<16xi32> to vector<1xi32>
      %squeeze3A_931 = vector.extract %slice3A_930[0] : i32 from vector<1xi32>
      %slice3A_932 = vector.extract_strided_slice %shift_left3A_523 {offsets = [5], sizes = [1], strides = [1]} : vector<16xi32> to vector<1xi32>
      %squeeze3A_933 = vector.extract %slice3A_932[0] : i32 from vector<1xi32>
      %add3A_934 = arith.addi %squeeze3A_931, %squeeze3A_933 : i32
      %lt3A_935 = vector.broadcast %add3A_934 : i32 to vector<16xi32>
      %lt3A_936 = arith.cmpi slt, %mul3A_848, %lt3A_935 : vector<16xi32>
      %and3A_937 = arith.andi %ge3A_929, %lt3A_936 : vector<16xi1>
      %jit3A_938 = arith.constant 5 : i32
      %broadcast_in_dim3A_939 = vector.broadcast %jit3A_938 : i32 to vector<16xi32>
      %select_n3A_940 = arith.select %and3A_937, %broadcast_in_dim3A_939, %select_n3A_925 : vector<16xi1>, vector<16xi32>
      %slice3A_941 = vector.extract_strided_slice %sub3A_526 {offsets = [6], sizes = [1], strides = [1]} : vector<16xi32> to vector<1xi32>
      %squeeze3A_942 = vector.extract %slice3A_941[0] : i32 from vector<1xi32>
      %ge3A_943 = vector.broadcast %squeeze3A_942 : i32 to vector<16xi32>
      %ge3A_944 = arith.cmpi sge, %mul3A_848, %ge3A_943 : vector<16xi32>
      %slice3A_945 = vector.extract_strided_slice %sub3A_526 {offsets = [6], sizes = [1], strides = [1]} : vector<16xi32> to vector<1xi32>
      %squeeze3A_946 = vector.extract %slice3A_945[0] : i32 from vector<1xi32>
      %slice3A_947 = vector.extract_strided_slice %shift_left3A_523 {offsets = [6], sizes = [1], strides = [1]} : vector<16xi32> to vector<1xi32>
      %squeeze3A_948 = vector.extract %slice3A_947[0] : i32 from vector<1xi32>
      %add3A_949 = arith.addi %squeeze3A_946, %squeeze3A_948 : i32
      %lt3A_950 = vector.broadcast %add3A_949 : i32 to vector<16xi32>
      %lt3A_951 = arith.cmpi slt, %mul3A_848, %lt3A_950 : vector<16xi32>
      %and3A_952 = arith.andi %ge3A_944, %lt3A_951 : vector<16xi1>
      %jit3A_953 = arith.constant 6 : i32
      %broadcast_in_dim3A_954 = vector.broadcast %jit3A_953 : i32 to vector<16xi32>
      %select_n3A_955 = arith.select %and3A_952, %broadcast_in_dim3A_954, %select_n3A_940 : vector<16xi1>, vector<16xi32>
      %slice3A_956 = vector.extract_strided_slice %sub3A_526 {offsets = [7], sizes = [1], strides = [1]} : vector<16xi32> to vector<1xi32>
      %squeeze3A_957 = vector.extract %slice3A_956[0] : i32 from vector<1xi32>
      %ge3A_958 = vector.broadcast %squeeze3A_957 : i32 to vector<16xi32>
      %ge3A_959 = arith.cmpi sge, %mul3A_848, %ge3A_958 : vector<16xi32>
      %slice3A_960 = vector.extract_strided_slice %sub3A_526 {offsets = [7], sizes = [1], strides = [1]} : vector<16xi32> to vector<1xi32>
      %squeeze3A_961 = vector.extract %slice3A_960[0] : i32 from vector<1xi32>
      %slice3A_962 = vector.extract_strided_slice %shift_left3A_523 {offsets = [7], sizes = [1], strides = [1]} : vector<16xi32> to vector<1xi32>
      %squeeze3A_963 = vector.extract %slice3A_962[0] : i32 from vector<1xi32>
      %add3A_964 = arith.addi %squeeze3A_961, %squeeze3A_963 : i32
      %lt3A_965 = vector.broadcast %add3A_964 : i32 to vector<16xi32>
      %lt3A_966 = arith.cmpi slt, %mul3A_848, %lt3A_965 : vector<16xi32>
      %and3A_967 = arith.andi %ge3A_959, %lt3A_966 : vector<16xi1>
      %jit3A_968 = arith.constant 7 : i32
      %broadcast_in_dim3A_969 = vector.broadcast %jit3A_968 : i32 to vector<16xi32>
      %select_n3A_970 = arith.select %and3A_967, %broadcast_in_dim3A_969, %select_n3A_955 : vector<16xi1>, vector<16xi32>
      %slice3A_971 = vector.extract_strided_slice %sub3A_526 {offsets = [8], sizes = [1], strides = [1]} : vector<16xi32> to vector<1xi32>
      %squeeze3A_972 = vector.extract %slice3A_971[0] : i32 from vector<1xi32>
      %ge3A_973 = vector.broadcast %squeeze3A_972 : i32 to vector<16xi32>
      %ge3A_974 = arith.cmpi sge, %mul3A_848, %ge3A_973 : vector<16xi32>
      %slice3A_975 = vector.extract_strided_slice %sub3A_526 {offsets = [8], sizes = [1], strides = [1]} : vector<16xi32> to vector<1xi32>
      %squeeze3A_976 = vector.extract %slice3A_975[0] : i32 from vector<1xi32>
      %slice3A_977 = vector.extract_strided_slice %shift_left3A_523 {offsets = [8], sizes = [1], strides = [1]} : vector<16xi32> to vector<1xi32>
      %squeeze3A_978 = vector.extract %slice3A_977[0] : i32 from vector<1xi32>
      %add3A_979 = arith.addi %squeeze3A_976, %squeeze3A_978 : i32
      %lt3A_980 = vector.broadcast %add3A_979 : i32 to vector<16xi32>
      %lt3A_981 = arith.cmpi slt, %mul3A_848, %lt3A_980 : vector<16xi32>
      %and3A_982 = arith.andi %ge3A_974, %lt3A_981 : vector<16xi1>
      %jit3A_983 = arith.constant 8 : i32
      %broadcast_in_dim3A_984 = vector.broadcast %jit3A_983 : i32 to vector<16xi32>
      %select_n3A_985 = arith.select %and3A_982, %broadcast_in_dim3A_984, %select_n3A_970 : vector<16xi1>, vector<16xi32>
      %slice3A_986 = vector.extract_strided_slice %sub3A_526 {offsets = [9], sizes = [1], strides = [1]} : vector<16xi32> to vector<1xi32>
      %squeeze3A_987 = vector.extract %slice3A_986[0] : i32 from vector<1xi32>
      %ge3A_988 = vector.broadcast %squeeze3A_987 : i32 to vector<16xi32>
      %ge3A_989 = arith.cmpi sge, %mul3A_848, %ge3A_988 : vector<16xi32>
      %slice3A_990 = vector.extract_strided_slice %sub3A_526 {offsets = [9], sizes = [1], strides = [1]} : vector<16xi32> to vector<1xi32>
      %squeeze3A_991 = vector.extract %slice3A_990[0] : i32 from vector<1xi32>
      %slice3A_992 = vector.extract_strided_slice %shift_left3A_523 {offsets = [9], sizes = [1], strides = [1]} : vector<16xi32> to vector<1xi32>
      %squeeze3A_993 = vector.extract %slice3A_992[0] : i32 from vector<1xi32>
      %add3A_994 = arith.addi %squeeze3A_991, %squeeze3A_993 : i32
      %lt3A_995 = vector.broadcast %add3A_994 : i32 to vector<16xi32>
      %lt3A_996 = arith.cmpi slt, %mul3A_848, %lt3A_995 : vector<16xi32>
      %and3A_997 = arith.andi %ge3A_989, %lt3A_996 : vector<16xi1>
      %jit3A_998 = arith.constant 9 : i32
      %broadcast_in_dim3A_999 = vector.broadcast %jit3A_998 : i32 to vector<16xi32>
      %select_n3A_1000 = arith.select %and3A_997, %broadcast_in_dim3A_999, %select_n3A_985 : vector<16xi1>, vector<16xi32>
      %slice3A_1001 = vector.extract_strided_slice %sub3A_526 {offsets = [10], sizes = [1], strides = [1]} : vector<16xi32> to vector<1xi32>
      %squeeze3A_1002 = vector.extract %slice3A_1001[0] : i32 from vector<1xi32>
      %ge3A_1003 = vector.broadcast %squeeze3A_1002 : i32 to vector<16xi32>
      %ge3A_1004 = arith.cmpi sge, %mul3A_848, %ge3A_1003 : vector<16xi32>
      %slice3A_1005 = vector.extract_strided_slice %sub3A_526 {offsets = [10], sizes = [1], strides = [1]} : vector<16xi32> to vector<1xi32>
      %squeeze3A_1006 = vector.extract %slice3A_1005[0] : i32 from vector<1xi32>
      %slice3A_1007 = vector.extract_strided_slice %shift_left3A_523 {offsets = [10], sizes = [1], strides = [1]} : vector<16xi32> to vector<1xi32>
      %squeeze3A_1008 = vector.extract %slice3A_1007[0] : i32 from vector<1xi32>
      %add3A_1009 = arith.addi %squeeze3A_1006, %squeeze3A_1008 : i32
      %lt3A_1010 = vector.broadcast %add3A_1009 : i32 to vector<16xi32>
      %lt3A_1011 = arith.cmpi slt, %mul3A_848, %lt3A_1010 : vector<16xi32>
      %and3A_1012 = arith.andi %ge3A_1004, %lt3A_1011 : vector<16xi1>
      %jit3A_1013 = arith.constant 10 : i32
      %broadcast_in_dim3A_1014 = vector.broadcast %jit3A_1013 : i32 to vector<16xi32>
      %select_n3A_1015 = arith.select %and3A_1012, %broadcast_in_dim3A_1014, %select_n3A_1000 : vector<16xi1>, vector<16xi32>
      %slice3A_1016 = vector.extract_strided_slice %sub3A_526 {offsets = [11], sizes = [1], strides = [1]} : vector<16xi32> to vector<1xi32>
      %squeeze3A_1017 = vector.extract %slice3A_1016[0] : i32 from vector<1xi32>
      %ge3A_1018 = vector.broadcast %squeeze3A_1017 : i32 to vector<16xi32>
      %ge3A_1019 = arith.cmpi sge, %mul3A_848, %ge3A_1018 : vector<16xi32>
      %slice3A_1020 = vector.extract_strided_slice %sub3A_526 {offsets = [11], sizes = [1], strides = [1]} : vector<16xi32> to vector<1xi32>
      %squeeze3A_1021 = vector.extract %slice3A_1020[0] : i32 from vector<1xi32>
      %slice3A_1022 = vector.extract_strided_slice %shift_left3A_523 {offsets = [11], sizes = [1], strides = [1]} : vector<16xi32> to vector<1xi32>
      %squeeze3A_1023 = vector.extract %slice3A_1022[0] : i32 from vector<1xi32>
      %add3A_1024 = arith.addi %squeeze3A_1021, %squeeze3A_1023 : i32
      %lt3A_1025 = vector.broadcast %add3A_1024 : i32 to vector<16xi32>
      %lt3A_1026 = arith.cmpi slt, %mul3A_848, %lt3A_1025 : vector<16xi32>
      %and3A_1027 = arith.andi %ge3A_1019, %lt3A_1026 : vector<16xi1>
      %jit3A_1028 = arith.constant 11 : i32
      %broadcast_in_dim3A_1029 = vector.broadcast %jit3A_1028 : i32 to vector<16xi32>
      %select_n3A_1030 = arith.select %and3A_1027, %broadcast_in_dim3A_1029, %select_n3A_1015 : vector<16xi1>, vector<16xi32>
      %slice3A_1031 = vector.extract_strided_slice %sub3A_526 {offsets = [12], sizes = [1], strides = [1]} : vector<16xi32> to vector<1xi32>
      %squeeze3A_1032 = vector.extract %slice3A_1031[0] : i32 from vector<1xi32>
      %ge3A_1033 = vector.broadcast %squeeze3A_1032 : i32 to vector<16xi32>
      %ge3A_1034 = arith.cmpi sge, %mul3A_848, %ge3A_1033 : vector<16xi32>
      %slice3A_1035 = vector.extract_strided_slice %sub3A_526 {offsets = [12], sizes = [1], strides = [1]} : vector<16xi32> to vector<1xi32>
      %squeeze3A_1036 = vector.extract %slice3A_1035[0] : i32 from vector<1xi32>
      %slice3A_1037 = vector.extract_strided_slice %shift_left3A_523 {offsets = [12], sizes = [1], strides = [1]} : vector<16xi32> to vector<1xi32>
      %squeeze3A_1038 = vector.extract %slice3A_1037[0] : i32 from vector<1xi32>
      %add3A_1039 = arith.addi %squeeze3A_1036, %squeeze3A_1038 : i32
      %lt3A_1040 = vector.broadcast %add3A_1039 : i32 to vector<16xi32>
      %lt3A_1041 = arith.cmpi slt, %mul3A_848, %lt3A_1040 : vector<16xi32>
      %and3A_1042 = arith.andi %ge3A_1034, %lt3A_1041 : vector<16xi1>
      %jit3A_1043 = arith.constant 12 : i32
      %broadcast_in_dim3A_1044 = vector.broadcast %jit3A_1043 : i32 to vector<16xi32>
      %select_n3A_1045 = arith.select %and3A_1042, %broadcast_in_dim3A_1044, %select_n3A_1030 : vector<16xi1>, vector<16xi32>
      %slice3A_1046 = vector.extract_strided_slice %sub3A_526 {offsets = [13], sizes = [1], strides = [1]} : vector<16xi32> to vector<1xi32>
      %squeeze3A_1047 = vector.extract %slice3A_1046[0] : i32 from vector<1xi32>
      %ge3A_1048 = vector.broadcast %squeeze3A_1047 : i32 to vector<16xi32>
      %ge3A_1049 = arith.cmpi sge, %mul3A_848, %ge3A_1048 : vector<16xi32>
      %slice3A_1050 = vector.extract_strided_slice %sub3A_526 {offsets = [13], sizes = [1], strides = [1]} : vector<16xi32> to vector<1xi32>
      %squeeze3A_1051 = vector.extract %slice3A_1050[0] : i32 from vector<1xi32>
      %slice3A_1052 = vector.extract_strided_slice %shift_left3A_523 {offsets = [13], sizes = [1], strides = [1]} : vector<16xi32> to vector<1xi32>
      %squeeze3A_1053 = vector.extract %slice3A_1052[0] : i32 from vector<1xi32>
      %add3A_1054 = arith.addi %squeeze3A_1051, %squeeze3A_1053 : i32
      %lt3A_1055 = vector.broadcast %add3A_1054 : i32 to vector<16xi32>
      %lt3A_1056 = arith.cmpi slt, %mul3A_848, %lt3A_1055 : vector<16xi32>
      %and3A_1057 = arith.andi %ge3A_1049, %lt3A_1056 : vector<16xi1>
      %jit3A_1058 = arith.constant 13 : i32
      %broadcast_in_dim3A_1059 = vector.broadcast %jit3A_1058 : i32 to vector<16xi32>
      %select_n3A_1060 = arith.select %and3A_1057, %broadcast_in_dim3A_1059, %select_n3A_1045 : vector<16xi1>, vector<16xi32>
      %slice3A_1061 = vector.extract_strided_slice %sub3A_526 {offsets = [14], sizes = [1], strides = [1]} : vector<16xi32> to vector<1xi32>
      %squeeze3A_1062 = vector.extract %slice3A_1061[0] : i32 from vector<1xi32>
      %ge3A_1063 = vector.broadcast %squeeze3A_1062 : i32 to vector<16xi32>
      %ge3A_1064 = arith.cmpi sge, %mul3A_848, %ge3A_1063 : vector<16xi32>
      %slice3A_1065 = vector.extract_strided_slice %sub3A_526 {offsets = [14], sizes = [1], strides = [1]} : vector<16xi32> to vector<1xi32>
      %squeeze3A_1066 = vector.extract %slice3A_1065[0] : i32 from vector<1xi32>
      %slice3A_1067 = vector.extract_strided_slice %shift_left3A_523 {offsets = [14], sizes = [1], strides = [1]} : vector<16xi32> to vector<1xi32>
      %squeeze3A_1068 = vector.extract %slice3A_1067[0] : i32 from vector<1xi32>
      %add3A_1069 = arith.addi %squeeze3A_1066, %squeeze3A_1068 : i32
      %lt3A_1070 = vector.broadcast %add3A_1069 : i32 to vector<16xi32>
      %lt3A_1071 = arith.cmpi slt, %mul3A_848, %lt3A_1070 : vector<16xi32>
      %and3A_1072 = arith.andi %ge3A_1064, %lt3A_1071 : vector<16xi1>
      %jit3A_1073 = arith.constant 14 : i32
      %broadcast_in_dim3A_1074 = vector.broadcast %jit3A_1073 : i32 to vector<16xi32>
      %select_n3A_1075 = arith.select %and3A_1072, %broadcast_in_dim3A_1074, %select_n3A_1060 : vector<16xi1>, vector<16xi32>
      %slice3A_1076 = vector.extract_strided_slice %sub3A_526 {offsets = [15], sizes = [1], strides = [1]} : vector<16xi32> to vector<1xi32>
      %squeeze3A_1077 = vector.extract %slice3A_1076[0] : i32 from vector<1xi32>
      %ge3A_1078 = vector.broadcast %squeeze3A_1077 : i32 to vector<16xi32>
      %ge3A_1079 = arith.cmpi sge, %mul3A_848, %ge3A_1078 : vector<16xi32>
      %slice3A_1080 = vector.extract_strided_slice %sub3A_526 {offsets = [15], sizes = [1], strides = [1]} : vector<16xi32> to vector<1xi32>
      %squeeze3A_1081 = vector.extract %slice3A_1080[0] : i32 from vector<1xi32>
      %slice3A_1082 = vector.extract_strided_slice %shift_left3A_523 {offsets = [15], sizes = [1], strides = [1]} : vector<16xi32> to vector<1xi32>
      %squeeze3A_1083 = vector.extract %slice3A_1082[0] : i32 from vector<1xi32>
      %add3A_1084 = arith.addi %squeeze3A_1081, %squeeze3A_1083 : i32
      %lt3A_1085 = vector.broadcast %add3A_1084 : i32 to vector<16xi32>
      %lt3A_1086 = arith.cmpi slt, %mul3A_848, %lt3A_1085 : vector<16xi32>
      %and3A_1087 = arith.andi %ge3A_1079, %lt3A_1086 : vector<16xi1>
      %jit3A_1088 = arith.constant 15 : i32
      %broadcast_in_dim3A_1089 = vector.broadcast %jit3A_1088 : i32 to vector<16xi32>
      %select_n3A_1090 = arith.select %and3A_1087, %broadcast_in_dim3A_1089, %select_n3A_1075 : vector<16xi1>, vector<16xi32>
      %swap3A_1091 = arith.constant 16 : index
      %swap3A_1092 = tpu.vector_load %arg15[%swap3A_1091] {strides = array<i32>} : memref<80xi32, #tpu.memory_space<vmem>>, vector<16xi32>,
      tpu.vector_store %arg15[%swap3A_1091], %select_n3A_1090 {strides = array<i32>} : memref<80xi32, #tpu.memory_space<vmem>>, vector<16xi32>,
      %add3A_1093 = arith.constant 32 : i32
      %add3A_1094 = vector.broadcast %add3A_1093 : i32 to vector<16xi32>
      %add3A_1095 = arith.addi %iota3A, %add3A_1094 : vector<16xi32>
      %mul3A_1096 = arith.constant 128 : i32
      %mul3A_1097 = vector.broadcast %mul3A_1096 : i32 to vector<16xi32>
      %mul3A_1098 = arith.muli %add3A_1095, %mul3A_1097 : vector<16xi32>
      %broadcast_in_dim3A_1099 = arith.constant 0 : i32
      %broadcast_in_dim3A_1100 = vector.broadcast %broadcast_in_dim3A_1099 : i32 to vector<16xi32>
      %slice3A_1101 = vector.extract_strided_slice %sub3A_526 {offsets = [0], sizes = [1], strides = [1]} : vector<16xi32> to vector<1xi32>
      %squeeze3A_1102 = vector.extract %slice3A_1101[0] : i32 from vector<1xi32>
      %ge3A_1103 = vector.broadcast %squeeze3A_1102 : i32 to vector<16xi32>
      %ge3A_1104 = arith.cmpi sge, %mul3A_1098, %ge3A_1103 : vector<16xi32>
      %slice3A_1105 = vector.extract_strided_slice %sub3A_526 {offsets = [0], sizes = [1], strides = [1]} : vector<16xi32> to vector<1xi32>
      %squeeze3A_1106 = vector.extract %slice3A_1105[0] : i32 from vector<1xi32>
      %slice3A_1107 = vector.extract_strided_slice %shift_left3A_523 {offsets = [0], sizes = [1], strides = [1]} : vector<16xi32> to vector<1xi32>
      %squeeze3A_1108 = vector.extract %slice3A_1107[0] : i32 from vector<1xi32>
      %add3A_1109 = arith.addi %squeeze3A_1106, %squeeze3A_1108 : i32
      %lt3A_1110 = vector.broadcast %add3A_1109 : i32 to vector<16xi32>
      %lt3A_1111 = arith.cmpi slt, %mul3A_1098, %lt3A_1110 : vector<16xi32>
      %and3A_1112 = arith.andi %ge3A_1104, %lt3A_1111 : vector<16xi1>
      %jit3A_1113 = arith.constant 0 : i32
      %broadcast_in_dim3A_1114 = vector.broadcast %jit3A_1113 : i32 to vector<16xi32>
      %select_n3A_1115 = arith.select %and3A_1112, %broadcast_in_dim3A_1114, %broadcast_in_dim3A_1100 : vector<16xi1>, vector<16xi32>
      %slice3A_1116 = vector.extract_strided_slice %sub3A_526 {offsets = [1], sizes = [1], strides = [1]} : vector<16xi32> to vector<1xi32>
      %squeeze3A_1117 = vector.extract %slice3A_1116[0] : i32 from vector<1xi32>
      %ge3A_1118 = vector.broadcast %squeeze3A_1117 : i32 to vector<16xi32>
      %ge3A_1119 = arith.cmpi sge, %mul3A_1098, %ge3A_1118 : vector<16xi32>
      %slice3A_1120 = vector.extract_strided_slice %sub3A_526 {offsets = [1], sizes = [1], strides = [1]} : vector<16xi32> to vector<1xi32>
      %squeeze3A_1121 = vector.extract %slice3A_1120[0] : i32 from vector<1xi32>
      %slice3A_1122 = vector.extract_strided_slice %shift_left3A_523 {offsets = [1], sizes = [1], strides = [1]} : vector<16xi32> to vector<1xi32>
      %squeeze3A_1123 = vector.extract %slice3A_1122[0] : i32 from vector<1xi32>
      %add3A_1124 = arith.addi %squeeze3A_1121, %squeeze3A_1123 : i32
      %lt3A_1125 = vector.broadcast %add3A_1124 : i32 to vector<16xi32>
      %lt3A_1126 = arith.cmpi slt, %mul3A_1098, %lt3A_1125 : vector<16xi32>
      %and3A_1127 = arith.andi %ge3A_1119, %lt3A_1126 : vector<16xi1>
      %jit3A_1128 = arith.constant 1 : i32
      %broadcast_in_dim3A_1129 = vector.broadcast %jit3A_1128 : i32 to vector<16xi32>
      %select_n3A_1130 = arith.select %and3A_1127, %broadcast_in_dim3A_1129, %select_n3A_1115 : vector<16xi1>, vector<16xi32>
      %slice3A_1131 = vector.extract_strided_slice %sub3A_526 {offsets = [2], sizes = [1], strides = [1]} : vector<16xi32> to vector<1xi32>
      %squeeze3A_1132 = vector.extract %slice3A_1131[0] : i32 from vector<1xi32>
      %ge3A_1133 = vector.broadcast %squeeze3A_1132 : i32 to vector<16xi32>
      %ge3A_1134 = arith.cmpi sge, %mul3A_1098, %ge3A_1133 : vector<16xi32>
      %slice3A_1135 = vector.extract_strided_slice %sub3A_526 {offsets = [2], sizes = [1], strides = [1]} : vector<16xi32> to vector<1xi32>
      %squeeze3A_1136 = vector.extract %slice3A_1135[0] : i32 from vector<1xi32>
      %slice3A_1137 = vector.extract_strided_slice %shift_left3A_523 {offsets = [2], sizes = [1], strides = [1]} : vector<16xi32> to vector<1xi32>
      %squeeze3A_1138 = vector.extract %slice3A_1137[0] : i32 from vector<1xi32>
      %add3A_1139 = arith.addi %squeeze3A_1136, %squeeze3A_1138 : i32
      %lt3A_1140 = vector.broadcast %add3A_1139 : i32 to vector<16xi32>
      %lt3A_1141 = arith.cmpi slt, %mul3A_1098, %lt3A_1140 : vector<16xi32>
      %and3A_1142 = arith.andi %ge3A_1134, %lt3A_1141 : vector<16xi1>
      %jit3A_1143 = arith.constant 2 : i32
      %broadcast_in_dim3A_1144 = vector.broadcast %jit3A_1143 : i32 to vector<16xi32>
      %select_n3A_1145 = arith.select %and3A_1142, %broadcast_in_dim3A_1144, %select_n3A_1130 : vector<16xi1>, vector<16xi32>
      %slice3A_1146 = vector.extract_strided_slice %sub3A_526 {offsets = [3], sizes = [1], strides = [1]} : vector<16xi32> to vector<1xi32>
      %squeeze3A_1147 = vector.extract %slice3A_1146[0] : i32 from vector<1xi32>
      %ge3A_1148 = vector.broadcast %squeeze3A_1147 : i32 to vector<16xi32>
      %ge3A_1149 = arith.cmpi sge, %mul3A_1098, %ge3A_1148 : vector<16xi32>
      %slice3A_1150 = vector.extract_strided_slice %sub3A_526 {offsets = [3], sizes = [1], strides = [1]} : vector<16xi32> to vector<1xi32>
      %squeeze3A_1151 = vector.extract %slice3A_1150[0] : i32 from vector<1xi32>
      %slice3A_1152 = vector.extract_strided_slice %shift_left3A_523 {offsets = [3], sizes = [1], strides = [1]} : vector<16xi32> to vector<1xi32>
      %squeeze3A_1153 = vector.extract %slice3A_1152[0] : i32 from vector<1xi32>
      %add3A_1154 = arith.addi %squeeze3A_1151, %squeeze3A_1153 : i32
      %lt3A_1155 = vector.broadcast %add3A_1154 : i32 to vector<16xi32>
      %lt3A_1156 = arith.cmpi slt, %mul3A_1098, %lt3A_1155 : vector<16xi32>
      %and3A_1157 = arith.andi %ge3A_1149, %lt3A_1156 : vector<16xi1>
      %jit3A_1158 = arith.constant 3 : i32
      %broadcast_in_dim3A_1159 = vector.broadcast %jit3A_1158 : i32 to vector<16xi32>
      %select_n3A_1160 = arith.select %and3A_1157, %broadcast_in_dim3A_1159, %select_n3A_1145 : vector<16xi1>, vector<16xi32>
      %slice3A_1161 = vector.extract_strided_slice %sub3A_526 {offsets = [4], sizes = [1], strides = [1]} : vector<16xi32> to vector<1xi32>
      %squeeze3A_1162 = vector.extract %slice3A_1161[0] : i32 from vector<1xi32>
      %ge3A_1163 = vector.broadcast %squeeze3A_1162 : i32 to vector<16xi32>
      %ge3A_1164 = arith.cmpi sge, %mul3A_1098, %ge3A_1163 : vector<16xi32>
      %slice3A_1165 = vector.extract_strided_slice %sub3A_526 {offsets = [4], sizes = [1], strides = [1]} : vector<16xi32> to vector<1xi32>
      %squeeze3A_1166 = vector.extract %slice3A_1165[0] : i32 from vector<1xi32>
      %slice3A_1167 = vector.extract_strided_slice %shift_left3A_523 {offsets = [4], sizes = [1], strides = [1]} : vector<16xi32> to vector<1xi32>
      %squeeze3A_1168 = vector.extract %slice3A_1167[0] : i32 from vector<1xi32>
      %add3A_1169 = arith.addi %squeeze3A_1166, %squeeze3A_1168 : i32
      %lt3A_1170 = vector.broadcast %add3A_1169 : i32 to vector<16xi32>
      %lt3A_1171 = arith.cmpi slt, %mul3A_1098, %lt3A_1170 : vector<16xi32>
      %and3A_1172 = arith.andi %ge3A_1164, %lt3A_1171 : vector<16xi1>
      %jit3A_1173 = arith.constant 4 : i32
      %broadcast_in_dim3A_1174 = vector.broadcast %jit3A_1173 : i32 to vector<16xi32>
      %select_n3A_1175 = arith.select %and3A_1172, %broadcast_in_dim3A_1174, %select_n3A_1160 : vector<16xi1>, vector<16xi32>
      %slice3A_1176 = vector.extract_strided_slice %sub3A_526 {offsets = [5], sizes = [1], strides = [1]} : vector<16xi32> to vector<1xi32>
      %squeeze3A_1177 = vector.extract %slice3A_1176[0] : i32 from vector<1xi32>
      %ge3A_1178 = vector.broadcast %squeeze3A_1177 : i32 to vector<16xi32>
      %ge3A_1179 = arith.cmpi sge, %mul3A_1098, %ge3A_1178 : vector<16xi32>
      %slice3A_1180 = vector.extract_strided_slice %sub3A_526 {offsets = [5], sizes = [1], strides = [1]} : vector<16xi32> to vector<1xi32>
      %squeeze3A_1181 = vector.extract %slice3A_1180[0] : i32 from vector<1xi32>
      %slice3A_1182 = vector.extract_strided_slice %shift_left3A_523 {offsets = [5], sizes = [1], strides = [1]} : vector<16xi32> to vector<1xi32>
      %squeeze3A_1183 = vector.extract %slice3A_1182[0] : i32 from vector<1xi32>
      %add3A_1184 = arith.addi %squeeze3A_1181, %squeeze3A_1183 : i32
      %lt3A_1185 = vector.broadcast %add3A_1184 : i32 to vector<16xi32>
      %lt3A_1186 = arith.cmpi slt, %mul3A_1098, %lt3A_1185 : vector<16xi32>
      %and3A_1187 = arith.andi %ge3A_1179, %lt3A_1186 : vector<16xi1>
      %jit3A_1188 = arith.constant 5 : i32
      %broadcast_in_dim3A_1189 = vector.broadcast %jit3A_1188 : i32 to vector<16xi32>
      %select_n3A_1190 = arith.select %and3A_1187, %broadcast_in_dim3A_1189, %select_n3A_1175 : vector<16xi1>, vector<16xi32>
      %slice3A_1191 = vector.extract_strided_slice %sub3A_526 {offsets = [6], sizes = [1], strides = [1]} : vector<16xi32> to vector<1xi32>
      %squeeze3A_1192 = vector.extract %slice3A_1191[0] : i32 from vector<1xi32>
      %ge3A_1193 = vector.broadcast %squeeze3A_1192 : i32 to vector<16xi32>
      %ge3A_1194 = arith.cmpi sge, %mul3A_1098, %ge3A_1193 : vector<16xi32>
      %slice3A_1195 = vector.extract_strided_slice %sub3A_526 {offsets = [6], sizes = [1], strides = [1]} : vector<16xi32> to vector<1xi32>
      %squeeze3A_1196 = vector.extract %slice3A_1195[0] : i32 from vector<1xi32>
      %slice3A_1197 = vector.extract_strided_slice %shift_left3A_523 {offsets = [6], sizes = [1], strides = [1]} : vector<16xi32> to vector<1xi32>
      %squeeze3A_1198 = vector.extract %slice3A_1197[0] : i32 from vector<1xi32>
      %add3A_1199 = arith.addi %squeeze3A_1196, %squeeze3A_1198 : i32
      %lt3A_1200 = vector.broadcast %add3A_1199 : i32 to vector<16xi32>
      %lt3A_1201 = arith.cmpi slt, %mul3A_1098, %lt3A_1200 : vector<16xi32>
      %and3A_1202 = arith.andi %ge3A_1194, %lt3A_1201 : vector<16xi1>
      %jit3A_1203 = arith.constant 6 : i32
      %broadcast_in_dim3A_1204 = vector.broadcast %jit3A_1203 : i32 to vector<16xi32>
      %select_n3A_1205 = arith.select %and3A_1202, %broadcast_in_dim3A_1204, %select_n3A_1190 : vector<16xi1>, vector<16xi32>
      %slice3A_1206 = vector.extract_strided_slice %sub3A_526 {offsets = [7], sizes = [1], strides = [1]} : vector<16xi32> to vector<1xi32>
      %squeeze3A_1207 = vector.extract %slice3A_1206[0] : i32 from vector<1xi32>
      %ge3A_1208 = vector.broadcast %squeeze3A_1207 : i32 to vector<16xi32>
      %ge3A_1209 = arith.cmpi sge, %mul3A_1098, %ge3A_1208 : vector<16xi32>
      %slice3A_1210 = vector.extract_strided_slice %sub3A_526 {offsets = [7], sizes = [1], strides = [1]} : vector<16xi32> to vector<1xi32>
      %squeeze3A_1211 = vector.extract %slice3A_1210[0] : i32 from vector<1xi32>
      %slice3A_1212 = vector.extract_strided_slice %shift_left3A_523 {offsets = [7], sizes = [1], strides = [1]} : vector<16xi32> to vector<1xi32>
      %squeeze3A_1213 = vector.extract %slice3A_1212[0] : i32 from vector<1xi32>
      %add3A_1214 = arith.addi %squeeze3A_1211, %squeeze3A_1213 : i32
      %lt3A_1215 = vector.broadcast %add3A_1214 : i32 to vector<16xi32>
      %lt3A_1216 = arith.cmpi slt, %mul3A_1098, %lt3A_1215 : vector<16xi32>
      %and3A_1217 = arith.andi %ge3A_1209, %lt3A_1216 : vector<16xi1>
      %jit3A_1218 = arith.constant 7 : i32
      %broadcast_in_dim3A_1219 = vector.broadcast %jit3A_1218 : i32 to vector<16xi32>
      %select_n3A_1220 = arith.select %and3A_1217, %broadcast_in_dim3A_1219, %select_n3A_1205 : vector<16xi1>, vector<16xi32>
      %slice3A_1221 = vector.extract_strided_slice %sub3A_526 {offsets = [8], sizes = [1], strides = [1]} : vector<16xi32> to vector<1xi32>
      %squeeze3A_1222 = vector.extract %slice3A_1221[0] : i32 from vector<1xi32>
      %ge3A_1223 = vector.broadcast %squeeze3A_1222 : i32 to vector<16xi32>
      %ge3A_1224 = arith.cmpi sge, %mul3A_1098, %ge3A_1223 : vector<16xi32>
      %slice3A_1225 = vector.extract_strided_slice %sub3A_526 {offsets = [8], sizes = [1], strides = [1]} : vector<16xi32> to vector<1xi32>
      %squeeze3A_1226 = vector.extract %slice3A_1225[0] : i32 from vector<1xi32>
      %slice3A_1227 = vector.extract_strided_slice %shift_left3A_523 {offsets = [8], sizes = [1], strides = [1]} : vector<16xi32> to vector<1xi32>
      %squeeze3A_1228 = vector.extract %slice3A_1227[0] : i32 from vector<1xi32>
      %add3A_1229 = arith.addi %squeeze3A_1226, %squeeze3A_1228 : i32
      %lt3A_1230 = vector.broadcast %add3A_1229 : i32 to vector<16xi32>
      %lt3A_1231 = arith.cmpi slt, %mul3A_1098, %lt3A_1230 : vector<16xi32>
      %and3A_1232 = arith.andi %ge3A_1224, %lt3A_1231 : vector<16xi1>
      %jit3A_1233 = arith.constant 8 : i32
      %broadcast_in_dim3A_1234 = vector.broadcast %jit3A_1233 : i32 to vector<16xi32>
      %select_n3A_1235 = arith.select %and3A_1232, %broadcast_in_dim3A_1234, %select_n3A_1220 : vector<16xi1>, vector<16xi32>
      %slice3A_1236 = vector.extract_strided_slice %sub3A_526 {offsets = [9], sizes = [1], strides = [1]} : vector<16xi32> to vector<1xi32>
      %squeeze3A_1237 = vector.extract %slice3A_1236[0] : i32 from vector<1xi32>
      %ge3A_1238 = vector.broadcast %squeeze3A_1237 : i32 to vector<16xi32>
      %ge3A_1239 = arith.cmpi sge, %mul3A_1098, %ge3A_1238 : vector<16xi32>
      %slice3A_1240 = vector.extract_strided_slice %sub3A_526 {offsets = [9], sizes = [1], strides = [1]} : vector<16xi32> to vector<1xi32>
      %squeeze3A_1241 = vector.extract %slice3A_1240[0] : i32 from vector<1xi32>
      %slice3A_1242 = vector.extract_strided_slice %shift_left3A_523 {offsets = [9], sizes = [1], strides = [1]} : vector<16xi32> to vector<1xi32>
      %squeeze3A_1243 = vector.extract %slice3A_1242[0] : i32 from vector<1xi32>
      %add3A_1244 = arith.addi %squeeze3A_1241, %squeeze3A_1243 : i32
      %lt3A_1245 = vector.broadcast %add3A_1244 : i32 to vector<16xi32>
      %lt3A_1246 = arith.cmpi slt, %mul3A_1098, %lt3A_1245 : vector<16xi32>
      %and3A_1247 = arith.andi %ge3A_1239, %lt3A_1246 : vector<16xi1>
      %jit3A_1248 = arith.constant 9 : i32
      %broadcast_in_dim3A_1249 = vector.broadcast %jit3A_1248 : i32 to vector<16xi32>
      %select_n3A_1250 = arith.select %and3A_1247, %broadcast_in_dim3A_1249, %select_n3A_1235 : vector<16xi1>, vector<16xi32>
      %slice3A_1251 = vector.extract_strided_slice %sub3A_526 {offsets = [10], sizes = [1], strides = [1]} : vector<16xi32> to vector<1xi32>
      %squeeze3A_1252 = vector.extract %slice3A_1251[0] : i32 from vector<1xi32>
      %ge3A_1253 = vector.broadcast %squeeze3A_1252 : i32 to vector<16xi32>
      %ge3A_1254 = arith.cmpi sge, %mul3A_1098, %ge3A_1253 : vector<16xi32>
      %slice3A_1255 = vector.extract_strided_slice %sub3A_526 {offsets = [10], sizes = [1], strides = [1]} : vector<16xi32> to vector<1xi32>
      %squeeze3A_1256 = vector.extract %slice3A_1255[0] : i32 from vector<1xi32>
      %slice3A_1257 = vector.extract_strided_slice %shift_left3A_523 {offsets = [10], sizes = [1], strides = [1]} : vector<16xi32> to vector<1xi32>
      %squeeze3A_1258 = vector.extract %slice3A_1257[0] : i32 from vector<1xi32>
      %add3A_1259 = arith.addi %squeeze3A_1256, %squeeze3A_1258 : i32
      %lt3A_1260 = vector.broadcast %add3A_1259 : i32 to vector<16xi32>
      %lt3A_1261 = arith.cmpi slt, %mul3A_1098, %lt3A_1260 : vector<16xi32>
      %and3A_1262 = arith.andi %ge3A_1254, %lt3A_1261 : vector<16xi1>
      %jit3A_1263 = arith.constant 10 : i32
      %broadcast_in_dim3A_1264 = vector.broadcast %jit3A_1263 : i32 to vector<16xi32>
      %select_n3A_1265 = arith.select %and3A_1262, %broadcast_in_dim3A_1264, %select_n3A_1250 : vector<16xi1>, vector<16xi32>
      %slice3A_1266 = vector.extract_strided_slice %sub3A_526 {offsets = [11], sizes = [1], strides = [1]} : vector<16xi32> to vector<1xi32>
      %squeeze3A_1267 = vector.extract %slice3A_1266[0] : i32 from vector<1xi32>
      %ge3A_1268 = vector.broadcast %squeeze3A_1267 : i32 to vector<16xi32>
      %ge3A_1269 = arith.cmpi sge, %mul3A_1098, %ge3A_1268 : vector<16xi32>
      %slice3A_1270 = vector.extract_strided_slice %sub3A_526 {offsets = [11], sizes = [1], strides = [1]} : vector<16xi32> to vector<1xi32>
      %squeeze3A_1271 = vector.extract %slice3A_1270[0] : i32 from vector<1xi32>
      %slice3A_1272 = vector.extract_strided_slice %shift_left3A_523 {offsets = [11], sizes = [1], strides = [1]} : vector<16xi32> to vector<1xi32>
      %squeeze3A_1273 = vector.extract %slice3A_1272[0] : i32 from vector<1xi32>
      %add3A_1274 = arith.addi %squeeze3A_1271, %squeeze3A_1273 : i32
      %lt3A_1275 = vector.broadcast %add3A_1274 : i32 to vector<16xi32>
      %lt3A_1276 = arith.cmpi slt, %mul3A_1098, %lt3A_1275 : vector<16xi32>
      %and3A_1277 = arith.andi %ge3A_1269, %lt3A_1276 : vector<16xi1>
      %jit3A_1278 = arith.constant 11 : i32
      %broadcast_in_dim3A_1279 = vector.broadcast %jit3A_1278 : i32 to vector<16xi32>
      %select_n3A_1280 = arith.select %and3A_1277, %broadcast_in_dim3A_1279, %select_n3A_1265 : vector<16xi1>, vector<16xi32>
      %slice3A_1281 = vector.extract_strided_slice %sub3A_526 {offsets = [12], sizes = [1], strides = [1]} : vector<16xi32> to vector<1xi32>
      %squeeze3A_1282 = vector.extract %slice3A_1281[0] : i32 from vector<1xi32>
      %ge3A_1283 = vector.broadcast %squeeze3A_1282 : i32 to vector<16xi32>
      %ge3A_1284 = arith.cmpi sge, %mul3A_1098, %ge3A_1283 : vector<16xi32>
      %slice3A_1285 = vector.extract_strided_slice %sub3A_526 {offsets = [12], sizes = [1], strides = [1]} : vector<16xi32> to vector<1xi32>
      %squeeze3A_1286 = vector.extract %slice3A_1285[0] : i32 from vector<1xi32>
      %slice3A_1287 = vector.extract_strided_slice %shift_left3A_523 {offsets = [12], sizes = [1], strides = [1]} : vector<16xi32> to vector<1xi32>
      %squeeze3A_1288 = vector.extract %slice3A_1287[0] : i32 from vector<1xi32>
      %add3A_1289 = arith.addi %squeeze3A_1286, %squeeze3A_1288 : i32
      %lt3A_1290 = vector.broadcast %add3A_1289 : i32 to vector<16xi32>
      %lt3A_1291 = arith.cmpi slt, %mul3A_1098, %lt3A_1290 : vector<16xi32>
      %and3A_1292 = arith.andi %ge3A_1284, %lt3A_1291 : vector<16xi1>
      %jit3A_1293 = arith.constant 12 : i32
      %broadcast_in_dim3A_1294 = vector.broadcast %jit3A_1293 : i32 to vector<16xi32>
      %select_n3A_1295 = arith.select %and3A_1292, %broadcast_in_dim3A_1294, %select_n3A_1280 : vector<16xi1>, vector<16xi32>
      %slice3A_1296 = vector.extract_strided_slice %sub3A_526 {offsets = [13], sizes = [1], strides = [1]} : vector<16xi32> to vector<1xi32>
      %squeeze3A_1297 = vector.extract %slice3A_1296[0] : i32 from vector<1xi32>
      %ge3A_1298 = vector.broadcast %squeeze3A_1297 : i32 to vector<16xi32>
      %ge3A_1299 = arith.cmpi sge, %mul3A_1098, %ge3A_1298 : vector<16xi32>
      %slice3A_1300 = vector.extract_strided_slice %sub3A_526 {offsets = [13], sizes = [1], strides = [1]} : vector<16xi32> to vector<1xi32>
      %squeeze3A_1301 = vector.extract %slice3A_1300[0] : i32 from vector<1xi32>
      %slice3A_1302 = vector.extract_strided_slice %shift_left3A_523 {offsets = [13], sizes = [1], strides = [1]} : vector<16xi32> to vector<1xi32>
      %squeeze3A_1303 = vector.extract %slice3A_1302[0] : i32 from vector<1xi32>
      %add3A_1304 = arith.addi %squeeze3A_1301, %squeeze3A_1303 : i32
      %lt3A_1305 = vector.broadcast %add3A_1304 : i32 to vector<16xi32>
      %lt3A_1306 = arith.cmpi slt, %mul3A_1098, %lt3A_1305 : vector<16xi32>
      %and3A_1307 = arith.andi %ge3A_1299, %lt3A_1306 : vector<16xi1>
      %jit3A_1308 = arith.constant 13 : i32
      %broadcast_in_dim3A_1309 = vector.broadcast %jit3A_1308 : i32 to vector<16xi32>
      %select_n3A_1310 = arith.select %and3A_1307, %broadcast_in_dim3A_1309, %select_n3A_1295 : vector<16xi1>, vector<16xi32>
      %slice3A_1311 = vector.extract_strided_slice %sub3A_526 {offsets = [14], sizes = [1], strides = [1]} : vector<16xi32> to vector<1xi32>
      %squeeze3A_1312 = vector.extract %slice3A_1311[0] : i32 from vector<1xi32>
      %ge3A_1313 = vector.broadcast %squeeze3A_1312 : i32 to vector<16xi32>
      %ge3A_1314 = arith.cmpi sge, %mul3A_1098, %ge3A_1313 : vector<16xi32>
      %slice3A_1315 = vector.extract_strided_slice %sub3A_526 {offsets = [14], sizes = [1], strides = [1]} : vector<16xi32> to vector<1xi32>
      %squeeze3A_1316 = vector.extract %slice3A_1315[0] : i32 from vector<1xi32>
      %slice3A_1317 = vector.extract_strided_slice %shift_left3A_523 {offsets = [14], sizes = [1], strides = [1]} : vector<16xi32> to vector<1xi32>
      %squeeze3A_1318 = vector.extract %slice3A_1317[0] : i32 from vector<1xi32>
      %add3A_1319 = arith.addi %squeeze3A_1316, %squeeze3A_1318 : i32
      %lt3A_1320 = vector.broadcast %add3A_1319 : i32 to vector<16xi32>
      %lt3A_1321 = arith.cmpi slt, %mul3A_1098, %lt3A_1320 : vector<16xi32>
      %and3A_1322 = arith.andi %ge3A_1314, %lt3A_1321 : vector<16xi1>
      %jit3A_1323 = arith.constant 14 : i32
      %broadcast_in_dim3A_1324 = vector.broadcast %jit3A_1323 : i32 to vector<16xi32>
      %select_n3A_1325 = arith.select %and3A_1322, %broadcast_in_dim3A_1324, %select_n3A_1310 : vector<16xi1>, vector<16xi32>
      %slice3A_1326 = vector.extract_strided_slice %sub3A_526 {offsets = [15], sizes = [1], strides = [1]} : vector<16xi32> to vector<1xi32>
      %squeeze3A_1327 = vector.extract %slice3A_1326[0] : i32 from vector<1xi32>
      %ge3A_1328 = vector.broadcast %squeeze3A_1327 : i32 to vector<16xi32>
      %ge3A_1329 = arith.cmpi sge, %mul3A_1098, %ge3A_1328 : vector<16xi32>
      %slice3A_1330 = vector.extract_strided_slice %sub3A_526 {offsets = [15], sizes = [1], strides = [1]} : vector<16xi32> to vector<1xi32>
      %squeeze3A_1331 = vector.extract %slice3A_1330[0] : i32 from vector<1xi32>
      %slice3A_1332 = vector.extract_strided_slice %shift_left3A_523 {offsets = [15], sizes = [1], strides = [1]} : vector<16xi32> to vector<1xi32>
      %squeeze3A_1333 = vector.extract %slice3A_1332[0] : i32 from vector<1xi32>
      %add3A_1334 = arith.addi %squeeze3A_1331, %squeeze3A_1333 : i32
      %lt3A_1335 = vector.broadcast %add3A_1334 : i32 to vector<16xi32>
      %lt3A_1336 = arith.cmpi slt, %mul3A_1098, %lt3A_1335 : vector<16xi32>
      %and3A_1337 = arith.andi %ge3A_1329, %lt3A_1336 : vector<16xi1>
      %jit3A_1338 = arith.constant 15 : i32
      %broadcast_in_dim3A_1339 = vector.broadcast %jit3A_1338 : i32 to vector<16xi32>
      %select_n3A_1340 = arith.select %and3A_1337, %broadcast_in_dim3A_1339, %select_n3A_1325 : vector<16xi1>, vector<16xi32>
      %swap3A_1341 = arith.constant 32 : index
      %swap3A_1342 = tpu.vector_load %arg15[%swap3A_1341] {strides = array<i32>} : memref<80xi32, #tpu.memory_space<vmem>>, vector<16xi32>,
      tpu.vector_store %arg15[%swap3A_1341], %select_n3A_1340 {strides = array<i32>} : memref<80xi32, #tpu.memory_space<vmem>>, vector<16xi32>,
      %add3A_1343 = arith.constant 48 : i32
      %add3A_1344 = vector.broadcast %add3A_1343 : i32 to vector<16xi32>
      %add3A_1345 = arith.addi %iota3A, %add3A_1344 : vector<16xi32>
      %mul3A_1346 = arith.constant 128 : i32
      %mul3A_1347 = vector.broadcast %mul3A_1346 : i32 to vector<16xi32>
      %mul3A_1348 = arith.muli %add3A_1345, %mul3A_1347 : vector<16xi32>
      %broadcast_in_dim3A_1349 = arith.constant 0 : i32
      %broadcast_in_dim3A_1350 = vector.broadcast %broadcast_in_dim3A_1349 : i32 to vector<16xi32>
      %slice3A_1351 = vector.extract_strided_slice %sub3A_526 {offsets = [0], sizes = [1], strides = [1]} : vector<16xi32> to vector<1xi32>
      %squeeze3A_1352 = vector.extract %slice3A_1351[0] : i32 from vector<1xi32>
      %ge3A_1353 = vector.broadcast %squeeze3A_1352 : i32 to vector<16xi32>
      %ge3A_1354 = arith.cmpi sge, %mul3A_1348, %ge3A_1353 : vector<16xi32>
      %slice3A_1355 = vector.extract_strided_slice %sub3A_526 {offsets = [0], sizes = [1], strides = [1]} : vector<16xi32> to vector<1xi32>
      %squeeze3A_1356 = vector.extract %slice3A_1355[0] : i32 from vector<1xi32>
      %slice3A_1357 = vector.extract_strided_slice %shift_left3A_523 {offsets = [0], sizes = [1], strides = [1]} : vector<16xi32> to vector<1xi32>
      %squeeze3A_1358 = vector.extract %slice3A_1357[0] : i32 from vector<1xi32>
      %add3A_1359 = arith.addi %squeeze3A_1356, %squeeze3A_1358 : i32
      %lt3A_1360 = vector.broadcast %add3A_1359 : i32 to vector<16xi32>
      %lt3A_1361 = arith.cmpi slt, %mul3A_1348, %lt3A_1360 : vector<16xi32>
      %and3A_1362 = arith.andi %ge3A_1354, %lt3A_1361 : vector<16xi1>
      %jit3A_1363 = arith.constant 0 : i32
      %broadcast_in_dim3A_1364 = vector.broadcast %jit3A_1363 : i32 to vector<16xi32>
      %select_n3A_1365 = arith.select %and3A_1362, %broadcast_in_dim3A_1364, %broadcast_in_dim3A_1350 : vector<16xi1>, vector<16xi32>
      %slice3A_1366 = vector.extract_strided_slice %sub3A_526 {offsets = [1], sizes = [1], strides = [1]} : vector<16xi32> to vector<1xi32>
      %squeeze3A_1367 = vector.extract %slice3A_1366[0] : i32 from vector<1xi32>
      %ge3A_1368 = vector.broadcast %squeeze3A_1367 : i32 to vector<16xi32>
      %ge3A_1369 = arith.cmpi sge, %mul3A_1348, %ge3A_1368 : vector<16xi32>
      %slice3A_1370 = vector.extract_strided_slice %sub3A_526 {offsets = [1], sizes = [1], strides = [1]} : vector<16xi32> to vector<1xi32>
      %squeeze3A_1371 = vector.extract %slice3A_1370[0] : i32 from vector<1xi32>
      %slice3A_1372 = vector.extract_strided_slice %shift_left3A_523 {offsets = [1], sizes = [1], strides = [1]} : vector<16xi32> to vector<1xi32>
      %squeeze3A_1373 = vector.extract %slice3A_1372[0] : i32 from vector<1xi32>
      %add3A_1374 = arith.addi %squeeze3A_1371, %squeeze3A_1373 : i32
      %lt3A_1375 = vector.broadcast %add3A_1374 : i32 to vector<16xi32>
      %lt3A_1376 = arith.cmpi slt, %mul3A_1348, %lt3A_1375 : vector<16xi32>
      %and3A_1377 = arith.andi %ge3A_1369, %lt3A_1376 : vector<16xi1>
      %jit3A_1378 = arith.constant 1 : i32
      %broadcast_in_dim3A_1379 = vector.broadcast %jit3A_1378 : i32 to vector<16xi32>
      %select_n3A_1380 = arith.select %and3A_1377, %broadcast_in_dim3A_1379, %select_n3A_1365 : vector<16xi1>, vector<16xi32>
      %slice3A_1381 = vector.extract_strided_slice %sub3A_526 {offsets = [2], sizes = [1], strides = [1]} : vector<16xi32> to vector<1xi32>
      %squeeze3A_1382 = vector.extract %slice3A_1381[0] : i32 from vector<1xi32>
      %ge3A_1383 = vector.broadcast %squeeze3A_1382 : i32 to vector<16xi32>
      %ge3A_1384 = arith.cmpi sge, %mul3A_1348, %ge3A_1383 : vector<16xi32>
      %slice3A_1385 = vector.extract_strided_slice %sub3A_526 {offsets = [2], sizes = [1], strides = [1]} : vector<16xi32> to vector<1xi32>
      %squeeze3A_1386 = vector.extract %slice3A_1385[0] : i32 from vector<1xi32>
      %slice3A_1387 = vector.extract_strided_slice %shift_left3A_523 {offsets = [2], sizes = [1], strides = [1]} : vector<16xi32> to vector<1xi32>
      %squeeze3A_1388 = vector.extract %slice3A_1387[0] : i32 from vector<1xi32>
      %add3A_1389 = arith.addi %squeeze3A_1386, %squeeze3A_1388 : i32
      %lt3A_1390 = vector.broadcast %add3A_1389 : i32 to vector<16xi32>
      %lt3A_1391 = arith.cmpi slt, %mul3A_1348, %lt3A_1390 : vector<16xi32>
      %and3A_1392 = arith.andi %ge3A_1384, %lt3A_1391 : vector<16xi1>
      %jit3A_1393 = arith.constant 2 : i32
      %broadcast_in_dim3A_1394 = vector.broadcast %jit3A_1393 : i32 to vector<16xi32>
      %select_n3A_1395 = arith.select %and3A_1392, %broadcast_in_dim3A_1394, %select_n3A_1380 : vector<16xi1>, vector<16xi32>
      %slice3A_1396 = vector.extract_strided_slice %sub3A_526 {offsets = [3], sizes = [1], strides = [1]} : vector<16xi32> to vector<1xi32>
      %squeeze3A_1397 = vector.extract %slice3A_1396[0] : i32 from vector<1xi32>
      %ge3A_1398 = vector.broadcast %squeeze3A_1397 : i32 to vector<16xi32>
      %ge3A_1399 = arith.cmpi sge, %mul3A_1348, %ge3A_1398 : vector<16xi32>
      %slice3A_1400 = vector.extract_strided_slice %sub3A_526 {offsets = [3], sizes = [1], strides = [1]} : vector<16xi32> to vector<1xi32>
      %squeeze3A_1401 = vector.extract %slice3A_1400[0] : i32 from vector<1xi32>
      %slice3A_1402 = vector.extract_strided_slice %shift_left3A_523 {offsets = [3], sizes = [1], strides = [1]} : vector<16xi32> to vector<1xi32>
      %squeeze3A_1403 = vector.extract %slice3A_1402[0] : i32 from vector<1xi32>
      %add3A_1404 = arith.addi %squeeze3A_1401, %squeeze3A_1403 : i32
      %lt3A_1405 = vector.broadcast %add3A_1404 : i32 to vector<16xi32>
      %lt3A_1406 = arith.cmpi slt, %mul3A_1348, %lt3A_1405 : vector<16xi32>
      %and3A_1407 = arith.andi %ge3A_1399, %lt3A_1406 : vector<16xi1>
      %jit3A_1408 = arith.constant 3 : i32
      %broadcast_in_dim3A_1409 = vector.broadcast %jit3A_1408 : i32 to vector<16xi32>
      %select_n3A_1410 = arith.select %and3A_1407, %broadcast_in_dim3A_1409, %select_n3A_1395 : vector<16xi1>, vector<16xi32>
      %slice3A_1411 = vector.extract_strided_slice %sub3A_526 {offsets = [4], sizes = [1], strides = [1]} : vector<16xi32> to vector<1xi32>
      %squeeze3A_1412 = vector.extract %slice3A_1411[0] : i32 from vector<1xi32>
      %ge3A_1413 = vector.broadcast %squeeze3A_1412 : i32 to vector<16xi32>
      %ge3A_1414 = arith.cmpi sge, %mul3A_1348, %ge3A_1413 : vector<16xi32>
      %slice3A_1415 = vector.extract_strided_slice %sub3A_526 {offsets = [4], sizes = [1], strides = [1]} : vector<16xi32> to vector<1xi32>
      %squeeze3A_1416 = vector.extract %slice3A_1415[0] : i32 from vector<1xi32>
      %slice3A_1417 = vector.extract_strided_slice %shift_left3A_523 {offsets = [4], sizes = [1], strides = [1]} : vector<16xi32> to vector<1xi32>
      %squeeze3A_1418 = vector.extract %slice3A_1417[0] : i32 from vector<1xi32>
      %add3A_1419 = arith.addi %squeeze3A_1416, %squeeze3A_1418 : i32
      %lt3A_1420 = vector.broadcast %add3A_1419 : i32 to vector<16xi32>
      %lt3A_1421 = arith.cmpi slt, %mul3A_1348, %lt3A_1420 : vector<16xi32>
      %and3A_1422 = arith.andi %ge3A_1414, %lt3A_1421 : vector<16xi1>
      %jit3A_1423 = arith.constant 4 : i32
      %broadcast_in_dim3A_1424 = vector.broadcast %jit3A_1423 : i32 to vector<16xi32>
      %select_n3A_1425 = arith.select %and3A_1422, %broadcast_in_dim3A_1424, %select_n3A_1410 : vector<16xi1>, vector<16xi32>
      %slice3A_1426 = vector.extract_strided_slice %sub3A_526 {offsets = [5], sizes = [1], strides = [1]} : vector<16xi32> to vector<1xi32>
      %squeeze3A_1427 = vector.extract %slice3A_1426[0] : i32 from vector<1xi32>
      %ge3A_1428 = vector.broadcast %squeeze3A_1427 : i32 to vector<16xi32>
      %ge3A_1429 = arith.cmpi sge, %mul3A_1348, %ge3A_1428 : vector<16xi32>
      %slice3A_1430 = vector.extract_strided_slice %sub3A_526 {offsets = [5], sizes = [1], strides = [1]} : vector<16xi32> to vector<1xi32>
      %squeeze3A_1431 = vector.extract %slice3A_1430[0] : i32 from vector<1xi32>
      %slice3A_1432 = vector.extract_strided_slice %shift_left3A_523 {offsets = [5], sizes = [1], strides = [1]} : vector<16xi32> to vector<1xi32>
      %squeeze3A_1433 = vector.extract %slice3A_1432[0] : i32 from vector<1xi32>
      %add3A_1434 = arith.addi %squeeze3A_1431, %squeeze3A_1433 : i32
      %lt3A_1435 = vector.broadcast %add3A_1434 : i32 to vector<16xi32>
      %lt3A_1436 = arith.cmpi slt, %mul3A_1348, %lt3A_1435 : vector<16xi32>
      %and3A_1437 = arith.andi %ge3A_1429, %lt3A_1436 : vector<16xi1>
      %jit3A_1438 = arith.constant 5 : i32
      %broadcast_in_dim3A_1439 = vector.broadcast %jit3A_1438 : i32 to vector<16xi32>
      %select_n3A_1440 = arith.select %and3A_1437, %broadcast_in_dim3A_1439, %select_n3A_1425 : vector<16xi1>, vector<16xi32>
      %slice3A_1441 = vector.extract_strided_slice %sub3A_526 {offsets = [6], sizes = [1], strides = [1]} : vector<16xi32> to vector<1xi32>
      %squeeze3A_1442 = vector.extract %slice3A_1441[0] : i32 from vector<1xi32>
      %ge3A_1443 = vector.broadcast %squeeze3A_1442 : i32 to vector<16xi32>
      %ge3A_1444 = arith.cmpi sge, %mul3A_1348, %ge3A_1443 : vector<16xi32>
      %slice3A_1445 = vector.extract_strided_slice %sub3A_526 {offsets = [6], sizes = [1], strides = [1]} : vector<16xi32> to vector<1xi32>
      %squeeze3A_1446 = vector.extract %slice3A_1445[0] : i32 from vector<1xi32>
      %slice3A_1447 = vector.extract_strided_slice %shift_left3A_523 {offsets = [6], sizes = [1], strides = [1]} : vector<16xi32> to vector<1xi32>
      %squeeze3A_1448 = vector.extract %slice3A_1447[0] : i32 from vector<1xi32>
      %add3A_1449 = arith.addi %squeeze3A_1446, %squeeze3A_1448 : i32
      %lt3A_1450 = vector.broadcast %add3A_1449 : i32 to vector<16xi32>
      %lt3A_1451 = arith.cmpi slt, %mul3A_1348, %lt3A_1450 : vector<16xi32>
      %and3A_1452 = arith.andi %ge3A_1444, %lt3A_1451 : vector<16xi1>
      %jit3A_1453 = arith.constant 6 : i32
      %broadcast_in_dim3A_1454 = vector.broadcast %jit3A_1453 : i32 to vector<16xi32>
      %select_n3A_1455 = arith.select %and3A_1452, %broadcast_in_dim3A_1454, %select_n3A_1440 : vector<16xi1>, vector<16xi32>
      %slice3A_1456 = vector.extract_strided_slice %sub3A_526 {offsets = [7], sizes = [1], strides = [1]} : vector<16xi32> to vector<1xi32>
      %squeeze3A_1457 = vector.extract %slice3A_1456[0] : i32 from vector<1xi32>
      %ge3A_1458 = vector.broadcast %squeeze3A_1457 : i32 to vector<16xi32>
      %ge3A_1459 = arith.cmpi sge, %mul3A_1348, %ge3A_1458 : vector<16xi32>
      %slice3A_1460 = vector.extract_strided_slice %sub3A_526 {offsets = [7], sizes = [1], strides = [1]} : vector<16xi32> to vector<1xi32>
      %squeeze3A_1461 = vector.extract %slice3A_1460[0] : i32 from vector<1xi32>
      %slice3A_1462 = vector.extract_strided_slice %shift_left3A_523 {offsets = [7], sizes = [1], strides = [1]} : vector<16xi32> to vector<1xi32>
      %squeeze3A_1463 = vector.extract %slice3A_1462[0] : i32 from vector<1xi32>
      %add3A_1464 = arith.addi %squeeze3A_1461, %squeeze3A_1463 : i32
      %lt3A_1465 = vector.broadcast %add3A_1464 : i32 to vector<16xi32>
      %lt3A_1466 = arith.cmpi slt, %mul3A_1348, %lt3A_1465 : vector<16xi32>
      %and3A_1467 = arith.andi %ge3A_1459, %lt3A_1466 : vector<16xi1>
      %jit3A_1468 = arith.constant 7 : i32
      %broadcast_in_dim3A_1469 = vector.broadcast %jit3A_1468 : i32 to vector<16xi32>
      %select_n3A_1470 = arith.select %and3A_1467, %broadcast_in_dim3A_1469, %select_n3A_1455 : vector<16xi1>, vector<16xi32>
      %slice3A_1471 = vector.extract_strided_slice %sub3A_526 {offsets = [8], sizes = [1], strides = [1]} : vector<16xi32> to vector<1xi32>
      %squeeze3A_1472 = vector.extract %slice3A_1471[0] : i32 from vector<1xi32>
      %ge3A_1473 = vector.broadcast %squeeze3A_1472 : i32 to vector<16xi32>
      %ge3A_1474 = arith.cmpi sge, %mul3A_1348, %ge3A_1473 : vector<16xi32>
      %slice3A_1475 = vector.extract_strided_slice %sub3A_526 {offsets = [8], sizes = [1], strides = [1]} : vector<16xi32> to vector<1xi32>
      %squeeze3A_1476 = vector.extract %slice3A_1475[0] : i32 from vector<1xi32>
      %slice3A_1477 = vector.extract_strided_slice %shift_left3A_523 {offsets = [8], sizes = [1], strides = [1]} : vector<16xi32> to vector<1xi32>
      %squeeze3A_1478 = vector.extract %slice3A_1477[0] : i32 from vector<1xi32>
      %add3A_1479 = arith.addi %squeeze3A_1476, %squeeze3A_1478 : i32
      %lt3A_1480 = vector.broadcast %add3A_1479 : i32 to vector<16xi32>
      %lt3A_1481 = arith.cmpi slt, %mul3A_1348, %lt3A_1480 : vector<16xi32>
      %and3A_1482 = arith.andi %ge3A_1474, %lt3A_1481 : vector<16xi1>
      %jit3A_1483 = arith.constant 8 : i32
      %broadcast_in_dim3A_1484 = vector.broadcast %jit3A_1483 : i32 to vector<16xi32>
      %select_n3A_1485 = arith.select %and3A_1482, %broadcast_in_dim3A_1484, %select_n3A_1470 : vector<16xi1>, vector<16xi32>
      %slice3A_1486 = vector.extract_strided_slice %sub3A_526 {offsets = [9], sizes = [1], strides = [1]} : vector<16xi32> to vector<1xi32>
      %squeeze3A_1487 = vector.extract %slice3A_1486[0] : i32 from vector<1xi32>
      %ge3A_1488 = vector.broadcast %squeeze3A_1487 : i32 to vector<16xi32>
      %ge3A_1489 = arith.cmpi sge, %mul3A_1348, %ge3A_1488 : vector<16xi32>
      %slice3A_1490 = vector.extract_strided_slice %sub3A_526 {offsets = [9], sizes = [1], strides = [1]} : vector<16xi32> to vector<1xi32>
      %squeeze3A_1491 = vector.extract %slice3A_1490[0] : i32 from vector<1xi32>
      %slice3A_1492 = vector.extract_strided_slice %shift_left3A_523 {offsets = [9], sizes = [1], strides = [1]} : vector<16xi32> to vector<1xi32>
      %squeeze3A_1493 = vector.extract %slice3A_1492[0] : i32 from vector<1xi32>
      %add3A_1494 = arith.addi %squeeze3A_1491, %squeeze3A_1493 : i32
      %lt3A_1495 = vector.broadcast %add3A_1494 : i32 to vector<16xi32>
      %lt3A_1496 = arith.cmpi slt, %mul3A_1348, %lt3A_1495 : vector<16xi32>
      %and3A_1497 = arith.andi %ge3A_1489, %lt3A_1496 : vector<16xi1>
      %jit3A_1498 = arith.constant 9 : i32
      %broadcast_in_dim3A_1499 = vector.broadcast %jit3A_1498 : i32 to vector<16xi32>
      %select_n3A_1500 = arith.select %and3A_1497, %broadcast_in_dim3A_1499, %select_n3A_1485 : vector<16xi1>, vector<16xi32>
      %slice3A_1501 = vector.extract_strided_slice %sub3A_526 {offsets = [10], sizes = [1], strides = [1]} : vector<16xi32> to vector<1xi32>
      %squeeze3A_1502 = vector.extract %slice3A_1501[0] : i32 from vector<1xi32>
      %ge3A_1503 = vector.broadcast %squeeze3A_1502 : i32 to vector<16xi32>
      %ge3A_1504 = arith.cmpi sge, %mul3A_1348, %ge3A_1503 : vector<16xi32>
      %slice3A_1505 = vector.extract_strided_slice %sub3A_526 {offsets = [10], sizes = [1], strides = [1]} : vector<16xi32> to vector<1xi32>
      %squeeze3A_1506 = vector.extract %slice3A_1505[0] : i32 from vector<1xi32>
      %slice3A_1507 = vector.extract_strided_slice %shift_left3A_523 {offsets = [10], sizes = [1], strides = [1]} : vector<16xi32> to vector<1xi32>
      %squeeze3A_1508 = vector.extract %slice3A_1507[0] : i32 from vector<1xi32>
      %add3A_1509 = arith.addi %squeeze3A_1506, %squeeze3A_1508 : i32
      %lt3A_1510 = vector.broadcast %add3A_1509 : i32 to vector<16xi32>
      %lt3A_1511 = arith.cmpi slt, %mul3A_1348, %lt3A_1510 : vector<16xi32>
      %and3A_1512 = arith.andi %ge3A_1504, %lt3A_1511 : vector<16xi1>
      %jit3A_1513 = arith.constant 10 : i32
      %broadcast_in_dim3A_1514 = vector.broadcast %jit3A_1513 : i32 to vector<16xi32>
      %select_n3A_1515 = arith.select %and3A_1512, %broadcast_in_dim3A_1514, %select_n3A_1500 : vector<16xi1>, vector<16xi32>
      %slice3A_1516 = vector.extract_strided_slice %sub3A_526 {offsets = [11], sizes = [1], strides = [1]} : vector<16xi32> to vector<1xi32>
      %squeeze3A_1517 = vector.extract %slice3A_1516[0] : i32 from vector<1xi32>
      %ge3A_1518 = vector.broadcast %squeeze3A_1517 : i32 to vector<16xi32>
      %ge3A_1519 = arith.cmpi sge, %mul3A_1348, %ge3A_1518 : vector<16xi32>
      %slice3A_1520 = vector.extract_strided_slice %sub3A_526 {offsets = [11], sizes = [1], strides = [1]} : vector<16xi32> to vector<1xi32>
      %squeeze3A_1521 = vector.extract %slice3A_1520[0] : i32 from vector<1xi32>
      %slice3A_1522 = vector.extract_strided_slice %shift_left3A_523 {offsets = [11], sizes = [1], strides = [1]} : vector<16xi32> to vector<1xi32>
      %squeeze3A_1523 = vector.extract %slice3A_1522[0] : i32 from vector<1xi32>
      %add3A_1524 = arith.addi %squeeze3A_1521, %squeeze3A_1523 : i32
      %lt3A_1525 = vector.broadcast %add3A_1524 : i32 to vector<16xi32>
      %lt3A_1526 = arith.cmpi slt, %mul3A_1348, %lt3A_1525 : vector<16xi32>
      %and3A_1527 = arith.andi %ge3A_1519, %lt3A_1526 : vector<16xi1>
      %jit3A_1528 = arith.constant 11 : i32
      %broadcast_in_dim3A_1529 = vector.broadcast %jit3A_1528 : i32 to vector<16xi32>
      %select_n3A_1530 = arith.select %and3A_1527, %broadcast_in_dim3A_1529, %select_n3A_1515 : vector<16xi1>, vector<16xi32>
      %slice3A_1531 = vector.extract_strided_slice %sub3A_526 {offsets = [12], sizes = [1], strides = [1]} : vector<16xi32> to vector<1xi32>
      %squeeze3A_1532 = vector.extract %slice3A_1531[0] : i32 from vector<1xi32>
      %ge3A_1533 = vector.broadcast %squeeze3A_1532 : i32 to vector<16xi32>
      %ge3A_1534 = arith.cmpi sge, %mul3A_1348, %ge3A_1533 : vector<16xi32>
      %slice3A_1535 = vector.extract_strided_slice %sub3A_526 {offsets = [12], sizes = [1], strides = [1]} : vector<16xi32> to vector<1xi32>
      %squeeze3A_1536 = vector.extract %slice3A_1535[0] : i32 from vector<1xi32>
      %slice3A_1537 = vector.extract_strided_slice %shift_left3A_523 {offsets = [12], sizes = [1], strides = [1]} : vector<16xi32> to vector<1xi32>
      %squeeze3A_1538 = vector.extract %slice3A_1537[0] : i32 from vector<1xi32>
      %add3A_1539 = arith.addi %squeeze3A_1536, %squeeze3A_1538 : i32
      %lt3A_1540 = vector.broadcast %add3A_1539 : i32 to vector<16xi32>
      %lt3A_1541 = arith.cmpi slt, %mul3A_1348, %lt3A_1540 : vector<16xi32>
      %and3A_1542 = arith.andi %ge3A_1534, %lt3A_1541 : vector<16xi1>
      %jit3A_1543 = arith.constant 12 : i32
      %broadcast_in_dim3A_1544 = vector.broadcast %jit3A_1543 : i32 to vector<16xi32>
      %select_n3A_1545 = arith.select %and3A_1542, %broadcast_in_dim3A_1544, %select_n3A_1530 : vector<16xi1>, vector<16xi32>
      %slice3A_1546 = vector.extract_strided_slice %sub3A_526 {offsets = [13], sizes = [1], strides = [1]} : vector<16xi32> to vector<1xi32>
      %squeeze3A_1547 = vector.extract %slice3A_1546[0] : i32 from vector<1xi32>
      %ge3A_1548 = vector.broadcast %squeeze3A_1547 : i32 to vector<16xi32>
      %ge3A_1549 = arith.cmpi sge, %mul3A_1348, %ge3A_1548 : vector<16xi32>
      %slice3A_1550 = vector.extract_strided_slice %sub3A_526 {offsets = [13], sizes = [1], strides = [1]} : vector<16xi32> to vector<1xi32>
      %squeeze3A_1551 = vector.extract %slice3A_1550[0] : i32 from vector<1xi32>
      %slice3A_1552 = vector.extract_strided_slice %shift_left3A_523 {offsets = [13], sizes = [1], strides = [1]} : vector<16xi32> to vector<1xi32>
      %squeeze3A_1553 = vector.extract %slice3A_1552[0] : i32 from vector<1xi32>
      %add3A_1554 = arith.addi %squeeze3A_1551, %squeeze3A_1553 : i32
      %lt3A_1555 = vector.broadcast %add3A_1554 : i32 to vector<16xi32>
      %lt3A_1556 = arith.cmpi slt, %mul3A_1348, %lt3A_1555 : vector<16xi32>
      %and3A_1557 = arith.andi %ge3A_1549, %lt3A_1556 : vector<16xi1>
      %jit3A_1558 = arith.constant 13 : i32
      %broadcast_in_dim3A_1559 = vector.broadcast %jit3A_1558 : i32 to vector<16xi32>
      %select_n3A_1560 = arith.select %and3A_1557, %broadcast_in_dim3A_1559, %select_n3A_1545 : vector<16xi1>, vector<16xi32>
      %slice3A_1561 = vector.extract_strided_slice %sub3A_526 {offsets = [14], sizes = [1], strides = [1]} : vector<16xi32> to vector<1xi32>
      %squeeze3A_1562 = vector.extract %slice3A_1561[0] : i32 from vector<1xi32>
      %ge3A_1563 = vector.broadcast %squeeze3A_1562 : i32 to vector<16xi32>
      %ge3A_1564 = arith.cmpi sge, %mul3A_1348, %ge3A_1563 : vector<16xi32>
      %slice3A_1565 = vector.extract_strided_slice %sub3A_526 {offsets = [14], sizes = [1], strides = [1]} : vector<16xi32> to vector<1xi32>
      %squeeze3A_1566 = vector.extract %slice3A_1565[0] : i32 from vector<1xi32>
      %slice3A_1567 = vector.extract_strided_slice %shift_left3A_523 {offsets = [14], sizes = [1], strides = [1]} : vector<16xi32> to vector<1xi32>
      %squeeze3A_1568 = vector.extract %slice3A_1567[0] : i32 from vector<1xi32>
      %add3A_1569 = arith.addi %squeeze3A_1566, %squeeze3A_1568 : i32
      %lt3A_1570 = vector.broadcast %add3A_1569 : i32 to vector<16xi32>
      %lt3A_1571 = arith.cmpi slt, %mul3A_1348, %lt3A_1570 : vector<16xi32>
      %and3A_1572 = arith.andi %ge3A_1564, %lt3A_1571 : vector<16xi1>
      %jit3A_1573 = arith.constant 14 : i32
      %broadcast_in_dim3A_1574 = vector.broadcast %jit3A_1573 : i32 to vector<16xi32>
      %select_n3A_1575 = arith.select %and3A_1572, %broadcast_in_dim3A_1574, %select_n3A_1560 : vector<16xi1>, vector<16xi32>
      %slice3A_1576 = vector.extract_strided_slice %sub3A_526 {offsets = [15], sizes = [1], strides = [1]} : vector<16xi32> to vector<1xi32>
      %squeeze3A_1577 = vector.extract %slice3A_1576[0] : i32 from vector<1xi32>
      %ge3A_1578 = vector.broadcast %squeeze3A_1577 : i32 to vector<16xi32>
      %ge3A_1579 = arith.cmpi sge, %mul3A_1348, %ge3A_1578 : vector<16xi32>
      %slice3A_1580 = vector.extract_strided_slice %sub3A_526 {offsets = [15], sizes = [1], strides = [1]} : vector<16xi32> to vector<1xi32>
      %squeeze3A_1581 = vector.extract %slice3A_1580[0] : i32 from vector<1xi32>
      %slice3A_1582 = vector.extract_strided_slice %shift_left3A_523 {offsets = [15], sizes = [1], strides = [1]} : vector<16xi32> to vector<1xi32>
      %squeeze3A_1583 = vector.extract %slice3A_1582[0] : i32 from vector<1xi32>
      %add3A_1584 = arith.addi %squeeze3A_1581, %squeeze3A_1583 : i32
      %lt3A_1585 = vector.broadcast %add3A_1584 : i32 to vector<16xi32>
      %lt3A_1586 = arith.cmpi slt, %mul3A_1348, %lt3A_1585 : vector<16xi32>
      %and3A_1587 = arith.andi %ge3A_1579, %lt3A_1586 : vector<16xi1>
      %jit3A_1588 = arith.constant 15 : i32
      %broadcast_in_dim3A_1589 = vector.broadcast %jit3A_1588 : i32 to vector<16xi32>
      %select_n3A_1590 = arith.select %and3A_1587, %broadcast_in_dim3A_1589, %select_n3A_1575 : vector<16xi1>, vector<16xi32>
      %swap3A_1591 = arith.constant 48 : index
      %swap3A_1592 = tpu.vector_load %arg15[%swap3A_1591] {strides = array<i32>} : memref<80xi32, #tpu.memory_space<vmem>>, vector<16xi32>,
      tpu.vector_store %arg15[%swap3A_1591], %select_n3A_1590 {strides = array<i32>} : memref<80xi32, #tpu.memory_space<vmem>>, vector<16xi32>,
      %add3A_1593 = arith.constant 64 : i32
      %add3A_1594 = vector.broadcast %add3A_1593 : i32 to vector<16xi32>
      %add3A_1595 = arith.addi %iota3A, %add3A_1594 : vector<16xi32>
      %mul3A_1596 = arith.constant 128 : i32
      %mul3A_1597 = vector.broadcast %mul3A_1596 : i32 to vector<16xi32>
      %mul3A_1598 = arith.muli %add3A_1595, %mul3A_1597 : vector<16xi32>
      %broadcast_in_dim3A_1599 = arith.constant 0 : i32
      %broadcast_in_dim3A_1600 = vector.broadcast %broadcast_in_dim3A_1599 : i32 to vector<16xi32>
      %slice3A_1601 = vector.extract_strided_slice %sub3A_526 {offsets = [0], sizes = [1], strides = [1]} : vector<16xi32> to vector<1xi32>
      %squeeze3A_1602 = vector.extract %slice3A_1601[0] : i32 from vector<1xi32>
      %ge3A_1603 = vector.broadcast %squeeze3A_1602 : i32 to vector<16xi32>
      %ge3A_1604 = arith.cmpi sge, %mul3A_1598, %ge3A_1603 : vector<16xi32>
      %slice3A_1605 = vector.extract_strided_slice %sub3A_526 {offsets = [0], sizes = [1], strides = [1]} : vector<16xi32> to vector<1xi32>
      %squeeze3A_1606 = vector.extract %slice3A_1605[0] : i32 from vector<1xi32>
      %slice3A_1607 = vector.extract_strided_slice %shift_left3A_523 {offsets = [0], sizes = [1], strides = [1]} : vector<16xi32> to vector<1xi32>
      %squeeze3A_1608 = vector.extract %slice3A_1607[0] : i32 from vector<1xi32>
      %add3A_1609 = arith.addi %squeeze3A_1606, %squeeze3A_1608 : i32
      %lt3A_1610 = vector.broadcast %add3A_1609 : i32 to vector<16xi32>
      %lt3A_1611 = arith.cmpi slt, %mul3A_1598, %lt3A_1610 : vector<16xi32>
      %and3A_1612 = arith.andi %ge3A_1604, %lt3A_1611 : vector<16xi1>
      %jit3A_1613 = arith.constant 0 : i32
      %broadcast_in_dim3A_1614 = vector.broadcast %jit3A_1613 : i32 to vector<16xi32>
      %select_n3A_1615 = arith.select %and3A_1612, %broadcast_in_dim3A_1614, %broadcast_in_dim3A_1600 : vector<16xi1>, vector<16xi32>
      %slice3A_1616 = vector.extract_strided_slice %sub3A_526 {offsets = [1], sizes = [1], strides = [1]} : vector<16xi32> to vector<1xi32>
      %squeeze3A_1617 = vector.extract %slice3A_1616[0] : i32 from vector<1xi32>
      %ge3A_1618 = vector.broadcast %squeeze3A_1617 : i32 to vector<16xi32>
      %ge3A_1619 = arith.cmpi sge, %mul3A_1598, %ge3A_1618 : vector<16xi32>
      %slice3A_1620 = vector.extract_strided_slice %sub3A_526 {offsets = [1], sizes = [1], strides = [1]} : vector<16xi32> to vector<1xi32>
      %squeeze3A_1621 = vector.extract %slice3A_1620[0] : i32 from vector<1xi32>
      %slice3A_1622 = vector.extract_strided_slice %shift_left3A_523 {offsets = [1], sizes = [1], strides = [1]} : vector<16xi32> to vector<1xi32>
      %squeeze3A_1623 = vector.extract %slice3A_1622[0] : i32 from vector<1xi32>
      %add3A_1624 = arith.addi %squeeze3A_1621, %squeeze3A_1623 : i32
      %lt3A_1625 = vector.broadcast %add3A_1624 : i32 to vector<16xi32>
      %lt3A_1626 = arith.cmpi slt, %mul3A_1598, %lt3A_1625 : vector<16xi32>
      %and3A_1627 = arith.andi %ge3A_1619, %lt3A_1626 : vector<16xi1>
      %jit3A_1628 = arith.constant 1 : i32
      %broadcast_in_dim3A_1629 = vector.broadcast %jit3A_1628 : i32 to vector<16xi32>
      %select_n3A_1630 = arith.select %and3A_1627, %broadcast_in_dim3A_1629, %select_n3A_1615 : vector<16xi1>, vector<16xi32>
      %slice3A_1631 = vector.extract_strided_slice %sub3A_526 {offsets = [2], sizes = [1], strides = [1]} : vector<16xi32> to vector<1xi32>
      %squeeze3A_1632 = vector.extract %slice3A_1631[0] : i32 from vector<1xi32>
      %ge3A_1633 = vector.broadcast %squeeze3A_1632 : i32 to vector<16xi32>
      %ge3A_1634 = arith.cmpi sge, %mul3A_1598, %ge3A_1633 : vector<16xi32>
      %slice3A_1635 = vector.extract_strided_slice %sub3A_526 {offsets = [2], sizes = [1], strides = [1]} : vector<16xi32> to vector<1xi32>
      %squeeze3A_1636 = vector.extract %slice3A_1635[0] : i32 from vector<1xi32>
      %slice3A_1637 = vector.extract_strided_slice %shift_left3A_523 {offsets = [2], sizes = [1], strides = [1]} : vector<16xi32> to vector<1xi32>
      %squeeze3A_1638 = vector.extract %slice3A_1637[0] : i32 from vector<1xi32>
      %add3A_1639 = arith.addi %squeeze3A_1636, %squeeze3A_1638 : i32
      %lt3A_1640 = vector.broadcast %add3A_1639 : i32 to vector<16xi32>
      %lt3A_1641 = arith.cmpi slt, %mul3A_1598, %lt3A_1640 : vector<16xi32>
      %and3A_1642 = arith.andi %ge3A_1634, %lt3A_1641 : vector<16xi1>
      %jit3A_1643 = arith.constant 2 : i32
      %broadcast_in_dim3A_1644 = vector.broadcast %jit3A_1643 : i32 to vector<16xi32>
      %select_n3A_1645 = arith.select %and3A_1642, %broadcast_in_dim3A_1644, %select_n3A_1630 : vector<16xi1>, vector<16xi32>
      %slice3A_1646 = vector.extract_strided_slice %sub3A_526 {offsets = [3], sizes = [1], strides = [1]} : vector<16xi32> to vector<1xi32>
      %squeeze3A_1647 = vector.extract %slice3A_1646[0] : i32 from vector<1xi32>
      %ge3A_1648 = vector.broadcast %squeeze3A_1647 : i32 to vector<16xi32>
      %ge3A_1649 = arith.cmpi sge, %mul3A_1598, %ge3A_1648 : vector<16xi32>
      %slice3A_1650 = vector.extract_strided_slice %sub3A_526 {offsets = [3], sizes = [1], strides = [1]} : vector<16xi32> to vector<1xi32>
      %squeeze3A_1651 = vector.extract %slice3A_1650[0] : i32 from vector<1xi32>
      %slice3A_1652 = vector.extract_strided_slice %shift_left3A_523 {offsets = [3], sizes = [1], strides = [1]} : vector<16xi32> to vector<1xi32>
      %squeeze3A_1653 = vector.extract %slice3A_1652[0] : i32 from vector<1xi32>
      %add3A_1654 = arith.addi %squeeze3A_1651, %squeeze3A_1653 : i32
      %lt3A_1655 = vector.broadcast %add3A_1654 : i32 to vector<16xi32>
      %lt3A_1656 = arith.cmpi slt, %mul3A_1598, %lt3A_1655 : vector<16xi32>
      %and3A_1657 = arith.andi %ge3A_1649, %lt3A_1656 : vector<16xi1>
      %jit3A_1658 = arith.constant 3 : i32
      %broadcast_in_dim3A_1659 = vector.broadcast %jit3A_1658 : i32 to vector<16xi32>
      %select_n3A_1660 = arith.select %and3A_1657, %broadcast_in_dim3A_1659, %select_n3A_1645 : vector<16xi1>, vector<16xi32>
      %slice3A_1661 = vector.extract_strided_slice %sub3A_526 {offsets = [4], sizes = [1], strides = [1]} : vector<16xi32> to vector<1xi32>
      %squeeze3A_1662 = vector.extract %slice3A_1661[0] : i32 from vector<1xi32>
      %ge3A_1663 = vector.broadcast %squeeze3A_1662 : i32 to vector<16xi32>
      %ge3A_1664 = arith.cmpi sge, %mul3A_1598, %ge3A_1663 : vector<16xi32>
      %slice3A_1665 = vector.extract_strided_slice %sub3A_526 {offsets = [4], sizes = [1], strides = [1]} : vector<16xi32> to vector<1xi32>
      %squeeze3A_1666 = vector.extract %slice3A_1665[0] : i32 from vector<1xi32>
      %slice3A_1667 = vector.extract_strided_slice %shift_left3A_523 {offsets = [4], sizes = [1], strides = [1]} : vector<16xi32> to vector<1xi32>
      %squeeze3A_1668 = vector.extract %slice3A_1667[0] : i32 from vector<1xi32>
      %add3A_1669 = arith.addi %squeeze3A_1666, %squeeze3A_1668 : i32
      %lt3A_1670 = vector.broadcast %add3A_1669 : i32 to vector<16xi32>
      %lt3A_1671 = arith.cmpi slt, %mul3A_1598, %lt3A_1670 : vector<16xi32>
      %and3A_1672 = arith.andi %ge3A_1664, %lt3A_1671 : vector<16xi1>
      %jit3A_1673 = arith.constant 4 : i32
      %broadcast_in_dim3A_1674 = vector.broadcast %jit3A_1673 : i32 to vector<16xi32>
      %select_n3A_1675 = arith.select %and3A_1672, %broadcast_in_dim3A_1674, %select_n3A_1660 : vector<16xi1>, vector<16xi32>
      %slice3A_1676 = vector.extract_strided_slice %sub3A_526 {offsets = [5], sizes = [1], strides = [1]} : vector<16xi32> to vector<1xi32>
      %squeeze3A_1677 = vector.extract %slice3A_1676[0] : i32 from vector<1xi32>
      %ge3A_1678 = vector.broadcast %squeeze3A_1677 : i32 to vector<16xi32>
      %ge3A_1679 = arith.cmpi sge, %mul3A_1598, %ge3A_1678 : vector<16xi32>
      %slice3A_1680 = vector.extract_strided_slice %sub3A_526 {offsets = [5], sizes = [1], strides = [1]} : vector<16xi32> to vector<1xi32>
      %squeeze3A_1681 = vector.extract %slice3A_1680[0] : i32 from vector<1xi32>
      %slice3A_1682 = vector.extract_strided_slice %shift_left3A_523 {offsets = [5], sizes = [1], strides = [1]} : vector<16xi32> to vector<1xi32>
      %squeeze3A_1683 = vector.extract %slice3A_1682[0] : i32 from vector<1xi32>
      %add3A_1684 = arith.addi %squeeze3A_1681, %squeeze3A_1683 : i32
      %lt3A_1685 = vector.broadcast %add3A_1684 : i32 to vector<16xi32>
      %lt3A_1686 = arith.cmpi slt, %mul3A_1598, %lt3A_1685 : vector<16xi32>
      %and3A_1687 = arith.andi %ge3A_1679, %lt3A_1686 : vector<16xi1>
      %jit3A_1688 = arith.constant 5 : i32
      %broadcast_in_dim3A_1689 = vector.broadcast %jit3A_1688 : i32 to vector<16xi32>
      %select_n3A_1690 = arith.select %and3A_1687, %broadcast_in_dim3A_1689, %select_n3A_1675 : vector<16xi1>, vector<16xi32>
      %slice3A_1691 = vector.extract_strided_slice %sub3A_526 {offsets = [6], sizes = [1], strides = [1]} : vector<16xi32> to vector<1xi32>
      %squeeze3A_1692 = vector.extract %slice3A_1691[0] : i32 from vector<1xi32>
      %ge3A_1693 = vector.broadcast %squeeze3A_1692 : i32 to vector<16xi32>
      %ge3A_1694 = arith.cmpi sge, %mul3A_1598, %ge3A_1693 : vector<16xi32>
      %slice3A_1695 = vector.extract_strided_slice %sub3A_526 {offsets = [6], sizes = [1], strides = [1]} : vector<16xi32> to vector<1xi32>
      %squeeze3A_1696 = vector.extract %slice3A_1695[0] : i32 from vector<1xi32>
      %slice3A_1697 = vector.extract_strided_slice %shift_left3A_523 {offsets = [6], sizes = [1], strides = [1]} : vector<16xi32> to vector<1xi32>
      %squeeze3A_1698 = vector.extract %slice3A_1697[0] : i32 from vector<1xi32>
      %add3A_1699 = arith.addi %squeeze3A_1696, %squeeze3A_1698 : i32
      %lt3A_1700 = vector.broadcast %add3A_1699 : i32 to vector<16xi32>
      %lt3A_1701 = arith.cmpi slt, %mul3A_1598, %lt3A_1700 : vector<16xi32>
      %and3A_1702 = arith.andi %ge3A_1694, %lt3A_1701 : vector<16xi1>
      %jit3A_1703 = arith.constant 6 : i32
      %broadcast_in_dim3A_1704 = vector.broadcast %jit3A_1703 : i32 to vector<16xi32>
      %select_n3A_1705 = arith.select %and3A_1702, %broadcast_in_dim3A_1704, %select_n3A_1690 : vector<16xi1>, vector<16xi32>
      %slice3A_1706 = vector.extract_strided_slice %sub3A_526 {offsets = [7], sizes = [1], strides = [1]} : vector<16xi32> to vector<1xi32>
      %squeeze3A_1707 = vector.extract %slice3A_1706[0] : i32 from vector<1xi32>
      %ge3A_1708 = vector.broadcast %squeeze3A_1707 : i32 to vector<16xi32>
      %ge3A_1709 = arith.cmpi sge, %mul3A_1598, %ge3A_1708 : vector<16xi32>
      %slice3A_1710 = vector.extract_strided_slice %sub3A_526 {offsets = [7], sizes = [1], strides = [1]} : vector<16xi32> to vector<1xi32>
      %squeeze3A_1711 = vector.extract %slice3A_1710[0] : i32 from vector<1xi32>
      %slice3A_1712 = vector.extract_strided_slice %shift_left3A_523 {offsets = [7], sizes = [1], strides = [1]} : vector<16xi32> to vector<1xi32>
      %squeeze3A_1713 = vector.extract %slice3A_1712[0] : i32 from vector<1xi32>
      %add3A_1714 = arith.addi %squeeze3A_1711, %squeeze3A_1713 : i32
      %lt3A_1715 = vector.broadcast %add3A_1714 : i32 to vector<16xi32>
      %lt3A_1716 = arith.cmpi slt, %mul3A_1598, %lt3A_1715 : vector<16xi32>
      %and3A_1717 = arith.andi %ge3A_1709, %lt3A_1716 : vector<16xi1>
      %jit3A_1718 = arith.constant 7 : i32
      %broadcast_in_dim3A_1719 = vector.broadcast %jit3A_1718 : i32 to vector<16xi32>
      %select_n3A_1720 = arith.select %and3A_1717, %broadcast_in_dim3A_1719, %select_n3A_1705 : vector<16xi1>, vector<16xi32>
      %slice3A_1721 = vector.extract_strided_slice %sub3A_526 {offsets = [8], sizes = [1], strides = [1]} : vector<16xi32> to vector<1xi32>
      %squeeze3A_1722 = vector.extract %slice3A_1721[0] : i32 from vector<1xi32>
      %ge3A_1723 = vector.broadcast %squeeze3A_1722 : i32 to vector<16xi32>
      %ge3A_1724 = arith.cmpi sge, %mul3A_1598, %ge3A_1723 : vector<16xi32>
      %slice3A_1725 = vector.extract_strided_slice %sub3A_526 {offsets = [8], sizes = [1], strides = [1]} : vector<16xi32> to vector<1xi32>
      %squeeze3A_1726 = vector.extract %slice3A_1725[0] : i32 from vector<1xi32>
      %slice3A_1727 = vector.extract_strided_slice %shift_left3A_523 {offsets = [8], sizes = [1], strides = [1]} : vector<16xi32> to vector<1xi32>
      %squeeze3A_1728 = vector.extract %slice3A_1727[0] : i32 from vector<1xi32>
      %add3A_1729 = arith.addi %squeeze3A_1726, %squeeze3A_1728 : i32
      %lt3A_1730 = vector.broadcast %add3A_1729 : i32 to vector<16xi32>
      %lt3A_1731 = arith.cmpi slt, %mul3A_1598, %lt3A_1730 : vector<16xi32>
      %and3A_1732 = arith.andi %ge3A_1724, %lt3A_1731 : vector<16xi1>
      %jit3A_1733 = arith.constant 8 : i32
      %broadcast_in_dim3A_1734 = vector.broadcast %jit3A_1733 : i32 to vector<16xi32>
      %select_n3A_1735 = arith.select %and3A_1732, %broadcast_in_dim3A_1734, %select_n3A_1720 : vector<16xi1>, vector<16xi32>
      %slice3A_1736 = vector.extract_strided_slice %sub3A_526 {offsets = [9], sizes = [1], strides = [1]} : vector<16xi32> to vector<1xi32>
      %squeeze3A_1737 = vector.extract %slice3A_1736[0] : i32 from vector<1xi32>
      %ge3A_1738 = vector.broadcast %squeeze3A_1737 : i32 to vector<16xi32>
      %ge3A_1739 = arith.cmpi sge, %mul3A_1598, %ge3A_1738 : vector<16xi32>
      %slice3A_1740 = vector.extract_strided_slice %sub3A_526 {offsets = [9], sizes = [1], strides = [1]} : vector<16xi32> to vector<1xi32>
      %squeeze3A_1741 = vector.extract %slice3A_1740[0] : i32 from vector<1xi32>
      %slice3A_1742 = vector.extract_strided_slice %shift_left3A_523 {offsets = [9], sizes = [1], strides = [1]} : vector<16xi32> to vector<1xi32>
      %squeeze3A_1743 = vector.extract %slice3A_1742[0] : i32 from vector<1xi32>
      %add3A_1744 = arith.addi %squeeze3A_1741, %squeeze3A_1743 : i32
      %lt3A_1745 = vector.broadcast %add3A_1744 : i32 to vector<16xi32>
      %lt3A_1746 = arith.cmpi slt, %mul3A_1598, %lt3A_1745 : vector<16xi32>
      %and3A_1747 = arith.andi %ge3A_1739, %lt3A_1746 : vector<16xi1>
      %jit3A_1748 = arith.constant 9 : i32
      %broadcast_in_dim3A_1749 = vector.broadcast %jit3A_1748 : i32 to vector<16xi32>
      %select_n3A_1750 = arith.select %and3A_1747, %broadcast_in_dim3A_1749, %select_n3A_1735 : vector<16xi1>, vector<16xi32>
      %slice3A_1751 = vector.extract_strided_slice %sub3A_526 {offsets = [10], sizes = [1], strides = [1]} : vector<16xi32> to vector<1xi32>
      %squeeze3A_1752 = vector.extract %slice3A_1751[0] : i32 from vector<1xi32>
      %ge3A_1753 = vector.broadcast %squeeze3A_1752 : i32 to vector<16xi32>
      %ge3A_1754 = arith.cmpi sge, %mul3A_1598, %ge3A_1753 : vector<16xi32>
      %slice3A_1755 = vector.extract_strided_slice %sub3A_526 {offsets = [10], sizes = [1], strides = [1]} : vector<16xi32> to vector<1xi32>
      %squeeze3A_1756 = vector.extract %slice3A_1755[0] : i32 from vector<1xi32>
      %slice3A_1757 = vector.extract_strided_slice %shift_left3A_523 {offsets = [10], sizes = [1], strides = [1]} : vector<16xi32> to vector<1xi32>
      %squeeze3A_1758 = vector.extract %slice3A_1757[0] : i32 from vector<1xi32>
      %add3A_1759 = arith.addi %squeeze3A_1756, %squeeze3A_1758 : i32
      %lt3A_1760 = vector.broadcast %add3A_1759 : i32 to vector<16xi32>
      %lt3A_1761 = arith.cmpi slt, %mul3A_1598, %lt3A_1760 : vector<16xi32>
      %and3A_1762 = arith.andi %ge3A_1754, %lt3A_1761 : vector<16xi1>
      %jit3A_1763 = arith.constant 10 : i32
      %broadcast_in_dim3A_1764 = vector.broadcast %jit3A_1763 : i32 to vector<16xi32>
      %select_n3A_1765 = arith.select %and3A_1762, %broadcast_in_dim3A_1764, %select_n3A_1750 : vector<16xi1>, vector<16xi32>
      %slice3A_1766 = vector.extract_strided_slice %sub3A_526 {offsets = [11], sizes = [1], strides = [1]} : vector<16xi32> to vector<1xi32>
      %squeeze3A_1767 = vector.extract %slice3A_1766[0] : i32 from vector<1xi32>
      %ge3A_1768 = vector.broadcast %squeeze3A_1767 : i32 to vector<16xi32>
      %ge3A_1769 = arith.cmpi sge, %mul3A_1598, %ge3A_1768 : vector<16xi32>
      %slice3A_1770 = vector.extract_strided_slice %sub3A_526 {offsets = [11], sizes = [1], strides = [1]} : vector<16xi32> to vector<1xi32>
      %squeeze3A_1771 = vector.extract %slice3A_1770[0] : i32 from vector<1xi32>
      %slice3A_1772 = vector.extract_strided_slice %shift_left3A_523 {offsets = [11], sizes = [1], strides = [1]} : vector<16xi32> to vector<1xi32>
      %squeeze3A_1773 = vector.extract %slice3A_1772[0] : i32 from vector<1xi32>
      %add3A_1774 = arith.addi %squeeze3A_1771, %squeeze3A_1773 : i32
      %lt3A_1775 = vector.broadcast %add3A_1774 : i32 to vector<16xi32>
      %lt3A_1776 = arith.cmpi slt, %mul3A_1598, %lt3A_1775 : vector<16xi32>
      %and3A_1777 = arith.andi %ge3A_1769, %lt3A_1776 : vector<16xi1>
      %jit3A_1778 = arith.constant 11 : i32
      %broadcast_in_dim3A_1779 = vector.broadcast %jit3A_1778 : i32 to vector<16xi32>
      %select_n3A_1780 = arith.select %and3A_1777, %broadcast_in_dim3A_1779, %select_n3A_1765 : vector<16xi1>, vector<16xi32>
      %slice3A_1781 = vector.extract_strided_slice %sub3A_526 {offsets = [12], sizes = [1], strides = [1]} : vector<16xi32> to vector<1xi32>
      %squeeze3A_1782 = vector.extract %slice3A_1781[0] : i32 from vector<1xi32>
      %ge3A_1783 = vector.broadcast %squeeze3A_1782 : i32 to vector<16xi32>
      %ge3A_1784 = arith.cmpi sge, %mul3A_1598, %ge3A_1783 : vector<16xi32>
      %slice3A_1785 = vector.extract_strided_slice %sub3A_526 {offsets = [12], sizes = [1], strides = [1]} : vector<16xi32> to vector<1xi32>
      %squeeze3A_1786 = vector.extract %slice3A_1785[0] : i32 from vector<1xi32>
      %slice3A_1787 = vector.extract_strided_slice %shift_left3A_523 {offsets = [12], sizes = [1], strides = [1]} : vector<16xi32> to vector<1xi32>
      %squeeze3A_1788 = vector.extract %slice3A_1787[0] : i32 from vector<1xi32>
      %add3A_1789 = arith.addi %squeeze3A_1786, %squeeze3A_1788 : i32
      %lt3A_1790 = vector.broadcast %add3A_1789 : i32 to vector<16xi32>
      %lt3A_1791 = arith.cmpi slt, %mul3A_1598, %lt3A_1790 : vector<16xi32>
      %and3A_1792 = arith.andi %ge3A_1784, %lt3A_1791 : vector<16xi1>
      %jit3A_1793 = arith.constant 12 : i32
      %broadcast_in_dim3A_1794 = vector.broadcast %jit3A_1793 : i32 to vector<16xi32>
      %select_n3A_1795 = arith.select %and3A_1792, %broadcast_in_dim3A_1794, %select_n3A_1780 : vector<16xi1>, vector<16xi32>
      %slice3A_1796 = vector.extract_strided_slice %sub3A_526 {offsets = [13], sizes = [1], strides = [1]} : vector<16xi32> to vector<1xi32>
      %squeeze3A_1797 = vector.extract %slice3A_1796[0] : i32 from vector<1xi32>
      %ge3A_1798 = vector.broadcast %squeeze3A_1797 : i32 to vector<16xi32>
      %ge3A_1799 = arith.cmpi sge, %mul3A_1598, %ge3A_1798 : vector<16xi32>
      %slice3A_1800 = vector.extract_strided_slice %sub3A_526 {offsets = [13], sizes = [1], strides = [1]} : vector<16xi32> to vector<1xi32>
      %squeeze3A_1801 = vector.extract %slice3A_1800[0] : i32 from vector<1xi32>
      %slice3A_1802 = vector.extract_strided_slice %shift_left3A_523 {offsets = [13], sizes = [1], strides = [1]} : vector<16xi32> to vector<1xi32>
      %squeeze3A_1803 = vector.extract %slice3A_1802[0] : i32 from vector<1xi32>
      %add3A_1804 = arith.addi %squeeze3A_1801, %squeeze3A_1803 : i32
      %lt3A_1805 = vector.broadcast %add3A_1804 : i32 to vector<16xi32>
      %lt3A_1806 = arith.cmpi slt, %mul3A_1598, %lt3A_1805 : vector<16xi32>
      %and3A_1807 = arith.andi %ge3A_1799, %lt3A_1806 : vector<16xi1>
      %jit3A_1808 = arith.constant 13 : i32
      %broadcast_in_dim3A_1809 = vector.broadcast %jit3A_1808 : i32 to vector<16xi32>
      %select_n3A_1810 = arith.select %and3A_1807, %broadcast_in_dim3A_1809, %select_n3A_1795 : vector<16xi1>, vector<16xi32>
      %slice3A_1811 = vector.extract_strided_slice %sub3A_526 {offsets = [14], sizes = [1], strides = [1]} : vector<16xi32> to vector<1xi32>
      %squeeze3A_1812 = vector.extract %slice3A_1811[0] : i32 from vector<1xi32>
      %ge3A_1813 = vector.broadcast %squeeze3A_1812 : i32 to vector<16xi32>
      %ge3A_1814 = arith.cmpi sge, %mul3A_1598, %ge3A_1813 : vector<16xi32>
      %slice3A_1815 = vector.extract_strided_slice %sub3A_526 {offsets = [14], sizes = [1], strides = [1]} : vector<16xi32> to vector<1xi32>
      %squeeze3A_1816 = vector.extract %slice3A_1815[0] : i32 from vector<1xi32>
      %slice3A_1817 = vector.extract_strided_slice %shift_left3A_523 {offsets = [14], sizes = [1], strides = [1]} : vector<16xi32> to vector<1xi32>
      %squeeze3A_1818 = vector.extract %slice3A_1817[0] : i32 from vector<1xi32>
      %add3A_1819 = arith.addi %squeeze3A_1816, %squeeze3A_1818 : i32
      %lt3A_1820 = vector.broadcast %add3A_1819 : i32 to vector<16xi32>
      %lt3A_1821 = arith.cmpi slt, %mul3A_1598, %lt3A_1820 : vector<16xi32>
      %and3A_1822 = arith.andi %ge3A_1814, %lt3A_1821 : vector<16xi1>
      %jit3A_1823 = arith.constant 14 : i32
      %broadcast_in_dim3A_1824 = vector.broadcast %jit3A_1823 : i32 to vector<16xi32>
      %select_n3A_1825 = arith.select %and3A_1822, %broadcast_in_dim3A_1824, %select_n3A_1810 : vector<16xi1>, vector<16xi32>
      %slice3A_1826 = vector.extract_strided_slice %sub3A_526 {offsets = [15], sizes = [1], strides = [1]} : vector<16xi32> to vector<1xi32>
      %squeeze3A_1827 = vector.extract %slice3A_1826[0] : i32 from vector<1xi32>
      %ge3A_1828 = vector.broadcast %squeeze3A_1827 : i32 to vector<16xi32>
      %ge3A_1829 = arith.cmpi sge, %mul3A_1598, %ge3A_1828 : vector<16xi32>
      %slice3A_1830 = vector.extract_strided_slice %sub3A_526 {offsets = [15], sizes = [1], strides = [1]} : vector<16xi32> to vector<1xi32>
      %squeeze3A_1831 = vector.extract %slice3A_1830[0] : i32 from vector<1xi32>
      %slice3A_1832 = vector.extract_strided_slice %shift_left3A_523 {offsets = [15], sizes = [1], strides = [1]} : vector<16xi32> to vector<1xi32>
      %squeeze3A_1833 = vector.extract %slice3A_1832[0] : i32 from vector<1xi32>
      %add3A_1834 = arith.addi %squeeze3A_1831, %squeeze3A_1833 : i32
      %lt3A_1835 = vector.broadcast %add3A_1834 : i32 to vector<16xi32>
      %lt3A_1836 = arith.cmpi slt, %mul3A_1598, %lt3A_1835 : vector<16xi32>
      %and3A_1837 = arith.andi %ge3A_1829, %lt3A_1836 : vector<16xi1>
      %jit3A_1838 = arith.constant 15 : i32
      %broadcast_in_dim3A_1839 = vector.broadcast %jit3A_1838 : i32 to vector<16xi32>
      %select_n3A_1840 = arith.select %and3A_1837, %broadcast_in_dim3A_1839, %select_n3A_1825 : vector<16xi1>, vector<16xi32>
      %swap3A_1841 = arith.constant 64 : index
      %swap3A_1842 = tpu.vector_load %arg15[%swap3A_1841] {strides = array<i32>} : memref<80xi32, #tpu.memory_space<vmem>>, vector<16xi32>,
      tpu.vector_store %arg15[%swap3A_1841], %select_n3A_1840 {strides = array<i32>} : memref<80xi32, #tpu.memory_space<vmem>>, vector<16xi32>,
      "tpu.region"() ({
        %run_scoped3A_1843 = tpu.sem_alloc : memref<!tpu.dma_semaphore, #tpu.memory_space<semaphore_mem>>
        tpu.enqueue_dma source(%arg15 : memref<80xi32, #tpu.memory_space<vmem>>) target(%arg6 : memref<80xi32, #tpu.memory_space<hbm>>) target_semaphore(%run_scoped3A_1843 : memref<!tpu.dma_semaphore, #tpu.memory_space<semaphore_mem>>)
        tpu.wait_dma2 semaphore(%run_scoped3A_1843 : memref<!tpu.dma_semaphore, #tpu.memory_space<semaphore_mem>>) src(%arg15 : memref<80xi32, #tpu.memory_space<vmem>>) dst(%arg6 : memref<80xi32, #tpu.memory_space<hbm>>)
        tpu.yield
      }) : () -> ()
    } else {
    }
    %swap3A_530 = arith.constant 0 : index
    %swap3A_531 = tpu.vector_load %arg13[%swap3A_530] {strides = array<i32>} : memref<16xi32, #tpu.memory_space<vmem>>, vector<16xi32>,
    tpu.vector_store %arg13[%swap3A_530], %add3A_527 {strides = array<i32>} : memref<16xi32, #tpu.memory_space<vmem>>, vector<16xi32>,
    %scan3A_532 = arith.constant 0 : i32
    %scan3A_533 = arith.constant 0 : i32
    %scan3A_534 = arith.constant 8 : i32
    %scan3A_535 = arith.addi %scan3A_533, %scan3A_534 : i32
    %scan3A_536 = arith.constant 1 : i32
    scf.for %scan3A_597 = %scan3A_533 to %scan3A_535 step %scan3A_536  : i32 {
      %mul3A_598 = arith.constant 16 : i32
      %mul3A_599 = arith.muli %scan3A_597, %mul3A_598 : i32
      %get3A_600 = arith.index_cast %mul3A_599 : i32 to index
      %get3A_601 = tpu.vector_load %arg10[%get3A_600] {strides = array<i32>} : memref<256xi32, #tpu.memory_space<vmem>>, vector<16xi32>,
      %gather3A = tpu.vector_load_idx %arg13[%get3A_601] : memref<16xi32, #tpu.memory_space<vmem>>[vector<16xi32>], vector<16xi32>,
      %broadcast_in_dim3A_602 = arith.constant true
      %broadcast_in_dim3A_603 = vector.broadcast %broadcast_in_dim3A_602 : i1 to vector<16xi1>
      %unique3A, %unique3A_604 = tpu.scan_count mask(%broadcast_in_dim3A_603 : vector<16xi1>) value(%get3A_601 : vector<16xi32>) : vector<16xi1>, vector<16xi32>
      %add3A_605 = arith.addi %gather3A, %unique3A_604 : vector<16xi32>
      %sub3A_606 = arith.constant 1 : i32
      %sub3A_607 = vector.broadcast %sub3A_606 : i32 to vector<16xi32>
      %sub3A_608 = arith.subi %add3A_605, %sub3A_607 : vector<16xi32>
      %min3A = arith.constant 10239 : i32
      %min3A_609 = vector.broadcast %min3A : i32 to vector<16xi32>
      %min3A_610 = arith.minsi %sub3A_608, %min3A_609 : vector<16xi32>
      %mul3A_611 = arith.constant 16 : i32
      %mul3A_612 = arith.muli %scan3A_597, %mul3A_611 : i32
      %add3A_613 = vector.broadcast %mul3A_612 : i32 to vector<16xi32>
      %add3A_614 = arith.addi %add3A_613, %iota3A : vector<16xi32>
      %shift_right_arithmetic3A_615 = arith.constant 7 : i32
      %shift_right_arithmetic3A_616 = vector.broadcast %shift_right_arithmetic3A_615 : i32 to vector<16xi32>
      %shift_right_arithmetic3A_617 = arith.shrsi %add3A_614, %shift_right_arithmetic3A_616 : vector<16xi32>
      %and3A_618 = arith.constant 127 : i32
      %and3A_619 = vector.broadcast %and3A_618 : i32 to vector<16xi32>
      %and3A_620 = arith.andi %add3A_614, %and3A_619 : vector<16xi32>
      tpu.vector_store_idx %arg14[%shift_right_arithmetic3A_617, %and3A_620], %min3A_610 : memref<2x128xi32, #tpu.memory_space<vmem>>[vector<16xi32>, vector<16xi32>], vector<16xi32>,
      tpu.vector_store_idx %arg13[%get3A_601], %broadcast_in_dim3A_1 {add = true} : memref<16xi32, #tpu.memory_space<vmem>>[vector<16xi32>], vector<16xi32>,
    }
    %scan3A_537 = arith.constant 8 : i32
    %dma_wait3A = arith.constant 0 : i32
    %dma_wait3A_538 = tpu.memref_slice %arg4[%mul3A_3, %dma_wait3A] : memref<8192x256xf32, #tpu.memory_space<hbm>> -> memref<256x256xf32, #tpu.memory_space<hbm>>
    %dma_wait3A_539 = arith.constant 0 : i32
    %dma_wait3A_540 = tpu.memref_slice %arg4[%mul3A_3, %dma_wait3A_539] : memref<8192x256xf32, #tpu.memory_space<hbm>> -> memref<256x256xf32, #tpu.memory_space<hbm>>
    tpu.wait_dma2 semaphore(%arg18 : memref<!tpu.dma_semaphore, #tpu.memory_space<semaphore_mem>>) src(%dma_wait3A_540 : memref<256x256xf32, #tpu.memory_space<hbm>>) dst(%arg16 : memref<256x256xf32, #tpu.memory_space<vmem>>)
    %dma_start3A_541 = arith.constant 0 : i32
    %dma_start3A_542 = arith.constant 0 : i32
    %dma_start3A_543 = arith.constant 0 : i32
    %dma_start3A_544 = tpu.memref_slice %arg16[%dma_start3A_542, %dma_start3A_543] : memref<256x256xf32, #tpu.memory_space<vmem>> -> memref<128x256xf32, #tpu.memory_space<vmem>>
    %dma_start3A_545 = arith.constant 0 : i32
    %dma_start3A_546 = tpu.memref_slice %arg14[%dma_start3A_541, %dma_start3A_545] : memref<2x128xi32, #tpu.memory_space<vmem>> -> memref<1x128xi32, #tpu.memory_space<vmem>>
    %dma_start3A_547 = tpu.memref_squeeze %dma_start3A_546 : memref<1x128xi32, #tpu.memory_space<vmem>> -> memref<128xi32, #tpu.memory_space<vmem>>
    %dma_start3A_548 = arith.constant 0 : i32
    %dma_start3A_549 = arith.constant 0 : i32
    %dma_start3A_550 = tpu.memref_slice %arg7[%dma_start3A_548, %dma_start3A_549] : memref<10240x256xf32, #tpu.memory_space<hbm>> -> memref<10240x256xf32, #tpu.memory_space<hbm>>
    tpu.enqueue_indirect_dma source(%dma_start3A_544 : memref<128x256xf32, #tpu.memory_space<vmem>>) target(%dma_start3A_550 : memref<10240x256xf32, #tpu.memory_space<hbm>>) offsets(%dma_start3A_547 : memref<128xi32, #tpu.memory_space<vmem>>) semaphore(%arg17 : memref<!tpu.dma_semaphore, #tpu.memory_space<semaphore_mem>>)
    %scan3A_551 = arith.constant 0 : i32
    %scan3A_552 = arith.constant 8 : i32
    %scan3A_553 = arith.constant 8 : i32
    %scan3A_554 = arith.addi %scan3A_552, %scan3A_553 : i32
    %scan3A_555 = arith.constant 1 : i32
    scf.for %scan3A_597 = %scan3A_552 to %scan3A_554 step %scan3A_555  : i32 {
      %mul3A_598 = arith.constant 16 : i32
      %mul3A_599 = arith.muli %scan3A_597, %mul3A_598 : i32
      %get3A_600 = arith.index_cast %mul3A_599 : i32 to index
      %get3A_601 = tpu.vector_load %arg10[%get3A_600] {strides = array<i32>} : memref<256xi32, #tpu.memory_space<vmem>>, vector<16xi32>,
      %gather3A = tpu.vector_load_idx %arg13[%get3A_601] : memref<16xi32, #tpu.memory_space<vmem>>[vector<16xi32>], vector<16xi32>,
      %broadcast_in_dim3A_602 = arith.constant true
      %broadcast_in_dim3A_603 = vector.broadcast %broadcast_in_dim3A_602 : i1 to vector<16xi1>
      %unique3A, %unique3A_604 = tpu.scan_count mask(%broadcast_in_dim3A_603 : vector<16xi1>) value(%get3A_601 : vector<16xi32>) : vector<16xi1>, vector<16xi32>
      %add3A_605 = arith.addi %gather3A, %unique3A_604 : vector<16xi32>
      %sub3A_606 = arith.constant 1 : i32
      %sub3A_607 = vector.broadcast %sub3A_606 : i32 to vector<16xi32>
      %sub3A_608 = arith.subi %add3A_605, %sub3A_607 : vector<16xi32>
      %min3A = arith.constant 10239 : i32
      %min3A_609 = vector.broadcast %min3A : i32 to vector<16xi32>
      %min3A_610 = arith.minsi %sub3A_608, %min3A_609 : vector<16xi32>
      %mul3A_611 = arith.constant 16 : i32
      %mul3A_612 = arith.muli %scan3A_597, %mul3A_611 : i32
      %add3A_613 = vector.broadcast %mul3A_612 : i32 to vector<16xi32>
      %add3A_614 = arith.addi %add3A_613, %iota3A : vector<16xi32>
      %shift_right_arithmetic3A_615 = arith.constant 7 : i32
      %shift_right_arithmetic3A_616 = vector.broadcast %shift_right_arithmetic3A_615 : i32 to vector<16xi32>
      %shift_right_arithmetic3A_617 = arith.shrsi %add3A_614, %shift_right_arithmetic3A_616 : vector<16xi32>
      %and3A_618 = arith.constant 127 : i32
      %and3A_619 = vector.broadcast %and3A_618 : i32 to vector<16xi32>
      %and3A_620 = arith.andi %add3A_614, %and3A_619 : vector<16xi32>
      tpu.vector_store_idx %arg14[%shift_right_arithmetic3A_617, %and3A_620], %min3A_610 : memref<2x128xi32, #tpu.memory_space<vmem>>[vector<16xi32>, vector<16xi32>], vector<16xi32>,
      tpu.vector_store_idx %arg13[%get3A_601], %broadcast_in_dim3A_1 {add = true} : memref<16xi32, #tpu.memory_space<vmem>>[vector<16xi32>], vector<16xi32>,
    }
    %scan3A_556 = arith.constant 8 : i32
    %dma_start3A_557 = arith.constant 1 : i32
    %dma_start3A_558 = arith.constant 128 : i32
    %dma_start3A_559 = arith.constant 0 : i32
    %dma_start3A_560 = tpu.memref_slice %arg16[%dma_start3A_558, %dma_start3A_559] : memref<256x256xf32, #tpu.memory_space<vmem>> -> memref<128x256xf32, #tpu.memory_space<vmem>>
    %dma_start3A_561 = arith.constant 0 : i32
    %dma_start3A_562 = tpu.memref_slice %arg14[%dma_start3A_557, %dma_start3A_561] : memref<2x128xi32, #tpu.memory_space<vmem>> -> memref<1x128xi32, #tpu.memory_space<vmem>>
    %dma_start3A_563 = tpu.memref_squeeze %dma_start3A_562 : memref<1x128xi32, #tpu.memory_space<vmem>> -> memref<128xi32, #tpu.memory_space<vmem>>
    %dma_start3A_564 = arith.constant 0 : i32
    %dma_start3A_565 = arith.constant 0 : i32
    %dma_start3A_566 = tpu.memref_slice %arg7[%dma_start3A_564, %dma_start3A_565] : memref<10240x256xf32, #tpu.memory_space<hbm>> -> memref<10240x256xf32, #tpu.memory_space<hbm>>
    tpu.enqueue_indirect_dma source(%dma_start3A_560 : memref<128x256xf32, #tpu.memory_space<vmem>>) target(%dma_start3A_566 : memref<10240x256xf32, #tpu.memory_space<hbm>>) offsets(%dma_start3A_563 : memref<128xi32, #tpu.memory_space<vmem>>) semaphore(%arg17 : memref<!tpu.dma_semaphore, #tpu.memory_space<semaphore_mem>>)
    %mul3A_567 = arith.constant 2 : i32
    %mul3A_568 = arith.muli %add3A, %mul3A_567 : i32
    %dma_start3A_569 = arith.constant 0 : i32
    %dma_start3A_570 = tpu.memref_slice %arg5[%mul3A_568, %dma_start3A_569] : memref<64x128xi32, #tpu.memory_space<hbm>> -> memref<2x128xi32, #tpu.memory_space<hbm>>
    %dma_start3A_571 = arith.constant 0 : i32
    %dma_start3A_572 = tpu.memref_slice %arg5[%mul3A_568, %dma_start3A_571] : memref<64x128xi32, #tpu.memory_space<hbm>> -> memref<2x128xi32, #tpu.memory_space<hbm>>
    tpu.enqueue_dma source(%arg14 : memref<2x128xi32, #tpu.memory_space<vmem>>) target(%dma_start3A_572 : memref<2x128xi32, #tpu.memory_space<hbm>>) target_semaphore(%arg18 : memref<!tpu.dma_semaphore, #tpu.memory_space<semaphore_mem>>)
    %dma_wait3A_573 = arith.constant 0 : i32
    %dma_wait3A_574 = arith.constant 0 : i32
    %dma_wait3A_575 = arith.constant 0 : i32
    %dma_wait3A_576 = tpu.memref_slice %arg16[%dma_wait3A_574, %dma_wait3A_575] : memref<256x256xf32, #tpu.memory_space<vmem>> -> memref<128x256xf32, #tpu.memory_space<vmem>>
    %dma_wait3A_577 = arith.constant 0 : i32
    %dma_wait3A_578 = tpu.memref_slice %arg14[%dma_wait3A_573, %dma_wait3A_577] : memref<2x128xi32, #tpu.memory_space<vmem>> -> memref<1x128xi32, #tpu.memory_space<vmem>>
    %dma_wait3A_579 = tpu.memref_squeeze %dma_wait3A_578 : memref<1x128xi32, #tpu.memory_space<vmem>> -> memref<128xi32, #tpu.memory_space<vmem>>
    %dma_wait3A_580 = arith.constant 0 : i32
    %dma_wait3A_581 = arith.constant 0 : i32
    %dma_wait3A_582 = tpu.memref_slice %arg7[%dma_wait3A_580, %dma_wait3A_581] : memref<10240x256xf32, #tpu.memory_space<hbm>> -> memref<10240x256xf32, #tpu.memory_space<hbm>>
    tpu.wait_indirect_dma semaphore(%arg17 : memref<!tpu.dma_semaphore, #tpu.memory_space<semaphore_mem>>) src(%dma_wait3A_576 : memref<128x256xf32, #tpu.memory_space<vmem>>) dst(%dma_wait3A_582 : memref<10240x256xf32, #tpu.memory_space<hbm>>)
    %dma_wait3A_583 = arith.constant 1 : i32
    %dma_wait3A_584 = arith.constant 128 : i32
    %dma_wait3A_585 = arith.constant 0 : i32
    %dma_wait3A_586 = tpu.memref_slice %arg16[%dma_wait3A_584, %dma_wait3A_585] : memref<256x256xf32, #tpu.memory_space<vmem>> -> memref<128x256xf32, #tpu.memory_space<vmem>>
    %dma_wait3A_587 = arith.constant 0 : i32
    %dma_wait3A_588 = tpu.memref_slice %arg14[%dma_wait3A_583, %dma_wait3A_587] : memref<2x128xi32, #tpu.memory_space<vmem>> -> memref<1x128xi32, #tpu.memory_space<vmem>>
    %dma_wait3A_589 = tpu.memref_squeeze %dma_wait3A_588 : memref<1x128xi32, #tpu.memory_space<vmem>> -> memref<128xi32, #tpu.memory_space<vmem>>
    %dma_wait3A_590 = arith.constant 0 : i32
    %dma_wait3A_591 = arith.constant 0 : i32
    %dma_wait3A_592 = tpu.memref_slice %arg7[%dma_wait3A_590, %dma_wait3A_591] : memref<10240x256xf32, #tpu.memory_space<hbm>> -> memref<10240x256xf32, #tpu.memory_space<hbm>>
    tpu.wait_indirect_dma semaphore(%arg17 : memref<!tpu.dma_semaphore, #tpu.memory_space<semaphore_mem>>) src(%dma_wait3A_586 : memref<128x256xf32, #tpu.memory_space<vmem>>) dst(%dma_wait3A_592 : memref<10240x256xf32, #tpu.memory_space<hbm>>)
    %dma_wait3A_593 = arith.constant 0 : i32
    %dma_wait3A_594 = tpu.memref_slice %arg5[%mul3A_568, %dma_wait3A_593] : memref<64x128xi32, #tpu.memory_space<hbm>> -> memref<2x128xi32, #tpu.memory_space<hbm>>
    %dma_wait3A_595 = arith.constant 0 : i32
    %dma_wait3A_596 = tpu.memref_slice %arg5[%mul3A_568, %dma_wait3A_595] : memref<64x128xi32, #tpu.memory_space<hbm>> -> memref<2x128xi32, #tpu.memory_space<hbm>>
    tpu.wait_dma2 semaphore(%arg18 : memref<!tpu.dma_semaphore, #tpu.memory_space<semaphore_mem>>) src(%arg14 : memref<2x128xi32, #tpu.memory_space<vmem>>) dst(%dma_wait3A_596 : memref<2x128xi32, #tpu.memory_space<hbm>>)
    return
  }
}

#map = affine_map<(d0, d1) -> (0, 0)>
module attributes {stable_mosaic.version = 14 : i64} {
  func.func @_gath_body(%arg0: i32, %arg1: i32, %arg2: memref<64x128xi32, #tpu.memory_space<hbm>>, %arg3: memref<10240x128xf32, #tpu.memory_space<hbm>>, %arg4: memref<10240x128xf32, #tpu.memory_space<hbm>>, %arg5: memref<8192x128xf32, #tpu.memory_space<hbm>>, %arg6: memref<8192x128xf32, #tpu.memory_space<hbm>>, %arg7: memref<2x128xi32, #tpu.memory_space<vmem>>, %arg8: memref<256x128xf32, #tpu.memory_space<vmem>>, %arg9: memref<256x128xf32, #tpu.memory_space<vmem>>, %arg10: memref<!tpu.dma_semaphore, #tpu.memory_space<semaphore_mem>>, %arg11: memref<!tpu.dma_semaphore, #tpu.memory_space<semaphore_mem>>, %arg12: memref<!tpu.dma_semaphore, #tpu.memory_space<semaphore_mem>>) attributes {dimension_semantics = [#tpu.dimension_semantics<core_parallel>, #tpu.dimension_semantics<subcore_parallel>], iteration_bounds = array<i64: 2, 16>, scalar_prefetch = 0 : i64, scratch_operands = 6 : i64, tpu.core_type = #tpu.core_type<sc_vector_subcore>, window_params = [{transform_indices = #map}, {transform_indices = #map}, {transform_indices = #map}, {transform_indices = #map}, {transform_indices = #map}]} {
    %mul3A = arith.constant 2 : i32
    %mul3A_0 = arith.muli %arg1, %mul3A : i32
    %add3A = arith.addi %mul3A_0, %arg0 : i32
    %mul3A_1 = arith.constant 2 : i32
    %mul3A_2 = arith.muli %add3A, %mul3A_1 : i32
    "tpu.region"() ({
      %run_scoped3A = tpu.sem_alloc : memref<!tpu.dma_semaphore, #tpu.memory_space<semaphore_mem>>
      %dma_start3A_101 = arith.constant 0 : i32
      %dma_start3A_102 = tpu.memref_slice %arg2[%mul3A_2, %dma_start3A_101] : memref<64x128xi32, #tpu.memory_space<hbm>> -> memref<2x128xi32, #tpu.memory_space<hbm>>
      %dma_start3A_103 = arith.constant 0 : i32
      %dma_start3A_104 = tpu.memref_slice %arg2[%mul3A_2, %dma_start3A_103] : memref<64x128xi32, #tpu.memory_space<hbm>> -> memref<2x128xi32, #tpu.memory_space<hbm>>
      tpu.enqueue_dma source(%dma_start3A_104 : memref<2x128xi32, #tpu.memory_space<hbm>>) target(%arg7 : memref<2x128xi32, #tpu.memory_space<vmem>>) target_semaphore(%run_scoped3A : memref<!tpu.dma_semaphore, #tpu.memory_space<semaphore_mem>>)
      %dma_wait3A_105 = arith.constant 0 : i32
      %dma_wait3A_106 = tpu.memref_slice %arg2[%mul3A_2, %dma_wait3A_105] : memref<64x128xi32, #tpu.memory_space<hbm>> -> memref<2x128xi32, #tpu.memory_space<hbm>>
      %dma_wait3A_107 = arith.constant 0 : i32
      %dma_wait3A_108 = tpu.memref_slice %arg2[%mul3A_2, %dma_wait3A_107] : memref<64x128xi32, #tpu.memory_space<hbm>> -> memref<2x128xi32, #tpu.memory_space<hbm>>
      tpu.wait_dma2 semaphore(%run_scoped3A : memref<!tpu.dma_semaphore, #tpu.memory_space<semaphore_mem>>) src(%dma_wait3A_108 : memref<2x128xi32, #tpu.memory_space<hbm>>) dst(%arg7 : memref<2x128xi32, #tpu.memory_space<vmem>>)
      tpu.yield
    }) : () -> ()
    %dma_start3A = arith.constant 0 : i32
    %dma_start3A_3 = arith.constant 0 : i32
    %dma_start3A_4 = arith.constant 0 : i32
    %dma_start3A_5 = tpu.memref_slice %arg8[%dma_start3A_3, %dma_start3A_4] : memref<256x128xf32, #tpu.memory_space<vmem>> -> memref<128x128xf32, #tpu.memory_space<vmem>>
    %dma_start3A_6 = arith.constant 0 : i32
    %dma_start3A_7 = tpu.memref_slice %arg7[%dma_start3A, %dma_start3A_6] : memref<2x128xi32, #tpu.memory_space<vmem>> -> memref<1x128xi32, #tpu.memory_space<vmem>>
    %dma_start3A_8 = tpu.memref_squeeze %dma_start3A_7 : memref<1x128xi32, #tpu.memory_space<vmem>> -> memref<128xi32, #tpu.memory_space<vmem>>
    %dma_start3A_9 = arith.constant 0 : i32
    %dma_start3A_10 = arith.constant 0 : i32
    %dma_start3A_11 = tpu.memref_slice %arg3[%dma_start3A_9, %dma_start3A_10] : memref<10240x128xf32, #tpu.memory_space<hbm>> -> memref<10240x128xf32, #tpu.memory_space<hbm>>
    tpu.enqueue_indirect_dma source(%dma_start3A_11 : memref<10240x128xf32, #tpu.memory_space<hbm>>) target(%dma_start3A_5 : memref<128x128xf32, #tpu.memory_space<vmem>>) offsets(%dma_start3A_8 : memref<128xi32, #tpu.memory_space<vmem>>) semaphore(%arg10 : memref<!tpu.dma_semaphore, #tpu.memory_space<semaphore_mem>>)
    %dma_start3A_12 = arith.constant 1 : i32
    %dma_start3A_13 = arith.constant 128 : i32
    %dma_start3A_14 = arith.constant 0 : i32
    %dma_start3A_15 = tpu.memref_slice %arg8[%dma_start3A_13, %dma_start3A_14] : memref<256x128xf32, #tpu.memory_space<vmem>> -> memref<128x128xf32, #tpu.memory_space<vmem>>
    %dma_start3A_16 = arith.constant 0 : i32
    %dma_start3A_17 = tpu.memref_slice %arg7[%dma_start3A_12, %dma_start3A_16] : memref<2x128xi32, #tpu.memory_space<vmem>> -> memref<1x128xi32, #tpu.memory_space<vmem>>
    %dma_start3A_18 = tpu.memref_squeeze %dma_start3A_17 : memref<1x128xi32, #tpu.memory_space<vmem>> -> memref<128xi32, #tpu.memory_space<vmem>>
    %dma_start3A_19 = arith.constant 0 : i32
    %dma_start3A_20 = arith.constant 0 : i32
    %dma_start3A_21 = tpu.memref_slice %arg3[%dma_start3A_19, %dma_start3A_20] : memref<10240x128xf32, #tpu.memory_space<hbm>> -> memref<10240x128xf32, #tpu.memory_space<hbm>>
    tpu.enqueue_indirect_dma source(%dma_start3A_21 : memref<10240x128xf32, #tpu.memory_space<hbm>>) target(%dma_start3A_15 : memref<128x128xf32, #tpu.memory_space<vmem>>) offsets(%dma_start3A_18 : memref<128xi32, #tpu.memory_space<vmem>>) semaphore(%arg10 : memref<!tpu.dma_semaphore, #tpu.memory_space<semaphore_mem>>)
    %dma_start3A_22 = arith.constant 0 : i32
    %dma_start3A_23 = arith.constant 0 : i32
    %dma_start3A_24 = arith.constant 0 : i32
    %dma_start3A_25 = tpu.memref_slice %arg9[%dma_start3A_23, %dma_start3A_24] : memref<256x128xf32, #tpu.memory_space<vmem>> -> memref<128x128xf32, #tpu.memory_space<vmem>>
    %dma_start3A_26 = arith.constant 0 : i32
    %dma_start3A_27 = tpu.memref_slice %arg7[%dma_start3A_22, %dma_start3A_26] : memref<2x128xi32, #tpu.memory_space<vmem>> -> memref<1x128xi32, #tpu.memory_space<vmem>>
    %dma_start3A_28 = tpu.memref_squeeze %dma_start3A_27 : memref<1x128xi32, #tpu.memory_space<vmem>> -> memref<128xi32, #tpu.memory_space<vmem>>
    %dma_start3A_29 = arith.constant 0 : i32
    %dma_start3A_30 = arith.constant 0 : i32
    %dma_start3A_31 = tpu.memref_slice %arg4[%dma_start3A_29, %dma_start3A_30] : memref<10240x128xf32, #tpu.memory_space<hbm>> -> memref<10240x128xf32, #tpu.memory_space<hbm>>
    tpu.enqueue_indirect_dma source(%dma_start3A_31 : memref<10240x128xf32, #tpu.memory_space<hbm>>) target(%dma_start3A_25 : memref<128x128xf32, #tpu.memory_space<vmem>>) offsets(%dma_start3A_28 : memref<128xi32, #tpu.memory_space<vmem>>) semaphore(%arg11 : memref<!tpu.dma_semaphore, #tpu.memory_space<semaphore_mem>>)
    %dma_start3A_32 = arith.constant 1 : i32
    %dma_start3A_33 = arith.constant 128 : i32
    %dma_start3A_34 = arith.constant 0 : i32
    %dma_start3A_35 = tpu.memref_slice %arg9[%dma_start3A_33, %dma_start3A_34] : memref<256x128xf32, #tpu.memory_space<vmem>> -> memref<128x128xf32, #tpu.memory_space<vmem>>
    %dma_start3A_36 = arith.constant 0 : i32
    %dma_start3A_37 = tpu.memref_slice %arg7[%dma_start3A_32, %dma_start3A_36] : memref<2x128xi32, #tpu.memory_space<vmem>> -> memref<1x128xi32, #tpu.memory_space<vmem>>
    %dma_start3A_38 = tpu.memref_squeeze %dma_start3A_37 : memref<1x128xi32, #tpu.memory_space<vmem>> -> memref<128xi32, #tpu.memory_space<vmem>>
    %dma_start3A_39 = arith.constant 0 : i32
    %dma_start3A_40 = arith.constant 0 : i32
    %dma_start3A_41 = tpu.memref_slice %arg4[%dma_start3A_39, %dma_start3A_40] : memref<10240x128xf32, #tpu.memory_space<hbm>> -> memref<10240x128xf32, #tpu.memory_space<hbm>>
    tpu.enqueue_indirect_dma source(%dma_start3A_41 : memref<10240x128xf32, #tpu.memory_space<hbm>>) target(%dma_start3A_35 : memref<128x128xf32, #tpu.memory_space<vmem>>) offsets(%dma_start3A_38 : memref<128xi32, #tpu.memory_space<vmem>>) semaphore(%arg11 : memref<!tpu.dma_semaphore, #tpu.memory_space<semaphore_mem>>)
    %dma_wait3A = arith.constant 0 : i32
    %dma_wait3A_42 = arith.constant 0 : i32
    %dma_wait3A_43 = arith.constant 0 : i32
    %dma_wait3A_44 = tpu.memref_slice %arg8[%dma_wait3A_42, %dma_wait3A_43] : memref<256x128xf32, #tpu.memory_space<vmem>> -> memref<128x128xf32, #tpu.memory_space<vmem>>
    %dma_wait3A_45 = arith.constant 0 : i32
    %dma_wait3A_46 = tpu.memref_slice %arg7[%dma_wait3A, %dma_wait3A_45] : memref<2x128xi32, #tpu.memory_space<vmem>> -> memref<1x128xi32, #tpu.memory_space<vmem>>
    %dma_wait3A_47 = tpu.memref_squeeze %dma_wait3A_46 : memref<1x128xi32, #tpu.memory_space<vmem>> -> memref<128xi32, #tpu.memory_space<vmem>>
    %dma_wait3A_48 = arith.constant 0 : i32
    %dma_wait3A_49 = arith.constant 0 : i32
    %dma_wait3A_50 = tpu.memref_slice %arg3[%dma_wait3A_48, %dma_wait3A_49] : memref<10240x128xf32, #tpu.memory_space<hbm>> -> memref<10240x128xf32, #tpu.memory_space<hbm>>
    tpu.wait_indirect_dma semaphore(%arg10 : memref<!tpu.dma_semaphore, #tpu.memory_space<semaphore_mem>>) src(%dma_wait3A_50 : memref<10240x128xf32, #tpu.memory_space<hbm>>) dst(%dma_wait3A_44 : memref<128x128xf32, #tpu.memory_space<vmem>>)
    %dma_wait3A_51 = arith.constant 1 : i32
    %dma_wait3A_52 = arith.constant 128 : i32
    %dma_wait3A_53 = arith.constant 0 : i32
    %dma_wait3A_54 = tpu.memref_slice %arg8[%dma_wait3A_52, %dma_wait3A_53] : memref<256x128xf32, #tpu.memory_space<vmem>> -> memref<128x128xf32, #tpu.memory_space<vmem>>
    %dma_wait3A_55 = arith.constant 0 : i32
    %dma_wait3A_56 = tpu.memref_slice %arg7[%dma_wait3A_51, %dma_wait3A_55] : memref<2x128xi32, #tpu.memory_space<vmem>> -> memref<1x128xi32, #tpu.memory_space<vmem>>
    %dma_wait3A_57 = tpu.memref_squeeze %dma_wait3A_56 : memref<1x128xi32, #tpu.memory_space<vmem>> -> memref<128xi32, #tpu.memory_space<vmem>>
    %dma_wait3A_58 = arith.constant 0 : i32
    %dma_wait3A_59 = arith.constant 0 : i32
    %dma_wait3A_60 = tpu.memref_slice %arg3[%dma_wait3A_58, %dma_wait3A_59] : memref<10240x128xf32, #tpu.memory_space<hbm>> -> memref<10240x128xf32, #tpu.memory_space<hbm>>
    tpu.wait_indirect_dma semaphore(%arg10 : memref<!tpu.dma_semaphore, #tpu.memory_space<semaphore_mem>>) src(%dma_wait3A_60 : memref<10240x128xf32, #tpu.memory_space<hbm>>) dst(%dma_wait3A_54 : memref<128x128xf32, #tpu.memory_space<vmem>>)
    %mul3A_61 = arith.constant 256 : i32
    %mul3A_62 = arith.muli %add3A, %mul3A_61 : i32
    %dma_start3A_63 = arith.constant 0 : i32
    %dma_start3A_64 = tpu.memref_slice %arg5[%mul3A_62, %dma_start3A_63] : memref<8192x128xf32, #tpu.memory_space<hbm>> -> memref<256x128xf32, #tpu.memory_space<hbm>>
    %dma_start3A_65 = arith.constant 0 : i32
    %dma_start3A_66 = tpu.memref_slice %arg5[%mul3A_62, %dma_start3A_65] : memref<8192x128xf32, #tpu.memory_space<hbm>> -> memref<256x128xf32, #tpu.memory_space<hbm>>
    tpu.enqueue_dma source(%arg8 : memref<256x128xf32, #tpu.memory_space<vmem>>) target(%dma_start3A_66 : memref<256x128xf32, #tpu.memory_space<hbm>>) target_semaphore(%arg12 : memref<!tpu.dma_semaphore, #tpu.memory_space<semaphore_mem>>)
    %dma_wait3A_67 = arith.constant 0 : i32
    %dma_wait3A_68 = arith.constant 0 : i32
    %dma_wait3A_69 = arith.constant 0 : i32
    %dma_wait3A_70 = tpu.memref_slice %arg9[%dma_wait3A_68, %dma_wait3A_69] : memref<256x128xf32, #tpu.memory_space<vmem>> -> memref<128x128xf32, #tpu.memory_space<vmem>>
    %dma_wait3A_71 = arith.constant 0 : i32
    %dma_wait3A_72 = tpu.memref_slice %arg7[%dma_wait3A_67, %dma_wait3A_71] : memref<2x128xi32, #tpu.memory_space<vmem>> -> memref<1x128xi32, #tpu.memory_space<vmem>>
    %dma_wait3A_73 = tpu.memref_squeeze %dma_wait3A_72 : memref<1x128xi32, #tpu.memory_space<vmem>> -> memref<128xi32, #tpu.memory_space<vmem>>
    %dma_wait3A_74 = arith.constant 0 : i32
    %dma_wait3A_75 = arith.constant 0 : i32
    %dma_wait3A_76 = tpu.memref_slice %arg4[%dma_wait3A_74, %dma_wait3A_75] : memref<10240x128xf32, #tpu.memory_space<hbm>> -> memref<10240x128xf32, #tpu.memory_space<hbm>>
    tpu.wait_indirect_dma semaphore(%arg11 : memref<!tpu.dma_semaphore, #tpu.memory_space<semaphore_mem>>) src(%dma_wait3A_76 : memref<10240x128xf32, #tpu.memory_space<hbm>>) dst(%dma_wait3A_70 : memref<128x128xf32, #tpu.memory_space<vmem>>)
    %dma_wait3A_77 = arith.constant 1 : i32
    %dma_wait3A_78 = arith.constant 128 : i32
    %dma_wait3A_79 = arith.constant 0 : i32
    %dma_wait3A_80 = tpu.memref_slice %arg9[%dma_wait3A_78, %dma_wait3A_79] : memref<256x128xf32, #tpu.memory_space<vmem>> -> memref<128x128xf32, #tpu.memory_space<vmem>>
    %dma_wait3A_81 = arith.constant 0 : i32
    %dma_wait3A_82 = tpu.memref_slice %arg7[%dma_wait3A_77, %dma_wait3A_81] : memref<2x128xi32, #tpu.memory_space<vmem>> -> memref<1x128xi32, #tpu.memory_space<vmem>>
    %dma_wait3A_83 = tpu.memref_squeeze %dma_wait3A_82 : memref<1x128xi32, #tpu.memory_space<vmem>> -> memref<128xi32, #tpu.memory_space<vmem>>
    %dma_wait3A_84 = arith.constant 0 : i32
    %dma_wait3A_85 = arith.constant 0 : i32
    %dma_wait3A_86 = tpu.memref_slice %arg4[%dma_wait3A_84, %dma_wait3A_85] : memref<10240x128xf32, #tpu.memory_space<hbm>> -> memref<10240x128xf32, #tpu.memory_space<hbm>>
    tpu.wait_indirect_dma semaphore(%arg11 : memref<!tpu.dma_semaphore, #tpu.memory_space<semaphore_mem>>) src(%dma_wait3A_86 : memref<10240x128xf32, #tpu.memory_space<hbm>>) dst(%dma_wait3A_80 : memref<128x128xf32, #tpu.memory_space<vmem>>)
    %mul3A_87 = arith.constant 256 : i32
    %mul3A_88 = arith.muli %add3A, %mul3A_87 : i32
    %dma_start3A_89 = arith.constant 0 : i32
    %dma_start3A_90 = tpu.memref_slice %arg6[%mul3A_88, %dma_start3A_89] : memref<8192x128xf32, #tpu.memory_space<hbm>> -> memref<256x128xf32, #tpu.memory_space<hbm>>
    %dma_start3A_91 = arith.constant 0 : i32
    %dma_start3A_92 = tpu.memref_slice %arg6[%mul3A_88, %dma_start3A_91] : memref<8192x128xf32, #tpu.memory_space<hbm>> -> memref<256x128xf32, #tpu.memory_space<hbm>>
    tpu.enqueue_dma source(%arg9 : memref<256x128xf32, #tpu.memory_space<vmem>>) target(%dma_start3A_92 : memref<256x128xf32, #tpu.memory_space<hbm>>) target_semaphore(%arg12 : memref<!tpu.dma_semaphore, #tpu.memory_space<semaphore_mem>>)
    %dma_wait3A_93 = arith.constant 0 : i32
    %dma_wait3A_94 = tpu.memref_slice %arg5[%mul3A_62, %dma_wait3A_93] : memref<8192x128xf32, #tpu.memory_space<hbm>> -> memref<256x128xf32, #tpu.memory_space<hbm>>
    %dma_wait3A_95 = arith.constant 0 : i32
    %dma_wait3A_96 = tpu.memref_slice %arg5[%mul3A_62, %dma_wait3A_95] : memref<8192x128xf32, #tpu.memory_space<hbm>> -> memref<256x128xf32, #tpu.memory_space<hbm>>
    tpu.wait_dma2 semaphore(%arg12 : memref<!tpu.dma_semaphore, #tpu.memory_space<semaphore_mem>>) src(%arg8 : memref<256x128xf32, #tpu.memory_space<vmem>>) dst(%dma_wait3A_96 : memref<256x128xf32, #tpu.memory_space<hbm>>)
    %dma_wait3A_97 = arith.constant 0 : i32
    %dma_wait3A_98 = tpu.memref_slice %arg6[%mul3A_88, %dma_wait3A_97] : memref<8192x128xf32, #tpu.memory_space<hbm>> -> memref<256x128xf32, #tpu.memory_space<hbm>>
    %dma_wait3A_99 = arith.constant 0 : i32
    %dma_wait3A_100 = tpu.memref_slice %arg6[%mul3A_88, %dma_wait3A_99] : memref<8192x128xf32, #tpu.memory_space<hbm>> -> memref<256x128xf32, #tpu.memory_space<hbm>>
    tpu.wait_dma2 semaphore(%arg12 : memref<!tpu.dma_semaphore, #tpu.memory_space<semaphore_mem>>) src(%arg9 : memref<256x128xf32, #tpu.memory_space<vmem>>) dst(%dma_wait3A_100 : memref<256x128xf32, #tpu.memory_space<hbm>>)
    return
  }
}

module attributes {stable_mosaic.version = 14 : i64} {
  func.func @_emap_body(%arg0: memref<128x64xf32, #tpu.memory_space<vmem>>, %arg1: memref<64x16xf32, #tpu.memory_space<vmem>>, %arg2: memref<1x16xf32, #tpu.memory_space<vmem>>, %arg3: memref<1x128xi32, #tpu.memory_space<vmem>>) attributes {dimension_semantics = [], scalar_prefetch = 0 : i64, scratch_operands = 0 : i64, tpu.core_type = #tpu.core_type<tc>} {
    %get3A = arith.constant 0 : index
    %get3A_0 = arith.constant 0 : index
    %get3A_1 = vector.load %arg0[%get3A, %get3A_0] : memref<128x64xf32, #tpu.memory_space<vmem>>, vector<128x64xf32>
    %get3A_2 = arith.constant 0 : index
    %get3A_3 = arith.constant 0 : index
    %get3A_4 = vector.load %arg1[%get3A_2, %get3A_3] : memref<64x16xf32, #tpu.memory_space<vmem>>, vector<64x16xf32>
    %dot_general3A = arith.constant dense<0.000000e+00> : vector<128x16xf32>
    %dot_general3A_5 = tpu.matmul %get3A_1, %get3A_4, %dot_general3A {dimension_numbers = #tpu.dot_dimension_numbers<[1], [0], [0], [1], [0, 0, 1, 1], [], []>, transpose_lhs_hint = false} : vector<128x64xf32>, vector<64x16xf32>, vector<128x16xf32> -> vector<128x16xf32>
    %get3A_6 = arith.constant 0 : index
    %get3A_7 = arith.constant 0 : index
    %get3A_8 = vector.load %arg2[%get3A_6, %get3A_7] : memref<1x16xf32, #tpu.memory_space<vmem>>, vector<1x16xf32>
    %add3A = vector.broadcast %get3A_8 : vector<1x16xf32> to vector<128x16xf32>
    %add3A_9 = arith.addf %dot_general3A_5, %add3A : vector<128x16xf32>
    %argmax3A = tpu.reduce_index %add3A_9 {axis = 1 : i32, kind = #tpu.reduction_kind<arg_max>} : vector<128x16xf32> -> vector<128xi32>
    %broadcast_in_dim3A = vector.shape_cast %argmax3A : vector<128xi32> to vector<1x128xi32>
    %swap3A = arith.constant 0 : index
    %swap3A_10 = arith.constant 0 : index
    %swap3A_11 = vector.load %arg3[%swap3A, %swap3A_10] : memref<1x128xi32, #tpu.memory_space<vmem>>, vector<1x128xi32>
    tpu.vector_store %arg3[%swap3A, %swap3A_10], %broadcast_in_dim3A {strides = array<i32>} : memref<1x128xi32, #tpu.memory_space<vmem>>, vector<1x128xi32>,
    return
  }
}

module attributes {stable_mosaic.version = 14 : i64} {
  func.func @_gemm_body(%arg0: i32, %arg1: memref<80xi32, #tpu.memory_space<smem>>, %arg2: memref<5120x256xf32, #tpu.memory_space<vmem>>, %arg3: memref<16x256x256xbf16, #tpu.memory_space<vmem>>, %arg4: memref<16x256xf32, #tpu.memory_space<vmem>>, %arg5: memref<5120x128xf32, #tpu.memory_space<vmem>>, %arg6: memref<5120x128xf32, #tpu.memory_space<vmem>>) attributes {dimension_semantics = [#tpu.dimension_semantics<arbitrary>], iteration_bounds = array<i64: 2>, scalar_prefetch = 1 : i64, scratch_operands = 0 : i64, tpu.core_type = #tpu.core_type<tc>, window_params = [{transform_indices = @transform_0, window_bounds = array<i64: 5120, 256>}, {pipeline_mode = #tpu.pipeline_mode<synchronous>, transform_indices = @transform_1, window_bounds = array<i64: 16, 256, 256>}, {pipeline_mode = #tpu.pipeline_mode<synchronous>, transform_indices = @transform_2, window_bounds = array<i64: 16, 256>}, {transform_indices = @transform_3, window_bounds = array<i64: 5120, 128>}, {transform_indices = @transform_4, window_bounds = array<i64: 5120, 128>}]} {
    %mul3A = arith.constant 40 : i32
    %mul3A_0 = arith.muli %arg0, %mul3A : i32
    %add3A = arith.constant 0 : i32
    %add3A_1 = arith.addi %mul3A_0, %add3A : i32
    %get3A = arith.index_cast %add3A_1 : i32 to index
    %get3A_2 = memref.load %arg1[%get3A] : memref<80xi32, #tpu.memory_space<smem>>
    %get3A_3 = arith.constant 0 : index
    %get3A_4 = arith.constant 0 : index
    %get3A_5 = vector.load %arg2[%get3A_3, %get3A_4] : memref<5120x256xf32, #tpu.memory_space<vmem>>, vector<128x256xf32>
    %convert_element_type3A = arith.truncf %get3A_5 : vector<128x256xf32> to vector<128x256xbf16>
    %get3A_6 = arith.index_cast %get3A_2 : i32 to index
    %get3A_7 = arith.constant 0 : index
    %get3A_8 = arith.constant 0 : index
    %get3A_9 = vector.load %arg3[%get3A_6, %get3A_7, %get3A_8] : memref<16x256x256xbf16, #tpu.memory_space<vmem>>, vector<1x256x256xbf16>
    %squeeze3A = vector.shape_cast %get3A_9 : vector<1x256x256xbf16> to vector<256x256xbf16>
    %dot_general3A = arith.constant dense<0.000000e+00> : vector<128x256xf32>
    %dot_general3A_10 = tpu.matmul %convert_element_type3A, %squeeze3A, %dot_general3A {dimension_numbers = #tpu.dot_dimension_numbers<[1], [0], [0], [1], [0, 0, 1, 1], [], []>, transpose_lhs_hint = false} : vector<128x256xbf16>, vector<256x256xbf16>, vector<128x256xf32> -> vector<128x256xf32>
    %get3A_11 = arith.index_cast %get3A_2 : i32 to index
    %get3A_12 = arith.constant 0 : index
    %get3A_13 = vector.load %arg4[%get3A_11, %get3A_12] : memref<16x256xf32, #tpu.memory_space<vmem>>, vector<1x256xf32>
    %add3A_14 = vector.broadcast %get3A_13 : vector<1x256xf32> to vector<128x256xf32>
    %add3A_15 = arith.addf %dot_general3A_10, %add3A_14 : vector<128x256xf32>
    %tanh3A = math.tanh %add3A_15 : vector<128x256xf32>
    %slice3A = vector.extract_strided_slice %tanh3A {offsets = [0, 0], sizes = [128, 128], strides = [1, 1]} : vector<128x256xf32> to vector<128x128xf32>
    %swap3A = arith.constant 0 : index
    %swap3A_16 = arith.constant 0 : index
    %swap3A_17 = vector.load %arg5[%swap3A, %swap3A_16] : memref<5120x128xf32, #tpu.memory_space<vmem>>, vector<128x128xf32>
    tpu.vector_store %arg5[%swap3A, %swap3A_16], %slice3A {strides = array<i32>} : memref<5120x128xf32, #tpu.memory_space<vmem>>, vector<128x128xf32>,
    %slice3A_18 = vector.extract_strided_slice %tanh3A {offsets = [0, 128], sizes = [128, 128], strides = [1, 1]} : vector<128x256xf32> to vector<128x128xf32>
    %swap3A_19 = arith.constant 0 : index
    %swap3A_20 = arith.constant 0 : index
    %swap3A_21 = vector.load %arg6[%swap3A_19, %swap3A_20] : memref<5120x128xf32, #tpu.memory_space<vmem>>, vector<128x128xf32>
    tpu.vector_store %arg6[%swap3A_19, %swap3A_20], %slice3A_18 {strides = array<i32>} : memref<5120x128xf32, #tpu.memory_space<vmem>>, vector<128x128xf32>,
    %mul3A_22 = arith.constant 40 : i32
    %mul3A_23 = arith.muli %arg0, %mul3A_22 : i32
    %add3A_24 = arith.constant 1 : i32
    %add3A_25 = arith.addi %mul3A_23, %add3A_24 : i32
    %get3A_26 = arith.index_cast %add3A_25 : i32 to index
    %get3A_27 = memref.load %arg1[%get3A_26] : memref<80xi32, #tpu.memory_space<smem>>
    %get3A_28 = arith.constant 128 : index
    %get3A_29 = arith.constant 0 : index
    %get3A_30 = vector.load %arg2[%get3A_28, %get3A_29] : memref<5120x256xf32, #tpu.memory_space<vmem>>, vector<128x256xf32>
    %convert_element_type3A_31 = arith.truncf %get3A_30 : vector<128x256xf32> to vector<128x256xbf16>
    %get3A_32 = arith.index_cast %get3A_27 : i32 to index
    %get3A_33 = arith.constant 0 : index
    %get3A_34 = arith.constant 0 : index
    %get3A_35 = vector.load %arg3[%get3A_32, %get3A_33, %get3A_34] : memref<16x256x256xbf16, #tpu.memory_space<vmem>>, vector<1x256x256xbf16>
    %squeeze3A_36 = vector.shape_cast %get3A_35 : vector<1x256x256xbf16> to vector<256x256xbf16>
    %dot_general3A_37 = arith.constant dense<0.000000e+00> : vector<128x256xf32>
    %dot_general3A_38 = tpu.matmul %convert_element_type3A_31, %squeeze3A_36, %dot_general3A_37 {dimension_numbers = #tpu.dot_dimension_numbers<[1], [0], [0], [1], [0, 0, 1, 1], [], []>, transpose_lhs_hint = false} : vector<128x256xbf16>, vector<256x256xbf16>, vector<128x256xf32> -> vector<128x256xf32>
    %get3A_39 = arith.index_cast %get3A_27 : i32 to index
    %get3A_40 = arith.constant 0 : index
    %get3A_41 = vector.load %arg4[%get3A_39, %get3A_40] : memref<16x256xf32, #tpu.memory_space<vmem>>, vector<1x256xf32>
    %add3A_42 = vector.broadcast %get3A_41 : vector<1x256xf32> to vector<128x256xf32>
    %add3A_43 = arith.addf %dot_general3A_38, %add3A_42 : vector<128x256xf32>
    %tanh3A_44 = math.tanh %add3A_43 : vector<128x256xf32>
    %slice3A_45 = vector.extract_strided_slice %tanh3A_44 {offsets = [0, 0], sizes = [128, 128], strides = [1, 1]} : vector<128x256xf32> to vector<128x128xf32>
    %swap3A_46 = arith.constant 128 : index
    %swap3A_47 = arith.constant 0 : index
    %swap3A_48 = vector.load %arg5[%swap3A_46, %swap3A_47] : memref<5120x128xf32, #tpu.memory_space<vmem>>, vector<128x128xf32>
    tpu.vector_store %arg5[%swap3A_46, %swap3A_47], %slice3A_45 {strides = array<i32>} : memref<5120x128xf32, #tpu.memory_space<vmem>>, vector<128x128xf32>,
    %slice3A_49 = vector.extract_strided_slice %tanh3A_44 {offsets = [0, 128], sizes = [128, 128], strides = [1, 1]} : vector<128x256xf32> to vector<128x128xf32>
    %swap3A_50 = arith.constant 128 : index
    %swap3A_51 = arith.constant 0 : index
    %swap3A_52 = vector.load %arg6[%swap3A_50, %swap3A_51] : memref<5120x128xf32, #tpu.memory_space<vmem>>, vector<128x128xf32>
    tpu.vector_store %arg6[%swap3A_50, %swap3A_51], %slice3A_49 {strides = array<i32>} : memref<5120x128xf32, #tpu.memory_space<vmem>>, vector<128x128xf32>,
    %mul3A_53 = arith.constant 40 : i32
    %mul3A_54 = arith.muli %arg0, %mul3A_53 : i32
    %add3A_55 = arith.constant 2 : i32
    %add3A_56 = arith.addi %mul3A_54, %add3A_55 : i32
    %get3A_57 = arith.index_cast %add3A_56 : i32 to index
    %get3A_58 = memref.load %arg1[%get3A_57] : memref<80xi32, #tpu.memory_space<smem>>
    %get3A_59 = arith.constant 256 : index
    %get3A_60 = arith.constant 0 : index
    %get3A_61 = vector.load %arg2[%get3A_59, %get3A_60] : memref<5120x256xf32, #tpu.memory_space<vmem>>, vector<128x256xf32>
    %convert_element_type3A_62 = arith.truncf %get3A_61 : vector<128x256xf32> to vector<128x256xbf16>
    %get3A_63 = arith.index_cast %get3A_58 : i32 to index
    %get3A_64 = arith.constant 0 : index
    %get3A_65 = arith.constant 0 : index
    %get3A_66 = vector.load %arg3[%get3A_63, %get3A_64, %get3A_65] : memref<16x256x256xbf16, #tpu.memory_space<vmem>>, vector<1x256x256xbf16>
    %squeeze3A_67 = vector.shape_cast %get3A_66 : vector<1x256x256xbf16> to vector<256x256xbf16>
    %dot_general3A_68 = arith.constant dense<0.000000e+00> : vector<128x256xf32>
    %dot_general3A_69 = tpu.matmul %convert_element_type3A_62, %squeeze3A_67, %dot_general3A_68 {dimension_numbers = #tpu.dot_dimension_numbers<[1], [0], [0], [1], [0, 0, 1, 1], [], []>, transpose_lhs_hint = false} : vector<128x256xbf16>, vector<256x256xbf16>, vector<128x256xf32> -> vector<128x256xf32>
    %get3A_70 = arith.index_cast %get3A_58 : i32 to index
    %get3A_71 = arith.constant 0 : index
    %get3A_72 = vector.load %arg4[%get3A_70, %get3A_71] : memref<16x256xf32, #tpu.memory_space<vmem>>, vector<1x256xf32>
    %add3A_73 = vector.broadcast %get3A_72 : vector<1x256xf32> to vector<128x256xf32>
    %add3A_74 = arith.addf %dot_general3A_69, %add3A_73 : vector<128x256xf32>
    %tanh3A_75 = math.tanh %add3A_74 : vector<128x256xf32>
    %slice3A_76 = vector.extract_strided_slice %tanh3A_75 {offsets = [0, 0], sizes = [128, 128], strides = [1, 1]} : vector<128x256xf32> to vector<128x128xf32>
    %swap3A_77 = arith.constant 256 : index
    %swap3A_78 = arith.constant 0 : index
    %swap3A_79 = vector.load %arg5[%swap3A_77, %swap3A_78] : memref<5120x128xf32, #tpu.memory_space<vmem>>, vector<128x128xf32>
    tpu.vector_store %arg5[%swap3A_77, %swap3A_78], %slice3A_76 {strides = array<i32>} : memref<5120x128xf32, #tpu.memory_space<vmem>>, vector<128x128xf32>,
    %slice3A_80 = vector.extract_strided_slice %tanh3A_75 {offsets = [0, 128], sizes = [128, 128], strides = [1, 1]} : vector<128x256xf32> to vector<128x128xf32>
    %swap3A_81 = arith.constant 256 : index
    %swap3A_82 = arith.constant 0 : index
    %swap3A_83 = vector.load %arg6[%swap3A_81, %swap3A_82] : memref<5120x128xf32, #tpu.memory_space<vmem>>, vector<128x128xf32>
    tpu.vector_store %arg6[%swap3A_81, %swap3A_82], %slice3A_80 {strides = array<i32>} : memref<5120x128xf32, #tpu.memory_space<vmem>>, vector<128x128xf32>,
    %mul3A_84 = arith.constant 40 : i32
    %mul3A_85 = arith.muli %arg0, %mul3A_84 : i32
    %add3A_86 = arith.constant 3 : i32
    %add3A_87 = arith.addi %mul3A_85, %add3A_86 : i32
    %get3A_88 = arith.index_cast %add3A_87 : i32 to index
    %get3A_89 = memref.load %arg1[%get3A_88] : memref<80xi32, #tpu.memory_space<smem>>
    %get3A_90 = arith.constant 384 : index
    %get3A_91 = arith.constant 0 : index
    %get3A_92 = vector.load %arg2[%get3A_90, %get3A_91] : memref<5120x256xf32, #tpu.memory_space<vmem>>, vector<128x256xf32>
    %convert_element_type3A_93 = arith.truncf %get3A_92 : vector<128x256xf32> to vector<128x256xbf16>
    %get3A_94 = arith.index_cast %get3A_89 : i32 to index
    %get3A_95 = arith.constant 0 : index
    %get3A_96 = arith.constant 0 : index
    %get3A_97 = vector.load %arg3[%get3A_94, %get3A_95, %get3A_96] : memref<16x256x256xbf16, #tpu.memory_space<vmem>>, vector<1x256x256xbf16>
    %squeeze3A_98 = vector.shape_cast %get3A_97 : vector<1x256x256xbf16> to vector<256x256xbf16>
    %dot_general3A_99 = arith.constant dense<0.000000e+00> : vector<128x256xf32>
    %dot_general3A_100 = tpu.matmul %convert_element_type3A_93, %squeeze3A_98, %dot_general3A_99 {dimension_numbers = #tpu.dot_dimension_numbers<[1], [0], [0], [1], [0, 0, 1, 1], [], []>, transpose_lhs_hint = false} : vector<128x256xbf16>, vector<256x256xbf16>, vector<128x256xf32> -> vector<128x256xf32>
    %get3A_101 = arith.index_cast %get3A_89 : i32 to index
    %get3A_102 = arith.constant 0 : index
    %get3A_103 = vector.load %arg4[%get3A_101, %get3A_102] : memref<16x256xf32, #tpu.memory_space<vmem>>, vector<1x256xf32>
    %add3A_104 = vector.broadcast %get3A_103 : vector<1x256xf32> to vector<128x256xf32>
    %add3A_105 = arith.addf %dot_general3A_100, %add3A_104 : vector<128x256xf32>
    %tanh3A_106 = math.tanh %add3A_105 : vector<128x256xf32>
    %slice3A_107 = vector.extract_strided_slice %tanh3A_106 {offsets = [0, 0], sizes = [128, 128], strides = [1, 1]} : vector<128x256xf32> to vector<128x128xf32>
    %swap3A_108 = arith.constant 384 : index
    %swap3A_109 = arith.constant 0 : index
    %swap3A_110 = vector.load %arg5[%swap3A_108, %swap3A_109] : memref<5120x128xf32, #tpu.memory_space<vmem>>, vector<128x128xf32>
    tpu.vector_store %arg5[%swap3A_108, %swap3A_109], %slice3A_107 {strides = array<i32>} : memref<5120x128xf32, #tpu.memory_space<vmem>>, vector<128x128xf32>,
    %slice3A_111 = vector.extract_strided_slice %tanh3A_106 {offsets = [0, 128], sizes = [128, 128], strides = [1, 1]} : vector<128x256xf32> to vector<128x128xf32>
    %swap3A_112 = arith.constant 384 : index
    %swap3A_113 = arith.constant 0 : index
    %swap3A_114 = vector.load %arg6[%swap3A_112, %swap3A_113] : memref<5120x128xf32, #tpu.memory_space<vmem>>, vector<128x128xf32>
    tpu.vector_store %arg6[%swap3A_112, %swap3A_113], %slice3A_111 {strides = array<i32>} : memref<5120x128xf32, #tpu.memory_space<vmem>>, vector<128x128xf32>,
    %mul3A_115 = arith.constant 40 : i32
    %mul3A_116 = arith.muli %arg0, %mul3A_115 : i32
    %add3A_117 = arith.constant 4 : i32
    %add3A_118 = arith.addi %mul3A_116, %add3A_117 : i32
    %get3A_119 = arith.index_cast %add3A_118 : i32 to index
    %get3A_120 = memref.load %arg1[%get3A_119] : memref<80xi32, #tpu.memory_space<smem>>
    %get3A_121 = arith.constant 512 : index
    %get3A_122 = arith.constant 0 : index
    %get3A_123 = vector.load %arg2[%get3A_121, %get3A_122] : memref<5120x256xf32, #tpu.memory_space<vmem>>, vector<128x256xf32>
    %convert_element_type3A_124 = arith.truncf %get3A_123 : vector<128x256xf32> to vector<128x256xbf16>
    %get3A_125 = arith.index_cast %get3A_120 : i32 to index
    %get3A_126 = arith.constant 0 : index
    %get3A_127 = arith.constant 0 : index
    %get3A_128 = vector.load %arg3[%get3A_125, %get3A_126, %get3A_127] : memref<16x256x256xbf16, #tpu.memory_space<vmem>>, vector<1x256x256xbf16>
    %squeeze3A_129 = vector.shape_cast %get3A_128 : vector<1x256x256xbf16> to vector<256x256xbf16>
    %dot_general3A_130 = arith.constant dense<0.000000e+00> : vector<128x256xf32>
    %dot_general3A_131 = tpu.matmul %convert_element_type3A_124, %squeeze3A_129, %dot_general3A_130 {dimension_numbers = #tpu.dot_dimension_numbers<[1], [0], [0], [1], [0, 0, 1, 1], [], []>, transpose_lhs_hint = false} : vector<128x256xbf16>, vector<256x256xbf16>, vector<128x256xf32> -> vector<128x256xf32>
    %get3A_132 = arith.index_cast %get3A_120 : i32 to index
    %get3A_133 = arith.constant 0 : index
    %get3A_134 = vector.load %arg4[%get3A_132, %get3A_133] : memref<16x256xf32, #tpu.memory_space<vmem>>, vector<1x256xf32>
    %add3A_135 = vector.broadcast %get3A_134 : vector<1x256xf32> to vector<128x256xf32>
    %add3A_136 = arith.addf %dot_general3A_131, %add3A_135 : vector<128x256xf32>
    %tanh3A_137 = math.tanh %add3A_136 : vector<128x256xf32>
    %slice3A_138 = vector.extract_strided_slice %tanh3A_137 {offsets = [0, 0], sizes = [128, 128], strides = [1, 1]} : vector<128x256xf32> to vector<128x128xf32>
    %swap3A_139 = arith.constant 512 : index
    %swap3A_140 = arith.constant 0 : index
    %swap3A_141 = vector.load %arg5[%swap3A_139, %swap3A_140] : memref<5120x128xf32, #tpu.memory_space<vmem>>, vector<128x128xf32>
    tpu.vector_store %arg5[%swap3A_139, %swap3A_140], %slice3A_138 {strides = array<i32>} : memref<5120x128xf32, #tpu.memory_space<vmem>>, vector<128x128xf32>,
    %slice3A_142 = vector.extract_strided_slice %tanh3A_137 {offsets = [0, 128], sizes = [128, 128], strides = [1, 1]} : vector<128x256xf32> to vector<128x128xf32>
    %swap3A_143 = arith.constant 512 : index
    %swap3A_144 = arith.constant 0 : index
    %swap3A_145 = vector.load %arg6[%swap3A_143, %swap3A_144] : memref<5120x128xf32, #tpu.memory_space<vmem>>, vector<128x128xf32>
    tpu.vector_store %arg6[%swap3A_143, %swap3A_144], %slice3A_142 {strides = array<i32>} : memref<5120x128xf32, #tpu.memory_space<vmem>>, vector<128x128xf32>,
    %mul3A_146 = arith.constant 40 : i32
    %mul3A_147 = arith.muli %arg0, %mul3A_146 : i32
    %add3A_148 = arith.constant 5 : i32
    %add3A_149 = arith.addi %mul3A_147, %add3A_148 : i32
    %get3A_150 = arith.index_cast %add3A_149 : i32 to index
    %get3A_151 = memref.load %arg1[%get3A_150] : memref<80xi32, #tpu.memory_space<smem>>
    %get3A_152 = arith.constant 640 : index
    %get3A_153 = arith.constant 0 : index
    %get3A_154 = vector.load %arg2[%get3A_152, %get3A_153] : memref<5120x256xf32, #tpu.memory_space<vmem>>, vector<128x256xf32>
    %convert_element_type3A_155 = arith.truncf %get3A_154 : vector<128x256xf32> to vector<128x256xbf16>
    %get3A_156 = arith.index_cast %get3A_151 : i32 to index
    %get3A_157 = arith.constant 0 : index
    %get3A_158 = arith.constant 0 : index
    %get3A_159 = vector.load %arg3[%get3A_156, %get3A_157, %get3A_158] : memref<16x256x256xbf16, #tpu.memory_space<vmem>>, vector<1x256x256xbf16>
    %squeeze3A_160 = vector.shape_cast %get3A_159 : vector<1x256x256xbf16> to vector<256x256xbf16>
    %dot_general3A_161 = arith.constant dense<0.000000e+00> : vector<128x256xf32>
    %dot_general3A_162 = tpu.matmul %convert_element_type3A_155, %squeeze3A_160, %dot_general3A_161 {dimension_numbers = #tpu.dot_dimension_numbers<[1], [0], [0], [1], [0, 0, 1, 1], [], []>, transpose_lhs_hint = false} : vector<128x256xbf16>, vector<256x256xbf16>, vector<128x256xf32> -> vector<128x256xf32>
    %get3A_163 = arith.index_cast %get3A_151 : i32 to index
    %get3A_164 = arith.constant 0 : index
    %get3A_165 = vector.load %arg4[%get3A_163, %get3A_164] : memref<16x256xf32, #tpu.memory_space<vmem>>, vector<1x256xf32>
    %add3A_166 = vector.broadcast %get3A_165 : vector<1x256xf32> to vector<128x256xf32>
    %add3A_167 = arith.addf %dot_general3A_162, %add3A_166 : vector<128x256xf32>
    %tanh3A_168 = math.tanh %add3A_167 : vector<128x256xf32>
    %slice3A_169 = vector.extract_strided_slice %tanh3A_168 {offsets = [0, 0], sizes = [128, 128], strides = [1, 1]} : vector<128x256xf32> to vector<128x128xf32>
    %swap3A_170 = arith.constant 640 : index
    %swap3A_171 = arith.constant 0 : index
    %swap3A_172 = vector.load %arg5[%swap3A_170, %swap3A_171] : memref<5120x128xf32, #tpu.memory_space<vmem>>, vector<128x128xf32>
    tpu.vector_store %arg5[%swap3A_170, %swap3A_171], %slice3A_169 {strides = array<i32>} : memref<5120x128xf32, #tpu.memory_space<vmem>>, vector<128x128xf32>,
    %slice3A_173 = vector.extract_strided_slice %tanh3A_168 {offsets = [0, 128], sizes = [128, 128], strides = [1, 1]} : vector<128x256xf32> to vector<128x128xf32>
    %swap3A_174 = arith.constant 640 : index
    %swap3A_175 = arith.constant 0 : index
    %swap3A_176 = vector.load %arg6[%swap3A_174, %swap3A_175] : memref<5120x128xf32, #tpu.memory_space<vmem>>, vector<128x128xf32>
    tpu.vector_store %arg6[%swap3A_174, %swap3A_175], %slice3A_173 {strides = array<i32>} : memref<5120x128xf32, #tpu.memory_space<vmem>>, vector<128x128xf32>,
    %mul3A_177 = arith.constant 40 : i32
    %mul3A_178 = arith.muli %arg0, %mul3A_177 : i32
    %add3A_179 = arith.constant 6 : i32
    %add3A_180 = arith.addi %mul3A_178, %add3A_179 : i32
    %get3A_181 = arith.index_cast %add3A_180 : i32 to index
    %get3A_182 = memref.load %arg1[%get3A_181] : memref<80xi32, #tpu.memory_space<smem>>
    %get3A_183 = arith.constant 768 : index
    %get3A_184 = arith.constant 0 : index
    %get3A_185 = vector.load %arg2[%get3A_183, %get3A_184] : memref<5120x256xf32, #tpu.memory_space<vmem>>, vector<128x256xf32>
    %convert_element_type3A_186 = arith.truncf %get3A_185 : vector<128x256xf32> to vector<128x256xbf16>
    %get3A_187 = arith.index_cast %get3A_182 : i32 to index
    %get3A_188 = arith.constant 0 : index
    %get3A_189 = arith.constant 0 : index
    %get3A_190 = vector.load %arg3[%get3A_187, %get3A_188, %get3A_189] : memref<16x256x256xbf16, #tpu.memory_space<vmem>>, vector<1x256x256xbf16>
    %squeeze3A_191 = vector.shape_cast %get3A_190 : vector<1x256x256xbf16> to vector<256x256xbf16>
    %dot_general3A_192 = arith.constant dense<0.000000e+00> : vector<128x256xf32>
    %dot_general3A_193 = tpu.matmul %convert_element_type3A_186, %squeeze3A_191, %dot_general3A_192 {dimension_numbers = #tpu.dot_dimension_numbers<[1], [0], [0], [1], [0, 0, 1, 1], [], []>, transpose_lhs_hint = false} : vector<128x256xbf16>, vector<256x256xbf16>, vector<128x256xf32> -> vector<128x256xf32>
    %get3A_194 = arith.index_cast %get3A_182 : i32 to index
    %get3A_195 = arith.constant 0 : index
    %get3A_196 = vector.load %arg4[%get3A_194, %get3A_195] : memref<16x256xf32, #tpu.memory_space<vmem>>, vector<1x256xf32>
    %add3A_197 = vector.broadcast %get3A_196 : vector<1x256xf32> to vector<128x256xf32>
    %add3A_198 = arith.addf %dot_general3A_193, %add3A_197 : vector<128x256xf32>
    %tanh3A_199 = math.tanh %add3A_198 : vector<128x256xf32>
    %slice3A_200 = vector.extract_strided_slice %tanh3A_199 {offsets = [0, 0], sizes = [128, 128], strides = [1, 1]} : vector<128x256xf32> to vector<128x128xf32>
    %swap3A_201 = arith.constant 768 : index
    %swap3A_202 = arith.constant 0 : index
    %swap3A_203 = vector.load %arg5[%swap3A_201, %swap3A_202] : memref<5120x128xf32, #tpu.memory_space<vmem>>, vector<128x128xf32>
    tpu.vector_store %arg5[%swap3A_201, %swap3A_202], %slice3A_200 {strides = array<i32>} : memref<5120x128xf32, #tpu.memory_space<vmem>>, vector<128x128xf32>,
    %slice3A_204 = vector.extract_strided_slice %tanh3A_199 {offsets = [0, 128], sizes = [128, 128], strides = [1, 1]} : vector<128x256xf32> to vector<128x128xf32>
    %swap3A_205 = arith.constant 768 : index
    %swap3A_206 = arith.constant 0 : index
    %swap3A_207 = vector.load %arg6[%swap3A_205, %swap3A_206] : memref<5120x128xf32, #tpu.memory_space<vmem>>, vector<128x128xf32>
    tpu.vector_store %arg6[%swap3A_205, %swap3A_206], %slice3A_204 {strides = array<i32>} : memref<5120x128xf32, #tpu.memory_space<vmem>>, vector<128x128xf32>,
    %mul3A_208 = arith.constant 40 : i32
    %mul3A_209 = arith.muli %arg0, %mul3A_208 : i32
    %add3A_210 = arith.constant 7 : i32
    %add3A_211 = arith.addi %mul3A_209, %add3A_210 : i32
    %get3A_212 = arith.index_cast %add3A_211 : i32 to index
    %get3A_213 = memref.load %arg1[%get3A_212] : memref<80xi32, #tpu.memory_space<smem>>
    %get3A_214 = arith.constant 896 : index
    %get3A_215 = arith.constant 0 : index
    %get3A_216 = vector.load %arg2[%get3A_214, %get3A_215] : memref<5120x256xf32, #tpu.memory_space<vmem>>, vector<128x256xf32>
    %convert_element_type3A_217 = arith.truncf %get3A_216 : vector<128x256xf32> to vector<128x256xbf16>
    %get3A_218 = arith.index_cast %get3A_213 : i32 to index
    %get3A_219 = arith.constant 0 : index
    %get3A_220 = arith.constant 0 : index
    %get3A_221 = vector.load %arg3[%get3A_218, %get3A_219, %get3A_220] : memref<16x256x256xbf16, #tpu.memory_space<vmem>>, vector<1x256x256xbf16>
    %squeeze3A_222 = vector.shape_cast %get3A_221 : vector<1x256x256xbf16> to vector<256x256xbf16>
    %dot_general3A_223 = arith.constant dense<0.000000e+00> : vector<128x256xf32>
    %dot_general3A_224 = tpu.matmul %convert_element_type3A_217, %squeeze3A_222, %dot_general3A_223 {dimension_numbers = #tpu.dot_dimension_numbers<[1], [0], [0], [1], [0, 0, 1, 1], [], []>, transpose_lhs_hint = false} : vector<128x256xbf16>, vector<256x256xbf16>, vector<128x256xf32> -> vector<128x256xf32>
    %get3A_225 = arith.index_cast %get3A_213 : i32 to index
    %get3A_226 = arith.constant 0 : index
    %get3A_227 = vector.load %arg4[%get3A_225, %get3A_226] : memref<16x256xf32, #tpu.memory_space<vmem>>, vector<1x256xf32>
    %add3A_228 = vector.broadcast %get3A_227 : vector<1x256xf32> to vector<128x256xf32>
    %add3A_229 = arith.addf %dot_general3A_224, %add3A_228 : vector<128x256xf32>
    %tanh3A_230 = math.tanh %add3A_229 : vector<128x256xf32>
    %slice3A_231 = vector.extract_strided_slice %tanh3A_230 {offsets = [0, 0], sizes = [128, 128], strides = [1, 1]} : vector<128x256xf32> to vector<128x128xf32>
    %swap3A_232 = arith.constant 896 : index
    %swap3A_233 = arith.constant 0 : index
    %swap3A_234 = vector.load %arg5[%swap3A_232, %swap3A_233] : memref<5120x128xf32, #tpu.memory_space<vmem>>, vector<128x128xf32>
    tpu.vector_store %arg5[%swap3A_232, %swap3A_233], %slice3A_231 {strides = array<i32>} : memref<5120x128xf32, #tpu.memory_space<vmem>>, vector<128x128xf32>,
    %slice3A_235 = vector.extract_strided_slice %tanh3A_230 {offsets = [0, 128], sizes = [128, 128], strides = [1, 1]} : vector<128x256xf32> to vector<128x128xf32>
    %swap3A_236 = arith.constant 896 : index
    %swap3A_237 = arith.constant 0 : index
    %swap3A_238 = vector.load %arg6[%swap3A_236, %swap3A_237] : memref<5120x128xf32, #tpu.memory_space<vmem>>, vector<128x128xf32>
    tpu.vector_store %arg6[%swap3A_236, %swap3A_237], %slice3A_235 {strides = array<i32>} : memref<5120x128xf32, #tpu.memory_space<vmem>>, vector<128x128xf32>,
    %mul3A_239 = arith.constant 40 : i32
    %mul3A_240 = arith.muli %arg0, %mul3A_239 : i32
    %add3A_241 = arith.constant 8 : i32
    %add3A_242 = arith.addi %mul3A_240, %add3A_241 : i32
    %get3A_243 = arith.index_cast %add3A_242 : i32 to index
    %get3A_244 = memref.load %arg1[%get3A_243] : memref<80xi32, #tpu.memory_space<smem>>
    %get3A_245 = arith.constant 1024 : index
    %get3A_246 = arith.constant 0 : index
    %get3A_247 = vector.load %arg2[%get3A_245, %get3A_246] : memref<5120x256xf32, #tpu.memory_space<vmem>>, vector<128x256xf32>
    %convert_element_type3A_248 = arith.truncf %get3A_247 : vector<128x256xf32> to vector<128x256xbf16>
    %get3A_249 = arith.index_cast %get3A_244 : i32 to index
    %get3A_250 = arith.constant 0 : index
    %get3A_251 = arith.constant 0 : index
    %get3A_252 = vector.load %arg3[%get3A_249, %get3A_250, %get3A_251] : memref<16x256x256xbf16, #tpu.memory_space<vmem>>, vector<1x256x256xbf16>
    %squeeze3A_253 = vector.shape_cast %get3A_252 : vector<1x256x256xbf16> to vector<256x256xbf16>
    %dot_general3A_254 = arith.constant dense<0.000000e+00> : vector<128x256xf32>
    %dot_general3A_255 = tpu.matmul %convert_element_type3A_248, %squeeze3A_253, %dot_general3A_254 {dimension_numbers = #tpu.dot_dimension_numbers<[1], [0], [0], [1], [0, 0, 1, 1], [], []>, transpose_lhs_hint = false} : vector<128x256xbf16>, vector<256x256xbf16>, vector<128x256xf32> -> vector<128x256xf32>
    %get3A_256 = arith.index_cast %get3A_244 : i32 to index
    %get3A_257 = arith.constant 0 : index
    %get3A_258 = vector.load %arg4[%get3A_256, %get3A_257] : memref<16x256xf32, #tpu.memory_space<vmem>>, vector<1x256xf32>
    %add3A_259 = vector.broadcast %get3A_258 : vector<1x256xf32> to vector<128x256xf32>
    %add3A_260 = arith.addf %dot_general3A_255, %add3A_259 : vector<128x256xf32>
    %tanh3A_261 = math.tanh %add3A_260 : vector<128x256xf32>
    %slice3A_262 = vector.extract_strided_slice %tanh3A_261 {offsets = [0, 0], sizes = [128, 128], strides = [1, 1]} : vector<128x256xf32> to vector<128x128xf32>
    %swap3A_263 = arith.constant 1024 : index
    %swap3A_264 = arith.constant 0 : index
    %swap3A_265 = vector.load %arg5[%swap3A_263, %swap3A_264] : memref<5120x128xf32, #tpu.memory_space<vmem>>, vector<128x128xf32>
    tpu.vector_store %arg5[%swap3A_263, %swap3A_264], %slice3A_262 {strides = array<i32>} : memref<5120x128xf32, #tpu.memory_space<vmem>>, vector<128x128xf32>,
    %slice3A_266 = vector.extract_strided_slice %tanh3A_261 {offsets = [0, 128], sizes = [128, 128], strides = [1, 1]} : vector<128x256xf32> to vector<128x128xf32>
    %swap3A_267 = arith.constant 1024 : index
    %swap3A_268 = arith.constant 0 : index
    %swap3A_269 = vector.load %arg6[%swap3A_267, %swap3A_268] : memref<5120x128xf32, #tpu.memory_space<vmem>>, vector<128x128xf32>
    tpu.vector_store %arg6[%swap3A_267, %swap3A_268], %slice3A_266 {strides = array<i32>} : memref<5120x128xf32, #tpu.memory_space<vmem>>, vector<128x128xf32>,
    %mul3A_270 = arith.constant 40 : i32
    %mul3A_271 = arith.muli %arg0, %mul3A_270 : i32
    %add3A_272 = arith.constant 9 : i32
    %add3A_273 = arith.addi %mul3A_271, %add3A_272 : i32
    %get3A_274 = arith.index_cast %add3A_273 : i32 to index
    %get3A_275 = memref.load %arg1[%get3A_274] : memref<80xi32, #tpu.memory_space<smem>>
    %get3A_276 = arith.constant 1152 : index
    %get3A_277 = arith.constant 0 : index
    %get3A_278 = vector.load %arg2[%get3A_276, %get3A_277] : memref<5120x256xf32, #tpu.memory_space<vmem>>, vector<128x256xf32>
    %convert_element_type3A_279 = arith.truncf %get3A_278 : vector<128x256xf32> to vector<128x256xbf16>
    %get3A_280 = arith.index_cast %get3A_275 : i32 to index
    %get3A_281 = arith.constant 0 : index
    %get3A_282 = arith.constant 0 : index
    %get3A_283 = vector.load %arg3[%get3A_280, %get3A_281, %get3A_282] : memref<16x256x256xbf16, #tpu.memory_space<vmem>>, vector<1x256x256xbf16>
    %squeeze3A_284 = vector.shape_cast %get3A_283 : vector<1x256x256xbf16> to vector<256x256xbf16>
    %dot_general3A_285 = arith.constant dense<0.000000e+00> : vector<128x256xf32>
    %dot_general3A_286 = tpu.matmul %convert_element_type3A_279, %squeeze3A_284, %dot_general3A_285 {dimension_numbers = #tpu.dot_dimension_numbers<[1], [0], [0], [1], [0, 0, 1, 1], [], []>, transpose_lhs_hint = false} : vector<128x256xbf16>, vector<256x256xbf16>, vector<128x256xf32> -> vector<128x256xf32>
    %get3A_287 = arith.index_cast %get3A_275 : i32 to index
    %get3A_288 = arith.constant 0 : index
    %get3A_289 = vector.load %arg4[%get3A_287, %get3A_288] : memref<16x256xf32, #tpu.memory_space<vmem>>, vector<1x256xf32>
    %add3A_290 = vector.broadcast %get3A_289 : vector<1x256xf32> to vector<128x256xf32>
    %add3A_291 = arith.addf %dot_general3A_286, %add3A_290 : vector<128x256xf32>
    %tanh3A_292 = math.tanh %add3A_291 : vector<128x256xf32>
    %slice3A_293 = vector.extract_strided_slice %tanh3A_292 {offsets = [0, 0], sizes = [128, 128], strides = [1, 1]} : vector<128x256xf32> to vector<128x128xf32>
    %swap3A_294 = arith.constant 1152 : index
    %swap3A_295 = arith.constant 0 : index
    %swap3A_296 = vector.load %arg5[%swap3A_294, %swap3A_295] : memref<5120x128xf32, #tpu.memory_space<vmem>>, vector<128x128xf32>
    tpu.vector_store %arg5[%swap3A_294, %swap3A_295], %slice3A_293 {strides = array<i32>} : memref<5120x128xf32, #tpu.memory_space<vmem>>, vector<128x128xf32>,
    %slice3A_297 = vector.extract_strided_slice %tanh3A_292 {offsets = [0, 128], sizes = [128, 128], strides = [1, 1]} : vector<128x256xf32> to vector<128x128xf32>
    %swap3A_298 = arith.constant 1152 : index
    %swap3A_299 = arith.constant 0 : index
    %swap3A_300 = vector.load %arg6[%swap3A_298, %swap3A_299] : memref<5120x128xf32, #tpu.memory_space<vmem>>, vector<128x128xf32>
    tpu.vector_store %arg6[%swap3A_298, %swap3A_299], %slice3A_297 {strides = array<i32>} : memref<5120x128xf32, #tpu.memory_space<vmem>>, vector<128x128xf32>,
    %mul3A_301 = arith.constant 40 : i32
    %mul3A_302 = arith.muli %arg0, %mul3A_301 : i32
    %add3A_303 = arith.constant 10 : i32
    %add3A_304 = arith.addi %mul3A_302, %add3A_303 : i32
    %get3A_305 = arith.index_cast %add3A_304 : i32 to index
    %get3A_306 = memref.load %arg1[%get3A_305] : memref<80xi32, #tpu.memory_space<smem>>
    %get3A_307 = arith.constant 1280 : index
    %get3A_308 = arith.constant 0 : index
    %get3A_309 = vector.load %arg2[%get3A_307, %get3A_308] : memref<5120x256xf32, #tpu.memory_space<vmem>>, vector<128x256xf32>
    %convert_element_type3A_310 = arith.truncf %get3A_309 : vector<128x256xf32> to vector<128x256xbf16>
    %get3A_311 = arith.index_cast %get3A_306 : i32 to index
    %get3A_312 = arith.constant 0 : index
    %get3A_313 = arith.constant 0 : index
    %get3A_314 = vector.load %arg3[%get3A_311, %get3A_312, %get3A_313] : memref<16x256x256xbf16, #tpu.memory_space<vmem>>, vector<1x256x256xbf16>
    %squeeze3A_315 = vector.shape_cast %get3A_314 : vector<1x256x256xbf16> to vector<256x256xbf16>
    %dot_general3A_316 = arith.constant dense<0.000000e+00> : vector<128x256xf32>
    %dot_general3A_317 = tpu.matmul %convert_element_type3A_310, %squeeze3A_315, %dot_general3A_316 {dimension_numbers = #tpu.dot_dimension_numbers<[1], [0], [0], [1], [0, 0, 1, 1], [], []>, transpose_lhs_hint = false} : vector<128x256xbf16>, vector<256x256xbf16>, vector<128x256xf32> -> vector<128x256xf32>
    %get3A_318 = arith.index_cast %get3A_306 : i32 to index
    %get3A_319 = arith.constant 0 : index
    %get3A_320 = vector.load %arg4[%get3A_318, %get3A_319] : memref<16x256xf32, #tpu.memory_space<vmem>>, vector<1x256xf32>
    %add3A_321 = vector.broadcast %get3A_320 : vector<1x256xf32> to vector<128x256xf32>
    %add3A_322 = arith.addf %dot_general3A_317, %add3A_321 : vector<128x256xf32>
    %tanh3A_323 = math.tanh %add3A_322 : vector<128x256xf32>
    %slice3A_324 = vector.extract_strided_slice %tanh3A_323 {offsets = [0, 0], sizes = [128, 128], strides = [1, 1]} : vector<128x256xf32> to vector<128x128xf32>
    %swap3A_325 = arith.constant 1280 : index
    %swap3A_326 = arith.constant 0 : index
    %swap3A_327 = vector.load %arg5[%swap3A_325, %swap3A_326] : memref<5120x128xf32, #tpu.memory_space<vmem>>, vector<128x128xf32>
    tpu.vector_store %arg5[%swap3A_325, %swap3A_326], %slice3A_324 {strides = array<i32>} : memref<5120x128xf32, #tpu.memory_space<vmem>>, vector<128x128xf32>,
    %slice3A_328 = vector.extract_strided_slice %tanh3A_323 {offsets = [0, 128], sizes = [128, 128], strides = [1, 1]} : vector<128x256xf32> to vector<128x128xf32>
    %swap3A_329 = arith.constant 1280 : index
    %swap3A_330 = arith.constant 0 : index
    %swap3A_331 = vector.load %arg6[%swap3A_329, %swap3A_330] : memref<5120x128xf32, #tpu.memory_space<vmem>>, vector<128x128xf32>
    tpu.vector_store %arg6[%swap3A_329, %swap3A_330], %slice3A_328 {strides = array<i32>} : memref<5120x128xf32, #tpu.memory_space<vmem>>, vector<128x128xf32>,
    %mul3A_332 = arith.constant 40 : i32
    %mul3A_333 = arith.muli %arg0, %mul3A_332 : i32
    %add3A_334 = arith.constant 11 : i32
    %add3A_335 = arith.addi %mul3A_333, %add3A_334 : i32
    %get3A_336 = arith.index_cast %add3A_335 : i32 to index
    %get3A_337 = memref.load %arg1[%get3A_336] : memref<80xi32, #tpu.memory_space<smem>>
    %get3A_338 = arith.constant 1408 : index
    %get3A_339 = arith.constant 0 : index
    %get3A_340 = vector.load %arg2[%get3A_338, %get3A_339] : memref<5120x256xf32, #tpu.memory_space<vmem>>, vector<128x256xf32>
    %convert_element_type3A_341 = arith.truncf %get3A_340 : vector<128x256xf32> to vector<128x256xbf16>
    %get3A_342 = arith.index_cast %get3A_337 : i32 to index
    %get3A_343 = arith.constant 0 : index
    %get3A_344 = arith.constant 0 : index
    %get3A_345 = vector.load %arg3[%get3A_342, %get3A_343, %get3A_344] : memref<16x256x256xbf16, #tpu.memory_space<vmem>>, vector<1x256x256xbf16>
    %squeeze3A_346 = vector.shape_cast %get3A_345 : vector<1x256x256xbf16> to vector<256x256xbf16>
    %dot_general3A_347 = arith.constant dense<0.000000e+00> : vector<128x256xf32>
    %dot_general3A_348 = tpu.matmul %convert_element_type3A_341, %squeeze3A_346, %dot_general3A_347 {dimension_numbers = #tpu.dot_dimension_numbers<[1], [0], [0], [1], [0, 0, 1, 1], [], []>, transpose_lhs_hint = false} : vector<128x256xbf16>, vector<256x256xbf16>, vector<128x256xf32> -> vector<128x256xf32>
    %get3A_349 = arith.index_cast %get3A_337 : i32 to index
    %get3A_350 = arith.constant 0 : index
    %get3A_351 = vector.load %arg4[%get3A_349, %get3A_350] : memref<16x256xf32, #tpu.memory_space<vmem>>, vector<1x256xf32>
    %add3A_352 = vector.broadcast %get3A_351 : vector<1x256xf32> to vector<128x256xf32>
    %add3A_353 = arith.addf %dot_general3A_348, %add3A_352 : vector<128x256xf32>
    %tanh3A_354 = math.tanh %add3A_353 : vector<128x256xf32>
    %slice3A_355 = vector.extract_strided_slice %tanh3A_354 {offsets = [0, 0], sizes = [128, 128], strides = [1, 1]} : vector<128x256xf32> to vector<128x128xf32>
    %swap3A_356 = arith.constant 1408 : index
    %swap3A_357 = arith.constant 0 : index
    %swap3A_358 = vector.load %arg5[%swap3A_356, %swap3A_357] : memref<5120x128xf32, #tpu.memory_space<vmem>>, vector<128x128xf32>
    tpu.vector_store %arg5[%swap3A_356, %swap3A_357], %slice3A_355 {strides = array<i32>} : memref<5120x128xf32, #tpu.memory_space<vmem>>, vector<128x128xf32>,
    %slice3A_359 = vector.extract_strided_slice %tanh3A_354 {offsets = [0, 128], sizes = [128, 128], strides = [1, 1]} : vector<128x256xf32> to vector<128x128xf32>
    %swap3A_360 = arith.constant 1408 : index
    %swap3A_361 = arith.constant 0 : index
    %swap3A_362 = vector.load %arg6[%swap3A_360, %swap3A_361] : memref<5120x128xf32, #tpu.memory_space<vmem>>, vector<128x128xf32>
    tpu.vector_store %arg6[%swap3A_360, %swap3A_361], %slice3A_359 {strides = array<i32>} : memref<5120x128xf32, #tpu.memory_space<vmem>>, vector<128x128xf32>,
    %mul3A_363 = arith.constant 40 : i32
    %mul3A_364 = arith.muli %arg0, %mul3A_363 : i32
    %add3A_365 = arith.constant 12 : i32
    %add3A_366 = arith.addi %mul3A_364, %add3A_365 : i32
    %get3A_367 = arith.index_cast %add3A_366 : i32 to index
    %get3A_368 = memref.load %arg1[%get3A_367] : memref<80xi32, #tpu.memory_space<smem>>
    %get3A_369 = arith.constant 1536 : index
    %get3A_370 = arith.constant 0 : index
    %get3A_371 = vector.load %arg2[%get3A_369, %get3A_370] : memref<5120x256xf32, #tpu.memory_space<vmem>>, vector<128x256xf32>
    %convert_element_type3A_372 = arith.truncf %get3A_371 : vector<128x256xf32> to vector<128x256xbf16>
    %get3A_373 = arith.index_cast %get3A_368 : i32 to index
    %get3A_374 = arith.constant 0 : index
    %get3A_375 = arith.constant 0 : index
    %get3A_376 = vector.load %arg3[%get3A_373, %get3A_374, %get3A_375] : memref<16x256x256xbf16, #tpu.memory_space<vmem>>, vector<1x256x256xbf16>
    %squeeze3A_377 = vector.shape_cast %get3A_376 : vector<1x256x256xbf16> to vector<256x256xbf16>
    %dot_general3A_378 = arith.constant dense<0.000000e+00> : vector<128x256xf32>
    %dot_general3A_379 = tpu.matmul %convert_element_type3A_372, %squeeze3A_377, %dot_general3A_378 {dimension_numbers = #tpu.dot_dimension_numbers<[1], [0], [0], [1], [0, 0, 1, 1], [], []>, transpose_lhs_hint = false} : vector<128x256xbf16>, vector<256x256xbf16>, vector<128x256xf32> -> vector<128x256xf32>
    %get3A_380 = arith.index_cast %get3A_368 : i32 to index
    %get3A_381 = arith.constant 0 : index
    %get3A_382 = vector.load %arg4[%get3A_380, %get3A_381] : memref<16x256xf32, #tpu.memory_space<vmem>>, vector<1x256xf32>
    %add3A_383 = vector.broadcast %get3A_382 : vector<1x256xf32> to vector<128x256xf32>
    %add3A_384 = arith.addf %dot_general3A_379, %add3A_383 : vector<128x256xf32>
    %tanh3A_385 = math.tanh %add3A_384 : vector<128x256xf32>
    %slice3A_386 = vector.extract_strided_slice %tanh3A_385 {offsets = [0, 0], sizes = [128, 128], strides = [1, 1]} : vector<128x256xf32> to vector<128x128xf32>
    %swap3A_387 = arith.constant 1536 : index
    %swap3A_388 = arith.constant 0 : index
    %swap3A_389 = vector.load %arg5[%swap3A_387, %swap3A_388] : memref<5120x128xf32, #tpu.memory_space<vmem>>, vector<128x128xf32>
    tpu.vector_store %arg5[%swap3A_387, %swap3A_388], %slice3A_386 {strides = array<i32>} : memref<5120x128xf32, #tpu.memory_space<vmem>>, vector<128x128xf32>,
    %slice3A_390 = vector.extract_strided_slice %tanh3A_385 {offsets = [0, 128], sizes = [128, 128], strides = [1, 1]} : vector<128x256xf32> to vector<128x128xf32>
    %swap3A_391 = arith.constant 1536 : index
    %swap3A_392 = arith.constant 0 : index
    %swap3A_393 = vector.load %arg6[%swap3A_391, %swap3A_392] : memref<5120x128xf32, #tpu.memory_space<vmem>>, vector<128x128xf32>
    tpu.vector_store %arg6[%swap3A_391, %swap3A_392], %slice3A_390 {strides = array<i32>} : memref<5120x128xf32, #tpu.memory_space<vmem>>, vector<128x128xf32>,
    %mul3A_394 = arith.constant 40 : i32
    %mul3A_395 = arith.muli %arg0, %mul3A_394 : i32
    %add3A_396 = arith.constant 13 : i32
    %add3A_397 = arith.addi %mul3A_395, %add3A_396 : i32
    %get3A_398 = arith.index_cast %add3A_397 : i32 to index
    %get3A_399 = memref.load %arg1[%get3A_398] : memref<80xi32, #tpu.memory_space<smem>>
    %get3A_400 = arith.constant 1664 : index
    %get3A_401 = arith.constant 0 : index
    %get3A_402 = vector.load %arg2[%get3A_400, %get3A_401] : memref<5120x256xf32, #tpu.memory_space<vmem>>, vector<128x256xf32>
    %convert_element_type3A_403 = arith.truncf %get3A_402 : vector<128x256xf32> to vector<128x256xbf16>
    %get3A_404 = arith.index_cast %get3A_399 : i32 to index
    %get3A_405 = arith.constant 0 : index
    %get3A_406 = arith.constant 0 : index
    %get3A_407 = vector.load %arg3[%get3A_404, %get3A_405, %get3A_406] : memref<16x256x256xbf16, #tpu.memory_space<vmem>>, vector<1x256x256xbf16>
    %squeeze3A_408 = vector.shape_cast %get3A_407 : vector<1x256x256xbf16> to vector<256x256xbf16>
    %dot_general3A_409 = arith.constant dense<0.000000e+00> : vector<128x256xf32>
    %dot_general3A_410 = tpu.matmul %convert_element_type3A_403, %squeeze3A_408, %dot_general3A_409 {dimension_numbers = #tpu.dot_dimension_numbers<[1], [0], [0], [1], [0, 0, 1, 1], [], []>, transpose_lhs_hint = false} : vector<128x256xbf16>, vector<256x256xbf16>, vector<128x256xf32> -> vector<128x256xf32>
    %get3A_411 = arith.index_cast %get3A_399 : i32 to index
    %get3A_412 = arith.constant 0 : index
    %get3A_413 = vector.load %arg4[%get3A_411, %get3A_412] : memref<16x256xf32, #tpu.memory_space<vmem>>, vector<1x256xf32>
    %add3A_414 = vector.broadcast %get3A_413 : vector<1x256xf32> to vector<128x256xf32>
    %add3A_415 = arith.addf %dot_general3A_410, %add3A_414 : vector<128x256xf32>
    %tanh3A_416 = math.tanh %add3A_415 : vector<128x256xf32>
    %slice3A_417 = vector.extract_strided_slice %tanh3A_416 {offsets = [0, 0], sizes = [128, 128], strides = [1, 1]} : vector<128x256xf32> to vector<128x128xf32>
    %swap3A_418 = arith.constant 1664 : index
    %swap3A_419 = arith.constant 0 : index
    %swap3A_420 = vector.load %arg5[%swap3A_418, %swap3A_419] : memref<5120x128xf32, #tpu.memory_space<vmem>>, vector<128x128xf32>
    tpu.vector_store %arg5[%swap3A_418, %swap3A_419], %slice3A_417 {strides = array<i32>} : memref<5120x128xf32, #tpu.memory_space<vmem>>, vector<128x128xf32>,
    %slice3A_421 = vector.extract_strided_slice %tanh3A_416 {offsets = [0, 128], sizes = [128, 128], strides = [1, 1]} : vector<128x256xf32> to vector<128x128xf32>
    %swap3A_422 = arith.constant 1664 : index
    %swap3A_423 = arith.constant 0 : index
    %swap3A_424 = vector.load %arg6[%swap3A_422, %swap3A_423] : memref<5120x128xf32, #tpu.memory_space<vmem>>, vector<128x128xf32>
    tpu.vector_store %arg6[%swap3A_422, %swap3A_423], %slice3A_421 {strides = array<i32>} : memref<5120x128xf32, #tpu.memory_space<vmem>>, vector<128x128xf32>,
    %mul3A_425 = arith.constant 40 : i32
    %mul3A_426 = arith.muli %arg0, %mul3A_425 : i32
    %add3A_427 = arith.constant 14 : i32
    %add3A_428 = arith.addi %mul3A_426, %add3A_427 : i32
    %get3A_429 = arith.index_cast %add3A_428 : i32 to index
    %get3A_430 = memref.load %arg1[%get3A_429] : memref<80xi32, #tpu.memory_space<smem>>
    %get3A_431 = arith.constant 1792 : index
    %get3A_432 = arith.constant 0 : index
    %get3A_433 = vector.load %arg2[%get3A_431, %get3A_432] : memref<5120x256xf32, #tpu.memory_space<vmem>>, vector<128x256xf32>
    %convert_element_type3A_434 = arith.truncf %get3A_433 : vector<128x256xf32> to vector<128x256xbf16>
    %get3A_435 = arith.index_cast %get3A_430 : i32 to index
    %get3A_436 = arith.constant 0 : index
    %get3A_437 = arith.constant 0 : index
    %get3A_438 = vector.load %arg3[%get3A_435, %get3A_436, %get3A_437] : memref<16x256x256xbf16, #tpu.memory_space<vmem>>, vector<1x256x256xbf16>
    %squeeze3A_439 = vector.shape_cast %get3A_438 : vector<1x256x256xbf16> to vector<256x256xbf16>
    %dot_general3A_440 = arith.constant dense<0.000000e+00> : vector<128x256xf32>
    %dot_general3A_441 = tpu.matmul %convert_element_type3A_434, %squeeze3A_439, %dot_general3A_440 {dimension_numbers = #tpu.dot_dimension_numbers<[1], [0], [0], [1], [0, 0, 1, 1], [], []>, transpose_lhs_hint = false} : vector<128x256xbf16>, vector<256x256xbf16>, vector<128x256xf32> -> vector<128x256xf32>
    %get3A_442 = arith.index_cast %get3A_430 : i32 to index
    %get3A_443 = arith.constant 0 : index
    %get3A_444 = vector.load %arg4[%get3A_442, %get3A_443] : memref<16x256xf32, #tpu.memory_space<vmem>>, vector<1x256xf32>
    %add3A_445 = vector.broadcast %get3A_444 : vector<1x256xf32> to vector<128x256xf32>
    %add3A_446 = arith.addf %dot_general3A_441, %add3A_445 : vector<128x256xf32>
    %tanh3A_447 = math.tanh %add3A_446 : vector<128x256xf32>
    %slice3A_448 = vector.extract_strided_slice %tanh3A_447 {offsets = [0, 0], sizes = [128, 128], strides = [1, 1]} : vector<128x256xf32> to vector<128x128xf32>
    %swap3A_449 = arith.constant 1792 : index
    %swap3A_450 = arith.constant 0 : index
    %swap3A_451 = vector.load %arg5[%swap3A_449, %swap3A_450] : memref<5120x128xf32, #tpu.memory_space<vmem>>, vector<128x128xf32>
    tpu.vector_store %arg5[%swap3A_449, %swap3A_450], %slice3A_448 {strides = array<i32>} : memref<5120x128xf32, #tpu.memory_space<vmem>>, vector<128x128xf32>,
    %slice3A_452 = vector.extract_strided_slice %tanh3A_447 {offsets = [0, 128], sizes = [128, 128], strides = [1, 1]} : vector<128x256xf32> to vector<128x128xf32>
    %swap3A_453 = arith.constant 1792 : index
    %swap3A_454 = arith.constant 0 : index
    %swap3A_455 = vector.load %arg6[%swap3A_453, %swap3A_454] : memref<5120x128xf32, #tpu.memory_space<vmem>>, vector<128x128xf32>
    tpu.vector_store %arg6[%swap3A_453, %swap3A_454], %slice3A_452 {strides = array<i32>} : memref<5120x128xf32, #tpu.memory_space<vmem>>, vector<128x128xf32>,
    %mul3A_456 = arith.constant 40 : i32
    %mul3A_457 = arith.muli %arg0, %mul3A_456 : i32
    %add3A_458 = arith.constant 15 : i32
    %add3A_459 = arith.addi %mul3A_457, %add3A_458 : i32
    %get3A_460 = arith.index_cast %add3A_459 : i32 to index
    %get3A_461 = memref.load %arg1[%get3A_460] : memref<80xi32, #tpu.memory_space<smem>>
    %get3A_462 = arith.constant 1920 : index
    %get3A_463 = arith.constant 0 : index
    %get3A_464 = vector.load %arg2[%get3A_462, %get3A_463] : memref<5120x256xf32, #tpu.memory_space<vmem>>, vector<128x256xf32>
    %convert_element_type3A_465 = arith.truncf %get3A_464 : vector<128x256xf32> to vector<128x256xbf16>
    %get3A_466 = arith.index_cast %get3A_461 : i32 to index
    %get3A_467 = arith.constant 0 : index
    %get3A_468 = arith.constant 0 : index
    %get3A_469 = vector.load %arg3[%get3A_466, %get3A_467, %get3A_468] : memref<16x256x256xbf16, #tpu.memory_space<vmem>>, vector<1x256x256xbf16>
    %squeeze3A_470 = vector.shape_cast %get3A_469 : vector<1x256x256xbf16> to vector<256x256xbf16>
    %dot_general3A_471 = arith.constant dense<0.000000e+00> : vector<128x256xf32>
    %dot_general3A_472 = tpu.matmul %convert_element_type3A_465, %squeeze3A_470, %dot_general3A_471 {dimension_numbers = #tpu.dot_dimension_numbers<[1], [0], [0], [1], [0, 0, 1, 1], [], []>, transpose_lhs_hint = false} : vector<128x256xbf16>, vector<256x256xbf16>, vector<128x256xf32> -> vector<128x256xf32>
    %get3A_473 = arith.index_cast %get3A_461 : i32 to index
    %get3A_474 = arith.constant 0 : index
    %get3A_475 = vector.load %arg4[%get3A_473, %get3A_474] : memref<16x256xf32, #tpu.memory_space<vmem>>, vector<1x256xf32>
    %add3A_476 = vector.broadcast %get3A_475 : vector<1x256xf32> to vector<128x256xf32>
    %add3A_477 = arith.addf %dot_general3A_472, %add3A_476 : vector<128x256xf32>
    %tanh3A_478 = math.tanh %add3A_477 : vector<128x256xf32>
    %slice3A_479 = vector.extract_strided_slice %tanh3A_478 {offsets = [0, 0], sizes = [128, 128], strides = [1, 1]} : vector<128x256xf32> to vector<128x128xf32>
    %swap3A_480 = arith.constant 1920 : index
    %swap3A_481 = arith.constant 0 : index
    %swap3A_482 = vector.load %arg5[%swap3A_480, %swap3A_481] : memref<5120x128xf32, #tpu.memory_space<vmem>>, vector<128x128xf32>
    tpu.vector_store %arg5[%swap3A_480, %swap3A_481], %slice3A_479 {strides = array<i32>} : memref<5120x128xf32, #tpu.memory_space<vmem>>, vector<128x128xf32>,
    %slice3A_483 = vector.extract_strided_slice %tanh3A_478 {offsets = [0, 128], sizes = [128, 128], strides = [1, 1]} : vector<128x256xf32> to vector<128x128xf32>
    %swap3A_484 = arith.constant 1920 : index
    %swap3A_485 = arith.constant 0 : index
    %swap3A_486 = vector.load %arg6[%swap3A_484, %swap3A_485] : memref<5120x128xf32, #tpu.memory_space<vmem>>, vector<128x128xf32>
    tpu.vector_store %arg6[%swap3A_484, %swap3A_485], %slice3A_483 {strides = array<i32>} : memref<5120x128xf32, #tpu.memory_space<vmem>>, vector<128x128xf32>,
    %mul3A_487 = arith.constant 40 : i32
    %mul3A_488 = arith.muli %arg0, %mul3A_487 : i32
    %add3A_489 = arith.constant 16 : i32
    %add3A_490 = arith.addi %mul3A_488, %add3A_489 : i32
    %get3A_491 = arith.index_cast %add3A_490 : i32 to index
    %get3A_492 = memref.load %arg1[%get3A_491] : memref<80xi32, #tpu.memory_space<smem>>
    %get3A_493 = arith.constant 2048 : index
    %get3A_494 = arith.constant 0 : index
    %get3A_495 = vector.load %arg2[%get3A_493, %get3A_494] : memref<5120x256xf32, #tpu.memory_space<vmem>>, vector<128x256xf32>
    %convert_element_type3A_496 = arith.truncf %get3A_495 : vector<128x256xf32> to vector<128x256xbf16>
    %get3A_497 = arith.index_cast %get3A_492 : i32 to index
    %get3A_498 = arith.constant 0 : index
    %get3A_499 = arith.constant 0 : index
    %get3A_500 = vector.load %arg3[%get3A_497, %get3A_498, %get3A_499] : memref<16x256x256xbf16, #tpu.memory_space<vmem>>, vector<1x256x256xbf16>
    %squeeze3A_501 = vector.shape_cast %get3A_500 : vector<1x256x256xbf16> to vector<256x256xbf16>
    %dot_general3A_502 = arith.constant dense<0.000000e+00> : vector<128x256xf32>
    %dot_general3A_503 = tpu.matmul %convert_element_type3A_496, %squeeze3A_501, %dot_general3A_502 {dimension_numbers = #tpu.dot_dimension_numbers<[1], [0], [0], [1], [0, 0, 1, 1], [], []>, transpose_lhs_hint = false} : vector<128x256xbf16>, vector<256x256xbf16>, vector<128x256xf32> -> vector<128x256xf32>
    %get3A_504 = arith.index_cast %get3A_492 : i32 to index
    %get3A_505 = arith.constant 0 : index
    %get3A_506 = vector.load %arg4[%get3A_504, %get3A_505] : memref<16x256xf32, #tpu.memory_space<vmem>>, vector<1x256xf32>
    %add3A_507 = vector.broadcast %get3A_506 : vector<1x256xf32> to vector<128x256xf32>
    %add3A_508 = arith.addf %dot_general3A_503, %add3A_507 : vector<128x256xf32>
    %tanh3A_509 = math.tanh %add3A_508 : vector<128x256xf32>
    %slice3A_510 = vector.extract_strided_slice %tanh3A_509 {offsets = [0, 0], sizes = [128, 128], strides = [1, 1]} : vector<128x256xf32> to vector<128x128xf32>
    %swap3A_511 = arith.constant 2048 : index
    %swap3A_512 = arith.constant 0 : index
    %swap3A_513 = vector.load %arg5[%swap3A_511, %swap3A_512] : memref<5120x128xf32, #tpu.memory_space<vmem>>, vector<128x128xf32>
    tpu.vector_store %arg5[%swap3A_511, %swap3A_512], %slice3A_510 {strides = array<i32>} : memref<5120x128xf32, #tpu.memory_space<vmem>>, vector<128x128xf32>,
    %slice3A_514 = vector.extract_strided_slice %tanh3A_509 {offsets = [0, 128], sizes = [128, 128], strides = [1, 1]} : vector<128x256xf32> to vector<128x128xf32>
    %swap3A_515 = arith.constant 2048 : index
    %swap3A_516 = arith.constant 0 : index
    %swap3A_517 = vector.load %arg6[%swap3A_515, %swap3A_516] : memref<5120x128xf32, #tpu.memory_space<vmem>>, vector<128x128xf32>
    tpu.vector_store %arg6[%swap3A_515, %swap3A_516], %slice3A_514 {strides = array<i32>} : memref<5120x128xf32, #tpu.memory_space<vmem>>, vector<128x128xf32>,
    %mul3A_518 = arith.constant 40 : i32
    %mul3A_519 = arith.muli %arg0, %mul3A_518 : i32
    %add3A_520 = arith.constant 17 : i32
    %add3A_521 = arith.addi %mul3A_519, %add3A_520 : i32
    %get3A_522 = arith.index_cast %add3A_521 : i32 to index
    %get3A_523 = memref.load %arg1[%get3A_522] : memref<80xi32, #tpu.memory_space<smem>>
    %get3A_524 = arith.constant 2176 : index
    %get3A_525 = arith.constant 0 : index
    %get3A_526 = vector.load %arg2[%get3A_524, %get3A_525] : memref<5120x256xf32, #tpu.memory_space<vmem>>, vector<128x256xf32>
    %convert_element_type3A_527 = arith.truncf %get3A_526 : vector<128x256xf32> to vector<128x256xbf16>
    %get3A_528 = arith.index_cast %get3A_523 : i32 to index
    %get3A_529 = arith.constant 0 : index
    %get3A_530 = arith.constant 0 : index
    %get3A_531 = vector.load %arg3[%get3A_528, %get3A_529, %get3A_530] : memref<16x256x256xbf16, #tpu.memory_space<vmem>>, vector<1x256x256xbf16>
    %squeeze3A_532 = vector.shape_cast %get3A_531 : vector<1x256x256xbf16> to vector<256x256xbf16>
    %dot_general3A_533 = arith.constant dense<0.000000e+00> : vector<128x256xf32>
    %dot_general3A_534 = tpu.matmul %convert_element_type3A_527, %squeeze3A_532, %dot_general3A_533 {dimension_numbers = #tpu.dot_dimension_numbers<[1], [0], [0], [1], [0, 0, 1, 1], [], []>, transpose_lhs_hint = false} : vector<128x256xbf16>, vector<256x256xbf16>, vector<128x256xf32> -> vector<128x256xf32>
    %get3A_535 = arith.index_cast %get3A_523 : i32 to index
    %get3A_536 = arith.constant 0 : index
    %get3A_537 = vector.load %arg4[%get3A_535, %get3A_536] : memref<16x256xf32, #tpu.memory_space<vmem>>, vector<1x256xf32>
    %add3A_538 = vector.broadcast %get3A_537 : vector<1x256xf32> to vector<128x256xf32>
    %add3A_539 = arith.addf %dot_general3A_534, %add3A_538 : vector<128x256xf32>
    %tanh3A_540 = math.tanh %add3A_539 : vector<128x256xf32>
    %slice3A_541 = vector.extract_strided_slice %tanh3A_540 {offsets = [0, 0], sizes = [128, 128], strides = [1, 1]} : vector<128x256xf32> to vector<128x128xf32>
    %swap3A_542 = arith.constant 2176 : index
    %swap3A_543 = arith.constant 0 : index
    %swap3A_544 = vector.load %arg5[%swap3A_542, %swap3A_543] : memref<5120x128xf32, #tpu.memory_space<vmem>>, vector<128x128xf32>
    tpu.vector_store %arg5[%swap3A_542, %swap3A_543], %slice3A_541 {strides = array<i32>} : memref<5120x128xf32, #tpu.memory_space<vmem>>, vector<128x128xf32>,
    %slice3A_545 = vector.extract_strided_slice %tanh3A_540 {offsets = [0, 128], sizes = [128, 128], strides = [1, 1]} : vector<128x256xf32> to vector<128x128xf32>
    %swap3A_546 = arith.constant 2176 : index
    %swap3A_547 = arith.constant 0 : index
    %swap3A_548 = vector.load %arg6[%swap3A_546, %swap3A_547] : memref<5120x128xf32, #tpu.memory_space<vmem>>, vector<128x128xf32>
    tpu.vector_store %arg6[%swap3A_546, %swap3A_547], %slice3A_545 {strides = array<i32>} : memref<5120x128xf32, #tpu.memory_space<vmem>>, vector<128x128xf32>,
    %mul3A_549 = arith.constant 40 : i32
    %mul3A_550 = arith.muli %arg0, %mul3A_549 : i32
    %add3A_551 = arith.constant 18 : i32
    %add3A_552 = arith.addi %mul3A_550, %add3A_551 : i32
    %get3A_553 = arith.index_cast %add3A_552 : i32 to index
    %get3A_554 = memref.load %arg1[%get3A_553] : memref<80xi32, #tpu.memory_space<smem>>
    %get3A_555 = arith.constant 2304 : index
    %get3A_556 = arith.constant 0 : index
    %get3A_557 = vector.load %arg2[%get3A_555, %get3A_556] : memref<5120x256xf32, #tpu.memory_space<vmem>>, vector<128x256xf32>
    %convert_element_type3A_558 = arith.truncf %get3A_557 : vector<128x256xf32> to vector<128x256xbf16>
    %get3A_559 = arith.index_cast %get3A_554 : i32 to index
    %get3A_560 = arith.constant 0 : index
    %get3A_561 = arith.constant 0 : index
    %get3A_562 = vector.load %arg3[%get3A_559, %get3A_560, %get3A_561] : memref<16x256x256xbf16, #tpu.memory_space<vmem>>, vector<1x256x256xbf16>
    %squeeze3A_563 = vector.shape_cast %get3A_562 : vector<1x256x256xbf16> to vector<256x256xbf16>
    %dot_general3A_564 = arith.constant dense<0.000000e+00> : vector<128x256xf32>
    %dot_general3A_565 = tpu.matmul %convert_element_type3A_558, %squeeze3A_563, %dot_general3A_564 {dimension_numbers = #tpu.dot_dimension_numbers<[1], [0], [0], [1], [0, 0, 1, 1], [], []>, transpose_lhs_hint = false} : vector<128x256xbf16>, vector<256x256xbf16>, vector<128x256xf32> -> vector<128x256xf32>
    %get3A_566 = arith.index_cast %get3A_554 : i32 to index
    %get3A_567 = arith.constant 0 : index
    %get3A_568 = vector.load %arg4[%get3A_566, %get3A_567] : memref<16x256xf32, #tpu.memory_space<vmem>>, vector<1x256xf32>
    %add3A_569 = vector.broadcast %get3A_568 : vector<1x256xf32> to vector<128x256xf32>
    %add3A_570 = arith.addf %dot_general3A_565, %add3A_569 : vector<128x256xf32>
    %tanh3A_571 = math.tanh %add3A_570 : vector<128x256xf32>
    %slice3A_572 = vector.extract_strided_slice %tanh3A_571 {offsets = [0, 0], sizes = [128, 128], strides = [1, 1]} : vector<128x256xf32> to vector<128x128xf32>
    %swap3A_573 = arith.constant 2304 : index
    %swap3A_574 = arith.constant 0 : index
    %swap3A_575 = vector.load %arg5[%swap3A_573, %swap3A_574] : memref<5120x128xf32, #tpu.memory_space<vmem>>, vector<128x128xf32>
    tpu.vector_store %arg5[%swap3A_573, %swap3A_574], %slice3A_572 {strides = array<i32>} : memref<5120x128xf32, #tpu.memory_space<vmem>>, vector<128x128xf32>,
    %slice3A_576 = vector.extract_strided_slice %tanh3A_571 {offsets = [0, 128], sizes = [128, 128], strides = [1, 1]} : vector<128x256xf32> to vector<128x128xf32>
    %swap3A_577 = arith.constant 2304 : index
    %swap3A_578 = arith.constant 0 : index
    %swap3A_579 = vector.load %arg6[%swap3A_577, %swap3A_578] : memref<5120x128xf32, #tpu.memory_space<vmem>>, vector<128x128xf32>
    tpu.vector_store %arg6[%swap3A_577, %swap3A_578], %slice3A_576 {strides = array<i32>} : memref<5120x128xf32, #tpu.memory_space<vmem>>, vector<128x128xf32>,
    %mul3A_580 = arith.constant 40 : i32
    %mul3A_581 = arith.muli %arg0, %mul3A_580 : i32
    %add3A_582 = arith.constant 19 : i32
    %add3A_583 = arith.addi %mul3A_581, %add3A_582 : i32
    %get3A_584 = arith.index_cast %add3A_583 : i32 to index
    %get3A_585 = memref.load %arg1[%get3A_584] : memref<80xi32, #tpu.memory_space<smem>>
    %get3A_586 = arith.constant 2432 : index
    %get3A_587 = arith.constant 0 : index
    %get3A_588 = vector.load %arg2[%get3A_586, %get3A_587] : memref<5120x256xf32, #tpu.memory_space<vmem>>, vector<128x256xf32>
    %convert_element_type3A_589 = arith.truncf %get3A_588 : vector<128x256xf32> to vector<128x256xbf16>
    %get3A_590 = arith.index_cast %get3A_585 : i32 to index
    %get3A_591 = arith.constant 0 : index
    %get3A_592 = arith.constant 0 : index
    %get3A_593 = vector.load %arg3[%get3A_590, %get3A_591, %get3A_592] : memref<16x256x256xbf16, #tpu.memory_space<vmem>>, vector<1x256x256xbf16>
    %squeeze3A_594 = vector.shape_cast %get3A_593 : vector<1x256x256xbf16> to vector<256x256xbf16>
    %dot_general3A_595 = arith.constant dense<0.000000e+00> : vector<128x256xf32>
    %dot_general3A_596 = tpu.matmul %convert_element_type3A_589, %squeeze3A_594, %dot_general3A_595 {dimension_numbers = #tpu.dot_dimension_numbers<[1], [0], [0], [1], [0, 0, 1, 1], [], []>, transpose_lhs_hint = false} : vector<128x256xbf16>, vector<256x256xbf16>, vector<128x256xf32> -> vector<128x256xf32>
    %get3A_597 = arith.index_cast %get3A_585 : i32 to index
    %get3A_598 = arith.constant 0 : index
    %get3A_599 = vector.load %arg4[%get3A_597, %get3A_598] : memref<16x256xf32, #tpu.memory_space<vmem>>, vector<1x256xf32>
    %add3A_600 = vector.broadcast %get3A_599 : vector<1x256xf32> to vector<128x256xf32>
    %add3A_601 = arith.addf %dot_general3A_596, %add3A_600 : vector<128x256xf32>
    %tanh3A_602 = math.tanh %add3A_601 : vector<128x256xf32>
    %slice3A_603 = vector.extract_strided_slice %tanh3A_602 {offsets = [0, 0], sizes = [128, 128], strides = [1, 1]} : vector<128x256xf32> to vector<128x128xf32>
    %swap3A_604 = arith.constant 2432 : index
    %swap3A_605 = arith.constant 0 : index
    %swap3A_606 = vector.load %arg5[%swap3A_604, %swap3A_605] : memref<5120x128xf32, #tpu.memory_space<vmem>>, vector<128x128xf32>
    tpu.vector_store %arg5[%swap3A_604, %swap3A_605], %slice3A_603 {strides = array<i32>} : memref<5120x128xf32, #tpu.memory_space<vmem>>, vector<128x128xf32>,
    %slice3A_607 = vector.extract_strided_slice %tanh3A_602 {offsets = [0, 128], sizes = [128, 128], strides = [1, 1]} : vector<128x256xf32> to vector<128x128xf32>
    %swap3A_608 = arith.constant 2432 : index
    %swap3A_609 = arith.constant 0 : index
    %swap3A_610 = vector.load %arg6[%swap3A_608, %swap3A_609] : memref<5120x128xf32, #tpu.memory_space<vmem>>, vector<128x128xf32>
    tpu.vector_store %arg6[%swap3A_608, %swap3A_609], %slice3A_607 {strides = array<i32>} : memref<5120x128xf32, #tpu.memory_space<vmem>>, vector<128x128xf32>,
    %mul3A_611 = arith.constant 40 : i32
    %mul3A_612 = arith.muli %arg0, %mul3A_611 : i32
    %add3A_613 = arith.constant 20 : i32
    %add3A_614 = arith.addi %mul3A_612, %add3A_613 : i32
    %get3A_615 = arith.index_cast %add3A_614 : i32 to index
    %get3A_616 = memref.load %arg1[%get3A_615] : memref<80xi32, #tpu.memory_space<smem>>
    %get3A_617 = arith.constant 2560 : index
    %get3A_618 = arith.constant 0 : index
    %get3A_619 = vector.load %arg2[%get3A_617, %get3A_618] : memref<5120x256xf32, #tpu.memory_space<vmem>>, vector<128x256xf32>
    %convert_element_type3A_620 = arith.truncf %get3A_619 : vector<128x256xf32> to vector<128x256xbf16>
    %get3A_621 = arith.index_cast %get3A_616 : i32 to index
    %get3A_622 = arith.constant 0 : index
    %get3A_623 = arith.constant 0 : index
    %get3A_624 = vector.load %arg3[%get3A_621, %get3A_622, %get3A_623] : memref<16x256x256xbf16, #tpu.memory_space<vmem>>, vector<1x256x256xbf16>
    %squeeze3A_625 = vector.shape_cast %get3A_624 : vector<1x256x256xbf16> to vector<256x256xbf16>
    %dot_general3A_626 = arith.constant dense<0.000000e+00> : vector<128x256xf32>
    %dot_general3A_627 = tpu.matmul %convert_element_type3A_620, %squeeze3A_625, %dot_general3A_626 {dimension_numbers = #tpu.dot_dimension_numbers<[1], [0], [0], [1], [0, 0, 1, 1], [], []>, transpose_lhs_hint = false} : vector<128x256xbf16>, vector<256x256xbf16>, vector<128x256xf32> -> vector<128x256xf32>
    %get3A_628 = arith.index_cast %get3A_616 : i32 to index
    %get3A_629 = arith.constant 0 : index
    %get3A_630 = vector.load %arg4[%get3A_628, %get3A_629] : memref<16x256xf32, #tpu.memory_space<vmem>>, vector<1x256xf32>
    %add3A_631 = vector.broadcast %get3A_630 : vector<1x256xf32> to vector<128x256xf32>
    %add3A_632 = arith.addf %dot_general3A_627, %add3A_631 : vector<128x256xf32>
    %tanh3A_633 = math.tanh %add3A_632 : vector<128x256xf32>
    %slice3A_634 = vector.extract_strided_slice %tanh3A_633 {offsets = [0, 0], sizes = [128, 128], strides = [1, 1]} : vector<128x256xf32> to vector<128x128xf32>
    %swap3A_635 = arith.constant 2560 : index
    %swap3A_636 = arith.constant 0 : index
    %swap3A_637 = vector.load %arg5[%swap3A_635, %swap3A_636] : memref<5120x128xf32, #tpu.memory_space<vmem>>, vector<128x128xf32>
    tpu.vector_store %arg5[%swap3A_635, %swap3A_636], %slice3A_634 {strides = array<i32>} : memref<5120x128xf32, #tpu.memory_space<vmem>>, vector<128x128xf32>,
    %slice3A_638 = vector.extract_strided_slice %tanh3A_633 {offsets = [0, 128], sizes = [128, 128], strides = [1, 1]} : vector<128x256xf32> to vector<128x128xf32>
    %swap3A_639 = arith.constant 2560 : index
    %swap3A_640 = arith.constant 0 : index
    %swap3A_641 = vector.load %arg6[%swap3A_639, %swap3A_640] : memref<5120x128xf32, #tpu.memory_space<vmem>>, vector<128x128xf32>
    tpu.vector_store %arg6[%swap3A_639, %swap3A_640], %slice3A_638 {strides = array<i32>} : memref<5120x128xf32, #tpu.memory_space<vmem>>, vector<128x128xf32>,
    %mul3A_642 = arith.constant 40 : i32
    %mul3A_643 = arith.muli %arg0, %mul3A_642 : i32
    %add3A_644 = arith.constant 21 : i32
    %add3A_645 = arith.addi %mul3A_643, %add3A_644 : i32
    %get3A_646 = arith.index_cast %add3A_645 : i32 to index
    %get3A_647 = memref.load %arg1[%get3A_646] : memref<80xi32, #tpu.memory_space<smem>>
    %get3A_648 = arith.constant 2688 : index
    %get3A_649 = arith.constant 0 : index
    %get3A_650 = vector.load %arg2[%get3A_648, %get3A_649] : memref<5120x256xf32, #tpu.memory_space<vmem>>, vector<128x256xf32>
    %convert_element_type3A_651 = arith.truncf %get3A_650 : vector<128x256xf32> to vector<128x256xbf16>
    %get3A_652 = arith.index_cast %get3A_647 : i32 to index
    %get3A_653 = arith.constant 0 : index
    %get3A_654 = arith.constant 0 : index
    %get3A_655 = vector.load %arg3[%get3A_652, %get3A_653, %get3A_654] : memref<16x256x256xbf16, #tpu.memory_space<vmem>>, vector<1x256x256xbf16>
    %squeeze3A_656 = vector.shape_cast %get3A_655 : vector<1x256x256xbf16> to vector<256x256xbf16>
    %dot_general3A_657 = arith.constant dense<0.000000e+00> : vector<128x256xf32>
    %dot_general3A_658 = tpu.matmul %convert_element_type3A_651, %squeeze3A_656, %dot_general3A_657 {dimension_numbers = #tpu.dot_dimension_numbers<[1], [0], [0], [1], [0, 0, 1, 1], [], []>, transpose_lhs_hint = false} : vector<128x256xbf16>, vector<256x256xbf16>, vector<128x256xf32> -> vector<128x256xf32>
    %get3A_659 = arith.index_cast %get3A_647 : i32 to index
    %get3A_660 = arith.constant 0 : index
    %get3A_661 = vector.load %arg4[%get3A_659, %get3A_660] : memref<16x256xf32, #tpu.memory_space<vmem>>, vector<1x256xf32>
    %add3A_662 = vector.broadcast %get3A_661 : vector<1x256xf32> to vector<128x256xf32>
    %add3A_663 = arith.addf %dot_general3A_658, %add3A_662 : vector<128x256xf32>
    %tanh3A_664 = math.tanh %add3A_663 : vector<128x256xf32>
    %slice3A_665 = vector.extract_strided_slice %tanh3A_664 {offsets = [0, 0], sizes = [128, 128], strides = [1, 1]} : vector<128x256xf32> to vector<128x128xf32>
    %swap3A_666 = arith.constant 2688 : index
    %swap3A_667 = arith.constant 0 : index
    %swap3A_668 = vector.load %arg5[%swap3A_666, %swap3A_667] : memref<5120x128xf32, #tpu.memory_space<vmem>>, vector<128x128xf32>
    tpu.vector_store %arg5[%swap3A_666, %swap3A_667], %slice3A_665 {strides = array<i32>} : memref<5120x128xf32, #tpu.memory_space<vmem>>, vector<128x128xf32>,
    %slice3A_669 = vector.extract_strided_slice %tanh3A_664 {offsets = [0, 128], sizes = [128, 128], strides = [1, 1]} : vector<128x256xf32> to vector<128x128xf32>
    %swap3A_670 = arith.constant 2688 : index
    %swap3A_671 = arith.constant 0 : index
    %swap3A_672 = vector.load %arg6[%swap3A_670, %swap3A_671] : memref<5120x128xf32, #tpu.memory_space<vmem>>, vector<128x128xf32>
    tpu.vector_store %arg6[%swap3A_670, %swap3A_671], %slice3A_669 {strides = array<i32>} : memref<5120x128xf32, #tpu.memory_space<vmem>>, vector<128x128xf32>,
    %mul3A_673 = arith.constant 40 : i32
    %mul3A_674 = arith.muli %arg0, %mul3A_673 : i32
    %add3A_675 = arith.constant 22 : i32
    %add3A_676 = arith.addi %mul3A_674, %add3A_675 : i32
    %get3A_677 = arith.index_cast %add3A_676 : i32 to index
    %get3A_678 = memref.load %arg1[%get3A_677] : memref<80xi32, #tpu.memory_space<smem>>
    %get3A_679 = arith.constant 2816 : index
    %get3A_680 = arith.constant 0 : index
    %get3A_681 = vector.load %arg2[%get3A_679, %get3A_680] : memref<5120x256xf32, #tpu.memory_space<vmem>>, vector<128x256xf32>
    %convert_element_type3A_682 = arith.truncf %get3A_681 : vector<128x256xf32> to vector<128x256xbf16>
    %get3A_683 = arith.index_cast %get3A_678 : i32 to index
    %get3A_684 = arith.constant 0 : index
    %get3A_685 = arith.constant 0 : index
    %get3A_686 = vector.load %arg3[%get3A_683, %get3A_684, %get3A_685] : memref<16x256x256xbf16, #tpu.memory_space<vmem>>, vector<1x256x256xbf16>
    %squeeze3A_687 = vector.shape_cast %get3A_686 : vector<1x256x256xbf16> to vector<256x256xbf16>
    %dot_general3A_688 = arith.constant dense<0.000000e+00> : vector<128x256xf32>
    %dot_general3A_689 = tpu.matmul %convert_element_type3A_682, %squeeze3A_687, %dot_general3A_688 {dimension_numbers = #tpu.dot_dimension_numbers<[1], [0], [0], [1], [0, 0, 1, 1], [], []>, transpose_lhs_hint = false} : vector<128x256xbf16>, vector<256x256xbf16>, vector<128x256xf32> -> vector<128x256xf32>
    %get3A_690 = arith.index_cast %get3A_678 : i32 to index
    %get3A_691 = arith.constant 0 : index
    %get3A_692 = vector.load %arg4[%get3A_690, %get3A_691] : memref<16x256xf32, #tpu.memory_space<vmem>>, vector<1x256xf32>
    %add3A_693 = vector.broadcast %get3A_692 : vector<1x256xf32> to vector<128x256xf32>
    %add3A_694 = arith.addf %dot_general3A_689, %add3A_693 : vector<128x256xf32>
    %tanh3A_695 = math.tanh %add3A_694 : vector<128x256xf32>
    %slice3A_696 = vector.extract_strided_slice %tanh3A_695 {offsets = [0, 0], sizes = [128, 128], strides = [1, 1]} : vector<128x256xf32> to vector<128x128xf32>
    %swap3A_697 = arith.constant 2816 : index
    %swap3A_698 = arith.constant 0 : index
    %swap3A_699 = vector.load %arg5[%swap3A_697, %swap3A_698] : memref<5120x128xf32, #tpu.memory_space<vmem>>, vector<128x128xf32>
    tpu.vector_store %arg5[%swap3A_697, %swap3A_698], %slice3A_696 {strides = array<i32>} : memref<5120x128xf32, #tpu.memory_space<vmem>>, vector<128x128xf32>,
    %slice3A_700 = vector.extract_strided_slice %tanh3A_695 {offsets = [0, 128], sizes = [128, 128], strides = [1, 1]} : vector<128x256xf32> to vector<128x128xf32>
    %swap3A_701 = arith.constant 2816 : index
    %swap3A_702 = arith.constant 0 : index
    %swap3A_703 = vector.load %arg6[%swap3A_701, %swap3A_702] : memref<5120x128xf32, #tpu.memory_space<vmem>>, vector<128x128xf32>
    tpu.vector_store %arg6[%swap3A_701, %swap3A_702], %slice3A_700 {strides = array<i32>} : memref<5120x128xf32, #tpu.memory_space<vmem>>, vector<128x128xf32>,
    %mul3A_704 = arith.constant 40 : i32
    %mul3A_705 = arith.muli %arg0, %mul3A_704 : i32
    %add3A_706 = arith.constant 23 : i32
    %add3A_707 = arith.addi %mul3A_705, %add3A_706 : i32
    %get3A_708 = arith.index_cast %add3A_707 : i32 to index
    %get3A_709 = memref.load %arg1[%get3A_708] : memref<80xi32, #tpu.memory_space<smem>>
    %get3A_710 = arith.constant 2944 : index
    %get3A_711 = arith.constant 0 : index
    %get3A_712 = vector.load %arg2[%get3A_710, %get3A_711] : memref<5120x256xf32, #tpu.memory_space<vmem>>, vector<128x256xf32>
    %convert_element_type3A_713 = arith.truncf %get3A_712 : vector<128x256xf32> to vector<128x256xbf16>
    %get3A_714 = arith.index_cast %get3A_709 : i32 to index
    %get3A_715 = arith.constant 0 : index
    %get3A_716 = arith.constant 0 : index
    %get3A_717 = vector.load %arg3[%get3A_714, %get3A_715, %get3A_716] : memref<16x256x256xbf16, #tpu.memory_space<vmem>>, vector<1x256x256xbf16>
    %squeeze3A_718 = vector.shape_cast %get3A_717 : vector<1x256x256xbf16> to vector<256x256xbf16>
    %dot_general3A_719 = arith.constant dense<0.000000e+00> : vector<128x256xf32>
    %dot_general3A_720 = tpu.matmul %convert_element_type3A_713, %squeeze3A_718, %dot_general3A_719 {dimension_numbers = #tpu.dot_dimension_numbers<[1], [0], [0], [1], [0, 0, 1, 1], [], []>, transpose_lhs_hint = false} : vector<128x256xbf16>, vector<256x256xbf16>, vector<128x256xf32> -> vector<128x256xf32>
    %get3A_721 = arith.index_cast %get3A_709 : i32 to index
    %get3A_722 = arith.constant 0 : index
    %get3A_723 = vector.load %arg4[%get3A_721, %get3A_722] : memref<16x256xf32, #tpu.memory_space<vmem>>, vector<1x256xf32>
    %add3A_724 = vector.broadcast %get3A_723 : vector<1x256xf32> to vector<128x256xf32>
    %add3A_725 = arith.addf %dot_general3A_720, %add3A_724 : vector<128x256xf32>
    %tanh3A_726 = math.tanh %add3A_725 : vector<128x256xf32>
    %slice3A_727 = vector.extract_strided_slice %tanh3A_726 {offsets = [0, 0], sizes = [128, 128], strides = [1, 1]} : vector<128x256xf32> to vector<128x128xf32>
    %swap3A_728 = arith.constant 2944 : index
    %swap3A_729 = arith.constant 0 : index
    %swap3A_730 = vector.load %arg5[%swap3A_728, %swap3A_729] : memref<5120x128xf32, #tpu.memory_space<vmem>>, vector<128x128xf32>
    tpu.vector_store %arg5[%swap3A_728, %swap3A_729], %slice3A_727 {strides = array<i32>} : memref<5120x128xf32, #tpu.memory_space<vmem>>, vector<128x128xf32>,
    %slice3A_731 = vector.extract_strided_slice %tanh3A_726 {offsets = [0, 128], sizes = [128, 128], strides = [1, 1]} : vector<128x256xf32> to vector<128x128xf32>
    %swap3A_732 = arith.constant 2944 : index
    %swap3A_733 = arith.constant 0 : index
    %swap3A_734 = vector.load %arg6[%swap3A_732, %swap3A_733] : memref<5120x128xf32, #tpu.memory_space<vmem>>, vector<128x128xf32>
    tpu.vector_store %arg6[%swap3A_732, %swap3A_733], %slice3A_731 {strides = array<i32>} : memref<5120x128xf32, #tpu.memory_space<vmem>>, vector<128x128xf32>,
    %mul3A_735 = arith.constant 40 : i32
    %mul3A_736 = arith.muli %arg0, %mul3A_735 : i32
    %add3A_737 = arith.constant 24 : i32
    %add3A_738 = arith.addi %mul3A_736, %add3A_737 : i32
    %get3A_739 = arith.index_cast %add3A_738 : i32 to index
    %get3A_740 = memref.load %arg1[%get3A_739] : memref<80xi32, #tpu.memory_space<smem>>
    %get3A_741 = arith.constant 3072 : index
    %get3A_742 = arith.constant 0 : index
    %get3A_743 = vector.load %arg2[%get3A_741, %get3A_742] : memref<5120x256xf32, #tpu.memory_space<vmem>>, vector<128x256xf32>
    %convert_element_type3A_744 = arith.truncf %get3A_743 : vector<128x256xf32> to vector<128x256xbf16>
    %get3A_745 = arith.index_cast %get3A_740 : i32 to index
    %get3A_746 = arith.constant 0 : index
    %get3A_747 = arith.constant 0 : index
    %get3A_748 = vector.load %arg3[%get3A_745, %get3A_746, %get3A_747] : memref<16x256x256xbf16, #tpu.memory_space<vmem>>, vector<1x256x256xbf16>
    %squeeze3A_749 = vector.shape_cast %get3A_748 : vector<1x256x256xbf16> to vector<256x256xbf16>
    %dot_general3A_750 = arith.constant dense<0.000000e+00> : vector<128x256xf32>
    %dot_general3A_751 = tpu.matmul %convert_element_type3A_744, %squeeze3A_749, %dot_general3A_750 {dimension_numbers = #tpu.dot_dimension_numbers<[1], [0], [0], [1], [0, 0, 1, 1], [], []>, transpose_lhs_hint = false} : vector<128x256xbf16>, vector<256x256xbf16>, vector<128x256xf32> -> vector<128x256xf32>
    %get3A_752 = arith.index_cast %get3A_740 : i32 to index
    %get3A_753 = arith.constant 0 : index
    %get3A_754 = vector.load %arg4[%get3A_752, %get3A_753] : memref<16x256xf32, #tpu.memory_space<vmem>>, vector<1x256xf32>
    %add3A_755 = vector.broadcast %get3A_754 : vector<1x256xf32> to vector<128x256xf32>
    %add3A_756 = arith.addf %dot_general3A_751, %add3A_755 : vector<128x256xf32>
    %tanh3A_757 = math.tanh %add3A_756 : vector<128x256xf32>
    %slice3A_758 = vector.extract_strided_slice %tanh3A_757 {offsets = [0, 0], sizes = [128, 128], strides = [1, 1]} : vector<128x256xf32> to vector<128x128xf32>
    %swap3A_759 = arith.constant 3072 : index
    %swap3A_760 = arith.constant 0 : index
    %swap3A_761 = vector.load %arg5[%swap3A_759, %swap3A_760] : memref<5120x128xf32, #tpu.memory_space<vmem>>, vector<128x128xf32>
    tpu.vector_store %arg5[%swap3A_759, %swap3A_760], %slice3A_758 {strides = array<i32>} : memref<5120x128xf32, #tpu.memory_space<vmem>>, vector<128x128xf32>,
    %slice3A_762 = vector.extract_strided_slice %tanh3A_757 {offsets = [0, 128], sizes = [128, 128], strides = [1, 1]} : vector<128x256xf32> to vector<128x128xf32>
    %swap3A_763 = arith.constant 3072 : index
    %swap3A_764 = arith.constant 0 : index
    %swap3A_765 = vector.load %arg6[%swap3A_763, %swap3A_764] : memref<5120x128xf32, #tpu.memory_space<vmem>>, vector<128x128xf32>
    tpu.vector_store %arg6[%swap3A_763, %swap3A_764], %slice3A_762 {strides = array<i32>} : memref<5120x128xf32, #tpu.memory_space<vmem>>, vector<128x128xf32>,
    %mul3A_766 = arith.constant 40 : i32
    %mul3A_767 = arith.muli %arg0, %mul3A_766 : i32
    %add3A_768 = arith.constant 25 : i32
    %add3A_769 = arith.addi %mul3A_767, %add3A_768 : i32
    %get3A_770 = arith.index_cast %add3A_769 : i32 to index
    %get3A_771 = memref.load %arg1[%get3A_770] : memref<80xi32, #tpu.memory_space<smem>>
    %get3A_772 = arith.constant 3200 : index
    %get3A_773 = arith.constant 0 : index
    %get3A_774 = vector.load %arg2[%get3A_772, %get3A_773] : memref<5120x256xf32, #tpu.memory_space<vmem>>, vector<128x256xf32>
    %convert_element_type3A_775 = arith.truncf %get3A_774 : vector<128x256xf32> to vector<128x256xbf16>
    %get3A_776 = arith.index_cast %get3A_771 : i32 to index
    %get3A_777 = arith.constant 0 : index
    %get3A_778 = arith.constant 0 : index
    %get3A_779 = vector.load %arg3[%get3A_776, %get3A_777, %get3A_778] : memref<16x256x256xbf16, #tpu.memory_space<vmem>>, vector<1x256x256xbf16>
    %squeeze3A_780 = vector.shape_cast %get3A_779 : vector<1x256x256xbf16> to vector<256x256xbf16>
    %dot_general3A_781 = arith.constant dense<0.000000e+00> : vector<128x256xf32>
    %dot_general3A_782 = tpu.matmul %convert_element_type3A_775, %squeeze3A_780, %dot_general3A_781 {dimension_numbers = #tpu.dot_dimension_numbers<[1], [0], [0], [1], [0, 0, 1, 1], [], []>, transpose_lhs_hint = false} : vector<128x256xbf16>, vector<256x256xbf16>, vector<128x256xf32> -> vector<128x256xf32>
    %get3A_783 = arith.index_cast %get3A_771 : i32 to index
    %get3A_784 = arith.constant 0 : index
    %get3A_785 = vector.load %arg4[%get3A_783, %get3A_784] : memref<16x256xf32, #tpu.memory_space<vmem>>, vector<1x256xf32>
    %add3A_786 = vector.broadcast %get3A_785 : vector<1x256xf32> to vector<128x256xf32>
    %add3A_787 = arith.addf %dot_general3A_782, %add3A_786 : vector<128x256xf32>
    %tanh3A_788 = math.tanh %add3A_787 : vector<128x256xf32>
    %slice3A_789 = vector.extract_strided_slice %tanh3A_788 {offsets = [0, 0], sizes = [128, 128], strides = [1, 1]} : vector<128x256xf32> to vector<128x128xf32>
    %swap3A_790 = arith.constant 3200 : index
    %swap3A_791 = arith.constant 0 : index
    %swap3A_792 = vector.load %arg5[%swap3A_790, %swap3A_791] : memref<5120x128xf32, #tpu.memory_space<vmem>>, vector<128x128xf32>
    tpu.vector_store %arg5[%swap3A_790, %swap3A_791], %slice3A_789 {strides = array<i32>} : memref<5120x128xf32, #tpu.memory_space<vmem>>, vector<128x128xf32>,
    %slice3A_793 = vector.extract_strided_slice %tanh3A_788 {offsets = [0, 128], sizes = [128, 128], strides = [1, 1]} : vector<128x256xf32> to vector<128x128xf32>
    %swap3A_794 = arith.constant 3200 : index
    %swap3A_795 = arith.constant 0 : index
    %swap3A_796 = vector.load %arg6[%swap3A_794, %swap3A_795] : memref<5120x128xf32, #tpu.memory_space<vmem>>, vector<128x128xf32>
    tpu.vector_store %arg6[%swap3A_794, %swap3A_795], %slice3A_793 {strides = array<i32>} : memref<5120x128xf32, #tpu.memory_space<vmem>>, vector<128x128xf32>,
    %mul3A_797 = arith.constant 40 : i32
    %mul3A_798 = arith.muli %arg0, %mul3A_797 : i32
    %add3A_799 = arith.constant 26 : i32
    %add3A_800 = arith.addi %mul3A_798, %add3A_799 : i32
    %get3A_801 = arith.index_cast %add3A_800 : i32 to index
    %get3A_802 = memref.load %arg1[%get3A_801] : memref<80xi32, #tpu.memory_space<smem>>
    %get3A_803 = arith.constant 3328 : index
    %get3A_804 = arith.constant 0 : index
    %get3A_805 = vector.load %arg2[%get3A_803, %get3A_804] : memref<5120x256xf32, #tpu.memory_space<vmem>>, vector<128x256xf32>
    %convert_element_type3A_806 = arith.truncf %get3A_805 : vector<128x256xf32> to vector<128x256xbf16>
    %get3A_807 = arith.index_cast %get3A_802 : i32 to index
    %get3A_808 = arith.constant 0 : index
    %get3A_809 = arith.constant 0 : index
    %get3A_810 = vector.load %arg3[%get3A_807, %get3A_808, %get3A_809] : memref<16x256x256xbf16, #tpu.memory_space<vmem>>, vector<1x256x256xbf16>
    %squeeze3A_811 = vector.shape_cast %get3A_810 : vector<1x256x256xbf16> to vector<256x256xbf16>
    %dot_general3A_812 = arith.constant dense<0.000000e+00> : vector<128x256xf32>
    %dot_general3A_813 = tpu.matmul %convert_element_type3A_806, %squeeze3A_811, %dot_general3A_812 {dimension_numbers = #tpu.dot_dimension_numbers<[1], [0], [0], [1], [0, 0, 1, 1], [], []>, transpose_lhs_hint = false} : vector<128x256xbf16>, vector<256x256xbf16>, vector<128x256xf32> -> vector<128x256xf32>
    %get3A_814 = arith.index_cast %get3A_802 : i32 to index
    %get3A_815 = arith.constant 0 : index
    %get3A_816 = vector.load %arg4[%get3A_814, %get3A_815] : memref<16x256xf32, #tpu.memory_space<vmem>>, vector<1x256xf32>
    %add3A_817 = vector.broadcast %get3A_816 : vector<1x256xf32> to vector<128x256xf32>
    %add3A_818 = arith.addf %dot_general3A_813, %add3A_817 : vector<128x256xf32>
    %tanh3A_819 = math.tanh %add3A_818 : vector<128x256xf32>
    %slice3A_820 = vector.extract_strided_slice %tanh3A_819 {offsets = [0, 0], sizes = [128, 128], strides = [1, 1]} : vector<128x256xf32> to vector<128x128xf32>
    %swap3A_821 = arith.constant 3328 : index
    %swap3A_822 = arith.constant 0 : index
    %swap3A_823 = vector.load %arg5[%swap3A_821, %swap3A_822] : memref<5120x128xf32, #tpu.memory_space<vmem>>, vector<128x128xf32>
    tpu.vector_store %arg5[%swap3A_821, %swap3A_822], %slice3A_820 {strides = array<i32>} : memref<5120x128xf32, #tpu.memory_space<vmem>>, vector<128x128xf32>,
    %slice3A_824 = vector.extract_strided_slice %tanh3A_819 {offsets = [0, 128], sizes = [128, 128], strides = [1, 1]} : vector<128x256xf32> to vector<128x128xf32>
    %swap3A_825 = arith.constant 3328 : index
    %swap3A_826 = arith.constant 0 : index
    %swap3A_827 = vector.load %arg6[%swap3A_825, %swap3A_826] : memref<5120x128xf32, #tpu.memory_space<vmem>>, vector<128x128xf32>
    tpu.vector_store %arg6[%swap3A_825, %swap3A_826], %slice3A_824 {strides = array<i32>} : memref<5120x128xf32, #tpu.memory_space<vmem>>, vector<128x128xf32>,
    %mul3A_828 = arith.constant 40 : i32
    %mul3A_829 = arith.muli %arg0, %mul3A_828 : i32
    %add3A_830 = arith.constant 27 : i32
    %add3A_831 = arith.addi %mul3A_829, %add3A_830 : i32
    %get3A_832 = arith.index_cast %add3A_831 : i32 to index
    %get3A_833 = memref.load %arg1[%get3A_832] : memref<80xi32, #tpu.memory_space<smem>>
    %get3A_834 = arith.constant 3456 : index
    %get3A_835 = arith.constant 0 : index
    %get3A_836 = vector.load %arg2[%get3A_834, %get3A_835] : memref<5120x256xf32, #tpu.memory_space<vmem>>, vector<128x256xf32>
    %convert_element_type3A_837 = arith.truncf %get3A_836 : vector<128x256xf32> to vector<128x256xbf16>
    %get3A_838 = arith.index_cast %get3A_833 : i32 to index
    %get3A_839 = arith.constant 0 : index
    %get3A_840 = arith.constant 0 : index
    %get3A_841 = vector.load %arg3[%get3A_838, %get3A_839, %get3A_840] : memref<16x256x256xbf16, #tpu.memory_space<vmem>>, vector<1x256x256xbf16>
    %squeeze3A_842 = vector.shape_cast %get3A_841 : vector<1x256x256xbf16> to vector<256x256xbf16>
    %dot_general3A_843 = arith.constant dense<0.000000e+00> : vector<128x256xf32>
    %dot_general3A_844 = tpu.matmul %convert_element_type3A_837, %squeeze3A_842, %dot_general3A_843 {dimension_numbers = #tpu.dot_dimension_numbers<[1], [0], [0], [1], [0, 0, 1, 1], [], []>, transpose_lhs_hint = false} : vector<128x256xbf16>, vector<256x256xbf16>, vector<128x256xf32> -> vector<128x256xf32>
    %get3A_845 = arith.index_cast %get3A_833 : i32 to index
    %get3A_846 = arith.constant 0 : index
    %get3A_847 = vector.load %arg4[%get3A_845, %get3A_846] : memref<16x256xf32, #tpu.memory_space<vmem>>, vector<1x256xf32>
    %add3A_848 = vector.broadcast %get3A_847 : vector<1x256xf32> to vector<128x256xf32>
    %add3A_849 = arith.addf %dot_general3A_844, %add3A_848 : vector<128x256xf32>
    %tanh3A_850 = math.tanh %add3A_849 : vector<128x256xf32>
    %slice3A_851 = vector.extract_strided_slice %tanh3A_850 {offsets = [0, 0], sizes = [128, 128], strides = [1, 1]} : vector<128x256xf32> to vector<128x128xf32>
    %swap3A_852 = arith.constant 3456 : index
    %swap3A_853 = arith.constant 0 : index
    %swap3A_854 = vector.load %arg5[%swap3A_852, %swap3A_853] : memref<5120x128xf32, #tpu.memory_space<vmem>>, vector<128x128xf32>
    tpu.vector_store %arg5[%swap3A_852, %swap3A_853], %slice3A_851 {strides = array<i32>} : memref<5120x128xf32, #tpu.memory_space<vmem>>, vector<128x128xf32>,
    %slice3A_855 = vector.extract_strided_slice %tanh3A_850 {offsets = [0, 128], sizes = [128, 128], strides = [1, 1]} : vector<128x256xf32> to vector<128x128xf32>
    %swap3A_856 = arith.constant 3456 : index
    %swap3A_857 = arith.constant 0 : index
    %swap3A_858 = vector.load %arg6[%swap3A_856, %swap3A_857] : memref<5120x128xf32, #tpu.memory_space<vmem>>, vector<128x128xf32>
    tpu.vector_store %arg6[%swap3A_856, %swap3A_857], %slice3A_855 {strides = array<i32>} : memref<5120x128xf32, #tpu.memory_space<vmem>>, vector<128x128xf32>,
    %mul3A_859 = arith.constant 40 : i32
    %mul3A_860 = arith.muli %arg0, %mul3A_859 : i32
    %add3A_861 = arith.constant 28 : i32
    %add3A_862 = arith.addi %mul3A_860, %add3A_861 : i32
    %get3A_863 = arith.index_cast %add3A_862 : i32 to index
    %get3A_864 = memref.load %arg1[%get3A_863] : memref<80xi32, #tpu.memory_space<smem>>
    %get3A_865 = arith.constant 3584 : index
    %get3A_866 = arith.constant 0 : index
    %get3A_867 = vector.load %arg2[%get3A_865, %get3A_866] : memref<5120x256xf32, #tpu.memory_space<vmem>>, vector<128x256xf32>
    %convert_element_type3A_868 = arith.truncf %get3A_867 : vector<128x256xf32> to vector<128x256xbf16>
    %get3A_869 = arith.index_cast %get3A_864 : i32 to index
    %get3A_870 = arith.constant 0 : index
    %get3A_871 = arith.constant 0 : index
    %get3A_872 = vector.load %arg3[%get3A_869, %get3A_870, %get3A_871] : memref<16x256x256xbf16, #tpu.memory_space<vmem>>, vector<1x256x256xbf16>
    %squeeze3A_873 = vector.shape_cast %get3A_872 : vector<1x256x256xbf16> to vector<256x256xbf16>
    %dot_general3A_874 = arith.constant dense<0.000000e+00> : vector<128x256xf32>
    %dot_general3A_875 = tpu.matmul %convert_element_type3A_868, %squeeze3A_873, %dot_general3A_874 {dimension_numbers = #tpu.dot_dimension_numbers<[1], [0], [0], [1], [0, 0, 1, 1], [], []>, transpose_lhs_hint = false} : vector<128x256xbf16>, vector<256x256xbf16>, vector<128x256xf32> -> vector<128x256xf32>
    %get3A_876 = arith.index_cast %get3A_864 : i32 to index
    %get3A_877 = arith.constant 0 : index
    %get3A_878 = vector.load %arg4[%get3A_876, %get3A_877] : memref<16x256xf32, #tpu.memory_space<vmem>>, vector<1x256xf32>
    %add3A_879 = vector.broadcast %get3A_878 : vector<1x256xf32> to vector<128x256xf32>
    %add3A_880 = arith.addf %dot_general3A_875, %add3A_879 : vector<128x256xf32>
    %tanh3A_881 = math.tanh %add3A_880 : vector<128x256xf32>
    %slice3A_882 = vector.extract_strided_slice %tanh3A_881 {offsets = [0, 0], sizes = [128, 128], strides = [1, 1]} : vector<128x256xf32> to vector<128x128xf32>
    %swap3A_883 = arith.constant 3584 : index
    %swap3A_884 = arith.constant 0 : index
    %swap3A_885 = vector.load %arg5[%swap3A_883, %swap3A_884] : memref<5120x128xf32, #tpu.memory_space<vmem>>, vector<128x128xf32>
    tpu.vector_store %arg5[%swap3A_883, %swap3A_884], %slice3A_882 {strides = array<i32>} : memref<5120x128xf32, #tpu.memory_space<vmem>>, vector<128x128xf32>,
    %slice3A_886 = vector.extract_strided_slice %tanh3A_881 {offsets = [0, 128], sizes = [128, 128], strides = [1, 1]} : vector<128x256xf32> to vector<128x128xf32>
    %swap3A_887 = arith.constant 3584 : index
    %swap3A_888 = arith.constant 0 : index
    %swap3A_889 = vector.load %arg6[%swap3A_887, %swap3A_888] : memref<5120x128xf32, #tpu.memory_space<vmem>>, vector<128x128xf32>
    tpu.vector_store %arg6[%swap3A_887, %swap3A_888], %slice3A_886 {strides = array<i32>} : memref<5120x128xf32, #tpu.memory_space<vmem>>, vector<128x128xf32>,
    %mul3A_890 = arith.constant 40 : i32
    %mul3A_891 = arith.muli %arg0, %mul3A_890 : i32
    %add3A_892 = arith.constant 29 : i32
    %add3A_893 = arith.addi %mul3A_891, %add3A_892 : i32
    %get3A_894 = arith.index_cast %add3A_893 : i32 to index
    %get3A_895 = memref.load %arg1[%get3A_894] : memref<80xi32, #tpu.memory_space<smem>>
    %get3A_896 = arith.constant 3712 : index
    %get3A_897 = arith.constant 0 : index
    %get3A_898 = vector.load %arg2[%get3A_896, %get3A_897] : memref<5120x256xf32, #tpu.memory_space<vmem>>, vector<128x256xf32>
    %convert_element_type3A_899 = arith.truncf %get3A_898 : vector<128x256xf32> to vector<128x256xbf16>
    %get3A_900 = arith.index_cast %get3A_895 : i32 to index
    %get3A_901 = arith.constant 0 : index
    %get3A_902 = arith.constant 0 : index
    %get3A_903 = vector.load %arg3[%get3A_900, %get3A_901, %get3A_902] : memref<16x256x256xbf16, #tpu.memory_space<vmem>>, vector<1x256x256xbf16>
    %squeeze3A_904 = vector.shape_cast %get3A_903 : vector<1x256x256xbf16> to vector<256x256xbf16>
    %dot_general3A_905 = arith.constant dense<0.000000e+00> : vector<128x256xf32>
    %dot_general3A_906 = tpu.matmul %convert_element_type3A_899, %squeeze3A_904, %dot_general3A_905 {dimension_numbers = #tpu.dot_dimension_numbers<[1], [0], [0], [1], [0, 0, 1, 1], [], []>, transpose_lhs_hint = false} : vector<128x256xbf16>, vector<256x256xbf16>, vector<128x256xf32> -> vector<128x256xf32>
    %get3A_907 = arith.index_cast %get3A_895 : i32 to index
    %get3A_908 = arith.constant 0 : index
    %get3A_909 = vector.load %arg4[%get3A_907, %get3A_908] : memref<16x256xf32, #tpu.memory_space<vmem>>, vector<1x256xf32>
    %add3A_910 = vector.broadcast %get3A_909 : vector<1x256xf32> to vector<128x256xf32>
    %add3A_911 = arith.addf %dot_general3A_906, %add3A_910 : vector<128x256xf32>
    %tanh3A_912 = math.tanh %add3A_911 : vector<128x256xf32>
    %slice3A_913 = vector.extract_strided_slice %tanh3A_912 {offsets = [0, 0], sizes = [128, 128], strides = [1, 1]} : vector<128x256xf32> to vector<128x128xf32>
    %swap3A_914 = arith.constant 3712 : index
    %swap3A_915 = arith.constant 0 : index
    %swap3A_916 = vector.load %arg5[%swap3A_914, %swap3A_915] : memref<5120x128xf32, #tpu.memory_space<vmem>>, vector<128x128xf32>
    tpu.vector_store %arg5[%swap3A_914, %swap3A_915], %slice3A_913 {strides = array<i32>} : memref<5120x128xf32, #tpu.memory_space<vmem>>, vector<128x128xf32>,
    %slice3A_917 = vector.extract_strided_slice %tanh3A_912 {offsets = [0, 128], sizes = [128, 128], strides = [1, 1]} : vector<128x256xf32> to vector<128x128xf32>
    %swap3A_918 = arith.constant 3712 : index
    %swap3A_919 = arith.constant 0 : index
    %swap3A_920 = vector.load %arg6[%swap3A_918, %swap3A_919] : memref<5120x128xf32, #tpu.memory_space<vmem>>, vector<128x128xf32>
    tpu.vector_store %arg6[%swap3A_918, %swap3A_919], %slice3A_917 {strides = array<i32>} : memref<5120x128xf32, #tpu.memory_space<vmem>>, vector<128x128xf32>,
    %mul3A_921 = arith.constant 40 : i32
    %mul3A_922 = arith.muli %arg0, %mul3A_921 : i32
    %add3A_923 = arith.constant 30 : i32
    %add3A_924 = arith.addi %mul3A_922, %add3A_923 : i32
    %get3A_925 = arith.index_cast %add3A_924 : i32 to index
    %get3A_926 = memref.load %arg1[%get3A_925] : memref<80xi32, #tpu.memory_space<smem>>
    %get3A_927 = arith.constant 3840 : index
    %get3A_928 = arith.constant 0 : index
    %get3A_929 = vector.load %arg2[%get3A_927, %get3A_928] : memref<5120x256xf32, #tpu.memory_space<vmem>>, vector<128x256xf32>
    %convert_element_type3A_930 = arith.truncf %get3A_929 : vector<128x256xf32> to vector<128x256xbf16>
    %get3A_931 = arith.index_cast %get3A_926 : i32 to index
    %get3A_932 = arith.constant 0 : index
    %get3A_933 = arith.constant 0 : index
    %get3A_934 = vector.load %arg3[%get3A_931, %get3A_932, %get3A_933] : memref<16x256x256xbf16, #tpu.memory_space<vmem>>, vector<1x256x256xbf16>
    %squeeze3A_935 = vector.shape_cast %get3A_934 : vector<1x256x256xbf16> to vector<256x256xbf16>
    %dot_general3A_936 = arith.constant dense<0.000000e+00> : vector<128x256xf32>
    %dot_general3A_937 = tpu.matmul %convert_element_type3A_930, %squeeze3A_935, %dot_general3A_936 {dimension_numbers = #tpu.dot_dimension_numbers<[1], [0], [0], [1], [0, 0, 1, 1], [], []>, transpose_lhs_hint = false} : vector<128x256xbf16>, vector<256x256xbf16>, vector<128x256xf32> -> vector<128x256xf32>
    %get3A_938 = arith.index_cast %get3A_926 : i32 to index
    %get3A_939 = arith.constant 0 : index
    %get3A_940 = vector.load %arg4[%get3A_938, %get3A_939] : memref<16x256xf32, #tpu.memory_space<vmem>>, vector<1x256xf32>
    %add3A_941 = vector.broadcast %get3A_940 : vector<1x256xf32> to vector<128x256xf32>
    %add3A_942 = arith.addf %dot_general3A_937, %add3A_941 : vector<128x256xf32>
    %tanh3A_943 = math.tanh %add3A_942 : vector<128x256xf32>
    %slice3A_944 = vector.extract_strided_slice %tanh3A_943 {offsets = [0, 0], sizes = [128, 128], strides = [1, 1]} : vector<128x256xf32> to vector<128x128xf32>
    %swap3A_945 = arith.constant 3840 : index
    %swap3A_946 = arith.constant 0 : index
    %swap3A_947 = vector.load %arg5[%swap3A_945, %swap3A_946] : memref<5120x128xf32, #tpu.memory_space<vmem>>, vector<128x128xf32>
    tpu.vector_store %arg5[%swap3A_945, %swap3A_946], %slice3A_944 {strides = array<i32>} : memref<5120x128xf32, #tpu.memory_space<vmem>>, vector<128x128xf32>,
    %slice3A_948 = vector.extract_strided_slice %tanh3A_943 {offsets = [0, 128], sizes = [128, 128], strides = [1, 1]} : vector<128x256xf32> to vector<128x128xf32>
    %swap3A_949 = arith.constant 3840 : index
    %swap3A_950 = arith.constant 0 : index
    %swap3A_951 = vector.load %arg6[%swap3A_949, %swap3A_950] : memref<5120x128xf32, #tpu.memory_space<vmem>>, vector<128x128xf32>
    tpu.vector_store %arg6[%swap3A_949, %swap3A_950], %slice3A_948 {strides = array<i32>} : memref<5120x128xf32, #tpu.memory_space<vmem>>, vector<128x128xf32>,
    %mul3A_952 = arith.constant 40 : i32
    %mul3A_953 = arith.muli %arg0, %mul3A_952 : i32
    %add3A_954 = arith.constant 31 : i32
    %add3A_955 = arith.addi %mul3A_953, %add3A_954 : i32
    %get3A_956 = arith.index_cast %add3A_955 : i32 to index
    %get3A_957 = memref.load %arg1[%get3A_956] : memref<80xi32, #tpu.memory_space<smem>>
    %get3A_958 = arith.constant 3968 : index
    %get3A_959 = arith.constant 0 : index
    %get3A_960 = vector.load %arg2[%get3A_958, %get3A_959] : memref<5120x256xf32, #tpu.memory_space<vmem>>, vector<128x256xf32>
    %convert_element_type3A_961 = arith.truncf %get3A_960 : vector<128x256xf32> to vector<128x256xbf16>
    %get3A_962 = arith.index_cast %get3A_957 : i32 to index
    %get3A_963 = arith.constant 0 : index
    %get3A_964 = arith.constant 0 : index
    %get3A_965 = vector.load %arg3[%get3A_962, %get3A_963, %get3A_964] : memref<16x256x256xbf16, #tpu.memory_space<vmem>>, vector<1x256x256xbf16>
    %squeeze3A_966 = vector.shape_cast %get3A_965 : vector<1x256x256xbf16> to vector<256x256xbf16>
    %dot_general3A_967 = arith.constant dense<0.000000e+00> : vector<128x256xf32>
    %dot_general3A_968 = tpu.matmul %convert_element_type3A_961, %squeeze3A_966, %dot_general3A_967 {dimension_numbers = #tpu.dot_dimension_numbers<[1], [0], [0], [1], [0, 0, 1, 1], [], []>, transpose_lhs_hint = false} : vector<128x256xbf16>, vector<256x256xbf16>, vector<128x256xf32> -> vector<128x256xf32>
    %get3A_969 = arith.index_cast %get3A_957 : i32 to index
    %get3A_970 = arith.constant 0 : index
    %get3A_971 = vector.load %arg4[%get3A_969, %get3A_970] : memref<16x256xf32, #tpu.memory_space<vmem>>, vector<1x256xf32>
    %add3A_972 = vector.broadcast %get3A_971 : vector<1x256xf32> to vector<128x256xf32>
    %add3A_973 = arith.addf %dot_general3A_968, %add3A_972 : vector<128x256xf32>
    %tanh3A_974 = math.tanh %add3A_973 : vector<128x256xf32>
    %slice3A_975 = vector.extract_strided_slice %tanh3A_974 {offsets = [0, 0], sizes = [128, 128], strides = [1, 1]} : vector<128x256xf32> to vector<128x128xf32>
    %swap3A_976 = arith.constant 3968 : index
    %swap3A_977 = arith.constant 0 : index
    %swap3A_978 = vector.load %arg5[%swap3A_976, %swap3A_977] : memref<5120x128xf32, #tpu.memory_space<vmem>>, vector<128x128xf32>
    tpu.vector_store %arg5[%swap3A_976, %swap3A_977], %slice3A_975 {strides = array<i32>} : memref<5120x128xf32, #tpu.memory_space<vmem>>, vector<128x128xf32>,
    %slice3A_979 = vector.extract_strided_slice %tanh3A_974 {offsets = [0, 128], sizes = [128, 128], strides = [1, 1]} : vector<128x256xf32> to vector<128x128xf32>
    %swap3A_980 = arith.constant 3968 : index
    %swap3A_981 = arith.constant 0 : index
    %swap3A_982 = vector.load %arg6[%swap3A_980, %swap3A_981] : memref<5120x128xf32, #tpu.memory_space<vmem>>, vector<128x128xf32>
    tpu.vector_store %arg6[%swap3A_980, %swap3A_981], %slice3A_979 {strides = array<i32>} : memref<5120x128xf32, #tpu.memory_space<vmem>>, vector<128x128xf32>,
    %mul3A_983 = arith.constant 40 : i32
    %mul3A_984 = arith.muli %arg0, %mul3A_983 : i32
    %add3A_985 = arith.constant 32 : i32
    %add3A_986 = arith.addi %mul3A_984, %add3A_985 : i32
    %get3A_987 = arith.index_cast %add3A_986 : i32 to index
    %get3A_988 = memref.load %arg1[%get3A_987] : memref<80xi32, #tpu.memory_space<smem>>
    %get3A_989 = arith.constant 4096 : index
    %get3A_990 = arith.constant 0 : index
    %get3A_991 = vector.load %arg2[%get3A_989, %get3A_990] : memref<5120x256xf32, #tpu.memory_space<vmem>>, vector<128x256xf32>
    %convert_element_type3A_992 = arith.truncf %get3A_991 : vector<128x256xf32> to vector<128x256xbf16>
    %get3A_993 = arith.index_cast %get3A_988 : i32 to index
    %get3A_994 = arith.constant 0 : index
    %get3A_995 = arith.constant 0 : index
    %get3A_996 = vector.load %arg3[%get3A_993, %get3A_994, %get3A_995] : memref<16x256x256xbf16, #tpu.memory_space<vmem>>, vector<1x256x256xbf16>
    %squeeze3A_997 = vector.shape_cast %get3A_996 : vector<1x256x256xbf16> to vector<256x256xbf16>
    %dot_general3A_998 = arith.constant dense<0.000000e+00> : vector<128x256xf32>
    %dot_general3A_999 = tpu.matmul %convert_element_type3A_992, %squeeze3A_997, %dot_general3A_998 {dimension_numbers = #tpu.dot_dimension_numbers<[1], [0], [0], [1], [0, 0, 1, 1], [], []>, transpose_lhs_hint = false} : vector<128x256xbf16>, vector<256x256xbf16>, vector<128x256xf32> -> vector<128x256xf32>
    %get3A_1000 = arith.index_cast %get3A_988 : i32 to index
    %get3A_1001 = arith.constant 0 : index
    %get3A_1002 = vector.load %arg4[%get3A_1000, %get3A_1001] : memref<16x256xf32, #tpu.memory_space<vmem>>, vector<1x256xf32>
    %add3A_1003 = vector.broadcast %get3A_1002 : vector<1x256xf32> to vector<128x256xf32>
    %add3A_1004 = arith.addf %dot_general3A_999, %add3A_1003 : vector<128x256xf32>
    %tanh3A_1005 = math.tanh %add3A_1004 : vector<128x256xf32>
    %slice3A_1006 = vector.extract_strided_slice %tanh3A_1005 {offsets = [0, 0], sizes = [128, 128], strides = [1, 1]} : vector<128x256xf32> to vector<128x128xf32>
    %swap3A_1007 = arith.constant 4096 : index
    %swap3A_1008 = arith.constant 0 : index
    %swap3A_1009 = vector.load %arg5[%swap3A_1007, %swap3A_1008] : memref<5120x128xf32, #tpu.memory_space<vmem>>, vector<128x128xf32>
    tpu.vector_store %arg5[%swap3A_1007, %swap3A_1008], %slice3A_1006 {strides = array<i32>} : memref<5120x128xf32, #tpu.memory_space<vmem>>, vector<128x128xf32>,
    %slice3A_1010 = vector.extract_strided_slice %tanh3A_1005 {offsets = [0, 128], sizes = [128, 128], strides = [1, 1]} : vector<128x256xf32> to vector<128x128xf32>
    %swap3A_1011 = arith.constant 4096 : index
    %swap3A_1012 = arith.constant 0 : index
    %swap3A_1013 = vector.load %arg6[%swap3A_1011, %swap3A_1012] : memref<5120x128xf32, #tpu.memory_space<vmem>>, vector<128x128xf32>
    tpu.vector_store %arg6[%swap3A_1011, %swap3A_1012], %slice3A_1010 {strides = array<i32>} : memref<5120x128xf32, #tpu.memory_space<vmem>>, vector<128x128xf32>,
    %mul3A_1014 = arith.constant 40 : i32
    %mul3A_1015 = arith.muli %arg0, %mul3A_1014 : i32
    %add3A_1016 = arith.constant 33 : i32
    %add3A_1017 = arith.addi %mul3A_1015, %add3A_1016 : i32
    %get3A_1018 = arith.index_cast %add3A_1017 : i32 to index
    %get3A_1019 = memref.load %arg1[%get3A_1018] : memref<80xi32, #tpu.memory_space<smem>>
    %get3A_1020 = arith.constant 4224 : index
    %get3A_1021 = arith.constant 0 : index
    %get3A_1022 = vector.load %arg2[%get3A_1020, %get3A_1021] : memref<5120x256xf32, #tpu.memory_space<vmem>>, vector<128x256xf32>
    %convert_element_type3A_1023 = arith.truncf %get3A_1022 : vector<128x256xf32> to vector<128x256xbf16>
    %get3A_1024 = arith.index_cast %get3A_1019 : i32 to index
    %get3A_1025 = arith.constant 0 : index
    %get3A_1026 = arith.constant 0 : index
    %get3A_1027 = vector.load %arg3[%get3A_1024, %get3A_1025, %get3A_1026] : memref<16x256x256xbf16, #tpu.memory_space<vmem>>, vector<1x256x256xbf16>
    %squeeze3A_1028 = vector.shape_cast %get3A_1027 : vector<1x256x256xbf16> to vector<256x256xbf16>
    %dot_general3A_1029 = arith.constant dense<0.000000e+00> : vector<128x256xf32>
    %dot_general3A_1030 = tpu.matmul %convert_element_type3A_1023, %squeeze3A_1028, %dot_general3A_1029 {dimension_numbers = #tpu.dot_dimension_numbers<[1], [0], [0], [1], [0, 0, 1, 1], [], []>, transpose_lhs_hint = false} : vector<128x256xbf16>, vector<256x256xbf16>, vector<128x256xf32> -> vector<128x256xf32>
    %get3A_1031 = arith.index_cast %get3A_1019 : i32 to index
    %get3A_1032 = arith.constant 0 : index
    %get3A_1033 = vector.load %arg4[%get3A_1031, %get3A_1032] : memref<16x256xf32, #tpu.memory_space<vmem>>, vector<1x256xf32>
    %add3A_1034 = vector.broadcast %get3A_1033 : vector<1x256xf32> to vector<128x256xf32>
    %add3A_1035 = arith.addf %dot_general3A_1030, %add3A_1034 : vector<128x256xf32>
    %tanh3A_1036 = math.tanh %add3A_1035 : vector<128x256xf32>
    %slice3A_1037 = vector.extract_strided_slice %tanh3A_1036 {offsets = [0, 0], sizes = [128, 128], strides = [1, 1]} : vector<128x256xf32> to vector<128x128xf32>
    %swap3A_1038 = arith.constant 4224 : index
    %swap3A_1039 = arith.constant 0 : index
    %swap3A_1040 = vector.load %arg5[%swap3A_1038, %swap3A_1039] : memref<5120x128xf32, #tpu.memory_space<vmem>>, vector<128x128xf32>
    tpu.vector_store %arg5[%swap3A_1038, %swap3A_1039], %slice3A_1037 {strides = array<i32>} : memref<5120x128xf32, #tpu.memory_space<vmem>>, vector<128x128xf32>,
    %slice3A_1041 = vector.extract_strided_slice %tanh3A_1036 {offsets = [0, 128], sizes = [128, 128], strides = [1, 1]} : vector<128x256xf32> to vector<128x128xf32>
    %swap3A_1042 = arith.constant 4224 : index
    %swap3A_1043 = arith.constant 0 : index
    %swap3A_1044 = vector.load %arg6[%swap3A_1042, %swap3A_1043] : memref<5120x128xf32, #tpu.memory_space<vmem>>, vector<128x128xf32>
    tpu.vector_store %arg6[%swap3A_1042, %swap3A_1043], %slice3A_1041 {strides = array<i32>} : memref<5120x128xf32, #tpu.memory_space<vmem>>, vector<128x128xf32>,
    %mul3A_1045 = arith.constant 40 : i32
    %mul3A_1046 = arith.muli %arg0, %mul3A_1045 : i32
    %add3A_1047 = arith.constant 34 : i32
    %add3A_1048 = arith.addi %mul3A_1046, %add3A_1047 : i32
    %get3A_1049 = arith.index_cast %add3A_1048 : i32 to index
    %get3A_1050 = memref.load %arg1[%get3A_1049] : memref<80xi32, #tpu.memory_space<smem>>
    %get3A_1051 = arith.constant 4352 : index
    %get3A_1052 = arith.constant 0 : index
    %get3A_1053 = vector.load %arg2[%get3A_1051, %get3A_1052] : memref<5120x256xf32, #tpu.memory_space<vmem>>, vector<128x256xf32>
    %convert_element_type3A_1054 = arith.truncf %get3A_1053 : vector<128x256xf32> to vector<128x256xbf16>
    %get3A_1055 = arith.index_cast %get3A_1050 : i32 to index
    %get3A_1056 = arith.constant 0 : index
    %get3A_1057 = arith.constant 0 : index
    %get3A_1058 = vector.load %arg3[%get3A_1055, %get3A_1056, %get3A_1057] : memref<16x256x256xbf16, #tpu.memory_space<vmem>>, vector<1x256x256xbf16>
    %squeeze3A_1059 = vector.shape_cast %get3A_1058 : vector<1x256x256xbf16> to vector<256x256xbf16>
    %dot_general3A_1060 = arith.constant dense<0.000000e+00> : vector<128x256xf32>
    %dot_general3A_1061 = tpu.matmul %convert_element_type3A_1054, %squeeze3A_1059, %dot_general3A_1060 {dimension_numbers = #tpu.dot_dimension_numbers<[1], [0], [0], [1], [0, 0, 1, 1], [], []>, transpose_lhs_hint = false} : vector<128x256xbf16>, vector<256x256xbf16>, vector<128x256xf32> -> vector<128x256xf32>
    %get3A_1062 = arith.index_cast %get3A_1050 : i32 to index
    %get3A_1063 = arith.constant 0 : index
    %get3A_1064 = vector.load %arg4[%get3A_1062, %get3A_1063] : memref<16x256xf32, #tpu.memory_space<vmem>>, vector<1x256xf32>
    %add3A_1065 = vector.broadcast %get3A_1064 : vector<1x256xf32> to vector<128x256xf32>
    %add3A_1066 = arith.addf %dot_general3A_1061, %add3A_1065 : vector<128x256xf32>
    %tanh3A_1067 = math.tanh %add3A_1066 : vector<128x256xf32>
    %slice3A_1068 = vector.extract_strided_slice %tanh3A_1067 {offsets = [0, 0], sizes = [128, 128], strides = [1, 1]} : vector<128x256xf32> to vector<128x128xf32>
    %swap3A_1069 = arith.constant 4352 : index
    %swap3A_1070 = arith.constant 0 : index
    %swap3A_1071 = vector.load %arg5[%swap3A_1069, %swap3A_1070] : memref<5120x128xf32, #tpu.memory_space<vmem>>, vector<128x128xf32>
    tpu.vector_store %arg5[%swap3A_1069, %swap3A_1070], %slice3A_1068 {strides = array<i32>} : memref<5120x128xf32, #tpu.memory_space<vmem>>, vector<128x128xf32>,
    %slice3A_1072 = vector.extract_strided_slice %tanh3A_1067 {offsets = [0, 128], sizes = [128, 128], strides = [1, 1]} : vector<128x256xf32> to vector<128x128xf32>
    %swap3A_1073 = arith.constant 4352 : index
    %swap3A_1074 = arith.constant 0 : index
    %swap3A_1075 = vector.load %arg6[%swap3A_1073, %swap3A_1074] : memref<5120x128xf32, #tpu.memory_space<vmem>>, vector<128x128xf32>
    tpu.vector_store %arg6[%swap3A_1073, %swap3A_1074], %slice3A_1072 {strides = array<i32>} : memref<5120x128xf32, #tpu.memory_space<vmem>>, vector<128x128xf32>,
    %mul3A_1076 = arith.constant 40 : i32
    %mul3A_1077 = arith.muli %arg0, %mul3A_1076 : i32
    %add3A_1078 = arith.constant 35 : i32
    %add3A_1079 = arith.addi %mul3A_1077, %add3A_1078 : i32
    %get3A_1080 = arith.index_cast %add3A_1079 : i32 to index
    %get3A_1081 = memref.load %arg1[%get3A_1080] : memref<80xi32, #tpu.memory_space<smem>>
    %get3A_1082 = arith.constant 4480 : index
    %get3A_1083 = arith.constant 0 : index
    %get3A_1084 = vector.load %arg2[%get3A_1082, %get3A_1083] : memref<5120x256xf32, #tpu.memory_space<vmem>>, vector<128x256xf32>
    %convert_element_type3A_1085 = arith.truncf %get3A_1084 : vector<128x256xf32> to vector<128x256xbf16>
    %get3A_1086 = arith.index_cast %get3A_1081 : i32 to index
    %get3A_1087 = arith.constant 0 : index
    %get3A_1088 = arith.constant 0 : index
    %get3A_1089 = vector.load %arg3[%get3A_1086, %get3A_1087, %get3A_1088] : memref<16x256x256xbf16, #tpu.memory_space<vmem>>, vector<1x256x256xbf16>
    %squeeze3A_1090 = vector.shape_cast %get3A_1089 : vector<1x256x256xbf16> to vector<256x256xbf16>
    %dot_general3A_1091 = arith.constant dense<0.000000e+00> : vector<128x256xf32>
    %dot_general3A_1092 = tpu.matmul %convert_element_type3A_1085, %squeeze3A_1090, %dot_general3A_1091 {dimension_numbers = #tpu.dot_dimension_numbers<[1], [0], [0], [1], [0, 0, 1, 1], [], []>, transpose_lhs_hint = false} : vector<128x256xbf16>, vector<256x256xbf16>, vector<128x256xf32> -> vector<128x256xf32>
    %get3A_1093 = arith.index_cast %get3A_1081 : i32 to index
    %get3A_1094 = arith.constant 0 : index
    %get3A_1095 = vector.load %arg4[%get3A_1093, %get3A_1094] : memref<16x256xf32, #tpu.memory_space<vmem>>, vector<1x256xf32>
    %add3A_1096 = vector.broadcast %get3A_1095 : vector<1x256xf32> to vector<128x256xf32>
    %add3A_1097 = arith.addf %dot_general3A_1092, %add3A_1096 : vector<128x256xf32>
    %tanh3A_1098 = math.tanh %add3A_1097 : vector<128x256xf32>
    %slice3A_1099 = vector.extract_strided_slice %tanh3A_1098 {offsets = [0, 0], sizes = [128, 128], strides = [1, 1]} : vector<128x256xf32> to vector<128x128xf32>
    %swap3A_1100 = arith.constant 4480 : index
    %swap3A_1101 = arith.constant 0 : index
    %swap3A_1102 = vector.load %arg5[%swap3A_1100, %swap3A_1101] : memref<5120x128xf32, #tpu.memory_space<vmem>>, vector<128x128xf32>
    tpu.vector_store %arg5[%swap3A_1100, %swap3A_1101], %slice3A_1099 {strides = array<i32>} : memref<5120x128xf32, #tpu.memory_space<vmem>>, vector<128x128xf32>,
    %slice3A_1103 = vector.extract_strided_slice %tanh3A_1098 {offsets = [0, 128], sizes = [128, 128], strides = [1, 1]} : vector<128x256xf32> to vector<128x128xf32>
    %swap3A_1104 = arith.constant 4480 : index
    %swap3A_1105 = arith.constant 0 : index
    %swap3A_1106 = vector.load %arg6[%swap3A_1104, %swap3A_1105] : memref<5120x128xf32, #tpu.memory_space<vmem>>, vector<128x128xf32>
    tpu.vector_store %arg6[%swap3A_1104, %swap3A_1105], %slice3A_1103 {strides = array<i32>} : memref<5120x128xf32, #tpu.memory_space<vmem>>, vector<128x128xf32>,
    %mul3A_1107 = arith.constant 40 : i32
    %mul3A_1108 = arith.muli %arg0, %mul3A_1107 : i32
    %add3A_1109 = arith.constant 36 : i32
    %add3A_1110 = arith.addi %mul3A_1108, %add3A_1109 : i32
    %get3A_1111 = arith.index_cast %add3A_1110 : i32 to index
    %get3A_1112 = memref.load %arg1[%get3A_1111] : memref<80xi32, #tpu.memory_space<smem>>
    %get3A_1113 = arith.constant 4608 : index
    %get3A_1114 = arith.constant 0 : index
    %get3A_1115 = vector.load %arg2[%get3A_1113, %get3A_1114] : memref<5120x256xf32, #tpu.memory_space<vmem>>, vector<128x256xf32>
    %convert_element_type3A_1116 = arith.truncf %get3A_1115 : vector<128x256xf32> to vector<128x256xbf16>
    %get3A_1117 = arith.index_cast %get3A_1112 : i32 to index
    %get3A_1118 = arith.constant 0 : index
    %get3A_1119 = arith.constant 0 : index
    %get3A_1120 = vector.load %arg3[%get3A_1117, %get3A_1118, %get3A_1119] : memref<16x256x256xbf16, #tpu.memory_space<vmem>>, vector<1x256x256xbf16>
    %squeeze3A_1121 = vector.shape_cast %get3A_1120 : vector<1x256x256xbf16> to vector<256x256xbf16>
    %dot_general3A_1122 = arith.constant dense<0.000000e+00> : vector<128x256xf32>
    %dot_general3A_1123 = tpu.matmul %convert_element_type3A_1116, %squeeze3A_1121, %dot_general3A_1122 {dimension_numbers = #tpu.dot_dimension_numbers<[1], [0], [0], [1], [0, 0, 1, 1], [], []>, transpose_lhs_hint = false} : vector<128x256xbf16>, vector<256x256xbf16>, vector<128x256xf32> -> vector<128x256xf32>
    %get3A_1124 = arith.index_cast %get3A_1112 : i32 to index
    %get3A_1125 = arith.constant 0 : index
    %get3A_1126 = vector.load %arg4[%get3A_1124, %get3A_1125] : memref<16x256xf32, #tpu.memory_space<vmem>>, vector<1x256xf32>
    %add3A_1127 = vector.broadcast %get3A_1126 : vector<1x256xf32> to vector<128x256xf32>
    %add3A_1128 = arith.addf %dot_general3A_1123, %add3A_1127 : vector<128x256xf32>
    %tanh3A_1129 = math.tanh %add3A_1128 : vector<128x256xf32>
    %slice3A_1130 = vector.extract_strided_slice %tanh3A_1129 {offsets = [0, 0], sizes = [128, 128], strides = [1, 1]} : vector<128x256xf32> to vector<128x128xf32>
    %swap3A_1131 = arith.constant 4608 : index
    %swap3A_1132 = arith.constant 0 : index
    %swap3A_1133 = vector.load %arg5[%swap3A_1131, %swap3A_1132] : memref<5120x128xf32, #tpu.memory_space<vmem>>, vector<128x128xf32>
    tpu.vector_store %arg5[%swap3A_1131, %swap3A_1132], %slice3A_1130 {strides = array<i32>} : memref<5120x128xf32, #tpu.memory_space<vmem>>, vector<128x128xf32>,
    %slice3A_1134 = vector.extract_strided_slice %tanh3A_1129 {offsets = [0, 128], sizes = [128, 128], strides = [1, 1]} : vector<128x256xf32> to vector<128x128xf32>
    %swap3A_1135 = arith.constant 4608 : index
    %swap3A_1136 = arith.constant 0 : index
    %swap3A_1137 = vector.load %arg6[%swap3A_1135, %swap3A_1136] : memref<5120x128xf32, #tpu.memory_space<vmem>>, vector<128x128xf32>
    tpu.vector_store %arg6[%swap3A_1135, %swap3A_1136], %slice3A_1134 {strides = array<i32>} : memref<5120x128xf32, #tpu.memory_space<vmem>>, vector<128x128xf32>,
    %mul3A_1138 = arith.constant 40 : i32
    %mul3A_1139 = arith.muli %arg0, %mul3A_1138 : i32
    %add3A_1140 = arith.constant 37 : i32
    %add3A_1141 = arith.addi %mul3A_1139, %add3A_1140 : i32
    %get3A_1142 = arith.index_cast %add3A_1141 : i32 to index
    %get3A_1143 = memref.load %arg1[%get3A_1142] : memref<80xi32, #tpu.memory_space<smem>>
    %get3A_1144 = arith.constant 4736 : index
    %get3A_1145 = arith.constant 0 : index
    %get3A_1146 = vector.load %arg2[%get3A_1144, %get3A_1145] : memref<5120x256xf32, #tpu.memory_space<vmem>>, vector<128x256xf32>
    %convert_element_type3A_1147 = arith.truncf %get3A_1146 : vector<128x256xf32> to vector<128x256xbf16>
    %get3A_1148 = arith.index_cast %get3A_1143 : i32 to index
    %get3A_1149 = arith.constant 0 : index
    %get3A_1150 = arith.constant 0 : index
    %get3A_1151 = vector.load %arg3[%get3A_1148, %get3A_1149, %get3A_1150] : memref<16x256x256xbf16, #tpu.memory_space<vmem>>, vector<1x256x256xbf16>
    %squeeze3A_1152 = vector.shape_cast %get3A_1151 : vector<1x256x256xbf16> to vector<256x256xbf16>
    %dot_general3A_1153 = arith.constant dense<0.000000e+00> : vector<128x256xf32>
    %dot_general3A_1154 = tpu.matmul %convert_element_type3A_1147, %squeeze3A_1152, %dot_general3A_1153 {dimension_numbers = #tpu.dot_dimension_numbers<[1], [0], [0], [1], [0, 0, 1, 1], [], []>, transpose_lhs_hint = false} : vector<128x256xbf16>, vector<256x256xbf16>, vector<128x256xf32> -> vector<128x256xf32>
    %get3A_1155 = arith.index_cast %get3A_1143 : i32 to index
    %get3A_1156 = arith.constant 0 : index
    %get3A_1157 = vector.load %arg4[%get3A_1155, %get3A_1156] : memref<16x256xf32, #tpu.memory_space<vmem>>, vector<1x256xf32>
    %add3A_1158 = vector.broadcast %get3A_1157 : vector<1x256xf32> to vector<128x256xf32>
    %add3A_1159 = arith.addf %dot_general3A_1154, %add3A_1158 : vector<128x256xf32>
    %tanh3A_1160 = math.tanh %add3A_1159 : vector<128x256xf32>
    %slice3A_1161 = vector.extract_strided_slice %tanh3A_1160 {offsets = [0, 0], sizes = [128, 128], strides = [1, 1]} : vector<128x256xf32> to vector<128x128xf32>
    %swap3A_1162 = arith.constant 4736 : index
    %swap3A_1163 = arith.constant 0 : index
    %swap3A_1164 = vector.load %arg5[%swap3A_1162, %swap3A_1163] : memref<5120x128xf32, #tpu.memory_space<vmem>>, vector<128x128xf32>
    tpu.vector_store %arg5[%swap3A_1162, %swap3A_1163], %slice3A_1161 {strides = array<i32>} : memref<5120x128xf32, #tpu.memory_space<vmem>>, vector<128x128xf32>,
    %slice3A_1165 = vector.extract_strided_slice %tanh3A_1160 {offsets = [0, 128], sizes = [128, 128], strides = [1, 1]} : vector<128x256xf32> to vector<128x128xf32>
    %swap3A_1166 = arith.constant 4736 : index
    %swap3A_1167 = arith.constant 0 : index
    %swap3A_1168 = vector.load %arg6[%swap3A_1166, %swap3A_1167] : memref<5120x128xf32, #tpu.memory_space<vmem>>, vector<128x128xf32>
    tpu.vector_store %arg6[%swap3A_1166, %swap3A_1167], %slice3A_1165 {strides = array<i32>} : memref<5120x128xf32, #tpu.memory_space<vmem>>, vector<128x128xf32>,
    %mul3A_1169 = arith.constant 40 : i32
    %mul3A_1170 = arith.muli %arg0, %mul3A_1169 : i32
    %add3A_1171 = arith.constant 38 : i32
    %add3A_1172 = arith.addi %mul3A_1170, %add3A_1171 : i32
    %get3A_1173 = arith.index_cast %add3A_1172 : i32 to index
    %get3A_1174 = memref.load %arg1[%get3A_1173] : memref<80xi32, #tpu.memory_space<smem>>
    %get3A_1175 = arith.constant 4864 : index
    %get3A_1176 = arith.constant 0 : index
    %get3A_1177 = vector.load %arg2[%get3A_1175, %get3A_1176] : memref<5120x256xf32, #tpu.memory_space<vmem>>, vector<128x256xf32>
    %convert_element_type3A_1178 = arith.truncf %get3A_1177 : vector<128x256xf32> to vector<128x256xbf16>
    %get3A_1179 = arith.index_cast %get3A_1174 : i32 to index
    %get3A_1180 = arith.constant 0 : index
    %get3A_1181 = arith.constant 0 : index
    %get3A_1182 = vector.load %arg3[%get3A_1179, %get3A_1180, %get3A_1181] : memref<16x256x256xbf16, #tpu.memory_space<vmem>>, vector<1x256x256xbf16>
    %squeeze3A_1183 = vector.shape_cast %get3A_1182 : vector<1x256x256xbf16> to vector<256x256xbf16>
    %dot_general3A_1184 = arith.constant dense<0.000000e+00> : vector<128x256xf32>
    %dot_general3A_1185 = tpu.matmul %convert_element_type3A_1178, %squeeze3A_1183, %dot_general3A_1184 {dimension_numbers = #tpu.dot_dimension_numbers<[1], [0], [0], [1], [0, 0, 1, 1], [], []>, transpose_lhs_hint = false} : vector<128x256xbf16>, vector<256x256xbf16>, vector<128x256xf32> -> vector<128x256xf32>
    %get3A_1186 = arith.index_cast %get3A_1174 : i32 to index
    %get3A_1187 = arith.constant 0 : index
    %get3A_1188 = vector.load %arg4[%get3A_1186, %get3A_1187] : memref<16x256xf32, #tpu.memory_space<vmem>>, vector<1x256xf32>
    %add3A_1189 = vector.broadcast %get3A_1188 : vector<1x256xf32> to vector<128x256xf32>
    %add3A_1190 = arith.addf %dot_general3A_1185, %add3A_1189 : vector<128x256xf32>
    %tanh3A_1191 = math.tanh %add3A_1190 : vector<128x256xf32>
    %slice3A_1192 = vector.extract_strided_slice %tanh3A_1191 {offsets = [0, 0], sizes = [128, 128], strides = [1, 1]} : vector<128x256xf32> to vector<128x128xf32>
    %swap3A_1193 = arith.constant 4864 : index
    %swap3A_1194 = arith.constant 0 : index
    %swap3A_1195 = vector.load %arg5[%swap3A_1193, %swap3A_1194] : memref<5120x128xf32, #tpu.memory_space<vmem>>, vector<128x128xf32>
    tpu.vector_store %arg5[%swap3A_1193, %swap3A_1194], %slice3A_1192 {strides = array<i32>} : memref<5120x128xf32, #tpu.memory_space<vmem>>, vector<128x128xf32>,
    %slice3A_1196 = vector.extract_strided_slice %tanh3A_1191 {offsets = [0, 128], sizes = [128, 128], strides = [1, 1]} : vector<128x256xf32> to vector<128x128xf32>
    %swap3A_1197 = arith.constant 4864 : index
    %swap3A_1198 = arith.constant 0 : index
    %swap3A_1199 = vector.load %arg6[%swap3A_1197, %swap3A_1198] : memref<5120x128xf32, #tpu.memory_space<vmem>>, vector<128x128xf32>
    tpu.vector_store %arg6[%swap3A_1197, %swap3A_1198], %slice3A_1196 {strides = array<i32>} : memref<5120x128xf32, #tpu.memory_space<vmem>>, vector<128x128xf32>,
    %mul3A_1200 = arith.constant 40 : i32
    %mul3A_1201 = arith.muli %arg0, %mul3A_1200 : i32
    %add3A_1202 = arith.constant 39 : i32
    %add3A_1203 = arith.addi %mul3A_1201, %add3A_1202 : i32
    %get3A_1204 = arith.index_cast %add3A_1203 : i32 to index
    %get3A_1205 = memref.load %arg1[%get3A_1204] : memref<80xi32, #tpu.memory_space<smem>>
    %get3A_1206 = arith.constant 4992 : index
    %get3A_1207 = arith.constant 0 : index
    %get3A_1208 = vector.load %arg2[%get3A_1206, %get3A_1207] : memref<5120x256xf32, #tpu.memory_space<vmem>>, vector<128x256xf32>
    %convert_element_type3A_1209 = arith.truncf %get3A_1208 : vector<128x256xf32> to vector<128x256xbf16>
    %get3A_1210 = arith.index_cast %get3A_1205 : i32 to index
    %get3A_1211 = arith.constant 0 : index
    %get3A_1212 = arith.constant 0 : index
    %get3A_1213 = vector.load %arg3[%get3A_1210, %get3A_1211, %get3A_1212] : memref<16x256x256xbf16, #tpu.memory_space<vmem>>, vector<1x256x256xbf16>
    %squeeze3A_1214 = vector.shape_cast %get3A_1213 : vector<1x256x256xbf16> to vector<256x256xbf16>
    %dot_general3A_1215 = arith.constant dense<0.000000e+00> : vector<128x256xf32>
    %dot_general3A_1216 = tpu.matmul %convert_element_type3A_1209, %squeeze3A_1214, %dot_general3A_1215 {dimension_numbers = #tpu.dot_dimension_numbers<[1], [0], [0], [1], [0, 0, 1, 1], [], []>, transpose_lhs_hint = false} : vector<128x256xbf16>, vector<256x256xbf16>, vector<128x256xf32> -> vector<128x256xf32>
    %get3A_1217 = arith.index_cast %get3A_1205 : i32 to index
    %get3A_1218 = arith.constant 0 : index
    %get3A_1219 = vector.load %arg4[%get3A_1217, %get3A_1218] : memref<16x256xf32, #tpu.memory_space<vmem>>, vector<1x256xf32>
    %add3A_1220 = vector.broadcast %get3A_1219 : vector<1x256xf32> to vector<128x256xf32>
    %add3A_1221 = arith.addf %dot_general3A_1216, %add3A_1220 : vector<128x256xf32>
    %tanh3A_1222 = math.tanh %add3A_1221 : vector<128x256xf32>
    %slice3A_1223 = vector.extract_strided_slice %tanh3A_1222 {offsets = [0, 0], sizes = [128, 128], strides = [1, 1]} : vector<128x256xf32> to vector<128x128xf32>
    %swap3A_1224 = arith.constant 4992 : index
    %swap3A_1225 = arith.constant 0 : index
    %swap3A_1226 = vector.load %arg5[%swap3A_1224, %swap3A_1225] : memref<5120x128xf32, #tpu.memory_space<vmem>>, vector<128x128xf32>
    tpu.vector_store %arg5[%swap3A_1224, %swap3A_1225], %slice3A_1223 {strides = array<i32>} : memref<5120x128xf32, #tpu.memory_space<vmem>>, vector<128x128xf32>,
    %slice3A_1227 = vector.extract_strided_slice %tanh3A_1222 {offsets = [0, 128], sizes = [128, 128], strides = [1, 1]} : vector<128x256xf32> to vector<128x128xf32>
    %swap3A_1228 = arith.constant 4992 : index
    %swap3A_1229 = arith.constant 0 : index
    %swap3A_1230 = vector.load %arg6[%swap3A_1228, %swap3A_1229] : memref<5120x128xf32, #tpu.memory_space<vmem>>, vector<128x128xf32>
    tpu.vector_store %arg6[%swap3A_1228, %swap3A_1229], %slice3A_1227 {strides = array<i32>} : memref<5120x128xf32, #tpu.memory_space<vmem>>, vector<128x128xf32>,
    return
  }
  func.func @transform_0(%arg0: i32, %arg1: memref<80xi32, #tpu.memory_space<smem>>) -> (i32, i32) {
    %c0_i32 = arith.constant 0 : i32
    %c0_i32_0 = arith.constant 0 : i32
    return %arg0, %c0_i32 : i32, i32
  }
  func.func @transform_1(%arg0: i32, %arg1: memref<80xi32, #tpu.memory_space<smem>>) -> (i32, i32, i32) {
    %c0_i32 = arith.constant 0 : i32
    %c0_i32_0 = arith.constant 0 : i32
    %c0_i32_1 = arith.constant 0 : i32
    %c0_i32_2 = arith.constant 0 : i32
    return %c0_i32, %c0_i32_0, %c0_i32_1 : i32, i32, i32
  }
  func.func @transform_2(%arg0: i32, %arg1: memref<80xi32, #tpu.memory_space<smem>>) -> (i32, i32) {
    %c0_i32 = arith.constant 0 : i32
    %c0_i32_0 = arith.constant 0 : i32
    %c0_i32_1 = arith.constant 0 : i32
    return %c0_i32, %c0_i32_0 : i32, i32
  }
  func.func @transform_3(%arg0: i32, %arg1: memref<80xi32, #tpu.memory_space<smem>>) -> (i32, i32) {
    %c0_i32 = arith.constant 0 : i32
    %c0_i32_0 = arith.constant 0 : i32
    return %arg0, %c0_i32 : i32, i32
  }
  func.func @transform_4(%arg0: i32, %arg1: memref<80xi32, #tpu.memory_space<smem>>) -> (i32, i32) {
    %c0_i32 = arith.constant 0 : i32
    %c0_i32_0 = arith.constant 0 : i32
    return %arg0, %c0_i32 : i32, i32
  }
}

</mosaic_0001>

<sc_bundles>
// kernel: kernel.6.cloned.1.call-start
scs
__scs_entry_jumppad:
0x0: {  	(pc) =	sbr.rel $0x88, $3  }
0x1: {  	(tag) =	ssettag $0x0;
	lr =	simm.s32 $0x1  }
0x2: {  	[smem:$0x3F9A] =	sst lr;
	_ =	strace $0xD0000000  }
0x3: {  	_ = 	snop  }
0x4: {  	_ = 	snop  }
0x5: {  	_ = 	snop  }
0x6: {  	_ = 	snop  }
0x7: {  	_ = 	snop  }
__scs_overlays_trampoline_lowered:
0x8: {  	[smem:$0x3FA9] =	sst s0  }
0x9: {  	[smem:$0x3FAA] =	sst s1  }
0xa: {  	[smem:$0x3FAB] =	sst s2  }
0xb: {  	[smem:$0x3FAC] =	sst s3  }
0xc: {  	[smem:$0x3FAD] =	sst s4  }
0xd: {  	[smem:$0x3FAE] =	sst s5  }
0xe: {  	[smem:$0x3FAF] =	sst s6  }
0xf: {  	[smem:$0x3FB0] =	sst s7  }
0x10: {  	[smem:$0x3FB1] =	sst s8  }
0x11: {  	[smem:$0x3FB2] =	sst s9;
	s0 =	simm.s32 @!p0 $0x0  }
0x12: {  	s1 =	sld [smem:$0x3F98];
	s0 =	simm.s32 @p0 $0x1  }
0x13: {  	[smem:$0x3FB3] =	sst s0;
	s0 =	simm.s32 @!p1 $0x0  }
0x14: {  	s2 =	sld [smem:$0x3F97];
	s0 =	simm.s32 @p1 $0x1  }
0x15: {  	[smem:$0x3FB4] =	sst s0;
	s0 =	simm.s32 @!p2 $0x0  }
0x16: {  	s3 =	sld [smem:$0x3FDB];
	s0 =	simm.s32 @p2 $0x1  }
0x17: {  	s4 =	simm.s32 $0x1BF5;
	[smem:$0x3FB6] =	sst s0  }
0x18: {  	s0 =	sld [smem:$0x3F99];
	_ =	swait.ge [sflag:s4], $0x0  }
0x19: {  	s7 =	sld [smem:$0x3F9A]  }
0x1a: {  	s8 =	sadd.s32 $0xFFFFE003, lr  }
0x1b: {  	s9 =	sadd.s32 $0xFFFFFEF7, lr;
	s5 =	simm.s32 $0xFFFFFFFF;
	p2 =	slt.u32 s8, $0xFFFFF086  }
0x1c: {  	p1 =	slt.u32 s9, $0xF7A;
	s5 =	simm.s32 @!p2 $0x0  }
0x1d: {  	s5 =	simm.s32 @p1 $0x1;
	p0 =	seq.s32 s7, s2  }
0x1e: {  	s7 =	smul.u32 @!p0 $0xF7A, s2;
	p2 =	seq.s32 @!p0 s5, $0x0  }
0x1f: {  	s9 =	smul.u32 $0xF7A, s1;
	s8 =	simm.s32 @!p0 $0x1BF5;
	p2 =	por !p2, p0  }
0x20: {  	[sflag:s8] =	ssyncset.s32 @!p0 $0xFFFFF086;
	s6 =	sadd.s32 @!p0 s3, s7;
	s7 =	simm.s32 @!p0 $0x108  }
0x21: {  	s3 =	sadd.s32 s3, s9;
	s6 =	sadd.s32 @!p0 $0x88, s6;
	s7 =	simm.s32 @p2 $0x1082  }
0x22: {  	[simem:s7], [sflag:s8] =	dma.local @!p0 [hbm:s6], $0xF7A  }
0x23: {  	s9 =	sor.u32 $0xD0000000, s2;
	s6 =	simm.s32 $0x108;
	_ =	swait.ge @!p0 [sflag:s8], $0x0  }
0x24: {  	s3 =	sadd.s32 $0x88, s3;
	s6 =	simm.s32 @!p1 $0x1082;
	[sflag:s4] =	ssyncset.s32 $0xFFFFF086  }
0x25: {  	[simem:s6], [sflag:s4] =	dma.local [hbm:s3], $0xF7A  }
0x26: {  	[smem:$0x3F9A] =	sst s1;
	(tag) =	ssettag s2;
	_ =	strace s9  }
0x27: {  	s1 =	sld [smem:$0x3FAA]  }
0x28: {  	s2 =	sld [smem:$0x3FAB]  }
0x29: {  	s4 =	sld [smem:$0x3FAD]  }
0x2a: {  	p0 =	seq.s32 s5, $0x0;
	s5 =	sld [smem:$0x3FAE]  }
0x2b: {  	s6 =	sld [smem:$0x3FAF]  }
0x2c: {  	s7 =	sld [smem:$0x3FB0]  }
0x2d: {  	s3 =	simm.s32 $0x108;
	s8 =	sld [smem:$0x3FB1]  }
0x2e: {  	s3 =	simm.s32 @!p0 $0x1082;
	s9 =	sld [smem:$0x3FB2]  }
0x2f: {  	lr =	sadd.s32 s0, s3;
	s0 =	sld [smem:$0x3FA9]  }
0x30: {  	s3 =	sld [smem:$0x3FAC]  }
0x31: {  	[smem:$0x3FB5] =	sst s10  }
0x32: {  	s10 =	sld [smem:$0x3FB3];
	_ =	sdelay $0x3  }
0x33: {  	p0 =	seq.s32 s10, $0x1;
	s10 =	sld [smem:$0x3FB5];
	_ =	sdelay $0x3  }
0x34: {  	[smem:$0x3FB5] =	sst s10  }
0x35: {  	s10 =	sld [smem:$0x3FB4];
	_ =	sdelay $0x3  }
0x36: {  	p1 =	seq.s32 s10, $0x1;
	s10 =	sld [smem:$0x3FB5];
	_ =	sdelay $0x3  }
0x37: {  	[smem:$0x3FB5] =	sst s10  }
0x38: {  	s10 =	sld [smem:$0x3FB6]  }
0x39: {  	_ = 	snop;
	(pc) =	sbr.ind lr, $3  }
0x3a: {  	_ = 	snop  }
0x3b: {  	_ = 	snop  }
0x3c: {  	p2 =	seq.s32 s10, $0x1;
	s10 =	sld [smem:$0x3FB5]  }
0x3d: {  	_ =	shalt  }
0x3e: {  	_ =	shalt  }
0x3f: {  	_ =	shalt  }
0x40: {  	_ =	shalt  }
0x41: {  	_ =	shalt  }
0x42: {  	_ =	shalt  }
0x43: {  	_ =	shalt  }
0x44: {  	_ =	shalt  }
0x45: {  	_ =	shalt  }
0x46: {  	_ =	shalt  }
0x47: {  	_ =	shalt  }
0x48: {  	_ =	shalt  }
0x49: {  	_ =	shalt  }
0x4a: {  	_ =	shalt  }
0x4b: {  	_ =	shalt  }
0x4c: {  	_ =	shalt  }
0x4d: {  	_ =	shalt  }
0x4e: {  	_ =	shalt  }
0x4f: {  	_ =	shalt  }
0x50: {  	_ =	shalt  }
0x51: {  	_ =	shalt  }
0x52: {  	_ =	shalt  }
0x53: {  	_ =	shalt  }
0x54: {  	_ =	shalt  }
0x55: {  	_ =	shalt  }
0x56: {  	_ =	shalt  }
0x57: {  	_ =	shalt  }
0x58: {  	_ =	shalt  }
0x59: {  	_ =	shalt  }
0x5a: {  	_ =	shalt  }
0x5b: {  	_ =	shalt  }
0x5c: {  	_ =	shalt  }
0x5d: {  	_ =	shalt  }
0x5e: {  	_ =	shalt  }
0x5f: {  	_ =	shalt  }
0x60: {  	_ =	shalt  }
0x61: {  	_ =	shalt  }
0x62: {  	_ =	shalt  }
0x63: {  	_ =	shalt  }
0x64: {  	_ =	shalt  }
0x65: {  	_ =	shalt  }
0x66: {  	_ =	shalt  }
0x67: {  	_ =	shalt  }
0x68: {  	_ =	shalt  }
0x69: {  	_ =	shalt  }
0x6a: {  	_ =	shalt  }
0x6b: {  	_ =	shalt  }
0x6c: {  	_ =	shalt  }
0x6d: {  	_ =	shalt  }
0x6e: {  	_ =	shalt  }
0x6f: {  	_ =	shalt  }
0x70: {  	_ =	shalt  }
0x71: {  	_ =	shalt  }
0x72: {  	_ =	shalt  }
0x73: {  	_ =	shalt  }
0x74: {  	_ =	shalt  }
0x75: {  	_ =	shalt  }
0x76: {  	_ =	shalt  }
0x77: {  	_ =	shalt  }
0x78: {  	_ =	shalt  }
0x79: {  	_ =	shalt  }
0x7a: {  	_ =	shalt  }
0x7b: {  	_ =	shalt  }
0x7c: {  	_ =	shalt  }
0x7d: {  	_ =	shalt  }
0x7e: {  	_ =	shalt  }
0x7f: {  	_ =	shalt  }
0x80: {  	_ =	shalt  }
0x81: {  	_ =	shalt  }
0x82: {  	_ =	shalt  }
0x83: {  	_ =	shalt  }
0x84: {  	_ =	shalt  }
0x85: {  	_ =	shalt  }
0x86: {  	_ =	shalt  }
0x87: {  	_ =	shalt  }
.Lfunc_end0:
.L_simem_size_0:
called_computation_lowered:
.L_overlay_start_0:
0x88: {  	s2 =	sld [smem:$0x3FD9]  }
0x89: {  	s3 =	sld [smem:$0x3FFE];
	_ =	sdelay $0x1  }
0x8a: {  	s1 =	srdreg.scid  }
0x8b: {  	s0 =	sand.u32 $0x1, s1  }
0x8c: {  	s14 =	sshll.u32 s0, $0xA;
	s2 =	sadd.s32 s3, s2  }
0x8d: {  	s2 =	sadd.s32 s2, s14  }
0x8e: {  	[smem:$0x3FC1] =	sst s2  }
0x8f: {  	_ = 	snop  }
0x90: {  	s2 =	sld [smem:$0x3FD0];
	_ =	sdelay $0x1  }
0x91: {  	s15 =	sld [smem:$0x3FC9]  }
0x92: {  	s5 =	simm.s32 $0xA;
	s6 =	simm.s32 $0x10;
	s4 =	sld [smem:$0x3FC7]  }
0x93: {  	[smem:s6], [sflag:s5] =	dma.local [hbm:s2], $0x1  }
0x94: {  	_ =	swait.eq [sflag:s5], $0x1  }
0x95: {  	[sflag:s5] =	ssyncset.done $0x0  }
0x96: {  	s16 =	sld [smem:$0x10];
	[sflag:s5] =	ssyncadd.s32 $0xFFFFFFFF  }
0x97: {  	s17 =	sld [smem:$0x11];
	(tm) =	ssettm $0x1  }
0x98: {  	s18 =	sld [smem:$0x3FFB];
	_ =	sdelay $0x3  }
0x99: {  	_ =	strace s18  }
0x9a: {  	s6 =	sld [smem:$0x3FFC];
	_ =	sdelay $0x3  }
0x9b: {  	_ =	strace s6  }
0x9c: {  	s6 =	sld [smem:$0x3FFD];
	_ =	sdelay $0x3  }
0x9d: {  	_ =	strace s6  }
0x9e: {  	_ =	strace $0x8FFFFFFF  }
0x9f: {  	s19 =	sld [smem:$0x3FDB];
	_ =	sdelay $0x1  }
0xa0: {  	s7 =	simm.s32 $_scs_section_size  }
0xa1: {  	s8 =	simm.s32 $_size__tile_overlayer_lowered;
	s9 =	simm.s32 $_tile_overlayer_lowered  }
0xa2: {  	s22 =	simm.s32 $0x1BFF;
	s21 =	sshll.u32 s9, $0x1;
	s6 =	sadd.s32 s7, s19  }
0xa3: {  	s10 =	simm.s32 $0x0;
	s20 =	sshll.u32 s8, $0x1;
	s8 =	sadd.s32 s21, s6  }
0xa4: {  	[timem:s10], [sflag:s22] =	dma.local [hbm:s8], s20  }
0xa5: {  	_ =	swait.ge [sflag:s22], s20  }
0xa6: {  	s7 =	ssub.s32 $0x0, s20;
	[sflag:s22] =	ssyncset.done $0x0  }
0xa7: {  	[sflag:s22] =	ssyncadd.s32 s7;
	_ =	sdelay $0x1  }
0xa8: {  	s23 =	simm.s32 $0x1B8B  }
0xa9: {  	_ =	swait.ge [sflag:s23], $0x1  }
0xaa: {  	[sflag:s23] =	ssyncset.done $0x0  }
0xab: {  	s25 =	simm.s32 $0x1B8E;
	s24 =	sld [smem:$0x3FFE];
	[sflag:s23] =	ssyncadd.s32 $0xFFFFFFFF  }
0xac: {  	s26 =	simm.s32 $execute0_lowered;
	[smem:$0x3FD2] =	sst s25  }
0xad: {  	s8 =	sshll.u32 s26, $0x1;
	_ =	strace $0x80000046;
	[dreg:$0x1] =	wrdreg $0xFFFFFFFF  }
0xae: {  	s28 =	simm.s32 $_size_execute0_lowered;
	s6 =	sadd.s32 s6, s8;
	[dreg:$0x0] =	wrdreg $0x0  }
0xaf: {  	s8 =	sshll.u32 s28, $0x1;
	[dreg:$0x2] =	wrdreg s6  }
0xb0: {  	[dreg:$0x3] =	wrdreg s8  }
0xb1: {  	[dreg:$0x4] =	wrdreg $0xC0  }
0xb2: {  	_ =	task [dreg:s10], $0x5FFFF  }
0xb3: {  	[dreg:$0x1] =	wrdreg $0xFFFFFFFF  }
0xb4: {  	[dreg:$0x0] =	wrdreg $0x60  }
0xb5: {  	[dreg:$0x2] =	wrdreg s17  }
0xb6: {  	[dreg:$0x3] =	wrdreg s4  }
0xb7: {  	[dreg:$0x4] =	wrdreg s15  }
0xb8: {  	[dreg:$0x5] =	wrdreg s24  }
0xb9: {  	[dreg:$0x6] =	wrdreg s16  }
0xba: {  	[dreg:$0x7] =	wrdreg $0x9  }
0xbb: {  	_ =	task.clear_ibuf [dreg:s10], $0x8FFFF;
	_ =	strace $0x90000046  }
0xbc: {  	s29 =	simm.s32 $0x9;
	_ =	strace $0x80000048  }
0xbd: {  	_ =	swait.ge [sflag:s29], $0x1  }
0xbe: {  	[sflag:s29] =	ssyncadd.s32 $0xFFFFFFFF  }
0xbf: {  	_ =	strace $0x90000048  }
0xc0: {  	_ =	sfence  }
0xc1: {  	s30 =	sld [smem:$0x0];
	_ =	sdelay $0x2  }
0xc2: {  	s31 =	sshll.u32 s1, $0xD;
	s1 =	sshrl.u32 s1, $0x2  }
0xc3: {  	s3 =	sand.u32 $0x4000, s31;
	s1 =	sadd.s32 s1, s30  }
0xc4: {  	s0 =	sor.u32 s3, s0;
	s1 =	sshll.u32 s1, $0x11  }
0xc5: {  	s0 =	sor.u32 s1, s0  }
0xc6: {  	s0 =	sadd.s32 $0x8F2B, s0  }
0xc7: {  	[sflag:s0] =	ssyncadd.remote.s32 $0x1  }
0xc8: {  	_ =	sfence.sel $0xFFFF  }
0xc9: {  	[dreg:$0x0] =	wrdreg $0xFFFFFFFF;
	(pc) =	sbr.abs _section_cstart, $3  }
0xca: {  	[dreg:$0x1] =	wrdreg $0xFFFFFFFF  }
0xcb: {  	_ =	task.clear_ibuf [dreg:s10], $0x2FFFF;
	_ =	strace $0x9FFFFFFF  }
0xcc: {  	(tm) =	ssettm $0x7FFFFFFF  }
0xcd: {  	_ =	shalt  }
tec
execute0_lowered:
.L_overlay_start_1:
0x0: {  	(tag) =	ssettag $0x1  }
0x1: {  	s0 =	rddreg [dreg:$0x2]  }
0x2: {  	s1 =	rddreg [dreg:$0x3];
	s2 =	srdreg.scid  }
0x3: {  	s12 =	stileid.u32;
	s5 =	simm.s32 $0x0;
	s14 =	simm.s32 $0x2800  }
0x4: {  	s15 =	simm.s32 $0x3;
	s17 =	simm.s32 $0x2580;
	s18 =	simm.s32 $0x2180  }
0x5: {  	s20 =	simm.s32 $0x2600;
	s21 =	simm.s32 $0x2680;
	s22 =	simm.s32 $0x2  }
0x6: {  	s19 =	simm.s32 $0x10000;
	s16 =	simm.s32 $0x11800;
	s23 =	simm.s32 $0x12000  }
0x7: {  	s2 =	sand.u32 $0x1, s2;
	s3 =	sshll.u32 s12, $0x1;
	[smem:$0x7FF] =	sst s5  }
0x8: {  	s6 =	sadd.s32 $0x1E00, s1;
	s25 =	sshll.u32 s12, $0x2;
	s26 =	sshll.u32 s12, $0x5  }
0x9: {  	s29 =	sshll.u32 s12, $0xB;
	s3 =	sor.u32 s2, s3;
	_ =	strace $0x80000047  }
0xa: {  	s7 =	ssub.s32 $0x2, s2;
	s10 =	sshll.u32 s2, $0x4;
	s11 =	sshll.u32 s2, $0x1  }
0xb: {  	s2 =	sshll.u32 s2, $0xA;
	s4 =	sshll.u32 s3, $0x5;
	s24 =	sshrl.u32 s7, $0x1  }
0xc: {  	s8 =	sshll.u32 s3, $0xD;
	s28 =	sor.u32 s10, s26;
	s2 =	sor.u32 s2, s29  }
0xd: {  	p0 =	seq.s32 s3, $0x0;
	p1 =	seq.s32 s3, $0x1F;
	p2 =	sne.s32 s3, $0x0  }
0xe: {  	s3 =	simm.s32 $0xE800;
	s4 =	sadd.s32 s4, s1;
	s1 =	ssub.s32 s7, s24  }
0xf: {  	v0 =	vlaneseq.u32;
	v2 =	vimm.s32 $0x0;
	v3 =	vimm.s32 $0x1;
	s7 =	sadd.s32 s0, s8;
	s0 =	sor.u32 s11, s25;
	s30 =	sshrl.u32 s2, $0x2  }
0x10: {  	vm0 =	vmmov $0xffff;
	v1 =	vmul.u32 $0x80, v0;
	v14 =	vshrl.u32 v0, $0x3;
	s2 =	simm.s32 $0x11000;
	s24 =	simm.s32 $0x1;
	s25 =	simm.s32 $0x0  }
0x11: {  	v13 =	vand.u32 $0x7, v0;
	v15 =	vor.u32 $0x8, v0;
	v14 =	vmul.u32 $0x8, v14;
	s8 =	sadd.s32 $0x51E00, s4;
	s9 =	smax.u32 s1, $0x1;
	s1 =	sadd.s32 $0x10, s28  }
0x12: {  	v4 =	vor.u32 $0x1, v1;
	v5 =	vor.u32 $0x801, v1;
	v6 =	vor.u32 $0x800, v1;
	s10 =	smax.u32 s0, $0x1;
	s11 =	sor.u32 $0x80, s30;
	s1 =	sshrl.u32 s1, $0x3  }
0x13: {  	v7 =	vor.u32 $0x1001, v1;
	v8 =	vor.u32 $0x1000, v1;
	v9 =	vor.u32 $0x1801, v1;
	s4 =	simm.s32 $0xF800;
	s0 =	simm.s32 $0x10800;
	s31 =	sshll.u32 s1, $0x7  }
0x14: {  	v10 =	vor.u32 $0x1800, v1;
	v11 =	vor.u32 $0x2001, v1;
	v12 =	vor.u32 $0x2000, v1;
	s12 =	sadd.s32 $0xFFFFFFFF, s1;
	s1 =	simm.s32 $0xF000;
	s13 =	sor.u32 $0xC0, s31  }
.LBB2_1:
0x15: {  	[tilespmem:s14], [sflag:$0x2] =	stream.linear.gather [hbm4b:s7+s5], $0x10000, $0x38;
	[tilespmem:$0x12800] =	vst v63  }
0x16: {  	s26 =	rddreg [dreg:$0x0]  }
0x17: {  	[tilespmem:s5], [sflag:$0x3] =	stream.linear.gather [hbm4b:s26+s5], $0x80, $0x38;
	[tilespmem:$0x12800] =	vst v63  }
0x18: {  	_ =	swait.ge [sflag:s15], $0x80  }
0x19: {  	[sflag:s15] =	ssyncset.done $0x0  }
0x1a: {  	[sflag:s15] =	ssyncadd.s32 $0xFFFFFF80  }
0x1b: {  	s28 =	simm.s32 $0x80;
	s31 =	rddreg [dreg:$0x1]  }
0x1c: {  	[tilespmem:s28], [sflag:$0x3] =	stream.linear.gather [hbm4b:s31+s5], $0x2000, $0x38;
	[tilespmem:$0x12800] =	vst v63  }
0x1d: {  	_ =	swait.ge [sflag:s15], $0x2000  }
0x1e: {  	[sflag:s15] =	ssyncset.done $0x0  }
0x1f: {  	s26 =	simm.s32 $0x40;
	s28 =	simm.s32 $0x0;
	[sflag:s15] =	ssyncadd.s32 $0xFFFFE000  }
.LBB2_2:
0x20: {  	p3 =	sne.s32 s26, $0xFC0;
	[tilespmem:s28+$0x2180] =	vst v2;
	s28 =	smov.u32 s26;
	s26 =	sadd.s32 $0x40, s26  }
.Ltmp0:
0x21: {  	(pc) =	sbr.rel @p3 .LBB2_2-.Ltmp0, $2  }
0x22: {  	_ =	sdelay $0x2  }
0x23: {  	s28 =	sshra.s32 s28, $0x2  }
.Ltmp1:
0x24: {  	(pc) =	sbr.rel @p0 .LBB2_5-.Ltmp1, $2  }
0x25: {  	_ =	sdelay $0x2  }
0x26: {  	[tilespmem:s28+$0x2180] =	vst v2;
	s26 =	simm.s32 $0xC0;
	s28 =	smov.u32 s10  }
.LBB2_4:
0x27: {  	v16 =	vld [tilespmem:s26+$0xFFFFFFC0];
	_ =	sdelay $0x7  }
0x28: {  	[tilespmem:v16+s18+$0x0] =	vst.idx.add.s32.msk $0xffff, v3  }
0x29: {  	v16 =	vld [tilespmem:s26+$0xFFFFFFD0];
	_ =	sdelay $0x4  }
0x2a: {  	v16 =	vadd.s32 $0x80, v16;
	_ =	sdelay $0x4  }
0x2b: {  	[tilespmem:v16+s18+$0x0] =	vst.idx.add.s32.msk $0xffff, v3  }
0x2c: {  	v16 =	vld [tilespmem:s26+$0xFFFFFFE0];
	_ =	sdelay $0x4  }
0x2d: {  	v16 =	vadd.s32 $0x100, v16;
	_ =	sdelay $0x4  }
0x2e: {  	[tilespmem:v16+s18+$0x0] =	vst.idx.add.s32.msk $0xffff, v3  }
0x2f: {  	v16 =	vld [tilespmem:s26+$0xFFFFFFF0];
	_ =	sdelay $0x4  }
0x30: {  	v16 =	vadd.s32 $0x180, v16;
	_ =	sdelay $0x4  }
0x31: {  	[tilespmem:v16+s18+$0x0] =	vst.idx.add.s32.msk $0xffff, v3  }
0x32: {  	v16 =	vld [tilespmem:s26+$0x0];
	_ =	sdelay $0x4  }
0x33: {  	v16 =	vadd.s32 $0x200, v16;
	_ =	sdelay $0x4  }
0x34: {  	[tilespmem:v16+s18+$0x0] =	vst.idx.add.s32.msk $0xffff, v3  }
0x35: {  	v16 =	vld [tilespmem:s26+$0x10];
	_ =	sdelay $0x4  }
0x36: {  	v16 =	vadd.s32 $0x280, v16;
	_ =	sdelay $0x4  }
0x37: {  	[tilespmem:v16+s18+$0x0] =	vst.idx.add.s32.msk $0xffff, v3  }
0x38: {  	v16 =	vld [tilespmem:s26+$0x20];
	_ =	sdelay $0x4  }
0x39: {  	v16 =	vadd.s32 $0x300, v16;
	_ =	sdelay $0x4  }
0x3a: {  	[tilespmem:v16+s18+$0x0] =	vst.idx.add.s32.msk $0xffff, v3  }
0x3b: {  	v16 =	vld [tilespmem:s26+$0x30];
	_ =	sdelay $0x4  }
0x3c: {  	p3 =	sne.s32 s28, $0x1;
	v16 =	vadd.s32 $0x380, v16  }
.Ltmp2:
0x3d: {  	_ = 	snop;
	(pc) =	sbr.rel @p3 .LBB2_4-.Ltmp2, $2  }
0x3e: {  	_ =	sdelay $0x2  }
0x3f: {  	s28 =	sadd.s32 $0xFFFFFFFF, s28;
	s26 =	sadd.s32 $0x80, s26;
	[tilespmem:v16+s18+$0x0] =	vst.idx.add.s32.msk $0xffff, v3  }
.LBB2_5:
0x40: {  	v16 =	vld [tilespmem:$0x2180]  }
0x41: {  	v17 =	vld [tilespmem:$0x2200]  }
0x42: {  	v18 =	vld [tilespmem:$0x2280]  }
0x43: {  	v19 =	vld [tilespmem:$0x2300]  }
0x44: {  	v20 =	vld [tilespmem:$0x2380]  }
0x45: {  	v21 =	vld [tilespmem:$0x2400]  }
0x46: {  	v22 =	vld [tilespmem:$0x0]  }
0x47: {  	v16 =	vadd.s32 v16, v17;
	v17 =	vld [tilespmem:$0x2480]  }
0x48: {  	v16 =	vadd.s32 v18, v16;
	v18 =	vld [tilespmem:$0x2500]  }
0x49: {  	v16 =	vadd.s32 v19, v16  }
0x4a: {  	v16 =	vadd.s32 v20, v16  }
0x4b: {  	v16 =	vadd.s32 v21, v16  }
0x4c: {  	v16 =	vadd.s32 v17, v16  }
0x4d: {  	[tilespmem:$0x2580] =	vst v2;
	v16 =	vadd.s32 v18, v16  }
0x4e: {  	[tilespmem:v22+s17+$0x0] =	vst.idx.add.s32.msk $0xffff, v16  }
0x4f: {  	v16 =	vld [tilespmem:$0x2190]  }
0x50: {  	v17 =	vld [tilespmem:$0x2210]  }
0x51: {  	v18 =	vld [tilespmem:$0x2290]  }
0x52: {  	v19 =	vld [tilespmem:$0x2310]  }
0x53: {  	v50 =	vld [tilespmem:$0x2390]  }
0x54: {  	v51 =	vld [tilespmem:$0x2410]  }
0x55: {  	v22 =	vld [tilespmem:$0x10]  }
0x56: {  	v16 =	vadd.s32 v16, v17;
	v17 =	vld [tilespmem:$0x2490]  }
0x57: {  	v16 =	vadd.s32 v18, v16;
	v18 =	vld [tilespmem:$0x2510]  }
0x58: {  	v16 =	vadd.s32 v19, v16  }
0x59: {  	v16 =	vadd.s32 v50, v16  }
0x5a: {  	v16 =	vadd.s32 v51, v16  }
0x5b: {  	v16 =	vadd.s32 v17, v16  }
0x5c: {  	v16 =	vadd.s32 v18, v16  }
0x5d: {  	[tilespmem:v22+s17+$0x0] =	vst.idx.add.s32.msk $0xffff, v16  }
0x5e: {  	v16 =	vld [tilespmem:$0x21A0]  }
0x5f: {  	v17 =	vld [tilespmem:$0x2220]  }
0x60: {  	v18 =	vld [tilespmem:$0x22A0]  }
0x61: {  	v19 =	vld [tilespmem:$0x2320]  }
0x62: {  	v52 =	vld [tilespmem:$0x23A0]  }
0x63: {  	v53 =	vld [tilespmem:$0x2420]  }
0x64: {  	v22 =	vld [tilespmem:$0x20]  }
0x65: {  	v16 =	vadd.s32 v16, v17;
	v17 =	vld [tilespmem:$0x24A0]  }
0x66: {  	v16 =	vadd.s32 v18, v16;
	v18 =	vld [tilespmem:$0x2520]  }
0x67: {  	v16 =	vadd.s32 v19, v16  }
0x68: {  	v16 =	vadd.s32 v52, v16  }
0x69: {  	v16 =	vadd.s32 v53, v16  }
0x6a: {  	v16 =	vadd.s32 v17, v16  }
0x6b: {  	v16 =	vadd.s32 v18, v16  }
0x6c: {  	[tilespmem:v22+s17+$0x0] =	vst.idx.add.s32.msk $0xffff, v16  }
0x6d: {  	v16 =	vld [tilespmem:$0x21B0]  }
0x6e: {  	v17 =	vld [tilespmem:$0x2230]  }
0x6f: {  	v18 =	vld [tilespmem:$0x22B0]  }
0x70: {  	v19 =	vld [tilespmem:$0x2330]  }
0x71: {  	v54 =	vld [tilespmem:$0x23B0]  }
0x72: {  	v55 =	vld [tilespmem:$0x2430]  }
0x73: {  	v22 =	vld [tilespmem:$0x30]  }
0x74: {  	v16 =	vadd.s32 v16, v17;
	v17 =	vld [tilespmem:$0x24B0]  }
0x75: {  	v16 =	vadd.s32 v18, v16;
	v18 =	vld [tilespmem:$0x2530]  }
0x76: {  	v16 =	vadd.s32 v19, v16  }
0x77: {  	v16 =	vadd.s32 v54, v16  }
0x78: {  	v16 =	vadd.s32 v55, v16  }
0x79: {  	v16 =	vadd.s32 v17, v16  }
0x7a: {  	v16 =	vadd.s32 v18, v16  }
0x7b: {  	[tilespmem:v22+s17+$0x0] =	vst.idx.add.s32.msk $0xffff, v16  }
0x7c: {  	v16 =	vld [tilespmem:$0x21C0]  }
0x7d: {  	v17 =	vld [tilespmem:$0x2240]  }
0x7e: {  	v18 =	vld [tilespmem:$0x22C0]  }
0x7f: {  	v19 =	vld [tilespmem:$0x2340]  }
0x80: {  	v56 =	vld [tilespmem:$0x23C0]  }
0x81: {  	v57 =	vld [tilespmem:$0x2440]  }
0x82: {  	v22 =	vld [tilespmem:$0x40]  }
0x83: {  	v16 =	vadd.s32 v16, v17;
	v17 =	vld [tilespmem:$0x24C0]  }
0x84: {  	v16 =	vadd.s32 v18, v16;
	v18 =	vld [tilespmem:$0x2540]  }
0x85: {  	v16 =	vadd.s32 v19, v16  }
0x86: {  	v16 =	vadd.s32 v56, v16  }
0x87: {  	v16 =	vadd.s32 v57, v16  }
0x88: {  	v16 =	vadd.s32 v17, v16  }
0x89: {  	v16 =	vadd.s32 v18, v16  }
0x8a: {  	[tilespmem:v22+s17+$0x0] =	vst.idx.add.s32.msk $0xffff, v16  }
0x8b: {  	v16 =	vld [tilespmem:$0x21D0]  }
0x8c: {  	v17 =	vld [tilespmem:$0x2250]  }
0x8d: {  	v18 =	vld [tilespmem:$0x22D0]  }
0x8e: {  	v19 =	vld [tilespmem:$0x2350]  }
0x8f: {  	v58 =	vld [tilespmem:$0x23D0]  }
0x90: {  	v59 =	vld [tilespmem:$0x2450]  }
0x91: {  	v22 =	vld [tilespmem:$0x50]  }
0x92: {  	v16 =	vadd.s32 v16, v17;
	v17 =	vld [tilespmem:$0x24D0]  }
0x93: {  	v16 =	vadd.s32 v18, v16;
	v18 =	vld [tilespmem:$0x2550]  }
0x94: {  	v16 =	vadd.s32 v19, v16  }
0x95: {  	v16 =	vadd.s32 v58, v16  }
0x96: {  	v16 =	vadd.s32 v59, v16  }
0x97: {  	v16 =	vadd.s32 v17, v16  }
0x98: {  	v16 =	vadd.s32 v18, v16  }
0x99: {  	[tilespmem:v22+s17+$0x0] =	vst.idx.add.s32.msk $0xffff, v16  }
0x9a: {  	v16 =	vld [tilespmem:$0x21E0]  }
0x9b: {  	v17 =	vld [tilespmem:$0x2260]  }
0x9c: {  	v18 =	vld [tilespmem:$0x22E0]  }
0x9d: {  	v19 =	vld [tilespmem:$0x2360]  }
0x9e: {  	v60 =	vld [tilespmem:$0x23E0]  }
0x9f: {  	v61 =	vld [tilespmem:$0x2460]  }
0xa0: {  	v22 =	vld [tilespmem:$0x60]  }
0xa1: {  	v16 =	vadd.s32 v16, v17;
	v17 =	vld [tilespmem:$0x24E0]  }
0xa2: {  	v16 =	vadd.s32 v18, v16;
	v18 =	vld [tilespmem:$0x2560]  }
0xa3: {  	v16 =	vadd.s32 v19, v16  }
0xa4: {  	v16 =	vadd.s32 v60, v16  }
0xa5: {  	v16 =	vadd.s32 v61, v16  }
0xa6: {  	v16 =	vadd.s32 v17, v16  }
0xa7: {  	v16 =	vadd.s32 v18, v16  }
0xa8: {  	[tilespmem:v22+s17+$0x0] =	vst.idx.add.s32.msk $0xffff, v16  }
0xa9: {  	v16 =	vld [tilespmem:$0x21F0]  }
0xaa: {  	v17 =	vld [tilespmem:$0x2270]  }
0xab: {  	v18 =	vld [tilespmem:$0x22F0]  }
0xac: {  	v19 =	vld [tilespmem:$0x2370]  }
0xad: {  	v62 =	vld [tilespmem:$0x23F0]  }
0xae: {  	v63 =	vld [tilespmem:$0x2470]  }
0xaf: {  	v22 =	vld [tilespmem:$0x70]  }
0xb0: {  	v16 =	vadd.s32 v16, v17;
	v17 =	vld [tilespmem:$0x24F0]  }
0xb1: {  	v16 =	vadd.s32 v18, v16;
	v18 =	vld [tilespmem:$0x2570]  }
0xb2: {  	v16 =	vadd.s32 v19, v16  }
0xb3: {  	v16 =	vadd.s32 v62, v16  }
0xb4: {  	v16 =	vadd.s32 v63, v16  }
0xb5: {  	v16 =	vadd.s32 v17, v16  }
0xb6: {  	v16 =	vadd.s32 v18, v16  }
0xb7: {  	[tilespmem:v22+s17+$0x0] =	vst.idx.add.s32.msk $0xffff, v16  }
0xb8: {  	v16 =	vld [tilespmem:s11+$0x0];
	_ =	sdelay $0x6  }
0xb9: {  	s26 =	simm.s32 $0x0  }
0xba: {  	s26 =	sand.u32 $0x380, s26;
	v17 =	vld.idx.msk [tilespmem:v16+s5+$0x0], $0xffff  }
0xbb: {  	v18 =	vadd.s32 s26, v16;
	_ =	sdelay $0x2  }
0xbc: {  	s26 =	simm.s32 $0x2080  }
0xbd: {  	v16 =	vld [tilespmem:$0x2580];
	[tilespmem:s26+$0x0] =	vst v17  }
0xbe: {  	s28 =	sadd.s32 $0x10, s11;
	[tilespmem:v18+s18+$0x0] =	vst.idx.add.s32.msk $0xffff, v3  }
0xbf: {  	v17 =	vld [tilespmem:s28+$0x0]  }
0xc0: {  	s29 =	simm.s32 $0x80;
	s30 =	simm.s32 $0x100  }
.LBB2_6:
0xc1: {  	p3 =	sne.s32 s30, $0x780;
	_ =	sdelay $0x1  }
0xc2: {  	s31 =	sand.u32 $0x380, s29;
	s29 =	smov.u32 s30  }
0xc3: {  	v18 =	vadd.s32 s31, v17;
	_ =	sdelay $0x2  }
0xc4: {  	v17 =	vld.idx.msk [tilespmem:v17+s5+$0x0], $0xffff;
	_ =	sdelay $0x4  }
.Ltmp3:
0xc5: {  	s26 =	sadd.s32 $0x10, s26;
	(pc) =	sbr.rel @p3 .LBB2_6-.Ltmp3, $4  }
0xc6: {  	[tilespmem:s26+$0x0] =	vst v17  }
0xc7: {  	s28 =	sadd.s32 $0x10, s28;
	[tilespmem:v18+s18+$0x0] =	vst.idx.add.s32.msk $0xffff, v3  }
0xc8: {  	v17 =	vld [tilespmem:s28+$0x0]  }
0xc9: {  	s30 =	sadd.s32 $0x80, s30  }
0xca: {  	_ =	sdelay $0x6  }
0xcb: {  	s28 =	sand.u32 $0x380, s29;
	v18 =	vld.idx.msk [tilespmem:v17+s5+$0x0], $0xffff  }
0xcc: {  	v17 =	vadd.s32 s28, v17  }
.Ltmp4:
0xcd: {  	_ = 	snop;
	(pc) =	sbr.rel @p1 .LBB2_9-.Ltmp4, $4  }
0xce: {  	_ = 	snop  }
0xcf: {  	s26 =	sadd.s32 $0x10, s26  }
0xd0: {  	[tilespmem:s26+$0x0] =	vst v18  }
0xd1: {  	s28 =	smov.u32 s12;
	s26 =	smov.u32 s13;
	[tilespmem:v17+s18+$0x0] =	vst.idx.add.s32.msk $0xffff, v3  }
.LBB2_8:
0xd2: {  	v17 =	vld [tilespmem:s26+$0xFFFFFFC0];
	_ =	sdelay $0x7  }
0xd3: {  	[tilespmem:v17+s18+$0x0] =	vst.idx.add.s32.msk $0xffff, v3  }
0xd4: {  	v17 =	vld [tilespmem:s26+$0xFFFFFFD0];
	_ =	sdelay $0x4  }
0xd5: {  	v17 =	vadd.s32 $0x80, v17;
	_ =	sdelay $0x4  }
0xd6: {  	[tilespmem:v17+s18+$0x0] =	vst.idx.add.s32.msk $0xffff, v3  }
0xd7: {  	v17 =	vld [tilespmem:s26+$0xFFFFFFE0];
	_ =	sdelay $0x4  }
0xd8: {  	v17 =	vadd.s32 $0x100, v17;
	_ =	sdelay $0x4  }
0xd9: {  	[tilespmem:v17+s18+$0x0] =	vst.idx.add.s32.msk $0xffff, v3  }
0xda: {  	v17 =	vld [tilespmem:s26+$0xFFFFFFF0];
	_ =	sdelay $0x4  }
0xdb: {  	v17 =	vadd.s32 $0x180, v17;
	_ =	sdelay $0x4  }
0xdc: {  	[tilespmem:v17+s18+$0x0] =	vst.idx.add.s32.msk $0xffff, v3  }
0xdd: {  	v17 =	vld [tilespmem:s26+$0x0];
	_ =	sdelay $0x4  }
0xde: {  	v17 =	vadd.s32 $0x200, v17;
	_ =	sdelay $0x4  }
0xdf: {  	[tilespmem:v17+s18+$0x0] =	vst.idx.add.s32.msk $0xffff, v3  }
0xe0: {  	v17 =	vld [tilespmem:s26+$0x10];
	_ =	sdelay $0x4  }
0xe1: {  	v17 =	vadd.s32 $0x280, v17;
	_ =	sdelay $0x4  }
0xe2: {  	[tilespmem:v17+s18+$0x0] =	vst.idx.add.s32.msk $0xffff, v3  }
0xe3: {  	v17 =	vld [tilespmem:s26+$0x20];
	_ =	sdelay $0x4  }
0xe4: {  	v17 =	vadd.s32 $0x300, v17;
	_ =	sdelay $0x4  }
0xe5: {  	[tilespmem:v17+s18+$0x0] =	vst.idx.add.s32.msk $0xffff, v3  }
0xe6: {  	v17 =	vld [tilespmem:s26+$0x30];
	_ =	sdelay $0x3  }
0xe7: {  	s28 =	sadd.s32 $0x1, s28  }
0xe8: {  	p3 =	slt.u32 s28, $0x3F;
	v17 =	vadd.s32 $0x380, v17  }
.Ltmp5:
0xe9: {  	_ = 	snop;
	(pc) =	sbr.rel @p3 .LBB2_8-.Ltmp5, $2  }
0xea: {  	_ =	sdelay $0x2  }
0xeb: {  	s26 =	sadd.s32 $0x80, s26;
	[tilespmem:v17+s18+$0x0] =	vst.idx.add.s32.msk $0xffff, v3  }
.LBB2_9:
0xec: {  	v17 =	vld [tilespmem:$0x2180]  }
0xed: {  	v18 =	vld [tilespmem:$0x2200]  }
0xee: {  	v19 =	vld [tilespmem:$0x2280]  }
0xef: {  	v20 =	vld [tilespmem:$0x2300]  }
0xf0: {  	v21 =	vld [tilespmem:$0x2380]  }
0xf1: {  	v22 =	vld [tilespmem:$0x2400]  }
0xf2: {  	v23 =	vld [tilespmem:$0x0]  }
0xf3: {  	v17 =	vadd.s32 v17, v18;
	v18 =	vld [tilespmem:$0x2480]  }
0xf4: {  	v17 =	vadd.s32 v19, v17;
	v19 =	vld [tilespmem:$0x2500]  }
0xf5: {  	v17 =	vadd.s32 v20, v17  }
0xf6: {  	v17 =	vadd.s32 v21, v17  }
0xf7: {  	v17 =	vadd.s32 v22, v17  }
0xf8: {  	v17 =	vadd.s32 v18, v17  }
0xf9: {  	[tilespmem:$0x2580] =	vst v2;
	v17 =	vadd.s32 v19, v17  }
0xfa: {  	[tilespmem:v23+s17+$0x0] =	vst.idx.add.s32.msk $0xffff, v17  }
0xfb: {  	v17 =	vld [tilespmem:$0x2190]  }
0xfc: {  	v18 =	vld [tilespmem:$0x2210]  }
0xfd: {  	v19 =	vld [tilespmem:$0x2290]  }
0xfe: {  	v43 =	vld [tilespmem:$0x2310]  }
0xff: {  	v44 =	vld [tilespmem:$0x2390]  }
0x100: {  	v45 =	vld [tilespmem:$0x2410]  }
0x101: {  	v23 =	vld [tilespmem:$0x10]  }
0x102: {  	v17 =	vadd.s32 v17, v18;
	v18 =	vld [tilespmem:$0x2490]  }
0x103: {  	v17 =	vadd.s32 v19, v17;
	v19 =	vld [tilespmem:$0x2510]  }
0x104: {  	v17 =	vadd.s32 v43, v17  }
0x105: {  	v17 =	vadd.s32 v44, v17  }
0x106: {  	v17 =	vadd.s32 v45, v17  }
0x107: {  	v17 =	vadd.s32 v18, v17  }
0x108: {  	v17 =	vadd.s32 v19, v17  }
0x109: {  	[tilespmem:v23+s17+$0x0] =	vst.idx.add.s32.msk $0xffff, v17  }
0x10a: {  	v17 =	vld [tilespmem:$0x21A0]  }
0x10b: {  	v18 =	vld [tilespmem:$0x2220]  }
0x10c: {  	v19 =	vld [tilespmem:$0x22A0]  }
0x10d: {  	v46 =	vld [tilespmem:$0x2320]  }
0x10e: {  	v47 =	vld [tilespmem:$0x23A0]  }
0x10f: {  	v48 =	vld [tilespmem:$0x2420]  }
0x110: {  	v23 =	vld [tilespmem:$0x20]  }
0x111: {  	v17 =	vadd.s32 v17, v18;
	v18 =	vld [tilespmem:$0x24A0]  }
0x112: {  	v17 =	vadd.s32 v19, v17;
	v19 =	vld [tilespmem:$0x2520]  }
0x113: {  	v17 =	vadd.s32 v46, v17  }
0x114: {  	v17 =	vadd.s32 v47, v17  }
0x115: {  	v17 =	vadd.s32 v48, v17  }
0x116: {  	v17 =	vadd.s32 v18, v17  }
0x117: {  	v17 =	vadd.s32 v19, v17  }
0x118: {  	[tilespmem:v23+s17+$0x0] =	vst.idx.add.s32.msk $0xffff, v17  }
0x119: {  	v17 =	vld [tilespmem:$0x21B0]  }
0x11a: {  	v18 =	vld [tilespmem:$0x2230]  }
0x11b: {  	v19 =	vld [tilespmem:$0x22B0]  }
0x11c: {  	v49 =	vld [tilespmem:$0x2330]  }
0x11d: {  	v50 =	vld [tilespmem:$0x23B0]  }
0x11e: {  	v51 =	vld [tilespmem:$0x2430]  }
0x11f: {  	v23 =	vld [tilespmem:$0x30]  }
0x120: {  	v17 =	vadd.s32 v17, v18;
	v18 =	vld [tilespmem:$0x24B0]  }
0x121: {  	v17 =	vadd.s32 v19, v17;
	v19 =	vld [tilespmem:$0x2530]  }
0x122: {  	v17 =	vadd.s32 v49, v17  }
0x123: {  	v17 =	vadd.s32 v50, v17  }
0x124: {  	v17 =	vadd.s32 v51, v17  }
0x125: {  	v17 =	vadd.s32 v18, v17  }
0x126: {  	v17 =	vadd.s32 v19, v17  }
0x127: {  	[tilespmem:v23+s17+$0x0] =	vst.idx.add.s32.msk $0xffff, v17  }
0x128: {  	v17 =	vld [tilespmem:$0x21C0]  }
0x129: {  	v18 =	vld [tilespmem:$0x2240]  }
0x12a: {  	v19 =	vld [tilespmem:$0x22C0]  }
0x12b: {  	v52 =	vld [tilespmem:$0x2340]  }
0x12c: {  	v53 =	vld [tilespmem:$0x23C0]  }
0x12d: {  	v54 =	vld [tilespmem:$0x2440]  }
0x12e: {  	v23 =	vld [tilespmem:$0x40]  }
0x12f: {  	v17 =	vadd.s32 v17, v18;
	v18 =	vld [tilespmem:$0x24C0]  }
0x130: {  	v17 =	vadd.s32 v19, v17;
	v19 =	vld [tilespmem:$0x2540]  }
0x131: {  	v17 =	vadd.s32 v52, v17  }
0x132: {  	v17 =	vadd.s32 v53, v17  }
0x133: {  	v17 =	vadd.s32 v54, v17  }
0x134: {  	v17 =	vadd.s32 v18, v17  }
0x135: {  	v17 =	vadd.s32 v19, v17  }
0x136: {  	[tilespmem:v23+s17+$0x0] =	vst.idx.add.s32.msk $0xffff, v17  }
0x137: {  	v17 =	vld [tilespmem:$0x21D0]  }
0x138: {  	v18 =	vld [tilespmem:$0x2250]  }
0x139: {  	v19 =	vld [tilespmem:$0x22D0]  }
0x13a: {  	v55 =	vld [tilespmem:$0x2350]  }
0x13b: {  	v56 =	vld [tilespmem:$0x23D0]  }
0x13c: {  	v57 =	vld [tilespmem:$0x2450]  }
0x13d: {  	v23 =	vld [tilespmem:$0x50]  }
0x13e: {  	v17 =	vadd.s32 v17, v18;
	v18 =	vld [tilespmem:$0x24D0]  }
0x13f: {  	v17 =	vadd.s32 v19, v17;
	v19 =	vld [tilespmem:$0x2550]  }
0x140: {  	v17 =	vadd.s32 v55, v17  }
0x141: {  	v17 =	vadd.s32 v56, v17  }
0x142: {  	v17 =	vadd.s32 v57, v17  }
0x143: {  	v17 =	vadd.s32 v18, v17  }
0x144: {  	v17 =	vadd.s32 v19, v17  }
0x145: {  	[tilespmem:v23+s17+$0x0] =	vst.idx.add.s32.msk $0xffff, v17  }
0x146: {  	v17 =	vld [tilespmem:$0x21E0]  }
0x147: {  	v18 =	vld [tilespmem:$0x2260]  }
0x148: {  	v19 =	vld [tilespmem:$0x22E0]  }
0x149: {  	v58 =	vld [tilespmem:$0x2360]  }
0x14a: {  	v59 =	vld [tilespmem:$0x23E0]  }
0x14b: {  	v60 =	vld [tilespmem:$0x2460]  }
0x14c: {  	v23 =	vld [tilespmem:$0x60]  }
0x14d: {  	v17 =	vadd.s32 v17, v18;
	v18 =	vld [tilespmem:$0x24E0]  }
0x14e: {  	v17 =	vadd.s32 v19, v17;
	v19 =	vld [tilespmem:$0x2560]  }
0x14f: {  	v17 =	vadd.s32 v58, v17  }
0x150: {  	v17 =	vadd.s32 v59, v17  }
0x151: {  	v17 =	vadd.s32 v60, v17  }
0x152: {  	v17 =	vadd.s32 v18, v17  }
0x153: {  	v17 =	vadd.s32 v19, v17  }
0x154: {  	[tilespmem:v23+s17+$0x0] =	vst.idx.add.s32.msk $0xffff, v17  }
0x155: {  	v17 =	vld [tilespmem:$0x21F0]  }
0x156: {  	v18 =	vld [tilespmem:$0x2270]  }
0x157: {  	v19 =	vld [tilespmem:$0x22F0]  }
0x158: {  	v61 =	vld [tilespmem:$0x2370]  }
0x159: {  	v62 =	vld [tilespmem:$0x23F0]  }
0x15a: {  	v63 =	vld [tilespmem:$0x2470]  }
0x15b: {  	v23 =	vld [tilespmem:$0x70]  }
0x15c: {  	v17 =	vadd.s32 v17, v18;
	v18 =	vld [tilespmem:$0x24F0]  }
0x15d: {  	v17 =	vadd.s32 v19, v17;
	v19 =	vld [tilespmem:$0x2570]  }
0x15e: {  	v17 =	vadd.s32 v61, v17  }
0x15f: {  	v17 =	vadd.s32 v62, v17  }
0x160: {  	v17 =	vadd.s32 v63, v17  }
0x161: {  	v17 =	vadd.s32 v18, v17  }
0x162: {  	v17 =	vadd.s32 v19, v17  }
0x163: {  	[tilespmem:v23+s17+$0x0] =	vst.idx.add.s32.msk $0xffff, v17  }
0x164: {  	v17 =	vld [tilespmem:$0x2580];
	_ =	sdelay $0x4  }
0x165: {  	v17 =	vadd.s32 $0x7F, v17  }
0x166: {  	v39 =	vand.u32 $0xFFFFFF80, v17  }
0x167: {  	(xrf0) =	vadd.scan.msk.s32 $0xffff, v39;
	_ =	sdelay $0x2  }
.Ltmp6:
0x168: {  	_ = 	snop;
	(pc) =	sbr.rel @p2 .LBB2_11-.Ltmp6, $3  }
0x169: {  	_ =	sdelay $0x1  }
0x16a: {  	v17, _, _ =	vpop (xrf0)  }
0x16b: {  	v17 =	vsub.s32 v17, v39  }
0x16c: {  	(v2sf) =	vpush v17, $0x1  }
0x16d: {  	(v2sf) =	vpush v39, $0x1;
	_ =	sdelay $0x1  }
0x16e: {  	(v2sf) =	vpush v17, $0x2  }
0x16f: {  	(v2sf) =	vpush v39, $0x2;
	_ =	sdelay $0x1  }
0x170: {  	(v2sf) =	vpush v17, $0x3  }
0x171: {  	(v2sf) =	vpush v39, $0x3  }
0x172: {  	(v2sf) =	vpush v17, $0x4  }
0x173: {  	(v2sf) =	vpush v39, $0x4;
	_ =	sdelay $0x1  }
0x174: {  	(v2sf) =	vpush v17, $0x5  }
0x175: {  	(v2sf) =	vpush v39, $0x5  }
0x176: {  	(v2sf) =	vpush v17, $0x6  }
0x177: {  	(v2sf) =	vpush v39, $0x6  }
0x178: {  	v18 =	vbroadcast v17, $0x1;
	v20 =	vbroadcast v17, $0x2;
	s26 =	spop (v2sf);
	(v2sf) =	vpush v17, $0x7  }
0x179: {  	v22 =	vbroadcast v17, $0x3;
	v24 =	vbroadcast v17, $0x4;
	s28 =	spop (v2sf);
	(v2sf) =	vpush v39, $0x7  }
0x17a: {  	v26 =	vbroadcast v17, $0x5;
	v28 =	vbroadcast v17, $0x6;
	s26 =	sadd.s32 s28, s26  }
0x17b: {  	v54 =	vbroadcast v17, $0x8;
	s31 =	spop (v2sf);
	(v2sf) =	vpush v17, $0x8;
	v19 =	vmov s26  }
0x17c: {  	vm1 =	vlt.s32 v18, v4;
	s29 =	spop (v2sf);
	(v2sf) =	vpush v39, $0x8;
	vm2 =	vgt.s32 v19, v1  }
0x17d: {  	v55 =	vbroadcast v17, $0x9;
	s26 =	sadd.s32 s29, s31;
	(v2sf) =	vpush v17, $0x9;
	vm1 =	vmand vm1, vm2  }
0x17e: {  	s30 =	spop (v2sf);
	v21 =	vmov s26;
	(v2sf) =	vpush v39, $0x9;
	v23 =	vsel vm1, $0x1, v2  }
0x17f: {  	s31 =	spop (v2sf);
	vm1 =	vlt.s32 v20, v4;
	vm2 =	vgt.s32 v21, v1;
	(v2sf) =	vpush v17, $0xA  }
0x180: {  	v56 =	vbroadcast v17, $0xA;
	s26 =	sadd.s32 s31, s30;
	s29 =	spop (v2sf);
	vm1 =	vmand vm1, vm2;
	(v2sf) =	vpush v39, $0xA  }
0x181: {  	s30 =	spop (v2sf);
	v25 =	vsel vm1, $0x2, v23;
	v23 =	vmov s26;
	(v2sf) =	vpush v17, $0xB  }
0x182: {  	vm1 =	vlt.s32 v22, v4;
	vm2 =	vgt.s32 v23, v1;
	(v2sf) =	vpush v39, $0xB  }
0x183: {  	v38 =	vbroadcast v17, $0xB;
	s26 =	sadd.s32 s30, s29;
	s31 =	spop (v2sf);
	vm1 =	vmand vm1, vm2;
	(v2sf) =	vpush v17, $0xC  }
0x184: {  	s29 =	spop (v2sf);
	v27 =	vsel vm1, $0x3, v25;
	v25 =	vmov s26;
	(v2sf) =	vpush v39, $0xC  }
0x185: {  	s30 =	spop (v2sf);
	vm1 =	vlt.s32 v24, v4;
	vm2 =	vgt.s32 v25, v1;
	(v2sf) =	vpush v17, $0xD  }
0x186: {  	v58 =	vbroadcast v17, $0xC;
	s26 =	sadd.s32 s29, s31;
	s31 =	spop (v2sf);
	vm1 =	vmand vm1, vm2;
	(v2sf) =	vpush v39, $0xD  }
0x187: {  	v30 =	vsel vm1, $0x4, v27;
	v27 =	vmov s26;
	s29 =	spop (v2sf);
	(v2sf) =	vpush v17, $0xE  }
0x188: {  	vm1 =	vlt.s32 v26, v4;
	s26 =	sadd.s32 s31, s30;
	vm2 =	vgt.s32 v27, v1;
	s30 =	spop (v2sf);
	(v2sf) =	vpush v39, $0xE  }
0x189: {  	v44 =	vbroadcast v17, $0xD;
	v61 =	vbroadcast v17, $0xF;
	vm1 =	vmand vm1, vm2  }
0x18a: {  	v29 =	vmov s26;
	s26 =	spop (v2sf);
	v32 =	vsel vm1, $0x5, v30;
	v30 =	vbroadcast v17, $0x7;
	s28 =	sadd.s32 s30, s29  }
0x18b: {  	vm2 =	vgt.s32 v29, v1;
	vm1 =	vlt.s32 v28, v4;
	s31 =	spop (v2sf);
	v31 =	vmov s28  }
0x18c: {  	vm1 =	vmand vm1, vm2;
	s30 =	spop (v2sf);
	vm2 =	vlt.s32 v30, v4;
	vm3 =	vgt.s32 v31, v1  }
0x18d: {  	v60 =	vbroadcast v17, $0xE;
	s26 =	sadd.s32 s31, s26;
	v33 =	vsel vm1, $0x6, v32;
	s31 =	spop (v2sf);
	vm1 =	vmand vm2, vm3  }
0x18e: {  	vm4 =	vlt.s32 v61, v4;
	v34 =	vmov s26;
	v36 =	vsel vm1, $0x7, v33;
	s30 =	sadd.s32 s31, s30;
	s31 =	spop (v2sf)  }
0x18f: {  	vm1 =	vlt.s32 v54, v4;
	vm2 =	vgt.s32 v34, v1;
	v35 =	vmov s30;
	s30 =	spop (v2sf)  }
0x190: {  	vm1 =	vmand vm1, vm2;
	vm2 =	vlt.s32 v55, v4;
	vm3 =	vgt.s32 v35, v1;
	s29 =	spop (v2sf);
	s26 =	sadd.s32 s30, s31  }
0x191: {  	v37 =	vsel vm1, $0x8, v36;
	vm1 =	vmand vm2, vm3;
	s31 =	spop (v2sf);
	v57 =	vmov s26  }
0x192: {  	v41 =	vsel vm1, $0x9, v37;
	vm1 =	vlt.s32 v56, v4;
	vm2 =	vgt.s32 v57, v1;
	s30 =	spop (v2sf)  }
0x193: {  	vm8 =	vlt.s32 v61, v5;
	(v2sf) =	vpush v17, $0xF;
	s28 =	sadd.s32 s31, s29;
	vm1 =	vmand vm1, vm2;
	s31 =	spop (v2sf)  }
0x194: {  	(v2sf) =	vpush v39, $0xF;
	v40 =	vmov s28;
	s28 =	spop (v2sf);
	v42 =	vsel vm1, $0xA, v41;
	s26 =	sadd.s32 s31, s30  }
0x195: {  	vm1 =	vlt.s32 v38, v4;
	vm2 =	vgt.s32 v40, v1;
	s30 =	spop (v2sf);
	v59 =	vmov s26  }
0x196: {  	vm1 =	vmand vm1, vm2;
	vm2 =	vlt.s32 v58, v4;
	vm3 =	vgt.s32 v59, v1;
	s31 =	spop (v2sf)  }
0x197: {  	vm11 =	vlt.s32 v20, v9;
	s28 =	sadd.s32 s30, s28;
	v42 =	vsel vm1, $0xB, v42;
	vm1 =	vmand vm2, vm3;
	s30 =	spop (v2sf)  }
0x198: {  	vm10 =	vgt.s32 v19, v10;
	v45 =	vmov s28;
	v46 =	vsel vm1, $0xC, v42;
	s26 =	sadd.s32 s30, s31  }
0x199: {  	vm1 =	vlt.s32 v44, v4;
	vm2 =	vgt.s32 v45, v1;
	v43 =	vmov s26  }
0x19a: {  	vm1 =	vmand vm1, vm2;
	vm2 =	vlt.s32 v60, v4;
	vm3 =	vgt.s32 v43, v1  }
0x19b: {  	vm12 =	vgt.s32 v23, v8;
	v46 =	vsel vm1, $0xD, v46;
	vm1 =	vmand vm2, vm3  }
0x19c: {  	vm2 =	vgt.s32 v19, v6;
	v48 =	vsel vm1, $0xE, v46;
	vm1 =	vlt.s32 v18, v5  }
0x19d: {  	vm3 =	vgt.s32 v21, v6;
	vm1 =	vmand vm1, vm2;
	vm2 =	vlt.s32 v20, v5  }
0x19e: {  	vm14 =	vgt.s32 v27, v8;
	v47 =	vsel vm1, $0x1, v2;
	vm1 =	vmand vm2, vm3  }
0x19f: {  	vm2 =	vgt.s32 v23, v6;
	v47 =	vsel vm1, $0x2, v47;
	vm1 =	vlt.s32 v22, v5  }
0x1a0: {  	vm3 =	vgt.s32 v25, v6;
	vm1 =	vmand vm1, vm2;
	vm2 =	vlt.s32 v24, v5  }
0x1a1: {  	vm15 =	vgt.s32 v31, v8;
	v47 =	vsel vm1, $0x3, v47;
	vm1 =	vmand vm2, vm3  }
0x1a2: {  	vm2 =	vgt.s32 v27, v6;
	v49 =	vsel vm1, $0x4, v47;
	vm1 =	vlt.s32 v26, v5  }
0x1a3: {  	vm3 =	vgt.s32 v29, v6;
	vm1 =	vmand vm1, vm2;
	vm2 =	vlt.s32 v28, v5  }
0x1a4: {  	s31 =	spop (v2sf);
	vm13 =	vgt.s32 v43, v6;
	v49 =	vsel vm1, $0x5, v49;
	vm1 =	vmand vm2, vm3  }
0x1a5: {  	s29 =	spop (v2sf);
	vm2 =	vgt.s32 v31, v6;
	v49 =	vsel vm1, $0x6, v49;
	vm1 =	vlt.s32 v30, v5  }
0x1a6: {  	s26 =	sadd.s32 s29, s31;
	vm3 =	vgt.s32 v34, v6;
	vm1 =	vmand vm1, vm2;
	vm2 =	vlt.s32 v54, v5  }
0x1a7: {  	v62 =	vmov s26;
	v49 =	vsel vm1, $0x7, v49;
	vm1 =	vmand vm2, vm3  }
0x1a8: {  	vm2 =	vgt.s32 v35, v6;
	v49 =	vsel vm1, $0x8, v49;
	vm1 =	vlt.s32 v55, v5  }
0x1a9: {  	vm3 =	vgt.s32 v57, v6;
	vm1 =	vmand vm1, vm2;
	vm2 =	vlt.s32 v56, v5  }
0x1aa: {  	vm5 =	vgt.s32 v62, v1;
	v49 =	vsel vm1, $0x9, v49;
	vm1 =	vmand vm2, vm3  }
0x1ab: {  	vm2 =	vgt.s32 v40, v6;
	v49 =	vsel vm1, $0xA, v49;
	vm1 =	vlt.s32 v38, v5  }
0x1ac: {  	vm3 =	vgt.s32 v59, v6;
	vm1 =	vmand vm1, vm2;
	vm2 =	vlt.s32 v58, v5  }
0x1ad: {  	vm4 =	vmand vm4, vm5;
	v49 =	vsel vm1, $0xB, v49;
	vm1 =	vmand vm2, vm3  }
0x1ae: {  	vm2 =	vgt.s32 v45, v6;
	v49 =	vsel vm1, $0xC, v49;
	vm1 =	vlt.s32 v44, v5  }
0x1af: {  	vm3 =	vgt.s32 v19, v8;
	vm1 =	vmand vm1, vm2;
	vm2 =	vlt.s32 v18, v7  }
0x1b0: {  	vm9 =	vgt.s32 v62, v6;
	v48 =	vsel vm4, $0xF, v48;
	vm2 =	vmand vm2, vm3  }
0x1b1: {  	vm3 =	vgt.s32 v21, v8;
	v50 =	vsel vm2, $0x1, v2;
	vm2 =	vlt.s32 v20, v7  }
0x1b2: {  	vm4 =	vmand vm8, vm9;
	vm2 =	vmand vm2, vm3;
	vm3 =	vlt.s32 v22, v7  }
0x1b3: {  	vm8 =	vlt.s32 v18, v11;
	v50 =	vsel vm2, $0x2, v50;
	vm2 =	vmand vm3, vm12  }
0x1b4: {  	vm3 =	vgt.s32 v25, v8;
	v50 =	vsel vm2, $0x3, v50;
	vm2 =	vlt.s32 v24, v7  }
0x1b5: {  	v49 =	vsel vm1, $0xD, v49;
	vm2 =	vmand vm2, vm3;
	vm3 =	vlt.s32 v26, v7  }
0x1b6: {  	vm1 =	vlt.s32 v60, v5;
	v50 =	vsel vm2, $0x4, v50;
	vm2 =	vmand vm3, vm14  }
0x1b7: {  	vm3 =	vgt.s32 v29, v8;
	v50 =	vsel vm2, $0x5, v50;
	vm2 =	vlt.s32 v28, v7  }
0x1b8: {  	vm1 =	vmand vm1, vm13;
	vm2 =	vmand vm2, vm3;
	vm3 =	vlt.s32 v30, v7  }
0x1b9: {  	v49 =	vsel vm1, $0xE, v49;
	v50 =	vsel vm2, $0x6, v50;
	vm1 =	vmand vm3, vm15  }
0x1ba: {  	vm2 =	vgt.s32 v34, v8;
	v50 =	vsel vm1, $0x7, v50;
	vm1 =	vlt.s32 v54, v7  }
0x1bb: {  	vm3 =	vgt.s32 v35, v8;
	vm1 =	vmand vm1, vm2;
	vm2 =	vlt.s32 v55, v7  }
0x1bc: {  	vm9 =	vgt.s32 v23, v12;
	v50 =	vsel vm1, $0x8, v50;
	vm1 =	vmand vm2, vm3  }
0x1bd: {  	vm2 =	vgt.s32 v57, v8;
	v50 =	vsel vm1, $0x9, v50;
	vm1 =	vlt.s32 v56, v7  }
0x1be: {  	vm3 =	vgt.s32 v40, v8;
	vm1 =	vmand vm1, vm2;
	vm2 =	vlt.s32 v38, v7  }
0x1bf: {  	vm13 =	vgt.s32 v25, v10;
	v50 =	vsel vm1, $0xA, v50;
	vm1 =	vmand vm2, vm3  }
0x1c0: {  	vm2 =	vgt.s32 v59, v8;
	v50 =	vsel vm1, $0xB, v50;
	vm1 =	vlt.s32 v58, v7  }
0x1c1: {  	v49 =	vsel vm4, $0xF, v49;
	vm12 =	vgt.s32 v21, v10;
	vm1 =	vmand vm1, vm2  }
0x1c2: {  	vm3 =	vgt.s32 v45, v8;
	vm2 =	vlt.s32 v44, v7;
	v50 =	vsel vm1, $0xC, v50  }
0x1c3: {  	vm1 =	vmand vm2, vm3;
	vm2 =	vgt.s32 v43, v8;
	vm3 =	vlt.s32 v18, v9  }
0x1c4: {  	v50 =	vsel vm1, $0xD, v50;
	vm1 =	vlt.s32 v60, v7;
	vm3 =	vmand vm3, vm10  }
0x1c5: {  	vm1 =	vmand vm1, vm2;
	v51 =	vsel vm3, $0x1, v2;
	vm2 =	vmand vm11, vm12  }
0x1c6: {  	vm3 =	vgt.s32 v23, v10;
	v51 =	vsel vm2, $0x2, v51;
	vm2 =	vlt.s32 v22, v9  }
0x1c7: {  	vm14 =	vlt.s32 v61, v7;
	vm2 =	vmand vm2, vm3;
	vm3 =	vlt.s32 v24, v9  }
0x1c8: {  	v50 =	vsel vm1, $0xE, v50;
	v51 =	vsel vm2, $0x3, v51;
	vm1 =	vmand vm3, vm13  }
0x1c9: {  	vm2 =	vgt.s32 v27, v10;
	v51 =	vsel vm1, $0x4, v51;
	vm1 =	vlt.s32 v26, v9  }
0x1ca: {  	vm3 =	vgt.s32 v29, v10;
	vm1 =	vmand vm1, vm2;
	vm2 =	vlt.s32 v28, v9  }
0x1cb: {  	vm15 =	vgt.s32 v62, v8;
	v51 =	vsel vm1, $0x5, v51;
	vm1 =	vmand vm2, vm3  }
0x1cc: {  	vm2 =	vgt.s32 v31, v10;
	v51 =	vsel vm1, $0x6, v51;
	vm1 =	vlt.s32 v30, v9  }
0x1cd: {  	vm3 =	vgt.s32 v34, v10;
	vm1 =	vmand vm1, vm2;
	vm2 =	vlt.s32 v54, v9  }
0x1ce: {  	vm4 =	vmand vm14, vm15;
	v51 =	vsel vm1, $0x7, v51;
	vm1 =	vmand vm2, vm3  }
0x1cf: {  	vm2 =	vgt.s32 v35, v10;
	v51 =	vsel vm1, $0x8, v51;
	vm1 =	vlt.s32 v55, v9  }
0x1d0: {  	vm3 =	vgt.s32 v57, v10;
	vm1 =	vmand vm1, vm2;
	vm2 =	vlt.s32 v56, v9  }
0x1d1: {  	vm14 =	vlt.s32 v61, v9;
	v51 =	vsel vm1, $0x9, v51;
	vm1 =	vmand vm2, vm3  }
0x1d2: {  	vm2 =	vgt.s32 v40, v10;
	v51 =	vsel vm1, $0xA, v51;
	vm1 =	vlt.s32 v38, v9  }
0x1d3: {  	vm3 =	vgt.s32 v59, v10;
	vm1 =	vmand vm1, vm2;
	vm2 =	vlt.s32 v58, v9  }
0x1d4: {  	v18 =	vsel vm1, $0xB, v51;
	vm1 =	vmand vm2, vm3;
	vm2 =	vgt.s32 v45, v10  }
0x1d5: {  	vm3 =	vgt.s32 v19, v12;
	v18 =	vsel vm1, $0xC, v18;
	vm1 =	vlt.s32 v44, v9  }
0x1d6: {  	vm10 =	vgt.s32 v25, v12;
	vm3 =	vmand vm8, vm3;
	vm1 =	vmand vm1, vm2  }
0x1d7: {  	vm2 =	vlt.s32 v20, v11;
	v18 =	vsel vm1, $0xD, v18;
	vm1 =	vgt.s32 v21, v12  }
0x1d8: {  	v63 =	vsel vm3, $0x1, v2;
	vm3 =	vlt.s32 v22, v11;
	vm1 =	vmand vm2, vm1  }
0x1d9: {  	vm11 =	vlt.s32 v26, v11;
	vm3 =	vmand vm3, vm9;
	v20 =	vsel vm1, $0x2, v63  }
0x1da: {  	vm12 =	vgt.s32 v27, v12;
	v20 =	vsel vm3, $0x3, v20;
	vm3 =	vlt.s32 v24, v11  }
0x1db: {  	vm2 =	vlt.s32 v60, v9;
	vm1 =	vgt.s32 v43, v10;
	vm3 =	vmand vm3, vm10  }
0x1dc: {  	vm1 =	vmand vm2, vm1;
	vm2 =	vmand vm11, vm12;
	v20 =	vsel vm3, $0x4, v20  }
0x1dd: {  	vm3 =	vgt.s32 v29, v12;
	v20 =	vsel vm2, $0x5, v20;
	vm2 =	vlt.s32 v28, v11  }
0x1de: {  	vm13 =	vgt.s32 v31, v12;
	vm2 =	vmand vm2, vm3;
	vm3 =	vlt.s32 v30, v11  }
0x1df: {  	v18 =	vsel vm1, $0xE, v18;
	v20 =	vsel vm2, $0x6, v20;
	vm1 =	vmand vm3, vm13  }
0x1e0: {  	vm2 =	vgt.s32 v34, v12;
	v20 =	vsel vm1, $0x7, v20;
	vm1 =	vlt.s32 v54, v11  }
0x1e1: {  	vm3 =	vgt.s32 v35, v12;
	vm1 =	vmand vm1, vm2;
	vm2 =	vlt.s32 v55, v11  }
0x1e2: {  	vm15 =	vgt.s32 v62, v10;
	v20 =	vsel vm1, $0x8, v20;
	vm1 =	vmand vm2, vm3  }
0x1e3: {  	vm2 =	vgt.s32 v57, v12;
	v20 =	vsel vm1, $0x9, v20;
	vm1 =	vlt.s32 v56, v11  }
0x1e4: {  	vm3 =	vgt.s32 v40, v12;
	vm1 =	vmand vm1, vm2;
	vm2 =	vlt.s32 v38, v11  }
0x1e5: {  	v19 =	vsel vm4, $0xF, v50;
	v20 =	vsel vm1, $0xA, v20;
	vm1 =	vmand vm2, vm3  }
0x1e6: {  	vm2 =	vgt.s32 v59, v12;
	v20 =	vsel vm1, $0xB, v20;
	vm1 =	vlt.s32 v58, v11  }
0x1e7: {  	vm3 =	vgt.s32 v45, v12;
	vm1 =	vmand vm1, vm2;
	vm2 =	vlt.s32 v44, v11  }
0x1e8: {  	vm4 =	vmand vm14, vm15;
	v20 =	vsel vm1, $0xC, v20;
	vm1 =	vmand vm2, vm3  }
0x1e9: {  	[tilespmem:$0x2780] =	vst v48;
	vm2 =	vgt.s32 v43, v12;
	v20 =	vsel vm1, $0xD, v20;
	vm1 =	vlt.s32 v60, v11  }
0x1ea: {  	[tilespmem:$0x2790] =	vst v49;
	vm3 =	vgt.s32 v62, v12;
	vm1 =	vmand vm1, vm2;
	vm2 =	vlt.s32 v61, v11  }
0x1eb: {  	[tilespmem:$0x27A0] =	vst v19;
	v18 =	vsel vm4, $0xF, v18;
	v20 =	vsel vm1, $0xE, v20;
	vm1 =	vmand vm2, vm3  }
0x1ec: {  	[tilespmem:$0x27B0] =	vst v18;
	v18 =	vsel vm1, $0xF, v20  }
0x1ed: {  	s30 =	rddreg [dreg:$0x4];
	s31 =	simm.s32 $0x2780;
	[tilespmem:$0x27C0] =	vst v18  }
0x1ee: {  	[hbm4b:s30+s5] =	stream.linear.scatter [tilespmem:s31], [sflag:$0x3], $0x80, $0x38;
	[tilespmem:$0x12800] =	vst v63  }
0x1ef: {  	_ =	swait.ge [sflag:s15], $0x80  }
0x1f0: {  	[sflag:s15] =	ssyncset.done $0x0  }
0x1f1: {  	[sflag:s15] =	ssyncadd.s32 $0xFFFFFF80  }
.LBB2_11:
0x1f2: {  	v16 =	vadd.s32 v16, v17  }
0x1f3: {  	s28 =	simm.s32 $0x2080;
	[tilespmem:$0x2600] =	vst v16  }
0x1f4: {  	v16 =	vld [tilespmem:s28+$0x0]  }
0x1f5: {  	s26 =	simm.s32 $0x0;
	s29 =	simm.s32 $0x10  }
.LBB2_12:
0x1f6: {  	p3 =	sne.s32 s29, $0x70;
	_ =	sdelay $0x2  }
0x1f7: {  	(xrf1) =	vunique.msk.u32 $0xffff, v16;
	_ =	sdelay $0x8  }
0x1f8: {  	v17 =	vld.idx.msk [tilespmem:v16+s20+$0x0], $0xffff;
	_ =	sdelay $0x4  }
0x1f9: {  	v18 =	vor.u32 s26, v0;
	s26 =	smov.u32 s29;
	_, v19, _ =	vpop (xrf1)  }
0x1fa: {  	v17 =	vadd.s32 v19, v17  }
0x1fb: {  	v17 =	vadd.s32 $0xFFFFFFFF, v17  }
0x1fc: {  	vm1 =	vlt.s32 v17, $0x27FF  }
.Ltmp7:
0x1fd: {  	v17 =	vnsel vm1, $0x27FF, v17;
	(pc) =	sbr.rel @p3 .LBB2_12-.Ltmp7, $4  }
0x1fe: {  	[tilespmem:v18+s21+$0x0] =	vst.idx.msk $0xffff, v17  }
0x1ff: {  	s28 =	sadd.s32 $0x10, s28;
	[tilespmem:v16+s20+$0x0] =	vst.idx.add.s32.msk $0xffff, v3  }
0x200: {  	v16 =	vld [tilespmem:s28+$0x0]  }
0x201: {  	s29 =	sadd.s32 $0x10, s29  }
0x202: {  	_ =	sdelay $0x2  }
0x203: {  	(xrf1) =	vunique.msk.u32 $0xffff, v16;
	_ =	sdelay $0x9  }
0x204: {  	v17 =	vld.idx.msk [tilespmem:v16+s20+$0x0], $0xffff;
	_ =	sdelay $0x3  }
0x205: {  	v18 =	vor.u32 s26, v0;
	_, v19, _ =	vpop (xrf1)  }
0x206: {  	v17 =	vadd.s32 v19, v17  }
0x207: {  	v17 =	vadd.s32 $0xFFFFFFFF, v17  }
0x208: {  	vm1 =	vlt.s32 v17, $0x27FF  }
0x209: {  	v17 =	vnsel vm1, $0x27FF, v17  }
0x20a: {  	[tilespmem:v18+s21+$0x0] =	vst.idx.msk $0xffff, v17  }
0x20b: {  	[tilespmem:v16+s20+$0x0] =	vst.idx.add.s32.msk $0xffff, v3  }
0x20c: {  	_ =	swait.ge [sflag:s22], $0x10000  }
0x20d: {  	[sflag:s22] =	ssyncset.done $0x0  }
0x20e: {  	[sflag:s22] =	ssyncadd.s32 $0xFFFF0000  }
0x20f: {  	v16 =	vld [tilespmem:$0x2680];
	_ =	sdelay $0x4  }
0x210: {  	v17 =	vshll.u32 v16, $0x1  }
0x211: {  	v16 =	vand.u32 $0x7, v16;
	v17 =	vand.u32 $0xFFFFFFF0, v17  }
0x212: {  	v16 =	vor.u32 v16, v17  }
0x213: {  	v17 =	vperm.xlane v16, v13;
	_ =	sdelay $0x1  }
0x214: {  	v16 =	vperm.xlane v16, v15;
	v17 =	vadd.s32 v14, v17;
	_ =	sdelay $0x1  }
0x215: {  	v16 =	vadd.s32 v14, v16;
	_ =	sdelay $0x2  }
0x216: {  	[hbm4b:s6+s5] =	stream.indirect_vreg.scatter [tilespmem:s14], [sflag:$0x1], $0x80, v17, vm0, $0xb8;
	[tilespmem:$0x12800] =	vst v63  }
0x217: {  	s31 =	simm.s32 $0x3000  }
0x218: {  	[hbm4b:s6+s5] =	stream.indirect_vreg.scatter [tilespmem:s31], [sflag:$0x1], $0x80, v16, vm0, $0xb8;
	[tilespmem:$0x12800] =	vst v63  }
0x219: {  	v16 =	vld [tilespmem:$0x2690];
	_ =	sdelay $0x4  }
0x21a: {  	v17 =	vshll.u32 v16, $0x1  }
0x21b: {  	v16 =	vand.u32 $0x7, v16;
	v17 =	vand.u32 $0xFFFFFFF0, v17  }
0x21c: {  	v16 =	vor.u32 v16, v17  }
0x21d: {  	v17 =	vperm.xlane v16, v13;
	_ =	sdelay $0x1  }
0x21e: {  	v16 =	vperm.xlane v16, v15;
	v17 =	vadd.s32 v14, v17;
	_ =	sdelay $0x1  }
0x21f: {  	v16 =	vadd.s32 v14, v16;
	_ =	sdelay $0x1  }
0x220: {  	s30 =	simm.s32 $0x3800  }
0x221: {  	[hbm4b:s6+s5] =	stream.indirect_vreg.scatter [tilespmem:s30], [sflag:$0x1], $0x80, v17, vm0, $0xb8;
	[tilespmem:$0x12800] =	vst v63  }
0x222: {  	s31 =	simm.s32 $0x4000  }
0x223: {  	[hbm4b:s6+s5] =	stream.indirect_vreg.scatter [tilespmem:s31], [sflag:$0x1], $0x80, v16, vm0, $0xb8;
	[tilespmem:$0x12800] =	vst v63  }
0x224: {  	v16 =	vld [tilespmem:$0x26A0];
	_ =	sdelay $0x4  }
0x225: {  	v17 =	vshll.u32 v16, $0x1  }
0x226: {  	v16 =	vand.u32 $0x7, v16;
	v17 =	vand.u32 $0xFFFFFFF0, v17  }
0x227: {  	v16 =	vor.u32 v16, v17  }
0x228: {  	v17 =	vperm.xlane v16, v13;
	_ =	sdelay $0x1  }
0x229: {  	v16 =	vperm.xlane v16, v15;
	v17 =	vadd.s32 v14, v17;
	_ =	sdelay $0x1  }
0x22a: {  	v16 =	vadd.s32 v14, v16;
	_ =	sdelay $0x1  }
0x22b: {  	s30 =	simm.s32 $0x4800  }
0x22c: {  	[hbm4b:s6+s5] =	stream.indirect_vreg.scatter [tilespmem:s30], [sflag:$0x1], $0x80, v17, vm0, $0xb8;
	[tilespmem:$0x12800] =	vst v63  }
0x22d: {  	s31 =	simm.s32 $0x5000  }
0x22e: {  	[hbm4b:s6+s5] =	stream.indirect_vreg.scatter [tilespmem:s31], [sflag:$0x1], $0x80, v16, vm0, $0xb8;
	[tilespmem:$0x12800] =	vst v63  }
0x22f: {  	v16 =	vld [tilespmem:$0x26B0];
	_ =	sdelay $0x4  }
0x230: {  	v17 =	vshll.u32 v16, $0x1  }
0x231: {  	v16 =	vand.u32 $0x7, v16;
	v17 =	vand.u32 $0xFFFFFFF0, v17  }
0x232: {  	v16 =	vor.u32 v16, v17  }
0x233: {  	v17 =	vperm.xlane v16, v13;
	_ =	sdelay $0x1  }
0x234: {  	v16 =	vperm.xlane v16, v15;
	v17 =	vadd.s32 v14, v17;
	_ =	sdelay $0x1  }
0x235: {  	v16 =	vadd.s32 v14, v16;
	_ =	sdelay $0x1  }
0x236: {  	s30 =	simm.s32 $0x5800  }
0x237: {  	[hbm4b:s6+s5] =	stream.indirect_vreg.scatter [tilespmem:s30], [sflag:$0x1], $0x80, v17, vm0, $0xb8;
	[tilespmem:$0x12800] =	vst v63  }
0x238: {  	s31 =	simm.s32 $0x6000  }
0x239: {  	[hbm4b:s6+s5] =	stream.indirect_vreg.scatter [tilespmem:s31], [sflag:$0x1], $0x80, v16, vm0, $0xb8;
	[tilespmem:$0x12800] =	vst v63  }
0x23a: {  	v16 =	vld [tilespmem:$0x26C0];
	_ =	sdelay $0x4  }
0x23b: {  	v17 =	vshll.u32 v16, $0x1  }
0x23c: {  	v16 =	vand.u32 $0x7, v16;
	v17 =	vand.u32 $0xFFFFFFF0, v17  }
0x23d: {  	v16 =	vor.u32 v16, v17  }
0x23e: {  	v17 =	vperm.xlane v16, v13;
	_ =	sdelay $0x1  }
0x23f: {  	v16 =	vperm.xlane v16, v15;
	v17 =	vadd.s32 v14, v17;
	_ =	sdelay $0x1  }
0x240: {  	v16 =	vadd.s32 v14, v16;
	_ =	sdelay $0x1  }
0x241: {  	s30 =	simm.s32 $0x6800  }
0x242: {  	[hbm4b:s6+s5] =	stream.indirect_vreg.scatter [tilespmem:s30], [sflag:$0x1], $0x80, v17, vm0, $0xb8;
	[tilespmem:$0x12800] =	vst v63  }
0x243: {  	s31 =	simm.s32 $0x7000  }
0x244: {  	[hbm4b:s6+s5] =	stream.indirect_vreg.scatter [tilespmem:s31], [sflag:$0x1], $0x80, v16, vm0, $0xb8;
	[tilespmem:$0x12800] =	vst v63  }
0x245: {  	v16 =	vld [tilespmem:$0x26D0];
	_ =	sdelay $0x4  }
0x246: {  	v17 =	vshll.u32 v16, $0x1  }
0x247: {  	v16 =	vand.u32 $0x7, v16;
	v17 =	vand.u32 $0xFFFFFFF0, v17  }
0x248: {  	v16 =	vor.u32 v16, v17  }
0x249: {  	v17 =	vperm.xlane v16, v13;
	_ =	sdelay $0x1  }
0x24a: {  	v16 =	vperm.xlane v16, v15;
	v17 =	vadd.s32 v14, v17;
	_ =	sdelay $0x1  }
0x24b: {  	v16 =	vadd.s32 v14, v16;
	_ =	sdelay $0x1  }
0x24c: {  	s30 =	simm.s32 $0x7800  }
0x24d: {  	[hbm4b:s6+s5] =	stream.indirect_vreg.scatter [tilespmem:s30], [sflag:$0x1], $0x80, v17, vm0, $0xb8;
	[tilespmem:$0x12800] =	vst v63  }
0x24e: {  	s31 =	simm.s32 $0x8000  }
0x24f: {  	[hbm4b:s6+s5] =	stream.indirect_vreg.scatter [tilespmem:s31], [sflag:$0x1], $0x80, v16, vm0, $0xb8;
	[tilespmem:$0x12800] =	vst v63  }
0x250: {  	v16 =	vld [tilespmem:$0x26E0];
	_ =	sdelay $0x4  }
0x251: {  	v17 =	vshll.u32 v16, $0x1  }
0x252: {  	v16 =	vand.u32 $0x7, v16;
	v17 =	vand.u32 $0xFFFFFFF0, v17  }
0x253: {  	v16 =	vor.u32 v16, v17  }
0x254: {  	v17 =	vperm.xlane v16, v13;
	_ =	sdelay $0x1  }
0x255: {  	v16 =	vperm.xlane v16, v15;
	v17 =	vadd.s32 v14, v17;
	_ =	sdelay $0x1  }
0x256: {  	v16 =	vadd.s32 v14, v16;
	_ =	sdelay $0x1  }
0x257: {  	s30 =	simm.s32 $0x8800  }
0x258: {  	[hbm4b:s6+s5] =	stream.indirect_vreg.scatter [tilespmem:s30], [sflag:$0x1], $0x80, v17, vm0, $0xb8;
	[tilespmem:$0x12800] =	vst v63  }
0x259: {  	s31 =	simm.s32 $0x9000  }
0x25a: {  	[hbm4b:s6+s5] =	stream.indirect_vreg.scatter [tilespmem:s31], [sflag:$0x1], $0x80, v16, vm0, $0xb8;
	[tilespmem:$0x12800] =	vst v63  }
0x25b: {  	v16 =	vld [tilespmem:$0x26F0];
	_ =	sdelay $0x4  }
0x25c: {  	v17 =	vshll.u32 v16, $0x1  }
0x25d: {  	v16 =	vand.u32 $0x7, v16;
	v17 =	vand.u32 $0xFFFFFFF0, v17  }
0x25e: {  	v16 =	vor.u32 v16, v17  }
0x25f: {  	v17 =	vperm.xlane v16, v13;
	_ =	sdelay $0x1  }
0x260: {  	v16 =	vperm.xlane v16, v15;
	v17 =	vadd.s32 v14, v17;
	_ =	sdelay $0x1  }
0x261: {  	v16 =	vadd.s32 v14, v16;
	_ =	sdelay $0x1  }
0x262: {  	s30 =	simm.s32 $0x9800  }
0x263: {  	[hbm4b:s6+s5] =	stream.indirect_vreg.scatter [tilespmem:s30], [sflag:$0x1], $0x80, v17, vm0, $0xb8;
	[tilespmem:$0x12800] =	vst v63  }
0x264: {  	s28 =	simm.s32 $0x2100;
	s31 =	simm.s32 $0xA000  }
0x265: {  	[hbm4b:s6+s5] =	stream.indirect_vreg.scatter [tilespmem:s31], [sflag:$0x1], $0x80, v16, vm0, $0xb8;
	[tilespmem:$0x12800] =	vst v63  }
0x266: {  	v16 =	vld [tilespmem:s28+$0x0]  }
0x267: {  	s26 =	simm.s32 $0x80;
	s29 =	simm.s32 $0x90  }
.LBB2_14:
0x268: {  	p3 =	sne.s32 s29, $0xF0;
	_ =	sdelay $0x2  }
0x269: {  	(xrf1) =	vunique.msk.u32 $0xffff, v16;
	_ =	sdelay $0x8  }
0x26a: {  	v17 =	vld.idx.msk [tilespmem:v16+s20+$0x0], $0xffff;
	_ =	sdelay $0x4  }
0x26b: {  	v18 =	vor.u32 s26, v0;
	s26 =	smov.u32 s29;
	_, v19, _ =	vpop (xrf1)  }
0x26c: {  	v17 =	vadd.s32 v19, v17  }
0x26d: {  	v17 =	vadd.s32 $0xFFFFFFFF, v17  }
0x26e: {  	vm1 =	vlt.s32 v17, $0x27FF  }
.Ltmp8:
0x26f: {  	v17 =	vnsel vm1, $0x27FF, v17;
	(pc) =	sbr.rel @p3 .LBB2_14-.Ltmp8, $4  }
0x270: {  	[tilespmem:v18+s21+$0x0] =	vst.idx.msk $0xffff, v17  }
0x271: {  	s28 =	sadd.s32 $0x10, s28;
	[tilespmem:v16+s20+$0x0] =	vst.idx.add.s32.msk $0xffff, v3  }
0x272: {  	v16 =	vld [tilespmem:s28+$0x0]  }
0x273: {  	s29 =	sadd.s32 $0x10, s29  }
0x274: {  	_ =	sdelay $0x2  }
0x275: {  	(xrf1) =	vunique.msk.u32 $0xffff, v16;
	_ =	sdelay $0x9  }
0x276: {  	v17 =	vld.idx.msk [tilespmem:v16+s20+$0x0], $0xffff;
	_ =	sdelay $0x3  }
0x277: {  	v18 =	vor.u32 s26, v0;
	_, v19, _ =	vpop (xrf1)  }
0x278: {  	v17 =	vadd.s32 v19, v17  }
0x279: {  	v17 =	vadd.s32 $0xFFFFFFFF, v17  }
0x27a: {  	vm1 =	vlt.s32 v17, $0x27FF  }
0x27b: {  	v17 =	vnsel vm1, $0x27FF, v17  }
0x27c: {  	[tilespmem:v18+s21+$0x0] =	vst.idx.msk $0xffff, v17  }
0x27d: {  	[tilespmem:v16+s20+$0x0] =	vst.idx.add.s32.msk $0xffff, v3  }
0x27e: {  	v16 =	vld [tilespmem:$0x2700];
	_ =	sdelay $0x4  }
0x27f: {  	v17 =	vshll.u32 v16, $0x1  }
0x280: {  	v16 =	vand.u32 $0x7, v16;
	v17 =	vand.u32 $0xFFFFFFF0, v17  }
0x281: {  	v16 =	vor.u32 v16, v17  }
0x282: {  	v17 =	vperm.xlane v16, v13;
	_ =	sdelay $0x1  }
0x283: {  	v16 =	vperm.xlane v16, v15;
	v17 =	vadd.s32 v14, v17;
	_ =	sdelay $0x1  }
0x284: {  	v16 =	vadd.s32 v14, v16;
	_ =	sdelay $0x1  }
0x285: {  	s28 =	simm.s32 $0xA800  }
0x286: {  	[hbm4b:s6+s5] =	stream.indirect_vreg.scatter [tilespmem:s28], [sflag:$0x1], $0x80, v17, vm0, $0xb8;
	[tilespmem:$0x12800] =	vst v63  }
0x287: {  	s29 =	simm.s32 $0xB000  }
0x288: {  	[hbm4b:s6+s5] =	stream.indirect_vreg.scatter [tilespmem:s29], [sflag:$0x1], $0x80, v16, vm0, $0xb8;
	[tilespmem:$0x12800] =	vst v63  }
0x289: {  	v16 =	vld [tilespmem:$0x2710];
	_ =	sdelay $0x4  }
0x28a: {  	v17 =	vshll.u32 v16, $0x1  }
0x28b: {  	v16 =	vand.u32 $0x7, v16;
	v17 =	vand.u32 $0xFFFFFFF0, v17  }
0x28c: {  	v16 =	vor.u32 v16, v17  }
0x28d: {  	v17 =	vperm.xlane v16, v13;
	_ =	sdelay $0x1  }
0x28e: {  	v16 =	vperm.xlane v16, v15;
	v17 =	vadd.s32 v14, v17;
	_ =	sdelay $0x1  }
0x28f: {  	v16 =	vadd.s32 v14, v16;
	_ =	sdelay $0x1  }
0x290: {  	s30 =	simm.s32 $0xB800  }
0x291: {  	[hbm4b:s6+s5] =	stream.indirect_vreg.scatter [tilespmem:s30], [sflag:$0x1], $0x80, v17, vm0, $0xb8;
	[tilespmem:$0x12800] =	vst v63  }
0x292: {  	s31 =	simm.s32 $0xC000  }
0x293: {  	[hbm4b:s6+s5] =	stream.indirect_vreg.scatter [tilespmem:s31], [sflag:$0x1], $0x80, v16, vm0, $0xb8;
	[tilespmem:$0x12800] =	vst v63  }
0x294: {  	v16 =	vld [tilespmem:$0x2720];
	_ =	sdelay $0x4  }
0x295: {  	v17 =	vshll.u32 v16, $0x1  }
0x296: {  	v16 =	vand.u32 $0x7, v16;
	v17 =	vand.u32 $0xFFFFFFF0, v17  }
0x297: {  	v16 =	vor.u32 v16, v17  }
0x298: {  	v17 =	vperm.xlane v16, v13;
	_ =	sdelay $0x1  }
0x299: {  	v16 =	vperm.xlane v16, v15;
	v17 =	vadd.s32 v14, v17;
	_ =	sdelay $0x1  }
0x29a: {  	v16 =	vadd.s32 v14, v16;
	_ =	sdelay $0x1  }
0x29b: {  	s28 =	simm.s32 $0xC800  }
0x29c: {  	[hbm4b:s6+s5] =	stream.indirect_vreg.scatter [tilespmem:s28], [sflag:$0x1], $0x80, v17, vm0, $0xb8;
	[tilespmem:$0x12800] =	vst v63  }
0x29d: {  	s29 =	simm.s32 $0xD000  }
0x29e: {  	[hbm4b:s6+s5] =	stream.indirect_vreg.scatter [tilespmem:s29], [sflag:$0x1], $0x80, v16, vm0, $0xb8;
	[tilespmem:$0x12800] =	vst v63  }
0x29f: {  	v16 =	vld [tilespmem:$0x2730];
	_ =	sdelay $0x4  }
0x2a0: {  	v17 =	vshll.u32 v16, $0x1  }
0x2a1: {  	v16 =	vand.u32 $0x7, v16;
	v17 =	vand.u32 $0xFFFFFFF0, v17  }
0x2a2: {  	v16 =	vor.u32 v16, v17  }
0x2a3: {  	v17 =	vperm.xlane v16, v13;
	_ =	sdelay $0x1  }
0x2a4: {  	v16 =	vperm.xlane v16, v15;
	v17 =	vadd.s32 v14, v17;
	_ =	sdelay $0x1  }
0x2a5: {  	v16 =	vadd.s32 v14, v16;
	_ =	sdelay $0x1  }
0x2a6: {  	s30 =	simm.s32 $0xD800  }
0x2a7: {  	[hbm4b:s6+s5] =	stream.indirect_vreg.scatter [tilespmem:s30], [sflag:$0x1], $0x80, v17, vm0, $0xb8;
	[tilespmem:$0x12800] =	vst v63  }
0x2a8: {  	s31 =	simm.s32 $0xE000  }
0x2a9: {  	[hbm4b:s6+s5] =	stream.indirect_vreg.scatter [tilespmem:s31], [sflag:$0x1], $0x80, v16, vm0, $0xb8;
	[tilespmem:$0x12800] =	vst v63  }
0x2aa: {  	v16 =	vld [tilespmem:$0x2740];
	_ =	sdelay $0x4  }
0x2ab: {  	v17 =	vshll.u32 v16, $0x1  }
0x2ac: {  	v16 =	vand.u32 $0x7, v16;
	v17 =	vand.u32 $0xFFFFFFF0, v17  }
0x2ad: {  	v16 =	vor.u32 v16, v17  }
0x2ae: {  	v17 =	vperm.xlane v16, v13;
	_ =	sdelay $0x1  }
0x2af: {  	v16 =	vperm.xlane v16, v15;
	v17 =	vadd.s32 v14, v17;
	_ =	sdelay $0x1  }
0x2b0: {  	v16 =	vadd.s32 v14, v16;
	_ =	sdelay $0x2  }
0x2b1: {  	[hbm4b:s6+s5] =	stream.indirect_vreg.scatter [tilespmem:s3], [sflag:$0x1], $0x80, v17, vm0, $0xb8;
	[tilespmem:$0x12800] =	vst v63  }
0x2b2: {  	_ = 	snop  }
0x2b3: {  	[hbm4b:s6+s5] =	stream.indirect_vreg.scatter [tilespmem:s1], [sflag:$0x1], $0x80, v16, vm0, $0xb8;
	[tilespmem:$0x12800] =	vst v63  }
0x2b4: {  	v16 =	vld [tilespmem:$0x2750];
	_ =	sdelay $0x4  }
0x2b5: {  	v17 =	vshll.u32 v16, $0x1  }
0x2b6: {  	v16 =	vand.u32 $0x7, v16;
	v17 =	vand.u32 $0xFFFFFFF0, v17  }
0x2b7: {  	v16 =	vor.u32 v16, v17  }
0x2b8: {  	v17 =	vperm.xlane v16, v13;
	_ =	sdelay $0x1  }
0x2b9: {  	v16 =	vperm.xlane v16, v15;
	v17 =	vadd.s32 v14, v17;
	_ =	sdelay $0x1  }
0x2ba: {  	v16 =	vadd.s32 v14, v16;
	_ =	sdelay $0x2  }
0x2bb: {  	[hbm4b:s6+s5] =	stream.indirect_vreg.scatter [tilespmem:s4], [sflag:$0x1], $0x80, v17, vm0, $0xb8;
	[tilespmem:$0x12800] =	vst v63  }
0x2bc: {  	_ = 	snop  }
0x2bd: {  	[hbm4b:s6+s5] =	stream.indirect_vreg.scatter [tilespmem:s19], [sflag:$0x1], $0x80, v16, vm0, $0xb8;
	[tilespmem:$0x12800] =	vst v63  }
0x2be: {  	v16 =	vld [tilespmem:$0x2760];
	_ =	sdelay $0x4  }
0x2bf: {  	v17 =	vshll.u32 v16, $0x1  }
0x2c0: {  	v16 =	vand.u32 $0x7, v16;
	v17 =	vand.u32 $0xFFFFFFF0, v17  }
0x2c1: {  	v16 =	vor.u32 v16, v17  }
0x2c2: {  	v17 =	vperm.xlane v16, v13;
	_ =	sdelay $0x1  }
0x2c3: {  	v16 =	vperm.xlane v16, v15;
	v17 =	vadd.s32 v14, v17;
	_ =	sdelay $0x1  }
0x2c4: {  	v16 =	vadd.s32 v14, v16;
	_ =	sdelay $0x2  }
0x2c5: {  	[hbm4b:s6+s5] =	stream.indirect_vreg.scatter [tilespmem:s0], [sflag:$0x1], $0x80, v17, vm0, $0xb8;
	[tilespmem:$0x12800] =	vst v63  }
0x2c6: {  	_ = 	snop  }
0x2c7: {  	[hbm4b:s6+s5] =	stream.indirect_vreg.scatter [tilespmem:s2], [sflag:$0x1], $0x80, v16, vm0, $0xb8;
	[tilespmem:$0x12800] =	vst v63  }
0x2c8: {  	v16 =	vld [tilespmem:$0x2770];
	_ =	sdelay $0x4  }
0x2c9: {  	v17 =	vshll.u32 v16, $0x1  }
0x2ca: {  	v16 =	vand.u32 $0x7, v16;
	v17 =	vand.u32 $0xFFFFFFF0, v17  }
0x2cb: {  	v16 =	vor.u32 v16, v17  }
0x2cc: {  	v17 =	vperm.xlane v16, v13;
	_ =	sdelay $0x1  }
0x2cd: {  	v16 =	vperm.xlane v16, v15;
	v17 =	vadd.s32 v14, v17;
	_ =	sdelay $0x1  }
0x2ce: {  	v16 =	vadd.s32 v14, v16;
	_ =	sdelay $0x2  }
0x2cf: {  	[hbm4b:s6+s5] =	stream.indirect_vreg.scatter [tilespmem:s16], [sflag:$0x1], $0x80, v17, vm0, $0xb8;
	[tilespmem:$0x12800] =	vst v63  }
0x2d0: {  	_ = 	snop  }
0x2d1: {  	[hbm4b:s6+s5] =	stream.indirect_vreg.scatter [tilespmem:s23], [sflag:$0x1], $0x80, v16, vm0, $0xb8;
	[tilespmem:$0x12800] =	vst v63  }
0x2d2: {  	_ = 	snop  }
0x2d3: {  	[hbm4b:s8+s5] =	stream.linear.scatter [tilespmem:s21], [sflag:$0x2], $0x100, $0x38;
	[tilespmem:$0x12800] =	vst v63  }
0x2d4: {  	_ =	swait.ge [sflag:s24], $0x8000  }
0x2d5: {  	[sflag:s24] =	ssyncset.done $0x0  }
0x2d6: {  	s25 =	sadd.s32 $0x1, s25;
	[sflag:s24] =	ssyncadd.s32 $0xFFFF8000  }
0x2d7: {  	p3 =	sne.s32 s25, s9;
	_ =	swait.ge [sflag:s24], $0x8000  }
.Ltmp9:
0x2d8: {  	[sflag:s24] =	ssyncset.done $0x0;
	(pc) =	sbr.rel @p3 .LBB2_1-.Ltmp9, $4  }
0x2d9: {  	[sflag:s24] =	ssyncadd.s32 $0xFFFF8000  }
0x2da: {  	_ =	swait.ge [sflag:s22], $0x100  }
0x2db: {  	[sflag:s22] =	ssyncset.done $0x0  }
0x2dc: {  	[sflag:s22] =	ssyncadd.s32 $0xFFFFFF00  }
0x2dd: {  	_ =	sfence.sel $0x180000  }
0x2de: {  	[bflag:$0x0] =	sbarrier.arrive $0xFFFF  }
0x2df: {  	_ =	strace $0x90000047  }
0x2e0: {  	s0 =	stileid.u32;
	[bflag:$0x2] =	sbarrier.arrive $0xFFFF  }
0x2e1: {  	p0 =	sne.s32 s0, $0x0;
	s0 =	rddreg [dreg:$0x5]  }
0x2e2: {  	s0 =	sadd.s32 @!p0 $0x100000, s0  }
0x2e3: {  	[sflag:s0] =	ssyncadd.tile.s32 @!p0 $0x1;
	_ =	shalt  }
.Lfunc_end2:
_tile_overlayer_lowered:
.L_overlay_start_2:
0x2e4: {  	(tag) =	ssettag $0x2  }
0x2e5: {  	s0 =	rddreg [dreg:$0x0];
	s2 =	stileid.u32  }
0x2e6: {  	s1 =	rddreg [dreg:$0x1];
	p0 =	sne.s32 s2, $0x0  }
0x2e7: {  	s3 =	rddreg [dreg:$0x2];
	[bflag:$0x3] =	sbarrier.arrive $0xFFFF;
	s2 =	simm.s32 @!p0 $0x1C03  }
0x2e8: {  	[timem:s3], [sflag:s2] =	dma.local @!p0 [hbm:s0], s1  }
0x2e9: {  	s0 =	simm.s32 @!p0 $0x3  }
0x2ea: {  	_ =	swait.ge @!p0 [sflag:s0], s1  }
0x2eb: {  	s1 =	ssub.s32 @!p0 $0x0, s1;
	[sflag:s0] =	ssyncset.done @!p0 $0x0  }
0x2ec: {  	[sflag:s0] =	ssyncadd.s32 @!p0 s1  }
0x2ed: {  	[bflag:$0x3] =	sbarrier.arrive $0xFFFF  }
0x2ee: {  	_ =	shalt  }

// kernel: kernel.9.cloned.1.call-start
scs
__scs_entry_jumppad:
0x0: {  	(pc) =	sbr.rel $0x88, $3  }
0x1: {  	(tag) =	ssettag $0x0;
	lr =	simm.s32 $0x1  }
0x2: {  	[smem:$0x3F9A] =	sst lr;
	_ =	strace $0xD0000000  }
0x3: {  	_ = 	snop  }
0x4: {  	_ = 	snop  }
0x5: {  	_ = 	snop  }
0x6: {  	_ = 	snop  }
0x7: {  	_ = 	snop  }
__scs_overlays_trampoline_lowered:
0x8: {  	[smem:$0x3FA9] =	sst s0  }
0x9: {  	[smem:$0x3FAA] =	sst s1  }
0xa: {  	[smem:$0x3FAB] =	sst s2  }
0xb: {  	[smem:$0x3FAC] =	sst s3  }
0xc: {  	[smem:$0x3FAD] =	sst s4  }
0xd: {  	[smem:$0x3FAE] =	sst s5  }
0xe: {  	[smem:$0x3FAF] =	sst s6  }
0xf: {  	[smem:$0x3FB0] =	sst s7  }
0x10: {  	[smem:$0x3FB1] =	sst s8  }
0x11: {  	[smem:$0x3FB2] =	sst s9;
	s0 =	simm.s32 @!p0 $0x0  }
0x12: {  	s1 =	sld [smem:$0x3F98];
	s0 =	simm.s32 @p0 $0x1  }
0x13: {  	[smem:$0x3FB3] =	sst s0;
	s0 =	simm.s32 @!p1 $0x0  }
0x14: {  	s2 =	sld [smem:$0x3F97];
	s0 =	simm.s32 @p1 $0x1  }
0x15: {  	[smem:$0x3FB4] =	sst s0;
	s0 =	simm.s32 @!p2 $0x0  }
0x16: {  	s3 =	sld [smem:$0x3FDB];
	s0 =	simm.s32 @p2 $0x1  }
0x17: {  	s4 =	simm.s32 $0x1BF5;
	[smem:$0x3FB6] =	sst s0  }
0x18: {  	s0 =	sld [smem:$0x3F99];
	_ =	swait.ge [sflag:s4], $0x0  }
0x19: {  	s7 =	sld [smem:$0x3F9A]  }
0x1a: {  	s8 =	sadd.s32 $0xFFFFE003, lr  }
0x1b: {  	s9 =	sadd.s32 $0xFFFFFEF7, lr;
	s5 =	simm.s32 $0xFFFFFFFF;
	p2 =	slt.u32 s8, $0xFFFFF086  }
0x1c: {  	p1 =	slt.u32 s9, $0xF7A;
	s5 =	simm.s32 @!p2 $0x0  }
0x1d: {  	s5 =	simm.s32 @p1 $0x1;
	p0 =	seq.s32 s7, s2  }
0x1e: {  	s7 =	smul.u32 @!p0 $0xF7A, s2;
	p2 =	seq.s32 @!p0 s5, $0x0  }
0x1f: {  	s9 =	smul.u32 $0xF7A, s1;
	s8 =	simm.s32 @!p0 $0x1BF5;
	p2 =	por !p2, p0  }
0x20: {  	[sflag:s8] =	ssyncset.s32 @!p0 $0xFFFFF086;
	s6 =	sadd.s32 @!p0 s3, s7;
	s7 =	simm.s32 @!p0 $0x108  }
0x21: {  	s3 =	sadd.s32 s3, s9;
	s6 =	sadd.s32 @!p0 $0x88, s6;
	s7 =	simm.s32 @p2 $0x1082  }
0x22: {  	[simem:s7], [sflag:s8] =	dma.local @!p0 [hbm:s6], $0xF7A  }
0x23: {  	s9 =	sor.u32 $0xD0000000, s2;
	s6 =	simm.s32 $0x108;
	_ =	swait.ge @!p0 [sflag:s8], $0x0  }
0x24: {  	s3 =	sadd.s32 $0x88, s3;
	s6 =	simm.s32 @!p1 $0x1082;
	[sflag:s4] =	ssyncset.s32 $0xFFFFF086  }
0x25: {  	[simem:s6], [sflag:s4] =	dma.local [hbm:s3], $0xF7A  }
0x26: {  	[smem:$0x3F9A] =	sst s1;
	(tag) =	ssettag s2;
	_ =	strace s9  }
0x27: {  	s1 =	sld [smem:$0x3FAA]  }
0x28: {  	s2 =	sld [smem:$0x3FAB]  }
0x29: {  	s4 =	sld [smem:$0x3FAD]  }
0x2a: {  	p0 =	seq.s32 s5, $0x0;
	s5 =	sld [smem:$0x3FAE]  }
0x2b: {  	s6 =	sld [smem:$0x3FAF]  }
0x2c: {  	s7 =	sld [smem:$0x3FB0]  }
0x2d: {  	s3 =	simm.s32 $0x108;
	s8 =	sld [smem:$0x3FB1]  }
0x2e: {  	s3 =	simm.s32 @!p0 $0x1082;
	s9 =	sld [smem:$0x3FB2]  }
0x2f: {  	lr =	sadd.s32 s0, s3;
	s0 =	sld [smem:$0x3FA9]  }
0x30: {  	s3 =	sld [smem:$0x3FAC]  }
0x31: {  	[smem:$0x3FB5] =	sst s10  }
0x32: {  	s10 =	sld [smem:$0x3FB3];
	_ =	sdelay $0x3  }
0x33: {  	p0 =	seq.s32 s10, $0x1;
	s10 =	sld [smem:$0x3FB5];
	_ =	sdelay $0x3  }
0x34: {  	[smem:$0x3FB5] =	sst s10  }
0x35: {  	s10 =	sld [smem:$0x3FB4];
	_ =	sdelay $0x3  }
0x36: {  	p1 =	seq.s32 s10, $0x1;
	s10 =	sld [smem:$0x3FB5];
	_ =	sdelay $0x3  }
0x37: {  	[smem:$0x3FB5] =	sst s10  }
0x38: {  	s10 =	sld [smem:$0x3FB6]  }
0x39: {  	_ = 	snop;
	(pc) =	sbr.ind lr, $3  }
0x3a: {  	_ = 	snop  }
0x3b: {  	_ = 	snop  }
0x3c: {  	p2 =	seq.s32 s10, $0x1;
	s10 =	sld [smem:$0x3FB5]  }
0x3d: {  	_ =	shalt  }
0x3e: {  	_ =	shalt  }
0x3f: {  	_ =	shalt  }
0x40: {  	_ =	shalt  }
0x41: {  	_ =	shalt  }
0x42: {  	_ =	shalt  }
0x43: {  	_ =	shalt  }
0x44: {  	_ =	shalt  }
0x45: {  	_ =	shalt  }
0x46: {  	_ =	shalt  }
0x47: {  	_ =	shalt  }
0x48: {  	_ =	shalt  }
0x49: {  	_ =	shalt  }
0x4a: {  	_ =	shalt  }
0x4b: {  	_ =	shalt  }
0x4c: {  	_ =	shalt  }
0x4d: {  	_ =	shalt  }
0x4e: {  	_ =	shalt  }
0x4f: {  	_ =	shalt  }
0x50: {  	_ =	shalt  }
0x51: {  	_ =	shalt  }
0x52: {  	_ =	shalt  }
0x53: {  	_ =	shalt  }
0x54: {  	_ =	shalt  }
0x55: {  	_ =	shalt  }
0x56: {  	_ =	shalt  }
0x57: {  	_ =	shalt  }
0x58: {  	_ =	shalt  }
0x59: {  	_ =	shalt  }
0x5a: {  	_ =	shalt  }
0x5b: {  	_ =	shalt  }
0x5c: {  	_ =	shalt  }
0x5d: {  	_ =	shalt  }
0x5e: {  	_ =	shalt  }
0x5f: {  	_ =	shalt  }
0x60: {  	_ =	shalt  }
0x61: {  	_ =	shalt  }
0x62: {  	_ =	shalt  }
0x63: {  	_ =	shalt  }
0x64: {  	_ =	shalt  }
0x65: {  	_ =	shalt  }
0x66: {  	_ =	shalt  }
0x67: {  	_ =	shalt  }
0x68: {  	_ =	shalt  }
0x69: {  	_ =	shalt  }
0x6a: {  	_ =	shalt  }
0x6b: {  	_ =	shalt  }
0x6c: {  	_ =	shalt  }
0x6d: {  	_ =	shalt  }
0x6e: {  	_ =	shalt  }
0x6f: {  	_ =	shalt  }
0x70: {  	_ =	shalt  }
0x71: {  	_ =	shalt  }
0x72: {  	_ =	shalt  }
0x73: {  	_ =	shalt  }
0x74: {  	_ =	shalt  }
0x75: {  	_ =	shalt  }
0x76: {  	_ =	shalt  }
0x77: {  	_ =	shalt  }
0x78: {  	_ =	shalt  }
0x79: {  	_ =	shalt  }
0x7a: {  	_ =	shalt  }
0x7b: {  	_ =	shalt  }
0x7c: {  	_ =	shalt  }
0x7d: {  	_ =	shalt  }
0x7e: {  	_ =	shalt  }
0x7f: {  	_ =	shalt  }
0x80: {  	_ =	shalt  }
0x81: {  	_ =	shalt  }
0x82: {  	_ =	shalt  }
0x83: {  	_ =	shalt  }
0x84: {  	_ =	shalt  }
0x85: {  	_ =	shalt  }
0x86: {  	_ =	shalt  }
0x87: {  	_ =	shalt  }
.Lfunc_end0:
.L_simem_size_0:
called_computation.1_lowered:
.L_overlay_start_0:
0x88: {  	s2 =	sld [smem:$0x3FD9]  }
0x89: {  	s3 =	sld [smem:$0x3FFE];
	_ =	sdelay $0x1  }
0x8a: {  	s1 =	srdreg.scid  }
0x8b: {  	s0 =	sand.u32 $0x1, s1  }
0x8c: {  	s14 =	sshll.u32 s0, $0xA;
	s2 =	sadd.s32 s3, s2  }
0x8d: {  	s2 =	sadd.s32 s2, s14  }
0x8e: {  	[smem:$0x3FC1] =	sst s2  }
0x8f: {  	_ = 	snop  }
0x90: {  	s2 =	sld [smem:$0x3FD0];
	_ =	sdelay $0x2  }
0x91: {  	s15 =	simm.s32 $0xA;
	s4 =	simm.s32 $0x10  }
0x92: {  	[smem:s4], [sflag:s15] =	dma.local [hbm:s2], $0x1  }
0x93: {  	_ =	swait.eq [sflag:s15], $0x1  }
0x94: {  	[sflag:s15] =	ssyncset.done $0x0  }
0x95: {  	s16 =	sld [smem:$0x10];
	[sflag:s15] =	ssyncadd.s32 $0xFFFFFFFF  }
0x96: {  	s17 =	sld [smem:$0x11];
	(tm) =	ssettm $0x1  }
0x97: {  	s18 =	sld [smem:$0x3FFB];
	_ =	sdelay $0x3  }
0x98: {  	_ =	strace s18  }
0x99: {  	s4 =	sld [smem:$0x3FFC];
	_ =	sdelay $0x3  }
0x9a: {  	_ =	strace s4  }
0x9b: {  	s4 =	sld [smem:$0x3FFD];
	_ =	sdelay $0x3  }
0x9c: {  	_ =	strace s4  }
0x9d: {  	_ =	strace $0x8FFFFFFF  }
0x9e: {  	s19 =	sld [smem:$0x3FDB];
	_ =	sdelay $0x1  }
0x9f: {  	s5 =	simm.s32 $_scs_section_size  }
0xa0: {  	s6 =	simm.s32 $_size__tile_overlayer_lowered;
	s7 =	simm.s32 $_tile_overlayer_lowered  }
0xa1: {  	s22 =	simm.s32 $0x1BFF;
	s21 =	sshll.u32 s7, $0x1;
	s4 =	sadd.s32 s5, s19  }
0xa2: {  	s8 =	simm.s32 $0x0;
	s20 =	sshll.u32 s6, $0x1;
	s6 =	sadd.s32 s21, s4  }
0xa3: {  	[timem:s8], [sflag:s22] =	dma.local [hbm:s6], s20  }
0xa4: {  	_ =	swait.ge [sflag:s22], s20  }
0xa5: {  	s5 =	ssub.s32 $0x0, s20;
	[sflag:s22] =	ssyncset.done $0x0  }
0xa6: {  	[sflag:s22] =	ssyncadd.s32 s5;
	_ =	sdelay $0x1  }
0xa7: {  	s23 =	simm.s32 $0x1B8B  }
0xa8: {  	_ =	swait.ge [sflag:s23], $0x1  }
0xa9: {  	[sflag:s23] =	ssyncset.done $0x0  }
0xaa: {  	s25 =	simm.s32 $0x1B8E;
	s24 =	sld [smem:$0x3FFE];
	[sflag:s23] =	ssyncadd.s32 $0xFFFFFFFF  }
0xab: {  	s26 =	simm.s32 $execute0_lowered;
	[smem:$0x3FD2] =	sst s25  }
0xac: {  	s6 =	sshll.u32 s26, $0x1;
	_ =	strace $0x80000049;
	[dreg:$0x1] =	wrdreg $0xFFFFFFFF  }
0xad: {  	s28 =	simm.s32 $_size_execute0_lowered;
	s4 =	sadd.s32 s4, s6;
	[dreg:$0x0] =	wrdreg $0x0  }
0xae: {  	s6 =	sshll.u32 s28, $0x1;
	[dreg:$0x2] =	wrdreg s4  }
0xaf: {  	[dreg:$0x3] =	wrdreg s6  }
0xb0: {  	[dreg:$0x4] =	wrdreg $0xC0  }
0xb1: {  	_ =	task [dreg:s8], $0x5FFFF  }
0xb2: {  	[dreg:$0x1] =	wrdreg $0xFFFFFFFF  }
0xb3: {  	[dreg:$0x0] =	wrdreg $0x60  }
0xb4: {  	[dreg:$0x2] =	wrdreg s24  }
0xb5: {  	[dreg:$0x3] =	wrdreg s16  }
0xb6: {  	[dreg:$0x4] =	wrdreg s17  }
0xb7: {  	[dreg:$0x5] =	wrdreg $0x9  }
0xb8: {  	_ =	task.clear_ibuf [dreg:s8], $0x6FFFF;
	_ =	strace $0x90000049  }
0xb9: {  	s29 =	simm.s32 $0x9;
	_ =	strace $0x8000004B  }
0xba: {  	_ =	swait.ge [sflag:s29], $0x1  }
0xbb: {  	[sflag:s29] =	ssyncadd.s32 $0xFFFFFFFF  }
0xbc: {  	_ =	strace $0x9000004B  }
0xbd: {  	_ =	sfence  }
0xbe: {  	s30 =	sld [smem:$0x0];
	_ =	sdelay $0x2  }
0xbf: {  	s31 =	sshll.u32 s1, $0xD;
	s1 =	sshrl.u32 s1, $0x2  }
0xc0: {  	s3 =	sand.u32 $0x4000, s31;
	s1 =	sadd.s32 s1, s30  }
0xc1: {  	s0 =	sor.u32 s3, s0;
	s1 =	sshll.u32 s1, $0x11  }
0xc2: {  	s0 =	sor.u32 s1, s0  }
0xc3: {  	s0 =	sadd.s32 $0x8F2B, s0  }
0xc4: {  	[sflag:s0] =	ssyncadd.remote.s32 $0x1  }
0xc5: {  	_ =	sfence.sel $0xFFFF  }
0xc6: {  	[dreg:$0x0] =	wrdreg $0xFFFFFFFF;
	(pc) =	sbr.abs _section_cstart, $3  }
0xc7: {  	[dreg:$0x1] =	wrdreg $0xFFFFFFFF  }
0xc8: {  	_ =	task.clear_ibuf [dreg:s8], $0x2FFFF;
	_ =	strace $0x9FFFFFFF  }
0xc9: {  	(tm) =	ssettm $0x7FFFFFFF  }
tec
execute0_lowered:
.L_overlay_start_1:
0x0: {  	(tag) =	ssettag $0x1  }
0x1: {  	s1 =	srdreg.scid;
	s0 =	stileid.u32  }
0x2: {  	s9 =	rddreg [dreg:$0x0];
	s15 =	sand.u32 $0x1, s1;
	s30 =	sshll.u32 s0, $0x1  }
0x3: {  	s13 =	rddreg [dreg:$0x1];
	s14 =	sor.u32 s15, s30  }
0x4: {  	s16 =	rddreg [dreg:$0x2];
	s2 =	simm.s32 $0x0;
	s3 =	sshll.u32 s14, $0x5  }
0x5: {  	s4 =	simm.s32 $0x4;
	[smem:$0x7FF] =	sst s2;
	s3 =	sadd.s32 s3, s9  }
0x6: {  	s1 =	rddreg [dreg:$0x3];
	_ =	strace $0x8000004A;
	s3 =	sadd.s32 $0x51E00, s3  }
0x7: {  	[tilespmem:s2], [sflag:$0x4] =	stream.linear.gather [hbm4b:s3+s2], $0x100, $0x38;
	[tilespmem:$0x10100] =	vst v63  }
0x8: {  	_ =	swait.ge [sflag:s4], $0x100  }
0x9: {  	s6 =	simm.s32 $0x80;
	[sflag:s4] =	ssyncset.done $0x0  }
0xa: {  	s7 =	simm.s32 $0x100;
	s5 =	sadd.s32 $0x1E00, s9;
	[sflag:s4] =	ssyncadd.s32 $0xFFFFFF00  }
0xb: {  	[tilespmem:s7], [sflag:$0x1] =	stream.indirect.gather [hbm4b:s5+s6], $0x80, s2, s6, $0xb8;
	[tilespmem:$0x10100] =	vst v63  }
0xc: {  	s8 =	simm.s32 $0x4100  }
0xd: {  	[tilespmem:s8], [sflag:$0x1] =	stream.indirect.gather [hbm4b:s5+s6], $0x80, s6, s6, $0xb8;
	[tilespmem:$0x10100] =	vst v63  }
0xe: {  	s10 =	simm.s32 $0x8100;
	s9 =	sadd.s32 $0x29E00, s9  }
0xf: {  	[tilespmem:s10], [sflag:$0x2] =	stream.indirect.gather [hbm4b:s9+s6], $0x80, s2, s6, $0xb8;
	[tilespmem:$0x10100] =	vst v63  }
0x10: {  	s11 =	simm.s32 $0xC100;
	s12 =	simm.s32 $0x1  }
0x11: {  	[tilespmem:s11], [sflag:$0x2] =	stream.indirect.gather [hbm4b:s9+s6], $0x80, s6, s6, $0xb8;
	[tilespmem:$0x10100] =	vst v63  }
0x12: {  	_ =	swait.ge [sflag:s12], $0x4000  }
0x13: {  	[sflag:s12] =	ssyncset.done $0x0  }
0x14: {  	[sflag:s12] =	ssyncadd.s32 $0xFFFFC000  }
0x15: {  	_ =	swait.ge [sflag:s12], $0x4000  }
0x16: {  	s17 =	sshll.u32 s14, $0xC;
	[sflag:s12] =	ssyncset.done $0x0  }
0x17: {  	s14 =	simm.s32 $0x2;
	s13 =	sadd.s32 s13, s17;
	[sflag:s12] =	ssyncadd.s32 $0xFFFFC000  }
0x18: {  	[hbm4b:s13+s2] =	stream.linear.scatter [tilespmem:s7], [sflag:$0x3], $0x8000, $0x38;
	[tilespmem:$0x10100] =	vst v63  }
0x19: {  	_ =	swait.ge [sflag:s14], $0x4000  }
0x1a: {  	s18 =	ssub.s32 $0x2, s15;
	[sflag:s14] =	ssyncset.done $0x0  }
0x1b: {  	s31 =	sshrl.u32 s18, $0x1;
	[sflag:s14] =	ssyncadd.s32 $0xFFFFC000  }
0x1c: {  	s16 =	sadd.s32 s16, s17;
	s17 =	ssub.s32 s18, s31;
	_ =	swait.ge [sflag:s14], $0x4000  }
0x1d: {  	s17 =	smax.u32 s17, $0x1;
	[sflag:s14] =	ssyncset.done $0x0  }
0x1e: {  	s15 =	simm.s32 $0x3;
	p0 =	sne.s32 s17, $0x1;
	[sflag:s14] =	ssyncadd.s32 $0xFFFFC000  }
0x1f: {  	[hbm4b:s16+s2] =	stream.linear.scatter [tilespmem:s10], [sflag:$0x3], $0x8000, $0x38;
	[tilespmem:$0x10100] =	vst v63  }
.Ltmp0:
0x20: {  	_ =	swait.ge [sflag:s15], $0x8000;
	(pc) =	sbr.rel @!p0 .LBB2_2-.Ltmp0, $4  }
0x21: {  	[sflag:s15] =	ssyncset.done $0x0  }
0x22: {  	[sflag:s15] =	ssyncadd.s32 $0xFFFF8000  }
0x23: {  	_ =	swait.ge [sflag:s15], $0x8000  }
0x24: {  	s17 =	sadd.s32 $0xFFFFFFFF, s17;
	[sflag:s15] =	ssyncset.done $0x0  }
.LBB2_1:
0x25: {  	p0 =	sne.s32 s17, $0x1;
	s17 =	sadd.s32 $0xFFFFFFFF, s17;
	[sflag:s15] =	ssyncadd.s32 $0xFFFF8000  }
0x26: {  	[tilespmem:s2], [sflag:$0x4] =	stream.linear.gather [hbm4b:s3+s2], $0x100, $0x38;
	[tilespmem:$0x10100] =	vst v63  }
0x27: {  	_ =	swait.ge [sflag:s4], $0x100  }
0x28: {  	[sflag:s4] =	ssyncset.done $0x0  }
0x29: {  	[sflag:s4] =	ssyncadd.s32 $0xFFFFFF00  }
0x2a: {  	[tilespmem:s7], [sflag:$0x1] =	stream.indirect.gather [hbm4b:s5+s6], $0x80, s2, s6, $0xb8;
	[tilespmem:$0x10100] =	vst v63  }
0x2b: {  	_ = 	snop  }
0x2c: {  	[tilespmem:s8], [sflag:$0x1] =	stream.indirect.gather [hbm4b:s5+s6], $0x80, s6, s6, $0xb8;
	[tilespmem:$0x10100] =	vst v63  }
0x2d: {  	_ = 	snop  }
0x2e: {  	[tilespmem:s10], [sflag:$0x2] =	stream.indirect.gather [hbm4b:s9+s6], $0x80, s2, s6, $0xb8;
	[tilespmem:$0x10100] =	vst v63  }
0x2f: {  	_ = 	snop  }
0x30: {  	[tilespmem:s11], [sflag:$0x2] =	stream.indirect.gather [hbm4b:s9+s6], $0x80, s6, s6, $0xb8;
	[tilespmem:$0x10100] =	vst v63  }
0x31: {  	_ =	swait.ge [sflag:s12], $0x4000  }
0x32: {  	[sflag:s12] =	ssyncset.done $0x0  }
0x33: {  	[sflag:s12] =	ssyncadd.s32 $0xFFFFC000  }
0x34: {  	_ =	swait.ge [sflag:s12], $0x4000  }
0x35: {  	[sflag:s12] =	ssyncset.done $0x0  }
0x36: {  	[sflag:s12] =	ssyncadd.s32 $0xFFFFC000  }
0x37: {  	[hbm4b:s13+s2] =	stream.linear.scatter [tilespmem:s7], [sflag:$0x3], $0x8000, $0x38;
	[tilespmem:$0x10100] =	vst v63  }
0x38: {  	_ =	swait.ge [sflag:s14], $0x4000  }
0x39: {  	[sflag:s14] =	ssyncset.done $0x0  }
0x3a: {  	[sflag:s14] =	ssyncadd.s32 $0xFFFFC000  }
0x3b: {  	_ =	swait.ge [sflag:s14], $0x4000  }
0x3c: {  	[sflag:s14] =	ssyncset.done $0x0  }
0x3d: {  	[sflag:s14] =	ssyncadd.s32 $0xFFFFC000  }
0x3e: {  	[hbm4b:s16+s2] =	stream.linear.scatter [tilespmem:s10], [sflag:$0x3], $0x8000, $0x38;
	[tilespmem:$0x10100] =	vst v63  }
.Ltmp1:
0x3f: {  	_ =	swait.ge [sflag:s15], $0x8000;
	(pc) =	sbr.rel @p0 .LBB2_1-.Ltmp1, $4  }
0x40: {  	[sflag:s15] =	ssyncset.done $0x0  }
0x41: {  	[sflag:s15] =	ssyncadd.s32 $0xFFFF8000  }
0x42: {  	_ =	swait.ge [sflag:s15], $0x8000  }
0x43: {  	[sflag:s15] =	ssyncset.done $0x0  }
.LBB2_2:
0x44: {  	[sflag:s15] =	ssyncadd.s32 $0xFFFF8000  }
0x45: {  	_ =	sfence.sel $0x180000  }
0x46: {  	[bflag:$0x0] =	sbarrier.arrive $0xFFFF  }
0x47: {  	p0 =	sne.s32 s0, $0x0;
	_ =	strace $0x9000004A  }
0x48: {  	s0 =	sadd.s32 @!p0 $0x100000, s1;
	[bflag:$0x2] =	sbarrier.arrive $0xFFFF  }
0x49: {  	[sflag:s0] =	ssyncadd.tile.s32 @!p0 $0x1;
	_ =	shalt  }
.Lfunc_end2:
_tile_overlayer_lowered:
.L_overlay_start_2:
0x4a: {  	(tag) =	ssettag $0x2  }
0x4b: {  	s0 =	rddreg [dreg:$0x0];
	s2 =	stileid.u32  }
0x4c: {  	s1 =	rddreg [dreg:$0x1];
	p0 =	sne.s32 s2, $0x0  }
0x4d: {  	s3 =	rddreg [dreg:$0x2];
	[bflag:$0x3] =	sbarrier.arrive $0xFFFF;
	s2 =	simm.s32 @!p0 $0x1C04  }
0x4e: {  	[timem:s3], [sflag:s2] =	dma.local @!p0 [hbm:s0], s1  }
0x4f: {  	s0 =	simm.s32 @!p0 $0x4  }
0x50: {  	_ =	swait.ge @!p0 [sflag:s0], s1  }
0x51: {  	s1 =	ssub.s32 @!p0 $0x0, s1;
	[sflag:s0] =	ssyncset.done @!p0 $0x0  }
0x52: {  	[sflag:s0] =	ssyncadd.s32 @!p0 s1  }
0x53: {  	[bflag:$0x3] =	sbarrier.arrive $0xFFFF  }
0x54: {  	_ =	shalt  }

</sc_bundles>
